<compile_context>
chip_gen: v7x
topology: tpu7x:2x2x1
jax: 0.10.2.dev20260603
libtpu: 0.0.44.dev20260713+nightly
codegen_flags: <defaults>
</compile_context>

<pallas_src>
import functools

import jax
import jax.numpy as jnp
from jax import lax
from jax.experimental import pallas as pl
from jax.experimental.pallas import tpu as pltpu
from jax.experimental.pallas import tpu_sc as plsc

N_NODES = 10000
N_EDGES = 320000
ND = 16
NC, NS, L = 2, 16, 16
PK = 8
EP = N_EDGES // PK

CHUNK = 80
EPW = N_EDGES // (NC * NS)
JG = EPW // CHUNK

EPS = N_EDGES // NS
JS = EPS // CHUNK
HALF = N_NODES // NC
ACC_ROWS = HALF + 8
ORO = HALF // NS
OREM = HALF - NS * ORO
RSL = 78

@functools.cache
def _make_gather_sc():
    mesh = plsc.VectorSubcoreMesh(
        core_axis_name="c", subcore_axis_name="s", num_cores=NC, num_subcores=NS
    )
    return pl.kernel(
        _gather_body,
        out_type=jax.ShapeDtypeStruct((N_EDGES, ND), jnp.float32),
        mesh=mesh,
        scratch_types=[
            pltpu.VMEM((JG, CHUNK), jnp.int32),
            pltpu.VMEM((CHUNK, ND), jnp.float32),
            pltpu.VMEM((CHUNK, ND), jnp.float32),
            pltpu.SemaphoreType.DMA,
            pltpu.SemaphoreType.DMA,
        ],
        compiler_params=pltpu.CompilerParams(use_tc_tiling_on_sc=False),
    )


def _gather_body(node_hbm, src3d_hbm, nbr_hbm, idx_v, row0_v, row1_v, sem0, sem1):
    wid = lax.axis_index("s") * NC + lax.axis_index("c")
    pltpu.sync_copy(src3d_hbm.at[wid], idx_v)
    obase = wid * EPW

    pltpu.async_copy(node_hbm.at[idx_v.at[0]], row0_v, sem0)

    @pl.loop(0, JG // 2)
    def _(jj):
        j0 = jj * 2
        pltpu.make_async_copy(node_hbm.at[idx_v.at[j0]], row0_v, sem0).wait()
        pltpu.async_copy(node_hbm.at[idx_v.at[j0 + 1]], row1_v, sem1)
        pltpu.sync_copy(row0_v, nbr_hbm.at[pl.ds(obase + j0 * CHUNK, CHUNK)])
        nxt = jnp.where(j0 + 2 < JG, j0 + 2, 0)
        pltpu.async_copy(node_hbm.at[idx_v.at[nxt]], row0_v, sem0)
        pltpu.make_async_copy(node_hbm.at[idx_v.at[j0 + 1]], row1_v, sem1).wait()
        pltpu.sync_copy(row1_v, nbr_hbm.at[pl.ds(obase + (j0 + 1) * CHUNK, CHUNK)])

    j_last = JG - 1
    pltpu.make_async_copy(node_hbm.at[idx_v.at[j_last]], row0_v, sem0).wait()
    pltpu.sync_copy(row0_v, nbr_hbm.at[pl.ds(obase + j_last * CHUNK, CHUNK)])


RB = 800
NBLK = EP // RB


def _tc_body(ef_ref, nbr_ref, w8p_ref, b8p_ref, r8_ref, out_ref):
    ef8 = ef_ref[...]
    nbr8 = nbr_ref[...]
    w8p = w8p_ref[...]
    b8p = b8p_ref[...]
    r8 = r8_ref[...]
    efw = jnp.dot(ef8, w8p, preferred_element_type=jnp.float32) + b8p
    nrep = jnp.dot(nbr8, r8, preferred_element_type=jnp.float32)
    prod = efw * nrep
    pw = PK * ND
    acc = prod[:, 0:pw]
    for j in range(1, ND):
        acc = acc + prod[:, j * pw:(j + 1) * pw]
    out_ref[...] = acc


_transform_tc = pl.pallas_call(
    _tc_body,
    grid=(NBLK,),
    in_specs=[
        pl.BlockSpec((RB, PK * ND), lambda i: (i, 0)),
        pl.BlockSpec((RB, PK * ND), lambda i: (i, 0)),
        pl.BlockSpec((PK * ND, PK * ND * ND), lambda i: (0, 0)),
        pl.BlockSpec((1, PK * ND * ND), lambda i: (0, 0)),
        pl.BlockSpec((PK * ND, PK * ND * ND), lambda i: (0, 0)),
    ],
    out_specs=pl.BlockSpec((RB, PK * ND), lambda i: (i, 0)),
    out_shape=jax.ShapeDtypeStruct((EP, PK * ND), jnp.float32),
)


@functools.cache
def _make_scatter_sc():
    mesh = plsc.VectorSubcoreMesh(
        core_axis_name="c", subcore_axis_name="s", num_cores=NC, num_subcores=NS
    )
    return pl.kernel(
        _scatter_body,
        out_type=jax.ShapeDtypeStruct((N_NODES, ND), jnp.float32),
        mesh=mesh,
        scratch_types=[
            pltpu.VMEM((JS, CHUNK), jnp.int32),
            pltpu.VMEM((CHUNK, ND), jnp.float32),
            pltpu.VMEM((CHUNK, ND), jnp.float32),
            pltpu.VMEM((RSL, ND), jnp.float32),
            pltpu.VMEM((NS * RSL, ND), jnp.float32),
            pltpu.SemaphoreType.DMA,
            pltpu.SemaphoreType.DMA,
            pltpu.VMEM_SHARED((NS * ACC_ROWS, ND), jnp.float32),
        ],
        compiler_params=pltpu.CompilerParams(use_tc_tiling_on_sc=False),
    )


def _reduce_rows(acc, red16_v, red_v, out_hbm, start, nrows, base):
    for k in range(NS):
        pltpu.sync_copy(
            acc.at[pl.ds(k * ACC_ROWS + start, nrows)],
            red16_v.at[pl.ds(k * nrows, nrows)],
        )

    @pl.loop(0, nrows)
    def _(r):
        s = red16_v[r]
        for k in range(1, NS):
            s = s + red16_v[k * nrows + r]
        red_v[r] = s

    pltpu.sync_copy(
        red_v.at[pl.ds(0, nrows)], out_hbm.at[pl.ds(base + start, nrows)]
    )


def _scatter_body(
    t_hbm, dst3d_hbm, zeros_hbm, out_hbm,
    idx_v, row0_v, row1_v, red_v, red16_v, sem0, sem1, acc,
):
    cid = lax.axis_index("c")
    sid = lax.axis_index("s")
    base = cid * HALF
    off = sid * ACC_ROWS
    ebase = sid * EPS

    def t_chunk(j):
        return t_hbm.at[pl.ds(ebase + j * CHUNK, CHUNK)]

    pltpu.async_copy(t_chunk(0), row0_v, sem0)

    pltpu.sync_copy(zeros_hbm.at[pl.ds(0, ACC_ROWS)], acc.at[pl.ds(off, ACC_ROWS)])

    pltpu.sync_copy(dst3d_hbm.at[sid], idx_v)

    @pl.loop(0, JS)
    def _(j):
        for k in range(CHUNK // L):
            v = idx_v[j, k * L:(k + 1) * L] - base
            ok = (v >= 0) & (v < HALF)
            idx_v[j, k * L:(k + 1) * L] = off + jnp.where(ok, v, HALF)

    @pl.loop(0, JS // 2 - 1)
    def _(jj):
        j0 = jj * 2
        pltpu.make_async_copy(t_chunk(j0), row0_v, sem0).wait()
        pltpu.async_copy(t_chunk(j0 + 1), row1_v, sem1)
        pltpu.sync_copy(row0_v, acc.at[idx_v.at[j0]], add=True)
        pltpu.async_copy(t_chunk(j0 + 2), row0_v, sem0)
        pltpu.make_async_copy(t_chunk(j0 + 1), row1_v, sem1).wait()
        pltpu.sync_copy(row1_v, acc.at[idx_v.at[j0 + 1]], add=True)

    pltpu.make_async_copy(t_chunk(JS - 2), row0_v, sem0).wait()
    pltpu.async_copy(t_chunk(JS - 1), row1_v, sem1)
    pltpu.sync_copy(row0_v, acc.at[idx_v.at[JS - 2]], add=True)
    pltpu.make_async_copy(t_chunk(JS - 1), row1_v, sem1).wait()
    pltpu.sync_copy(row1_v, acc.at[idx_v.at[JS - 1]], add=True)

    plsc.subcore_barrier()

    for t in range(ORO // RSL):
        _reduce_rows(acc, red16_v, red_v, out_hbm, sid * ORO + t * RSL, RSL, base)

    @pl.when(sid == NS - 1)
    def _():
        _reduce_rows(acc, red16_v, red_v, out_hbm, NS * ORO, OREM, base)


def kernel(node_features, edge_features, pair_indices, kernel, bias):
    src3d = pair_indices[:, 1].reshape(NC * NS, JG, CHUNK)
    dst3d = pair_indices[:, 0].reshape(NS, JS, CHUNK)

    eye8 = jnp.eye(PK, dtype=jnp.float32)
    w8p = jnp.concatenate(
        [jnp.kron(eye8, kernel[:, j::ND]) for j in range(ND)], axis=1
    )
    b8p = jnp.concatenate(
        [jnp.tile(bias[j::ND], PK) for j in range(ND)]
    ).reshape(1, PK * ND * ND)
    r8 = jnp.concatenate(
        [
            jnp.kron(eye8, jnp.zeros((ND, ND), jnp.float32).at[j].set(1.0))
            for j in range(ND)
        ],
        axis=1,
    )
    ef8 = edge_features.reshape(EP, PK * ND)

    nbr = _make_gather_sc()(node_features, src3d)
    nbr8 = nbr.reshape(EP, PK * ND)
    t8out = _transform_tc(ef8, nbr8, w8p, b8p, r8)
    zeros = jnp.zeros((ACC_ROWS, ND), jnp.float32)
    return _make_scatter_sc()(t8out.reshape(N_EDGES, ND), dst3d, zeros)

# --- scband reference (transcript-rebuilt; emitter-appended) ---
"""Pipeline reference for scband-edge-network-31808527794434 (READ-ONLY COPY).

The authoritative reference and input builder live on the scoring server;
editing this copy changes nothing except your own understanding.
"""

import jax, jax.numpy as jnp
import numpy as np

N_NODES = 10000
N_EDGES = 320000
NODE_DIM = 16
EDGE_DIM = 16


def setup_inputs(seed: int = 0) -> dict:
    key = jax.random.key(seed)
    k1, k2, k3, k4 = jax.random.split(key, 4)
    node_features = jax.random.normal(k1, (N_NODES, NODE_DIM), dtype=jnp.float32)
    edge_features = jax.random.normal(k2, (N_EDGES, EDGE_DIM), dtype=jnp.float32)
    pair_indices = jax.random.randint(k3, (N_EDGES, 2), 0, N_NODES, dtype=jnp.int64 if jax.config.jax_enable_x64 else jnp.int32).astype(jnp.int32)
    # learned params: kernel (edge_dim, node_dim*node_dim), bias (node_dim*node_dim)
    limit = np.sqrt(6.0 / (EDGE_DIM + NODE_DIM * NODE_DIM))
    kernel = jax.random.uniform(k4, (EDGE_DIM, NODE_DIM * NODE_DIM), dtype=jnp.float32, minval=-limit, maxval=limit)
    bias = jnp.zeros((NODE_DIM * NODE_DIM,), dtype=jnp.float32)
    return {
        "node_features": node_features,
        "edge_features": edge_features,
        "pair_indices": pair_indices,
        "kernel": kernel,
        "bias": bias,
    }


def reference(node_features, edge_features, pair_indices, kernel, bias):
    node_dim = node_features.shape[-1]
    # edge MLP: project edge features to a per-edge (node_dim x node_dim) matrix
    ef = jnp.matmul(edge_features, kernel) + bias
    ef = ef.reshape(-1, node_dim, node_dim)
    # gather neighbor (source) node states
    neighbors = jnp.take(node_features, pair_indices[:, 1], axis=0)
    neighbors = neighbors[..., None]  # [E, node_dim, 1]
    # per-edge matrix-vector message
    transformed = jnp.matmul(ef, neighbors)  # [E, node_dim, 1]
    transformed = jnp.squeeze(transformed, axis=-1)  # [E, node_dim]
    # scatter-add messages into destination nodes
    aggregated = jax.ops.segment_sum(transformed, pair_indices[:, 0], num_segments=node_features.shape[0])
    return aggregated

if __name__ == "__main__":
    import jax
    _d = setup_inputs()
    print(jax.jit(kernel)(*tuple(_d.values())))

</pallas_src>

<mosaic_0001>
#map = affine_map<(d0, d1) -> (0, 0)>
#map1 = affine_map<(d0, d1) -> (0, 0, 0)>
module attributes {stable_mosaic.version = 14 : i64} {
  func.func @_scatter_body(%arg0: i32, %arg1: i32, %arg2: memref<320000x16xf32, #tpu.memory_space<hbm>>, %arg3: memref<16x250x80xi32, #tpu.memory_space<hbm>>, %arg4: memref<5008x16xf32, #tpu.memory_space<hbm>>, %arg5: memref<10000x16xf32, #tpu.memory_space<hbm>>, %arg6: memref<250x80xi32, #tpu.memory_space<vmem>>, %arg7: memref<80x16xf32, #tpu.memory_space<vmem>>, %arg8: memref<80x16xf32, #tpu.memory_space<vmem>>, %arg9: memref<78x16xf32, #tpu.memory_space<vmem>>, %arg10: memref<1248x16xf32, #tpu.memory_space<vmem>>, %arg11: memref<!tpu.dma_semaphore, #tpu.memory_space<semaphore_mem>>, %arg12: memref<!tpu.dma_semaphore, #tpu.memory_space<semaphore_mem>>, %arg13: memref<80128x16xf32, #tpu.memory_space<vmem_shared>>) attributes {dimension_semantics = [#tpu.dimension_semantics<core_parallel>, #tpu.dimension_semantics<subcore_parallel>], iteration_bounds = array<i64: 2, 16>, scalar_prefetch = 0 : i64, scratch_operands = 8 : i64, tpu.core_type = #tpu.core_type<sc_vector_subcore>, window_params = [{transform_indices = #map}, {transform_indices = #map1}, {transform_indices = #map}, {transform_indices = #map}]} {
    %mul3A = arith.constant 5000 : i32
    %mul3A_0 = arith.muli %arg0, %mul3A : i32
    %mul3A_1 = arith.constant 5008 : i32
    %mul3A_2 = arith.muli %arg1, %mul3A_1 : i32
    %mul3A_3 = arith.constant 20000 : i32
    %mul3A_4 = arith.muli %arg1, %mul3A_3 : i32
    %add3A = arith.constant 0 : i32
    %add3A_5 = arith.addi %mul3A_4, %add3A : i32
    %dma_start3A = arith.constant 0 : i32
    %dma_start3A_6 = tpu.memref_slice %arg2[%add3A_5, %dma_start3A] : memref<320000x16xf32, #tpu.memory_space<hbm>> -> memref<80x16xf32, #tpu.memory_space<hbm>>
    %dma_start3A_7 = arith.constant 0 : i32
    %dma_start3A_8 = tpu.memref_slice %arg2[%add3A_5, %dma_start3A_7] : memref<320000x16xf32, #tpu.memory_space<hbm>> -> memref<80x16xf32, #tpu.memory_space<hbm>>
    tpu.enqueue_dma source(%dma_start3A_8 : memref<80x16xf32, #tpu.memory_space<hbm>>) target(%arg7 : memref<80x16xf32, #tpu.memory_space<vmem>>) target_semaphore(%arg11 : memref<!tpu.dma_semaphore, #tpu.memory_space<semaphore_mem>>)
    "tpu.region"() ({
      %run_scoped3A_206 = tpu.sem_alloc : memref<!tpu.dma_semaphore, #tpu.memory_space<semaphore_mem>>
      %dma_start3A_207 = arith.constant 0 : i32
      %dma_start3A_208 = tpu.memref_slice %arg13[%mul3A_2, %dma_start3A_207] : memref<80128x16xf32, #tpu.memory_space<vmem_shared>> -> memref<5008x16xf32, #tpu.memory_space<vmem_shared>>
      %dma_start3A_209 = arith.constant 0 : i32
      %dma_start3A_210 = arith.constant 0 : i32
      %dma_start3A_211 = tpu.memref_slice %arg4[%dma_start3A_209, %dma_start3A_210] : memref<5008x16xf32, #tpu.memory_space<hbm>> -> memref<5008x16xf32, #tpu.memory_space<hbm>>
      tpu.enqueue_dma source(%dma_start3A_211 : memref<5008x16xf32, #tpu.memory_space<hbm>>) target(%dma_start3A_208 : memref<5008x16xf32, #tpu.memory_space<vmem_shared>>) target_semaphore(%run_scoped3A_206 : memref<!tpu.dma_semaphore, #tpu.memory_space<semaphore_mem>>)
      %dma_wait3A_212 = arith.constant 0 : i32
      %dma_wait3A_213 = tpu.memref_slice %arg13[%mul3A_2, %dma_wait3A_212] : memref<80128x16xf32, #tpu.memory_space<vmem_shared>> -> memref<5008x16xf32, #tpu.memory_space<vmem_shared>>
      %dma_wait3A_214 = arith.constant 0 : i32
      %dma_wait3A_215 = arith.constant 0 : i32
      %dma_wait3A_216 = tpu.memref_slice %arg4[%dma_wait3A_214, %dma_wait3A_215] : memref<5008x16xf32, #tpu.memory_space<hbm>> -> memref<5008x16xf32, #tpu.memory_space<hbm>>
      tpu.wait_dma2 semaphore(%run_scoped3A_206 : memref<!tpu.dma_semaphore, #tpu.memory_space<semaphore_mem>>) src(%dma_wait3A_216 : memref<5008x16xf32, #tpu.memory_space<hbm>>) dst(%dma_wait3A_213 : memref<5008x16xf32, #tpu.memory_space<vmem_shared>>)
      tpu.yield
    }) : () -> ()
    "tpu.region"() ({
      %run_scoped3A_206 = tpu.sem_alloc : memref<!tpu.dma_semaphore, #tpu.memory_space<semaphore_mem>>
      %dma_start3A_207 = arith.constant 0 : i32
      %dma_start3A_208 = arith.constant 0 : i32
      %dma_start3A_209 = tpu.memref_slice %arg3[%arg1, %dma_start3A_207, %dma_start3A_208] : memref<16x250x80xi32, #tpu.memory_space<hbm>> -> memref<1x250x80xi32, #tpu.memory_space<hbm>>
      %dma_start3A_210 = tpu.memref_squeeze %dma_start3A_209 : memref<1x250x80xi32, #tpu.memory_space<hbm>> -> memref<250x80xi32, #tpu.memory_space<hbm>>
      %dma_start3A_211 = arith.constant 0 : i32
      %dma_start3A_212 = arith.constant 0 : i32
      %dma_start3A_213 = tpu.memref_slice %arg3[%arg1, %dma_start3A_211, %dma_start3A_212] : memref<16x250x80xi32, #tpu.memory_space<hbm>> -> memref<1x250x80xi32, #tpu.memory_space<hbm>>
      %dma_start3A_214 = tpu.memref_squeeze %dma_start3A_213 : memref<1x250x80xi32, #tpu.memory_space<hbm>> -> memref<250x80xi32, #tpu.memory_space<hbm>>
      tpu.enqueue_dma source(%dma_start3A_214 : memref<250x80xi32, #tpu.memory_space<hbm>>) target(%arg6 : memref<250x80xi32, #tpu.memory_space<vmem>>) target_semaphore(%run_scoped3A_206 : memref<!tpu.dma_semaphore, #tpu.memory_space<semaphore_mem>>)
      %dma_wait3A_215 = arith.constant 0 : i32
      %dma_wait3A_216 = arith.constant 0 : i32
      %dma_wait3A_217 = tpu.memref_slice %arg3[%arg1, %dma_wait3A_215, %dma_wait3A_216] : memref<16x250x80xi32, #tpu.memory_space<hbm>> -> memref<1x250x80xi32, #tpu.memory_space<hbm>>
      %dma_wait3A_218 = tpu.memref_squeeze %dma_wait3A_217 : memref<1x250x80xi32, #tpu.memory_space<hbm>> -> memref<250x80xi32, #tpu.memory_space<hbm>>
      %dma_wait3A_219 = arith.constant 0 : i32
      %dma_wait3A_220 = arith.constant 0 : i32
      %dma_wait3A_221 = tpu.memref_slice %arg3[%arg1, %dma_wait3A_219, %dma_wait3A_220] : memref<16x250x80xi32, #tpu.memory_space<hbm>> -> memref<1x250x80xi32, #tpu.memory_space<hbm>>
      %dma_wait3A_222 = tpu.memref_squeeze %dma_wait3A_221 : memref<1x250x80xi32, #tpu.memory_space<hbm>> -> memref<250x80xi32, #tpu.memory_space<hbm>>
      tpu.wait_dma2 semaphore(%run_scoped3A_206 : memref<!tpu.dma_semaphore, #tpu.memory_space<semaphore_mem>>) src(%dma_wait3A_222 : memref<250x80xi32, #tpu.memory_space<hbm>>) dst(%arg6 : memref<250x80xi32, #tpu.memory_space<vmem>>)
      tpu.yield
    }) : () -> ()
    %scan3A = arith.constant 0 : i32
    %scan3A_9 = arith.constant 250 : i32
    %scan3A_10 = arith.addi %scan3A, %scan3A_9 : i32
    %scan3A_11 = arith.constant 1 : i32
    scf.for %scan3A_206 = %scan3A to %scan3A_10 step %scan3A_11  : i32 {
      %mul3A_207 = arith.constant 1 : i32
      %mul3A_208 = arith.muli %scan3A_206, %mul3A_207 : i32
      %add3A_209 = arith.constant 0 : i32
      %add3A_210 = arith.addi %add3A_209, %mul3A_208 : i32
      %get3A = arith.index_cast %add3A_210 : i32 to index
      %get3A_211 = arith.constant 0 : index
      %get3A_212 = tpu.vector_load %arg6[%get3A, %get3A_211] {strides = array<i32>} : memref<250x80xi32, #tpu.memory_space<vmem>>, vector<1x16xi32>,
      %get3A_213 = vector.shape_cast %get3A_212 : vector<1x16xi32> to vector<16xi32>
      %sub3A = vector.broadcast %mul3A_0 : i32 to vector<16xi32>
      %sub3A_214 = arith.subi %get3A_213, %sub3A : vector<16xi32>
      %ge3A = arith.constant 0 : i32
      %ge3A_215 = vector.broadcast %ge3A : i32 to vector<16xi32>
      %ge3A_216 = arith.cmpi sge, %sub3A_214, %ge3A_215 : vector<16xi32>
      %lt3A = arith.constant 5000 : i32
      %lt3A_217 = vector.broadcast %lt3A : i32 to vector<16xi32>
      %lt3A_218 = arith.cmpi slt, %sub3A_214, %lt3A_217 : vector<16xi32>
      %and3A = arith.andi %ge3A_216, %lt3A_218 : vector<16xi1>
      %jit3A = arith.constant 5000 : i32
      %broadcast_in_dim3A = vector.broadcast %jit3A : i32 to vector<16xi32>
      %select_n3A = arith.select %and3A, %sub3A_214, %broadcast_in_dim3A : vector<16xi1>, vector<16xi32>
      %add3A_219 = vector.broadcast %mul3A_2 : i32 to vector<16xi32>
      %add3A_220 = arith.addi %add3A_219, %select_n3A : vector<16xi32>
      %swap3A = arith.index_cast %add3A_210 : i32 to index
      %swap3A_221 = arith.constant 0 : index
      %swap3A_222 = tpu.vector_load %arg6[%swap3A, %swap3A_221] {strides = array<i32>} : memref<250x80xi32, #tpu.memory_space<vmem>>, vector<1x16xi32>,
      %swap3A_223 = vector.shape_cast %swap3A_222 : vector<1x16xi32> to vector<16xi32>
      %swap3A_224 = vector.shape_cast %add3A_220 : vector<16xi32> to vector<1x16xi32>
      tpu.vector_store %arg6[%swap3A, %swap3A_221], %swap3A_224 {strides = array<i32>} : memref<250x80xi32, #tpu.memory_space<vmem>>, vector<1x16xi32>,
      %get3A_225 = arith.index_cast %add3A_210 : i32 to index
      %get3A_226 = arith.constant 16 : index
      %get3A_227 = tpu.vector_load %arg6[%get3A_225, %get3A_226] {strides = array<i32>} : memref<250x80xi32, #tpu.memory_space<vmem>>, vector<1x16xi32>,
      %get3A_228 = vector.shape_cast %get3A_227 : vector<1x16xi32> to vector<16xi32>
      %sub3A_229 = vector.broadcast %mul3A_0 : i32 to vector<16xi32>
      %sub3A_230 = arith.subi %get3A_228, %sub3A_229 : vector<16xi32>
      %ge3A_231 = arith.constant 0 : i32
      %ge3A_232 = vector.broadcast %ge3A_231 : i32 to vector<16xi32>
      %ge3A_233 = arith.cmpi sge, %sub3A_230, %ge3A_232 : vector<16xi32>
      %lt3A_234 = arith.constant 5000 : i32
      %lt3A_235 = vector.broadcast %lt3A_234 : i32 to vector<16xi32>
      %lt3A_236 = arith.cmpi slt, %sub3A_230, %lt3A_235 : vector<16xi32>
      %and3A_237 = arith.andi %ge3A_233, %lt3A_236 : vector<16xi1>
      %jit3A_238 = arith.constant 5000 : i32
      %broadcast_in_dim3A_239 = vector.broadcast %jit3A_238 : i32 to vector<16xi32>
      %select_n3A_240 = arith.select %and3A_237, %sub3A_230, %broadcast_in_dim3A_239 : vector<16xi1>, vector<16xi32>
      %add3A_241 = vector.broadcast %mul3A_2 : i32 to vector<16xi32>
      %add3A_242 = arith.addi %add3A_241, %select_n3A_240 : vector<16xi32>
      %swap3A_243 = arith.index_cast %add3A_210 : i32 to index
      %swap3A_244 = arith.constant 16 : index
      %swap3A_245 = tpu.vector_load %arg6[%swap3A_243, %swap3A_244] {strides = array<i32>} : memref<250x80xi32, #tpu.memory_space<vmem>>, vector<1x16xi32>,
      %swap3A_246 = vector.shape_cast %swap3A_245 : vector<1x16xi32> to vector<16xi32>
      %swap3A_247 = vector.shape_cast %add3A_242 : vector<16xi32> to vector<1x16xi32>
      tpu.vector_store %arg6[%swap3A_243, %swap3A_244], %swap3A_247 {strides = array<i32>} : memref<250x80xi32, #tpu.memory_space<vmem>>, vector<1x16xi32>,
      %get3A_248 = arith.index_cast %add3A_210 : i32 to index
      %get3A_249 = arith.constant 32 : index
      %get3A_250 = tpu.vector_load %arg6[%get3A_248, %get3A_249] {strides = array<i32>} : memref<250x80xi32, #tpu.memory_space<vmem>>, vector<1x16xi32>,
      %get3A_251 = vector.shape_cast %get3A_250 : vector<1x16xi32> to vector<16xi32>
      %sub3A_252 = vector.broadcast %mul3A_0 : i32 to vector<16xi32>
      %sub3A_253 = arith.subi %get3A_251, %sub3A_252 : vector<16xi32>
      %ge3A_254 = arith.constant 0 : i32
      %ge3A_255 = vector.broadcast %ge3A_254 : i32 to vector<16xi32>
      %ge3A_256 = arith.cmpi sge, %sub3A_253, %ge3A_255 : vector<16xi32>
      %lt3A_257 = arith.constant 5000 : i32
      %lt3A_258 = vector.broadcast %lt3A_257 : i32 to vector<16xi32>
      %lt3A_259 = arith.cmpi slt, %sub3A_253, %lt3A_258 : vector<16xi32>
      %and3A_260 = arith.andi %ge3A_256, %lt3A_259 : vector<16xi1>
      %jit3A_261 = arith.constant 5000 : i32
      %broadcast_in_dim3A_262 = vector.broadcast %jit3A_261 : i32 to vector<16xi32>
      %select_n3A_263 = arith.select %and3A_260, %sub3A_253, %broadcast_in_dim3A_262 : vector<16xi1>, vector<16xi32>
      %add3A_264 = vector.broadcast %mul3A_2 : i32 to vector<16xi32>
      %add3A_265 = arith.addi %add3A_264, %select_n3A_263 : vector<16xi32>
      %swap3A_266 = arith.index_cast %add3A_210 : i32 to index
      %swap3A_267 = arith.constant 32 : index
      %swap3A_268 = tpu.vector_load %arg6[%swap3A_266, %swap3A_267] {strides = array<i32>} : memref<250x80xi32, #tpu.memory_space<vmem>>, vector<1x16xi32>,
      %swap3A_269 = vector.shape_cast %swap3A_268 : vector<1x16xi32> to vector<16xi32>
      %swap3A_270 = vector.shape_cast %add3A_265 : vector<16xi32> to vector<1x16xi32>
      tpu.vector_store %arg6[%swap3A_266, %swap3A_267], %swap3A_270 {strides = array<i32>} : memref<250x80xi32, #tpu.memory_space<vmem>>, vector<1x16xi32>,
      %get3A_271 = arith.index_cast %add3A_210 : i32 to index
      %get3A_272 = arith.constant 48 : index
      %get3A_273 = tpu.vector_load %arg6[%get3A_271, %get3A_272] {strides = array<i32>} : memref<250x80xi32, #tpu.memory_space<vmem>>, vector<1x16xi32>,
      %get3A_274 = vector.shape_cast %get3A_273 : vector<1x16xi32> to vector<16xi32>
      %sub3A_275 = vector.broadcast %mul3A_0 : i32 to vector<16xi32>
      %sub3A_276 = arith.subi %get3A_274, %sub3A_275 : vector<16xi32>
      %ge3A_277 = arith.constant 0 : i32
      %ge3A_278 = vector.broadcast %ge3A_277 : i32 to vector<16xi32>
      %ge3A_279 = arith.cmpi sge, %sub3A_276, %ge3A_278 : vector<16xi32>
      %lt3A_280 = arith.constant 5000 : i32
      %lt3A_281 = vector.broadcast %lt3A_280 : i32 to vector<16xi32>
      %lt3A_282 = arith.cmpi slt, %sub3A_276, %lt3A_281 : vector<16xi32>
      %and3A_283 = arith.andi %ge3A_279, %lt3A_282 : vector<16xi1>
      %jit3A_284 = arith.constant 5000 : i32
      %broadcast_in_dim3A_285 = vector.broadcast %jit3A_284 : i32 to vector<16xi32>
      %select_n3A_286 = arith.select %and3A_283, %sub3A_276, %broadcast_in_dim3A_285 : vector<16xi1>, vector<16xi32>
      %add3A_287 = vector.broadcast %mul3A_2 : i32 to vector<16xi32>
      %add3A_288 = arith.addi %add3A_287, %select_n3A_286 : vector<16xi32>
      %swap3A_289 = arith.index_cast %add3A_210 : i32 to index
      %swap3A_290 = arith.constant 48 : index
      %swap3A_291 = tpu.vector_load %arg6[%swap3A_289, %swap3A_290] {strides = array<i32>} : memref<250x80xi32, #tpu.memory_space<vmem>>, vector<1x16xi32>,
      %swap3A_292 = vector.shape_cast %swap3A_291 : vector<1x16xi32> to vector<16xi32>
      %swap3A_293 = vector.shape_cast %add3A_288 : vector<16xi32> to vector<1x16xi32>
      tpu.vector_store %arg6[%swap3A_289, %swap3A_290], %swap3A_293 {strides = array<i32>} : memref<250x80xi32, #tpu.memory_space<vmem>>, vector<1x16xi32>,
      %get3A_294 = arith.index_cast %add3A_210 : i32 to index
      %get3A_295 = arith.constant 64 : index
      %get3A_296 = tpu.vector_load %arg6[%get3A_294, %get3A_295] {strides = array<i32>} : memref<250x80xi32, #tpu.memory_space<vmem>>, vector<1x16xi32>,
      %get3A_297 = vector.shape_cast %get3A_296 : vector<1x16xi32> to vector<16xi32>
      %sub3A_298 = vector.broadcast %mul3A_0 : i32 to vector<16xi32>
      %sub3A_299 = arith.subi %get3A_297, %sub3A_298 : vector<16xi32>
      %ge3A_300 = arith.constant 0 : i32
      %ge3A_301 = vector.broadcast %ge3A_300 : i32 to vector<16xi32>
      %ge3A_302 = arith.cmpi sge, %sub3A_299, %ge3A_301 : vector<16xi32>
      %lt3A_303 = arith.constant 5000 : i32
      %lt3A_304 = vector.broadcast %lt3A_303 : i32 to vector<16xi32>
      %lt3A_305 = arith.cmpi slt, %sub3A_299, %lt3A_304 : vector<16xi32>
      %and3A_306 = arith.andi %ge3A_302, %lt3A_305 : vector<16xi1>
      %jit3A_307 = arith.constant 5000 : i32
      %broadcast_in_dim3A_308 = vector.broadcast %jit3A_307 : i32 to vector<16xi32>
      %select_n3A_309 = arith.select %and3A_306, %sub3A_299, %broadcast_in_dim3A_308 : vector<16xi1>, vector<16xi32>
      %add3A_310 = vector.broadcast %mul3A_2 : i32 to vector<16xi32>
      %add3A_311 = arith.addi %add3A_310, %select_n3A_309 : vector<16xi32>
      %swap3A_312 = arith.index_cast %add3A_210 : i32 to index
      %swap3A_313 = arith.constant 64 : index
      %swap3A_314 = tpu.vector_load %arg6[%swap3A_312, %swap3A_313] {strides = array<i32>} : memref<250x80xi32, #tpu.memory_space<vmem>>, vector<1x16xi32>,
      %swap3A_315 = vector.shape_cast %swap3A_314 : vector<1x16xi32> to vector<16xi32>
      %swap3A_316 = vector.shape_cast %add3A_311 : vector<16xi32> to vector<1x16xi32>
      tpu.vector_store %arg6[%swap3A_312, %swap3A_313], %swap3A_316 {strides = array<i32>} : memref<250x80xi32, #tpu.memory_space<vmem>>, vector<1x16xi32>,
    }
    %scan3A_12 = arith.constant 250 : i32
    %scan3A_13 = arith.constant 0 : i32
    %scan3A_14 = arith.constant 124 : i32
    %scan3A_15 = arith.addi %scan3A_13, %scan3A_14 : i32
    %scan3A_16 = arith.constant 1 : i32
    scf.for %scan3A_206 = %scan3A_13 to %scan3A_15 step %scan3A_16  : i32 {
      %mul3A_207 = arith.constant 1 : i32
      %mul3A_208 = arith.muli %scan3A_206, %mul3A_207 : i32
      %add3A_209 = arith.constant 0 : i32
      %add3A_210 = arith.addi %add3A_209, %mul3A_208 : i32
      %mul3A_211 = arith.constant 2 : i32
      %mul3A_212 = arith.muli %add3A_210, %mul3A_211 : i32
      %mul3A_213 = arith.constant 80 : i32
      %mul3A_214 = arith.muli %mul3A_212, %mul3A_213 : i32
      %add3A_215 = arith.addi %mul3A_4, %mul3A_214 : i32
      %dma_wait3A_216 = arith.constant 0 : i32
      %dma_wait3A_217 = tpu.memref_slice %arg2[%add3A_215, %dma_wait3A_216] : memref<320000x16xf32, #tpu.memory_space<hbm>> -> memref<80x16xf32, #tpu.memory_space<hbm>>
      %dma_wait3A_218 = arith.constant 0 : i32
      %dma_wait3A_219 = tpu.memref_slice %arg2[%add3A_215, %dma_wait3A_218] : memref<320000x16xf32, #tpu.memory_space<hbm>> -> memref<80x16xf32, #tpu.memory_space<hbm>>
      tpu.wait_dma2 semaphore(%arg11 : memref<!tpu.dma_semaphore, #tpu.memory_space<semaphore_mem>>) src(%dma_wait3A_219 : memref<80x16xf32, #tpu.memory_space<hbm>>) dst(%arg7 : memref<80x16xf32, #tpu.memory_space<vmem>>)
      %add3A_220 = arith.constant 1 : i32
      %add3A_221 = arith.addi %mul3A_212, %add3A_220 : i32
      %mul3A_222 = arith.constant 80 : i32
      %mul3A_223 = arith.muli %add3A_221, %mul3A_222 : i32
      %add3A_224 = arith.addi %mul3A_4, %mul3A_223 : i32
      %dma_start3A_225 = arith.constant 0 : i32
      %dma_start3A_226 = tpu.memref_slice %arg2[%add3A_224, %dma_start3A_225] : memref<320000x16xf32, #tpu.memory_space<hbm>> -> memref<80x16xf32, #tpu.memory_space<hbm>>
      %dma_start3A_227 = arith.constant 0 : i32
      %dma_start3A_228 = tpu.memref_slice %arg2[%add3A_224, %dma_start3A_227] : memref<320000x16xf32, #tpu.memory_space<hbm>> -> memref<80x16xf32, #tpu.memory_space<hbm>>
      tpu.enqueue_dma source(%dma_start3A_228 : memref<80x16xf32, #tpu.memory_space<hbm>>) target(%arg8 : memref<80x16xf32, #tpu.memory_space<vmem>>) target_semaphore(%arg12 : memref<!tpu.dma_semaphore, #tpu.memory_space<semaphore_mem>>)
      "tpu.region"() ({
        %run_scoped3A_249 = tpu.sem_alloc : memref<!tpu.dma_semaphore, #tpu.memory_space<semaphore_mem>>
        %dma_start3A_250 = arith.constant 0 : i32
        %dma_start3A_251 = tpu.memref_slice %arg6[%mul3A_212, %dma_start3A_250] : memref<250x80xi32, #tpu.memory_space<vmem>> -> memref<1x80xi32, #tpu.memory_space<vmem>>
        %dma_start3A_252 = tpu.memref_squeeze %dma_start3A_251 : memref<1x80xi32, #tpu.memory_space<vmem>> -> memref<80xi32, #tpu.memory_space<vmem>>
        %dma_start3A_253 = arith.constant 0 : i32
        %dma_start3A_254 = arith.constant 0 : i32
        %dma_start3A_255 = tpu.memref_slice %arg13[%dma_start3A_253, %dma_start3A_254] : memref<80128x16xf32, #tpu.memory_space<vmem_shared>> -> memref<80128x16xf32, #tpu.memory_space<vmem_shared>>
        tpu.enqueue_indirect_dma source(%arg7 : memref<80x16xf32, #tpu.memory_space<vmem>>) target(%dma_start3A_255 : memref<80128x16xf32, #tpu.memory_space<vmem_shared>>) offsets(%dma_start3A_252 : memref<80xi32, #tpu.memory_space<vmem>>) semaphore(%run_scoped3A_249 : memref<!tpu.dma_semaphore, #tpu.memory_space<semaphore_mem>>) {add = true}
        %dma_wait3A_256 = arith.constant 0 : i32
        %dma_wait3A_257 = tpu.memref_slice %arg6[%mul3A_212, %dma_wait3A_256] : memref<250x80xi32, #tpu.memory_space<vmem>> -> memref<1x80xi32, #tpu.memory_space<vmem>>
        %dma_wait3A_258 = tpu.memref_squeeze %dma_wait3A_257 : memref<1x80xi32, #tpu.memory_space<vmem>> -> memref<80xi32, #tpu.memory_space<vmem>>
        %dma_wait3A_259 = arith.constant 0 : i32
        %dma_wait3A_260 = arith.constant 0 : i32
        %dma_wait3A_261 = tpu.memref_slice %arg13[%dma_wait3A_259, %dma_wait3A_260] : memref<80128x16xf32, #tpu.memory_space<vmem_shared>> -> memref<80128x16xf32, #tpu.memory_space<vmem_shared>>
        tpu.wait_indirect_dma semaphore(%run_scoped3A_249 : memref<!tpu.dma_semaphore, #tpu.memory_space<semaphore_mem>>) src(%arg7 : memref<80x16xf32, #tpu.memory_space<vmem>>) dst(%dma_wait3A_261 : memref<80128x16xf32, #tpu.memory_space<vmem_shared>>)
        tpu.yield
      }) : () -> ()
      %add3A_229 = arith.constant 2 : i32
      %add3A_230 = arith.addi %mul3A_212, %add3A_229 : i32
      %mul3A_231 = arith.constant 80 : i32
      %mul3A_232 = arith.muli %add3A_230, %mul3A_231 : i32
      %add3A_233 = arith.addi %mul3A_4, %mul3A_232 : i32
      %dma_start3A_234 = arith.constant 0 : i32
      %dma_start3A_235 = tpu.memref_slice %arg2[%add3A_233, %dma_start3A_234] : memref<320000x16xf32, #tpu.memory_space<hbm>> -> memref<80x16xf32, #tpu.memory_space<hbm>>
      %dma_start3A_236 = arith.constant 0 : i32
      %dma_start3A_237 = tpu.memref_slice %arg2[%add3A_233, %dma_start3A_236] : memref<320000x16xf32, #tpu.memory_space<hbm>> -> memref<80x16xf32, #tpu.memory_space<hbm>>
      tpu.enqueue_dma source(%dma_start3A_237 : memref<80x16xf32, #tpu.memory_space<hbm>>) target(%arg7 : memref<80x16xf32, #tpu.memory_space<vmem>>) target_semaphore(%arg11 : memref<!tpu.dma_semaphore, #tpu.memory_space<semaphore_mem>>)
      %add3A_238 = arith.constant 1 : i32
      %add3A_239 = arith.addi %mul3A_212, %add3A_238 : i32
      %mul3A_240 = arith.constant 80 : i32
      %mul3A_241 = arith.muli %add3A_239, %mul3A_240 : i32
      %add3A_242 = arith.addi %mul3A_4, %mul3A_241 : i32
      %dma_wait3A_243 = arith.constant 0 : i32
      %dma_wait3A_244 = tpu.memref_slice %arg2[%add3A_242, %dma_wait3A_243] : memref<320000x16xf32, #tpu.memory_space<hbm>> -> memref<80x16xf32, #tpu.memory_space<hbm>>
      %dma_wait3A_245 = arith.constant 0 : i32
      %dma_wait3A_246 = tpu.memref_slice %arg2[%add3A_242, %dma_wait3A_245] : memref<320000x16xf32, #tpu.memory_space<hbm>> -> memref<80x16xf32, #tpu.memory_space<hbm>>
      tpu.wait_dma2 semaphore(%arg12 : memref<!tpu.dma_semaphore, #tpu.memory_space<semaphore_mem>>) src(%dma_wait3A_246 : memref<80x16xf32, #tpu.memory_space<hbm>>) dst(%arg8 : memref<80x16xf32, #tpu.memory_space<vmem>>)
      %add3A_247 = arith.constant 1 : i32
      %add3A_248 = arith.addi %mul3A_212, %add3A_247 : i32
      "tpu.region"() ({
        %run_scoped3A_249 = tpu.sem_alloc : memref<!tpu.dma_semaphore, #tpu.memory_space<semaphore_mem>>
        %dma_start3A_250 = arith.constant 0 : i32
        %dma_start3A_251 = tpu.memref_slice %arg6[%add3A_248, %dma_start3A_250] : memref<250x80xi32, #tpu.memory_space<vmem>> -> memref<1x80xi32, #tpu.memory_space<vmem>>
        %dma_start3A_252 = tpu.memref_squeeze %dma_start3A_251 : memref<1x80xi32, #tpu.memory_space<vmem>> -> memref<80xi32, #tpu.memory_space<vmem>>
        %dma_start3A_253 = arith.constant 0 : i32
        %dma_start3A_254 = arith.constant 0 : i32
        %dma_start3A_255 = tpu.memref_slice %arg13[%dma_start3A_253, %dma_start3A_254] : memref<80128x16xf32, #tpu.memory_space<vmem_shared>> -> memref<80128x16xf32, #tpu.memory_space<vmem_shared>>
        tpu.enqueue_indirect_dma source(%arg8 : memref<80x16xf32, #tpu.memory_space<vmem>>) target(%dma_start3A_255 : memref<80128x16xf32, #tpu.memory_space<vmem_shared>>) offsets(%dma_start3A_252 : memref<80xi32, #tpu.memory_space<vmem>>) semaphore(%run_scoped3A_249 : memref<!tpu.dma_semaphore, #tpu.memory_space<semaphore_mem>>) {add = true}
        %dma_wait3A_256 = arith.constant 0 : i32
        %dma_wait3A_257 = tpu.memref_slice %arg6[%add3A_248, %dma_wait3A_256] : memref<250x80xi32, #tpu.memory_space<vmem>> -> memref<1x80xi32, #tpu.memory_space<vmem>>
        %dma_wait3A_258 = tpu.memref_squeeze %dma_wait3A_257 : memref<1x80xi32, #tpu.memory_space<vmem>> -> memref<80xi32, #tpu.memory_space<vmem>>
        %dma_wait3A_259 = arith.constant 0 : i32
        %dma_wait3A_260 = arith.constant 0 : i32
        %dma_wait3A_261 = tpu.memref_slice %arg13[%dma_wait3A_259, %dma_wait3A_260] : memref<80128x16xf32, #tpu.memory_space<vmem_shared>> -> memref<80128x16xf32, #tpu.memory_space<vmem_shared>>
        tpu.wait_indirect_dma semaphore(%run_scoped3A_249 : memref<!tpu.dma_semaphore, #tpu.memory_space<semaphore_mem>>) src(%arg8 : memref<80x16xf32, #tpu.memory_space<vmem>>) dst(%dma_wait3A_261 : memref<80128x16xf32, #tpu.memory_space<vmem_shared>>)
        tpu.yield
      }) : () -> ()
    }
    %scan3A_17 = arith.constant 124 : i32
    %add3A_18 = arith.constant 19840 : i32
    %add3A_19 = arith.addi %mul3A_4, %add3A_18 : i32
    %dma_wait3A = arith.constant 0 : i32
    %dma_wait3A_20 = tpu.memref_slice %arg2[%add3A_19, %dma_wait3A] : memref<320000x16xf32, #tpu.memory_space<hbm>> -> memref<80x16xf32, #tpu.memory_space<hbm>>
    %dma_wait3A_21 = arith.constant 0 : i32
    %dma_wait3A_22 = tpu.memref_slice %arg2[%add3A_19, %dma_wait3A_21] : memref<320000x16xf32, #tpu.memory_space<hbm>> -> memref<80x16xf32, #tpu.memory_space<hbm>>
    tpu.wait_dma2 semaphore(%arg11 : memref<!tpu.dma_semaphore, #tpu.memory_space<semaphore_mem>>) src(%dma_wait3A_22 : memref<80x16xf32, #tpu.memory_space<hbm>>) dst(%arg7 : memref<80x16xf32, #tpu.memory_space<vmem>>)
    %add3A_23 = arith.constant 19920 : i32
    %add3A_24 = arith.addi %mul3A_4, %add3A_23 : i32
    %dma_start3A_25 = arith.constant 0 : i32
    %dma_start3A_26 = tpu.memref_slice %arg2[%add3A_24, %dma_start3A_25] : memref<320000x16xf32, #tpu.memory_space<hbm>> -> memref<80x16xf32, #tpu.memory_space<hbm>>
    %dma_start3A_27 = arith.constant 0 : i32
    %dma_start3A_28 = tpu.memref_slice %arg2[%add3A_24, %dma_start3A_27] : memref<320000x16xf32, #tpu.memory_space<hbm>> -> memref<80x16xf32, #tpu.memory_space<hbm>>
    tpu.enqueue_dma source(%dma_start3A_28 : memref<80x16xf32, #tpu.memory_space<hbm>>) target(%arg8 : memref<80x16xf32, #tpu.memory_space<vmem>>) target_semaphore(%arg12 : memref<!tpu.dma_semaphore, #tpu.memory_space<semaphore_mem>>)
    %run_scoped3A = arith.constant 248 : i32
    "tpu.region"() ({
      %run_scoped3A_206 = tpu.sem_alloc : memref<!tpu.dma_semaphore, #tpu.memory_space<semaphore_mem>>
      %dma_start3A_207 = arith.constant 0 : i32
      %dma_start3A_208 = tpu.memref_slice %arg6[%run_scoped3A, %dma_start3A_207] : memref<250x80xi32, #tpu.memory_space<vmem>> -> memref<1x80xi32, #tpu.memory_space<vmem>>
      %dma_start3A_209 = tpu.memref_squeeze %dma_start3A_208 : memref<1x80xi32, #tpu.memory_space<vmem>> -> memref<80xi32, #tpu.memory_space<vmem>>
      %dma_start3A_210 = arith.constant 0 : i32
      %dma_start3A_211 = arith.constant 0 : i32
      %dma_start3A_212 = tpu.memref_slice %arg13[%dma_start3A_210, %dma_start3A_211] : memref<80128x16xf32, #tpu.memory_space<vmem_shared>> -> memref<80128x16xf32, #tpu.memory_space<vmem_shared>>
      tpu.enqueue_indirect_dma source(%arg7 : memref<80x16xf32, #tpu.memory_space<vmem>>) target(%dma_start3A_212 : memref<80128x16xf32, #tpu.memory_space<vmem_shared>>) offsets(%dma_start3A_209 : memref<80xi32, #tpu.memory_space<vmem>>) semaphore(%run_scoped3A_206 : memref<!tpu.dma_semaphore, #tpu.memory_space<semaphore_mem>>) {add = true}
      %dma_wait3A_213 = arith.constant 0 : i32
      %dma_wait3A_214 = tpu.memref_slice %arg6[%run_scoped3A, %dma_wait3A_213] : memref<250x80xi32, #tpu.memory_space<vmem>> -> memref<1x80xi32, #tpu.memory_space<vmem>>
      %dma_wait3A_215 = tpu.memref_squeeze %dma_wait3A_214 : memref<1x80xi32, #tpu.memory_space<vmem>> -> memref<80xi32, #tpu.memory_space<vmem>>
      %dma_wait3A_216 = arith.constant 0 : i32
      %dma_wait3A_217 = arith.constant 0 : i32
      %dma_wait3A_218 = tpu.memref_slice %arg13[%dma_wait3A_216, %dma_wait3A_217] : memref<80128x16xf32, #tpu.memory_space<vmem_shared>> -> memref<80128x16xf32, #tpu.memory_space<vmem_shared>>
      tpu.wait_indirect_dma semaphore(%run_scoped3A_206 : memref<!tpu.dma_semaphore, #tpu.memory_space<semaphore_mem>>) src(%arg7 : memref<80x16xf32, #tpu.memory_space<vmem>>) dst(%dma_wait3A_218 : memref<80128x16xf32, #tpu.memory_space<vmem_shared>>)
      tpu.yield
    }) : () -> ()
    %add3A_29 = arith.constant 19920 : i32
    %add3A_30 = arith.addi %mul3A_4, %add3A_29 : i32
    %dma_wait3A_31 = arith.constant 0 : i32
    %dma_wait3A_32 = tpu.memref_slice %arg2[%add3A_30, %dma_wait3A_31] : memref<320000x16xf32, #tpu.memory_space<hbm>> -> memref<80x16xf32, #tpu.memory_space<hbm>>
    %dma_wait3A_33 = arith.constant 0 : i32
    %dma_wait3A_34 = tpu.memref_slice %arg2[%add3A_30, %dma_wait3A_33] : memref<320000x16xf32, #tpu.memory_space<hbm>> -> memref<80x16xf32, #tpu.memory_space<hbm>>
    tpu.wait_dma2 semaphore(%arg12 : memref<!tpu.dma_semaphore, #tpu.memory_space<semaphore_mem>>) src(%dma_wait3A_34 : memref<80x16xf32, #tpu.memory_space<hbm>>) dst(%arg8 : memref<80x16xf32, #tpu.memory_space<vmem>>)
    %run_scoped3A_35 = arith.constant 249 : i32
    "tpu.region"() ({
      %run_scoped3A_206 = tpu.sem_alloc : memref<!tpu.dma_semaphore, #tpu.memory_space<semaphore_mem>>
      %dma_start3A_207 = arith.constant 0 : i32
      %dma_start3A_208 = tpu.memref_slice %arg6[%run_scoped3A_35, %dma_start3A_207] : memref<250x80xi32, #tpu.memory_space<vmem>> -> memref<1x80xi32, #tpu.memory_space<vmem>>
      %dma_start3A_209 = tpu.memref_squeeze %dma_start3A_208 : memref<1x80xi32, #tpu.memory_space<vmem>> -> memref<80xi32, #tpu.memory_space<vmem>>
      %dma_start3A_210 = arith.constant 0 : i32
      %dma_start3A_211 = arith.constant 0 : i32
      %dma_start3A_212 = tpu.memref_slice %arg13[%dma_start3A_210, %dma_start3A_211] : memref<80128x16xf32, #tpu.memory_space<vmem_shared>> -> memref<80128x16xf32, #tpu.memory_space<vmem_shared>>
      tpu.enqueue_indirect_dma source(%arg8 : memref<80x16xf32, #tpu.memory_space<vmem>>) target(%dma_start3A_212 : memref<80128x16xf32, #tpu.memory_space<vmem_shared>>) offsets(%dma_start3A_209 : memref<80xi32, #tpu.memory_space<vmem>>) semaphore(%run_scoped3A_206 : memref<!tpu.dma_semaphore, #tpu.memory_space<semaphore_mem>>) {add = true}
      %dma_wait3A_213 = arith.constant 0 : i32
      %dma_wait3A_214 = tpu.memref_slice %arg6[%run_scoped3A_35, %dma_wait3A_213] : memref<250x80xi32, #tpu.memory_space<vmem>> -> memref<1x80xi32, #tpu.memory_space<vmem>>
      %dma_wait3A_215 = tpu.memref_squeeze %dma_wait3A_214 : memref<1x80xi32, #tpu.memory_space<vmem>> -> memref<80xi32, #tpu.memory_space<vmem>>
      %dma_wait3A_216 = arith.constant 0 : i32
      %dma_wait3A_217 = arith.constant 0 : i32
      %dma_wait3A_218 = tpu.memref_slice %arg13[%dma_wait3A_216, %dma_wait3A_217] : memref<80128x16xf32, #tpu.memory_space<vmem_shared>> -> memref<80128x16xf32, #tpu.memory_space<vmem_shared>>
      tpu.wait_indirect_dma semaphore(%run_scoped3A_206 : memref<!tpu.dma_semaphore, #tpu.memory_space<semaphore_mem>>) src(%arg8 : memref<80x16xf32, #tpu.memory_space<vmem>>) dst(%dma_wait3A_218 : memref<80128x16xf32, #tpu.memory_space<vmem_shared>>)
      tpu.yield
    }) : () -> ()
    %barrier3A = arith.constant 0 : index
    tpu.barrier barrier_id(%barrier3A)
    %mul3A_36 = arith.constant 312 : i32
    %mul3A_37 = arith.muli %arg1, %mul3A_36 : i32
    %add3A_38 = arith.constant 0 : i32
    %add3A_39 = arith.addi %mul3A_37, %add3A_38 : i32
    %add3A_40 = arith.constant 0 : i32
    %add3A_41 = arith.addi %add3A_40, %add3A_39 : i32
    "tpu.region"() ({
      %run_scoped3A_206 = tpu.sem_alloc : memref<!tpu.dma_semaphore, #tpu.memory_space<semaphore_mem>>
      %dma_start3A_207 = arith.constant 0 : i32
      %dma_start3A_208 = arith.constant 0 : i32
      %dma_start3A_209 = tpu.memref_slice %arg10[%dma_start3A_207, %dma_start3A_208] : memref<1248x16xf32, #tpu.memory_space<vmem>> -> memref<78x16xf32, #tpu.memory_space<vmem>>
      %dma_start3A_210 = arith.constant 0 : i32
      %dma_start3A_211 = tpu.memref_slice %arg13[%add3A_41, %dma_start3A_210] : memref<80128x16xf32, #tpu.memory_space<vmem_shared>> -> memref<78x16xf32, #tpu.memory_space<vmem_shared>>
      %dma_start3A_212 = arith.constant 0 : i32
      %dma_start3A_213 = arith.constant 0 : i32
      %dma_start3A_214 = tpu.memref_slice %arg10[%dma_start3A_212, %dma_start3A_213] : memref<1248x16xf32, #tpu.memory_space<vmem>> -> memref<78x16xf32, #tpu.memory_space<vmem>>
      %dma_start3A_215 = arith.constant 0 : i32
      %dma_start3A_216 = tpu.memref_slice %arg13[%add3A_41, %dma_start3A_215] : memref<80128x16xf32, #tpu.memory_space<vmem_shared>> -> memref<78x16xf32, #tpu.memory_space<vmem_shared>>
      tpu.enqueue_dma source(%dma_start3A_216 : memref<78x16xf32, #tpu.memory_space<vmem_shared>>) target(%dma_start3A_214 : memref<78x16xf32, #tpu.memory_space<vmem>>) target_semaphore(%run_scoped3A_206 : memref<!tpu.dma_semaphore, #tpu.memory_space<semaphore_mem>>)
      %dma_wait3A_217 = arith.constant 0 : i32
      %dma_wait3A_218 = arith.constant 0 : i32
      %dma_wait3A_219 = tpu.memref_slice %arg10[%dma_wait3A_217, %dma_wait3A_218] : memref<1248x16xf32, #tpu.memory_space<vmem>> -> memref<78x16xf32, #tpu.memory_space<vmem>>
      %dma_wait3A_220 = arith.constant 0 : i32
      %dma_wait3A_221 = tpu.memref_slice %arg13[%add3A_41, %dma_wait3A_220] : memref<80128x16xf32, #tpu.memory_space<vmem_shared>> -> memref<78x16xf32, #tpu.memory_space<vmem_shared>>
      %dma_wait3A_222 = arith.constant 0 : i32
      %dma_wait3A_223 = arith.constant 0 : i32
      %dma_wait3A_224 = tpu.memref_slice %arg10[%dma_wait3A_222, %dma_wait3A_223] : memref<1248x16xf32, #tpu.memory_space<vmem>> -> memref<78x16xf32, #tpu.memory_space<vmem>>
      %dma_wait3A_225 = arith.constant 0 : i32
      %dma_wait3A_226 = tpu.memref_slice %arg13[%add3A_41, %dma_wait3A_225] : memref<80128x16xf32, #tpu.memory_space<vmem_shared>> -> memref<78x16xf32, #tpu.memory_space<vmem_shared>>
      tpu.wait_dma2 semaphore(%run_scoped3A_206 : memref<!tpu.dma_semaphore, #tpu.memory_space<semaphore_mem>>) src(%dma_wait3A_226 : memref<78x16xf32, #tpu.memory_space<vmem_shared>>) dst(%dma_wait3A_224 : memref<78x16xf32, #tpu.memory_space<vmem>>)
      tpu.yield
    }) : () -> ()
    %add3A_42 = arith.constant 5008 : i32
    %add3A_43 = arith.addi %add3A_42, %add3A_39 : i32
    "tpu.region"() ({
      %run_scoped3A_206 = tpu.sem_alloc : memref<!tpu.dma_semaphore, #tpu.memory_space<semaphore_mem>>
      %dma_start3A_207 = arith.constant 78 : i32
      %dma_start3A_208 = arith.constant 0 : i32
      %dma_start3A_209 = tpu.memref_slice %arg10[%dma_start3A_207, %dma_start3A_208] : memref<1248x16xf32, #tpu.memory_space<vmem>> -> memref<78x16xf32, #tpu.memory_space<vmem>>
      %dma_start3A_210 = arith.constant 0 : i32
      %dma_start3A_211 = tpu.memref_slice %arg13[%add3A_43, %dma_start3A_210] : memref<80128x16xf32, #tpu.memory_space<vmem_shared>> -> memref<78x16xf32, #tpu.memory_space<vmem_shared>>
      %dma_start3A_212 = arith.constant 78 : i32
      %dma_start3A_213 = arith.constant 0 : i32
      %dma_start3A_214 = tpu.memref_slice %arg10[%dma_start3A_212, %dma_start3A_213] : memref<1248x16xf32, #tpu.memory_space<vmem>> -> memref<78x16xf32, #tpu.memory_space<vmem>>
      %dma_start3A_215 = arith.constant 0 : i32
      %dma_start3A_216 = tpu.memref_slice %arg13[%add3A_43, %dma_start3A_215] : memref<80128x16xf32, #tpu.memory_space<vmem_shared>> -> memref<78x16xf32, #tpu.memory_space<vmem_shared>>
      tpu.enqueue_dma source(%dma_start3A_216 : memref<78x16xf32, #tpu.memory_space<vmem_shared>>) target(%dma_start3A_214 : memref<78x16xf32, #tpu.memory_space<vmem>>) target_semaphore(%run_scoped3A_206 : memref<!tpu.dma_semaphore, #tpu.memory_space<semaphore_mem>>)
      %dma_wait3A_217 = arith.constant 78 : i32
      %dma_wait3A_218 = arith.constant 0 : i32
      %dma_wait3A_219 = tpu.memref_slice %arg10[%dma_wait3A_217, %dma_wait3A_218] : memref<1248x16xf32, #tpu.memory_space<vmem>> -> memref<78x16xf32, #tpu.memory_space<vmem>>
      %dma_wait3A_220 = arith.constant 0 : i32
      %dma_wait3A_221 = tpu.memref_slice %arg13[%add3A_43, %dma_wait3A_220] : memref<80128x16xf32, #tpu.memory_space<vmem_shared>> -> memref<78x16xf32, #tpu.memory_space<vmem_shared>>
      %dma_wait3A_222 = arith.constant 78 : i32
      %dma_wait3A_223 = arith.constant 0 : i32
      %dma_wait3A_224 = tpu.memref_slice %arg10[%dma_wait3A_222, %dma_wait3A_223] : memref<1248x16xf32, #tpu.memory_space<vmem>> -> memref<78x16xf32, #tpu.memory_space<vmem>>
      %dma_wait3A_225 = arith.constant 0 : i32
      %dma_wait3A_226 = tpu.memref_slice %arg13[%add3A_43, %dma_wait3A_225] : memref<80128x16xf32, #tpu.memory_space<vmem_shared>> -> memref<78x16xf32, #tpu.memory_space<vmem_shared>>
      tpu.wait_dma2 semaphore(%run_scoped3A_206 : memref<!tpu.dma_semaphore, #tpu.memory_space<semaphore_mem>>) src(%dma_wait3A_226 : memref<78x16xf32, #tpu.memory_space<vmem_shared>>) dst(%dma_wait3A_224 : memref<78x16xf32, #tpu.memory_space<vmem>>)
      tpu.yield
    }) : () -> ()
    %add3A_44 = arith.constant 10016 : i32
    %add3A_45 = arith.addi %add3A_44, %add3A_39 : i32
    "tpu.region"() ({
      %run_scoped3A_206 = tpu.sem_alloc : memref<!tpu.dma_semaphore, #tpu.memory_space<semaphore_mem>>
      %dma_start3A_207 = arith.constant 156 : i32
      %dma_start3A_208 = arith.constant 0 : i32
      %dma_start3A_209 = tpu.memref_slice %arg10[%dma_start3A_207, %dma_start3A_208] : memref<1248x16xf32, #tpu.memory_space<vmem>> -> memref<78x16xf32, #tpu.memory_space<vmem>>
      %dma_start3A_210 = arith.constant 0 : i32
      %dma_start3A_211 = tpu.memref_slice %arg13[%add3A_45, %dma_start3A_210] : memref<80128x16xf32, #tpu.memory_space<vmem_shared>> -> memref<78x16xf32, #tpu.memory_space<vmem_shared>>
      %dma_start3A_212 = arith.constant 156 : i32
      %dma_start3A_213 = arith.constant 0 : i32
      %dma_start3A_214 = tpu.memref_slice %arg10[%dma_start3A_212, %dma_start3A_213] : memref<1248x16xf32, #tpu.memory_space<vmem>> -> memref<78x16xf32, #tpu.memory_space<vmem>>
      %dma_start3A_215 = arith.constant 0 : i32
      %dma_start3A_216 = tpu.memref_slice %arg13[%add3A_45, %dma_start3A_215] : memref<80128x16xf32, #tpu.memory_space<vmem_shared>> -> memref<78x16xf32, #tpu.memory_space<vmem_shared>>
      tpu.enqueue_dma source(%dma_start3A_216 : memref<78x16xf32, #tpu.memory_space<vmem_shared>>) target(%dma_start3A_214 : memref<78x16xf32, #tpu.memory_space<vmem>>) target_semaphore(%run_scoped3A_206 : memref<!tpu.dma_semaphore, #tpu.memory_space<semaphore_mem>>)
      %dma_wait3A_217 = arith.constant 156 : i32
      %dma_wait3A_218 = arith.constant 0 : i32
      %dma_wait3A_219 = tpu.memref_slice %arg10[%dma_wait3A_217, %dma_wait3A_218] : memref<1248x16xf32, #tpu.memory_space<vmem>> -> memref<78x16xf32, #tpu.memory_space<vmem>>
      %dma_wait3A_220 = arith.constant 0 : i32
      %dma_wait3A_221 = tpu.memref_slice %arg13[%add3A_45, %dma_wait3A_220] : memref<80128x16xf32, #tpu.memory_space<vmem_shared>> -> memref<78x16xf32, #tpu.memory_space<vmem_shared>>
      %dma_wait3A_222 = arith.constant 156 : i32
      %dma_wait3A_223 = arith.constant 0 : i32
      %dma_wait3A_224 = tpu.memref_slice %arg10[%dma_wait3A_222, %dma_wait3A_223] : memref<1248x16xf32, #tpu.memory_space<vmem>> -> memref<78x16xf32, #tpu.memory_space<vmem>>
      %dma_wait3A_225 = arith.constant 0 : i32
      %dma_wait3A_226 = tpu.memref_slice %arg13[%add3A_45, %dma_wait3A_225] : memref<80128x16xf32, #tpu.memory_space<vmem_shared>> -> memref<78x16xf32, #tpu.memory_space<vmem_shared>>
      tpu.wait_dma2 semaphore(%run_scoped3A_206 : memref<!tpu.dma_semaphore, #tpu.memory_space<semaphore_mem>>) src(%dma_wait3A_226 : memref<78x16xf32, #tpu.memory_space<vmem_shared>>) dst(%dma_wait3A_224 : memref<78x16xf32, #tpu.memory_space<vmem>>)
      tpu.yield
    }) : () -> ()
    %add3A_46 = arith.constant 15024 : i32
    %add3A_47 = arith.addi %add3A_46, %add3A_39 : i32
    "tpu.region"() ({
      %run_scoped3A_206 = tpu.sem_alloc : memref<!tpu.dma_semaphore, #tpu.memory_space<semaphore_mem>>
      %dma_start3A_207 = arith.constant 234 : i32
      %dma_start3A_208 = arith.constant 0 : i32
      %dma_start3A_209 = tpu.memref_slice %arg10[%dma_start3A_207, %dma_start3A_208] : memref<1248x16xf32, #tpu.memory_space<vmem>> -> memref<78x16xf32, #tpu.memory_space<vmem>>
      %dma_start3A_210 = arith.constant 0 : i32
      %dma_start3A_211 = tpu.memref_slice %arg13[%add3A_47, %dma_start3A_210] : memref<80128x16xf32, #tpu.memory_space<vmem_shared>> -> memref<78x16xf32, #tpu.memory_space<vmem_shared>>
      %dma_start3A_212 = arith.constant 234 : i32
      %dma_start3A_213 = arith.constant 0 : i32
      %dma_start3A_214 = tpu.memref_slice %arg10[%dma_start3A_212, %dma_start3A_213] : memref<1248x16xf32, #tpu.memory_space<vmem>> -> memref<78x16xf32, #tpu.memory_space<vmem>>
      %dma_start3A_215 = arith.constant 0 : i32
      %dma_start3A_216 = tpu.memref_slice %arg13[%add3A_47, %dma_start3A_215] : memref<80128x16xf32, #tpu.memory_space<vmem_shared>> -> memref<78x16xf32, #tpu.memory_space<vmem_shared>>
      tpu.enqueue_dma source(%dma_start3A_216 : memref<78x16xf32, #tpu.memory_space<vmem_shared>>) target(%dma_start3A_214 : memref<78x16xf32, #tpu.memory_space<vmem>>) target_semaphore(%run_scoped3A_206 : memref<!tpu.dma_semaphore, #tpu.memory_space<semaphore_mem>>)
      %dma_wait3A_217 = arith.constant 234 : i32
      %dma_wait3A_218 = arith.constant 0 : i32
      %dma_wait3A_219 = tpu.memref_slice %arg10[%dma_wait3A_217, %dma_wait3A_218] : memref<1248x16xf32, #tpu.memory_space<vmem>> -> memref<78x16xf32, #tpu.memory_space<vmem>>
      %dma_wait3A_220 = arith.constant 0 : i32
      %dma_wait3A_221 = tpu.memref_slice %arg13[%add3A_47, %dma_wait3A_220] : memref<80128x16xf32, #tpu.memory_space<vmem_shared>> -> memref<78x16xf32, #tpu.memory_space<vmem_shared>>
      %dma_wait3A_222 = arith.constant 234 : i32
      %dma_wait3A_223 = arith.constant 0 : i32
      %dma_wait3A_224 = tpu.memref_slice %arg10[%dma_wait3A_222, %dma_wait3A_223] : memref<1248x16xf32, #tpu.memory_space<vmem>> -> memref<78x16xf32, #tpu.memory_space<vmem>>
      %dma_wait3A_225 = arith.constant 0 : i32
      %dma_wait3A_226 = tpu.memref_slice %arg13[%add3A_47, %dma_wait3A_225] : memref<80128x16xf32, #tpu.memory_space<vmem_shared>> -> memref<78x16xf32, #tpu.memory_space<vmem_shared>>
      tpu.wait_dma2 semaphore(%run_scoped3A_206 : memref<!tpu.dma_semaphore, #tpu.memory_space<semaphore_mem>>) src(%dma_wait3A_226 : memref<78x16xf32, #tpu.memory_space<vmem_shared>>) dst(%dma_wait3A_224 : memref<78x16xf32, #tpu.memory_space<vmem>>)
      tpu.yield
    }) : () -> ()
    %add3A_48 = arith.constant 20032 : i32
    %add3A_49 = arith.addi %add3A_48, %add3A_39 : i32
    "tpu.region"() ({
      %run_scoped3A_206 = tpu.sem_alloc : memref<!tpu.dma_semaphore, #tpu.memory_space<semaphore_mem>>
      %dma_start3A_207 = arith.constant 312 : i32
      %dma_start3A_208 = arith.constant 0 : i32
      %dma_start3A_209 = tpu.memref_slice %arg10[%dma_start3A_207, %dma_start3A_208] : memref<1248x16xf32, #tpu.memory_space<vmem>> -> memref<78x16xf32, #tpu.memory_space<vmem>>
      %dma_start3A_210 = arith.constant 0 : i32
      %dma_start3A_211 = tpu.memref_slice %arg13[%add3A_49, %dma_start3A_210] : memref<80128x16xf32, #tpu.memory_space<vmem_shared>> -> memref<78x16xf32, #tpu.memory_space<vmem_shared>>
      %dma_start3A_212 = arith.constant 312 : i32
      %dma_start3A_213 = arith.constant 0 : i32
      %dma_start3A_214 = tpu.memref_slice %arg10[%dma_start3A_212, %dma_start3A_213] : memref<1248x16xf32, #tpu.memory_space<vmem>> -> memref<78x16xf32, #tpu.memory_space<vmem>>
      %dma_start3A_215 = arith.constant 0 : i32
      %dma_start3A_216 = tpu.memref_slice %arg13[%add3A_49, %dma_start3A_215] : memref<80128x16xf32, #tpu.memory_space<vmem_shared>> -> memref<78x16xf32, #tpu.memory_space<vmem_shared>>
      tpu.enqueue_dma source(%dma_start3A_216 : memref<78x16xf32, #tpu.memory_space<vmem_shared>>) target(%dma_start3A_214 : memref<78x16xf32, #tpu.memory_space<vmem>>) target_semaphore(%run_scoped3A_206 : memref<!tpu.dma_semaphore, #tpu.memory_space<semaphore_mem>>)
      %dma_wait3A_217 = arith.constant 312 : i32
      %dma_wait3A_218 = arith.constant 0 : i32
      %dma_wait3A_219 = tpu.memref_slice %arg10[%dma_wait3A_217, %dma_wait3A_218] : memref<1248x16xf32, #tpu.memory_space<vmem>> -> memref<78x16xf32, #tpu.memory_space<vmem>>
      %dma_wait3A_220 = arith.constant 0 : i32
      %dma_wait3A_221 = tpu.memref_slice %arg13[%add3A_49, %dma_wait3A_220] : memref<80128x16xf32, #tpu.memory_space<vmem_shared>> -> memref<78x16xf32, #tpu.memory_space<vmem_shared>>
      %dma_wait3A_222 = arith.constant 312 : i32
      %dma_wait3A_223 = arith.constant 0 : i32
      %dma_wait3A_224 = tpu.memref_slice %arg10[%dma_wait3A_222, %dma_wait3A_223] : memref<1248x16xf32, #tpu.memory_space<vmem>> -> memref<78x16xf32, #tpu.memory_space<vmem>>
      %dma_wait3A_225 = arith.constant 0 : i32
      %dma_wait3A_226 = tpu.memref_slice %arg13[%add3A_49, %dma_wait3A_225] : memref<80128x16xf32, #tpu.memory_space<vmem_shared>> -> memref<78x16xf32, #tpu.memory_space<vmem_shared>>
      tpu.wait_dma2 semaphore(%run_scoped3A_206 : memref<!tpu.dma_semaphore, #tpu.memory_space<semaphore_mem>>) src(%dma_wait3A_226 : memref<78x16xf32, #tpu.memory_space<vmem_shared>>) dst(%dma_wait3A_224 : memref<78x16xf32, #tpu.memory_space<vmem>>)
      tpu.yield
    }) : () -> ()
    %add3A_50 = arith.constant 25040 : i32
    %add3A_51 = arith.addi %add3A_50, %add3A_39 : i32
    "tpu.region"() ({
      %run_scoped3A_206 = tpu.sem_alloc : memref<!tpu.dma_semaphore, #tpu.memory_space<semaphore_mem>>
      %dma_start3A_207 = arith.constant 390 : i32
      %dma_start3A_208 = arith.constant 0 : i32
      %dma_start3A_209 = tpu.memref_slice %arg10[%dma_start3A_207, %dma_start3A_208] : memref<1248x16xf32, #tpu.memory_space<vmem>> -> memref<78x16xf32, #tpu.memory_space<vmem>>
      %dma_start3A_210 = arith.constant 0 : i32
      %dma_start3A_211 = tpu.memref_slice %arg13[%add3A_51, %dma_start3A_210] : memref<80128x16xf32, #tpu.memory_space<vmem_shared>> -> memref<78x16xf32, #tpu.memory_space<vmem_shared>>
      %dma_start3A_212 = arith.constant 390 : i32
      %dma_start3A_213 = arith.constant 0 : i32
      %dma_start3A_214 = tpu.memref_slice %arg10[%dma_start3A_212, %dma_start3A_213] : memref<1248x16xf32, #tpu.memory_space<vmem>> -> memref<78x16xf32, #tpu.memory_space<vmem>>
      %dma_start3A_215 = arith.constant 0 : i32
      %dma_start3A_216 = tpu.memref_slice %arg13[%add3A_51, %dma_start3A_215] : memref<80128x16xf32, #tpu.memory_space<vmem_shared>> -> memref<78x16xf32, #tpu.memory_space<vmem_shared>>
      tpu.enqueue_dma source(%dma_start3A_216 : memref<78x16xf32, #tpu.memory_space<vmem_shared>>) target(%dma_start3A_214 : memref<78x16xf32, #tpu.memory_space<vmem>>) target_semaphore(%run_scoped3A_206 : memref<!tpu.dma_semaphore, #tpu.memory_space<semaphore_mem>>)
      %dma_wait3A_217 = arith.constant 390 : i32
      %dma_wait3A_218 = arith.constant 0 : i32
      %dma_wait3A_219 = tpu.memref_slice %arg10[%dma_wait3A_217, %dma_wait3A_218] : memref<1248x16xf32, #tpu.memory_space<vmem>> -> memref<78x16xf32, #tpu.memory_space<vmem>>
      %dma_wait3A_220 = arith.constant 0 : i32
      %dma_wait3A_221 = tpu.memref_slice %arg13[%add3A_51, %dma_wait3A_220] : memref<80128x16xf32, #tpu.memory_space<vmem_shared>> -> memref<78x16xf32, #tpu.memory_space<vmem_shared>>
      %dma_wait3A_222 = arith.constant 390 : i32
      %dma_wait3A_223 = arith.constant 0 : i32
      %dma_wait3A_224 = tpu.memref_slice %arg10[%dma_wait3A_222, %dma_wait3A_223] : memref<1248x16xf32, #tpu.memory_space<vmem>> -> memref<78x16xf32, #tpu.memory_space<vmem>>
      %dma_wait3A_225 = arith.constant 0 : i32
      %dma_wait3A_226 = tpu.memref_slice %arg13[%add3A_51, %dma_wait3A_225] : memref<80128x16xf32, #tpu.memory_space<vmem_shared>> -> memref<78x16xf32, #tpu.memory_space<vmem_shared>>
      tpu.wait_dma2 semaphore(%run_scoped3A_206 : memref<!tpu.dma_semaphore, #tpu.memory_space<semaphore_mem>>) src(%dma_wait3A_226 : memref<78x16xf32, #tpu.memory_space<vmem_shared>>) dst(%dma_wait3A_224 : memref<78x16xf32, #tpu.memory_space<vmem>>)
      tpu.yield
    }) : () -> ()
    %add3A_52 = arith.constant 30048 : i32
    %add3A_53 = arith.addi %add3A_52, %add3A_39 : i32
    "tpu.region"() ({
      %run_scoped3A_206 = tpu.sem_alloc : memref<!tpu.dma_semaphore, #tpu.memory_space<semaphore_mem>>
      %dma_start3A_207 = arith.constant 468 : i32
      %dma_start3A_208 = arith.constant 0 : i32
      %dma_start3A_209 = tpu.memref_slice %arg10[%dma_start3A_207, %dma_start3A_208] : memref<1248x16xf32, #tpu.memory_space<vmem>> -> memref<78x16xf32, #tpu.memory_space<vmem>>
      %dma_start3A_210 = arith.constant 0 : i32
      %dma_start3A_211 = tpu.memref_slice %arg13[%add3A_53, %dma_start3A_210] : memref<80128x16xf32, #tpu.memory_space<vmem_shared>> -> memref<78x16xf32, #tpu.memory_space<vmem_shared>>
      %dma_start3A_212 = arith.constant 468 : i32
      %dma_start3A_213 = arith.constant 0 : i32
      %dma_start3A_214 = tpu.memref_slice %arg10[%dma_start3A_212, %dma_start3A_213] : memref<1248x16xf32, #tpu.memory_space<vmem>> -> memref<78x16xf32, #tpu.memory_space<vmem>>
      %dma_start3A_215 = arith.constant 0 : i32
      %dma_start3A_216 = tpu.memref_slice %arg13[%add3A_53, %dma_start3A_215] : memref<80128x16xf32, #tpu.memory_space<vmem_shared>> -> memref<78x16xf32, #tpu.memory_space<vmem_shared>>
      tpu.enqueue_dma source(%dma_start3A_216 : memref<78x16xf32, #tpu.memory_space<vmem_shared>>) target(%dma_start3A_214 : memref<78x16xf32, #tpu.memory_space<vmem>>) target_semaphore(%run_scoped3A_206 : memref<!tpu.dma_semaphore, #tpu.memory_space<semaphore_mem>>)
      %dma_wait3A_217 = arith.constant 468 : i32
      %dma_wait3A_218 = arith.constant 0 : i32
      %dma_wait3A_219 = tpu.memref_slice %arg10[%dma_wait3A_217, %dma_wait3A_218] : memref<1248x16xf32, #tpu.memory_space<vmem>> -> memref<78x16xf32, #tpu.memory_space<vmem>>
      %dma_wait3A_220 = arith.constant 0 : i32
      %dma_wait3A_221 = tpu.memref_slice %arg13[%add3A_53, %dma_wait3A_220] : memref<80128x16xf32, #tpu.memory_space<vmem_shared>> -> memref<78x16xf32, #tpu.memory_space<vmem_shared>>
      %dma_wait3A_222 = arith.constant 468 : i32
      %dma_wait3A_223 = arith.constant 0 : i32
      %dma_wait3A_224 = tpu.memref_slice %arg10[%dma_wait3A_222, %dma_wait3A_223] : memref<1248x16xf32, #tpu.memory_space<vmem>> -> memref<78x16xf32, #tpu.memory_space<vmem>>
      %dma_wait3A_225 = arith.constant 0 : i32
      %dma_wait3A_226 = tpu.memref_slice %arg13[%add3A_53, %dma_wait3A_225] : memref<80128x16xf32, #tpu.memory_space<vmem_shared>> -> memref<78x16xf32, #tpu.memory_space<vmem_shared>>
      tpu.wait_dma2 semaphore(%run_scoped3A_206 : memref<!tpu.dma_semaphore, #tpu.memory_space<semaphore_mem>>) src(%dma_wait3A_226 : memref<78x16xf32, #tpu.memory_space<vmem_shared>>) dst(%dma_wait3A_224 : memref<78x16xf32, #tpu.memory_space<vmem>>)
      tpu.yield
    }) : () -> ()
    %add3A_54 = arith.constant 35056 : i32
    %add3A_55 = arith.addi %add3A_54, %add3A_39 : i32
    "tpu.region"() ({
      %run_scoped3A_206 = tpu.sem_alloc : memref<!tpu.dma_semaphore, #tpu.memory_space<semaphore_mem>>
      %dma_start3A_207 = arith.constant 546 : i32
      %dma_start3A_208 = arith.constant 0 : i32
      %dma_start3A_209 = tpu.memref_slice %arg10[%dma_start3A_207, %dma_start3A_208] : memref<1248x16xf32, #tpu.memory_space<vmem>> -> memref<78x16xf32, #tpu.memory_space<vmem>>
      %dma_start3A_210 = arith.constant 0 : i32
      %dma_start3A_211 = tpu.memref_slice %arg13[%add3A_55, %dma_start3A_210] : memref<80128x16xf32, #tpu.memory_space<vmem_shared>> -> memref<78x16xf32, #tpu.memory_space<vmem_shared>>
      %dma_start3A_212 = arith.constant 546 : i32
      %dma_start3A_213 = arith.constant 0 : i32
      %dma_start3A_214 = tpu.memref_slice %arg10[%dma_start3A_212, %dma_start3A_213] : memref<1248x16xf32, #tpu.memory_space<vmem>> -> memref<78x16xf32, #tpu.memory_space<vmem>>
      %dma_start3A_215 = arith.constant 0 : i32
      %dma_start3A_216 = tpu.memref_slice %arg13[%add3A_55, %dma_start3A_215] : memref<80128x16xf32, #tpu.memory_space<vmem_shared>> -> memref<78x16xf32, #tpu.memory_space<vmem_shared>>
      tpu.enqueue_dma source(%dma_start3A_216 : memref<78x16xf32, #tpu.memory_space<vmem_shared>>) target(%dma_start3A_214 : memref<78x16xf32, #tpu.memory_space<vmem>>) target_semaphore(%run_scoped3A_206 : memref<!tpu.dma_semaphore, #tpu.memory_space<semaphore_mem>>)
      %dma_wait3A_217 = arith.constant 546 : i32
      %dma_wait3A_218 = arith.constant 0 : i32
      %dma_wait3A_219 = tpu.memref_slice %arg10[%dma_wait3A_217, %dma_wait3A_218] : memref<1248x16xf32, #tpu.memory_space<vmem>> -> memref<78x16xf32, #tpu.memory_space<vmem>>
      %dma_wait3A_220 = arith.constant 0 : i32
      %dma_wait3A_221 = tpu.memref_slice %arg13[%add3A_55, %dma_wait3A_220] : memref<80128x16xf32, #tpu.memory_space<vmem_shared>> -> memref<78x16xf32, #tpu.memory_space<vmem_shared>>
      %dma_wait3A_222 = arith.constant 546 : i32
      %dma_wait3A_223 = arith.constant 0 : i32
      %dma_wait3A_224 = tpu.memref_slice %arg10[%dma_wait3A_222, %dma_wait3A_223] : memref<1248x16xf32, #tpu.memory_space<vmem>> -> memref<78x16xf32, #tpu.memory_space<vmem>>
      %dma_wait3A_225 = arith.constant 0 : i32
      %dma_wait3A_226 = tpu.memref_slice %arg13[%add3A_55, %dma_wait3A_225] : memref<80128x16xf32, #tpu.memory_space<vmem_shared>> -> memref<78x16xf32, #tpu.memory_space<vmem_shared>>
      tpu.wait_dma2 semaphore(%run_scoped3A_206 : memref<!tpu.dma_semaphore, #tpu.memory_space<semaphore_mem>>) src(%dma_wait3A_226 : memref<78x16xf32, #tpu.memory_space<vmem_shared>>) dst(%dma_wait3A_224 : memref<78x16xf32, #tpu.memory_space<vmem>>)
      tpu.yield
    }) : () -> ()
    %add3A_56 = arith.constant 40064 : i32
    %add3A_57 = arith.addi %add3A_56, %add3A_39 : i32
    "tpu.region"() ({
      %run_scoped3A_206 = tpu.sem_alloc : memref<!tpu.dma_semaphore, #tpu.memory_space<semaphore_mem>>
      %dma_start3A_207 = arith.constant 624 : i32
      %dma_start3A_208 = arith.constant 0 : i32
      %dma_start3A_209 = tpu.memref_slice %arg10[%dma_start3A_207, %dma_start3A_208] : memref<1248x16xf32, #tpu.memory_space<vmem>> -> memref<78x16xf32, #tpu.memory_space<vmem>>
      %dma_start3A_210 = arith.constant 0 : i32
      %dma_start3A_211 = tpu.memref_slice %arg13[%add3A_57, %dma_start3A_210] : memref<80128x16xf32, #tpu.memory_space<vmem_shared>> -> memref<78x16xf32, #tpu.memory_space<vmem_shared>>
      %dma_start3A_212 = arith.constant 624 : i32
      %dma_start3A_213 = arith.constant 0 : i32
      %dma_start3A_214 = tpu.memref_slice %arg10[%dma_start3A_212, %dma_start3A_213] : memref<1248x16xf32, #tpu.memory_space<vmem>> -> memref<78x16xf32, #tpu.memory_space<vmem>>
      %dma_start3A_215 = arith.constant 0 : i32
      %dma_start3A_216 = tpu.memref_slice %arg13[%add3A_57, %dma_start3A_215] : memref<80128x16xf32, #tpu.memory_space<vmem_shared>> -> memref<78x16xf32, #tpu.memory_space<vmem_shared>>
      tpu.enqueue_dma source(%dma_start3A_216 : memref<78x16xf32, #tpu.memory_space<vmem_shared>>) target(%dma_start3A_214 : memref<78x16xf32, #tpu.memory_space<vmem>>) target_semaphore(%run_scoped3A_206 : memref<!tpu.dma_semaphore, #tpu.memory_space<semaphore_mem>>)
      %dma_wait3A_217 = arith.constant 624 : i32
      %dma_wait3A_218 = arith.constant 0 : i32
      %dma_wait3A_219 = tpu.memref_slice %arg10[%dma_wait3A_217, %dma_wait3A_218] : memref<1248x16xf32, #tpu.memory_space<vmem>> -> memref<78x16xf32, #tpu.memory_space<vmem>>
      %dma_wait3A_220 = arith.constant 0 : i32
      %dma_wait3A_221 = tpu.memref_slice %arg13[%add3A_57, %dma_wait3A_220] : memref<80128x16xf32, #tpu.memory_space<vmem_shared>> -> memref<78x16xf32, #tpu.memory_space<vmem_shared>>
      %dma_wait3A_222 = arith.constant 624 : i32
      %dma_wait3A_223 = arith.constant 0 : i32
      %dma_wait3A_224 = tpu.memref_slice %arg10[%dma_wait3A_222, %dma_wait3A_223] : memref<1248x16xf32, #tpu.memory_space<vmem>> -> memref<78x16xf32, #tpu.memory_space<vmem>>
      %dma_wait3A_225 = arith.constant 0 : i32
      %dma_wait3A_226 = tpu.memref_slice %arg13[%add3A_57, %dma_wait3A_225] : memref<80128x16xf32, #tpu.memory_space<vmem_shared>> -> memref<78x16xf32, #tpu.memory_space<vmem_shared>>
      tpu.wait_dma2 semaphore(%run_scoped3A_206 : memref<!tpu.dma_semaphore, #tpu.memory_space<semaphore_mem>>) src(%dma_wait3A_226 : memref<78x16xf32, #tpu.memory_space<vmem_shared>>) dst(%dma_wait3A_224 : memref<78x16xf32, #tpu.memory_space<vmem>>)
      tpu.yield
    }) : () -> ()
    %add3A_58 = arith.constant 45072 : i32
    %add3A_59 = arith.addi %add3A_58, %add3A_39 : i32
    "tpu.region"() ({
      %run_scoped3A_206 = tpu.sem_alloc : memref<!tpu.dma_semaphore, #tpu.memory_space<semaphore_mem>>
      %dma_start3A_207 = arith.constant 702 : i32
      %dma_start3A_208 = arith.constant 0 : i32
      %dma_start3A_209 = tpu.memref_slice %arg10[%dma_start3A_207, %dma_start3A_208] : memref<1248x16xf32, #tpu.memory_space<vmem>> -> memref<78x16xf32, #tpu.memory_space<vmem>>
      %dma_start3A_210 = arith.constant 0 : i32
      %dma_start3A_211 = tpu.memref_slice %arg13[%add3A_59, %dma_start3A_210] : memref<80128x16xf32, #tpu.memory_space<vmem_shared>> -> memref<78x16xf32, #tpu.memory_space<vmem_shared>>
      %dma_start3A_212 = arith.constant 702 : i32
      %dma_start3A_213 = arith.constant 0 : i32
      %dma_start3A_214 = tpu.memref_slice %arg10[%dma_start3A_212, %dma_start3A_213] : memref<1248x16xf32, #tpu.memory_space<vmem>> -> memref<78x16xf32, #tpu.memory_space<vmem>>
      %dma_start3A_215 = arith.constant 0 : i32
      %dma_start3A_216 = tpu.memref_slice %arg13[%add3A_59, %dma_start3A_215] : memref<80128x16xf32, #tpu.memory_space<vmem_shared>> -> memref<78x16xf32, #tpu.memory_space<vmem_shared>>
      tpu.enqueue_dma source(%dma_start3A_216 : memref<78x16xf32, #tpu.memory_space<vmem_shared>>) target(%dma_start3A_214 : memref<78x16xf32, #tpu.memory_space<vmem>>) target_semaphore(%run_scoped3A_206 : memref<!tpu.dma_semaphore, #tpu.memory_space<semaphore_mem>>)
      %dma_wait3A_217 = arith.constant 702 : i32
      %dma_wait3A_218 = arith.constant 0 : i32
      %dma_wait3A_219 = tpu.memref_slice %arg10[%dma_wait3A_217, %dma_wait3A_218] : memref<1248x16xf32, #tpu.memory_space<vmem>> -> memref<78x16xf32, #tpu.memory_space<vmem>>
      %dma_wait3A_220 = arith.constant 0 : i32
      %dma_wait3A_221 = tpu.memref_slice %arg13[%add3A_59, %dma_wait3A_220] : memref<80128x16xf32, #tpu.memory_space<vmem_shared>> -> memref<78x16xf32, #tpu.memory_space<vmem_shared>>
      %dma_wait3A_222 = arith.constant 702 : i32
      %dma_wait3A_223 = arith.constant 0 : i32
      %dma_wait3A_224 = tpu.memref_slice %arg10[%dma_wait3A_222, %dma_wait3A_223] : memref<1248x16xf32, #tpu.memory_space<vmem>> -> memref<78x16xf32, #tpu.memory_space<vmem>>
      %dma_wait3A_225 = arith.constant 0 : i32
      %dma_wait3A_226 = tpu.memref_slice %arg13[%add3A_59, %dma_wait3A_225] : memref<80128x16xf32, #tpu.memory_space<vmem_shared>> -> memref<78x16xf32, #tpu.memory_space<vmem_shared>>
      tpu.wait_dma2 semaphore(%run_scoped3A_206 : memref<!tpu.dma_semaphore, #tpu.memory_space<semaphore_mem>>) src(%dma_wait3A_226 : memref<78x16xf32, #tpu.memory_space<vmem_shared>>) dst(%dma_wait3A_224 : memref<78x16xf32, #tpu.memory_space<vmem>>)
      tpu.yield
    }) : () -> ()
    %add3A_60 = arith.constant 50080 : i32
    %add3A_61 = arith.addi %add3A_60, %add3A_39 : i32
    "tpu.region"() ({
      %run_scoped3A_206 = tpu.sem_alloc : memref<!tpu.dma_semaphore, #tpu.memory_space<semaphore_mem>>
      %dma_start3A_207 = arith.constant 780 : i32
      %dma_start3A_208 = arith.constant 0 : i32
      %dma_start3A_209 = tpu.memref_slice %arg10[%dma_start3A_207, %dma_start3A_208] : memref<1248x16xf32, #tpu.memory_space<vmem>> -> memref<78x16xf32, #tpu.memory_space<vmem>>
      %dma_start3A_210 = arith.constant 0 : i32
      %dma_start3A_211 = tpu.memref_slice %arg13[%add3A_61, %dma_start3A_210] : memref<80128x16xf32, #tpu.memory_space<vmem_shared>> -> memref<78x16xf32, #tpu.memory_space<vmem_shared>>
      %dma_start3A_212 = arith.constant 780 : i32
      %dma_start3A_213 = arith.constant 0 : i32
      %dma_start3A_214 = tpu.memref_slice %arg10[%dma_start3A_212, %dma_start3A_213] : memref<1248x16xf32, #tpu.memory_space<vmem>> -> memref<78x16xf32, #tpu.memory_space<vmem>>
      %dma_start3A_215 = arith.constant 0 : i32
      %dma_start3A_216 = tpu.memref_slice %arg13[%add3A_61, %dma_start3A_215] : memref<80128x16xf32, #tpu.memory_space<vmem_shared>> -> memref<78x16xf32, #tpu.memory_space<vmem_shared>>
      tpu.enqueue_dma source(%dma_start3A_216 : memref<78x16xf32, #tpu.memory_space<vmem_shared>>) target(%dma_start3A_214 : memref<78x16xf32, #tpu.memory_space<vmem>>) target_semaphore(%run_scoped3A_206 : memref<!tpu.dma_semaphore, #tpu.memory_space<semaphore_mem>>)
      %dma_wait3A_217 = arith.constant 780 : i32
      %dma_wait3A_218 = arith.constant 0 : i32
      %dma_wait3A_219 = tpu.memref_slice %arg10[%dma_wait3A_217, %dma_wait3A_218] : memref<1248x16xf32, #tpu.memory_space<vmem>> -> memref<78x16xf32, #tpu.memory_space<vmem>>
      %dma_wait3A_220 = arith.constant 0 : i32
      %dma_wait3A_221 = tpu.memref_slice %arg13[%add3A_61, %dma_wait3A_220] : memref<80128x16xf32, #tpu.memory_space<vmem_shared>> -> memref<78x16xf32, #tpu.memory_space<vmem_shared>>
      %dma_wait3A_222 = arith.constant 780 : i32
      %dma_wait3A_223 = arith.constant 0 : i32
      %dma_wait3A_224 = tpu.memref_slice %arg10[%dma_wait3A_222, %dma_wait3A_223] : memref<1248x16xf32, #tpu.memory_space<vmem>> -> memref<78x16xf32, #tpu.memory_space<vmem>>
      %dma_wait3A_225 = arith.constant 0 : i32
      %dma_wait3A_226 = tpu.memref_slice %arg13[%add3A_61, %dma_wait3A_225] : memref<80128x16xf32, #tpu.memory_space<vmem_shared>> -> memref<78x16xf32, #tpu.memory_space<vmem_shared>>
      tpu.wait_dma2 semaphore(%run_scoped3A_206 : memref<!tpu.dma_semaphore, #tpu.memory_space<semaphore_mem>>) src(%dma_wait3A_226 : memref<78x16xf32, #tpu.memory_space<vmem_shared>>) dst(%dma_wait3A_224 : memref<78x16xf32, #tpu.memory_space<vmem>>)
      tpu.yield
    }) : () -> ()
    %add3A_62 = arith.constant 55088 : i32
    %add3A_63 = arith.addi %add3A_62, %add3A_39 : i32
    "tpu.region"() ({
      %run_scoped3A_206 = tpu.sem_alloc : memref<!tpu.dma_semaphore, #tpu.memory_space<semaphore_mem>>
      %dma_start3A_207 = arith.constant 858 : i32
      %dma_start3A_208 = arith.constant 0 : i32
      %dma_start3A_209 = tpu.memref_slice %arg10[%dma_start3A_207, %dma_start3A_208] : memref<1248x16xf32, #tpu.memory_space<vmem>> -> memref<78x16xf32, #tpu.memory_space<vmem>>
      %dma_start3A_210 = arith.constant 0 : i32
      %dma_start3A_211 = tpu.memref_slice %arg13[%add3A_63, %dma_start3A_210] : memref<80128x16xf32, #tpu.memory_space<vmem_shared>> -> memref<78x16xf32, #tpu.memory_space<vmem_shared>>
      %dma_start3A_212 = arith.constant 858 : i32
      %dma_start3A_213 = arith.constant 0 : i32
      %dma_start3A_214 = tpu.memref_slice %arg10[%dma_start3A_212, %dma_start3A_213] : memref<1248x16xf32, #tpu.memory_space<vmem>> -> memref<78x16xf32, #tpu.memory_space<vmem>>
      %dma_start3A_215 = arith.constant 0 : i32
      %dma_start3A_216 = tpu.memref_slice %arg13[%add3A_63, %dma_start3A_215] : memref<80128x16xf32, #tpu.memory_space<vmem_shared>> -> memref<78x16xf32, #tpu.memory_space<vmem_shared>>
      tpu.enqueue_dma source(%dma_start3A_216 : memref<78x16xf32, #tpu.memory_space<vmem_shared>>) target(%dma_start3A_214 : memref<78x16xf32, #tpu.memory_space<vmem>>) target_semaphore(%run_scoped3A_206 : memref<!tpu.dma_semaphore, #tpu.memory_space<semaphore_mem>>)
      %dma_wait3A_217 = arith.constant 858 : i32
      %dma_wait3A_218 = arith.constant 0 : i32
      %dma_wait3A_219 = tpu.memref_slice %arg10[%dma_wait3A_217, %dma_wait3A_218] : memref<1248x16xf32, #tpu.memory_space<vmem>> -> memref<78x16xf32, #tpu.memory_space<vmem>>
      %dma_wait3A_220 = arith.constant 0 : i32
      %dma_wait3A_221 = tpu.memref_slice %arg13[%add3A_63, %dma_wait3A_220] : memref<80128x16xf32, #tpu.memory_space<vmem_shared>> -> memref<78x16xf32, #tpu.memory_space<vmem_shared>>
      %dma_wait3A_222 = arith.constant 858 : i32
      %dma_wait3A_223 = arith.constant 0 : i32
      %dma_wait3A_224 = tpu.memref_slice %arg10[%dma_wait3A_222, %dma_wait3A_223] : memref<1248x16xf32, #tpu.memory_space<vmem>> -> memref<78x16xf32, #tpu.memory_space<vmem>>
      %dma_wait3A_225 = arith.constant 0 : i32
      %dma_wait3A_226 = tpu.memref_slice %arg13[%add3A_63, %dma_wait3A_225] : memref<80128x16xf32, #tpu.memory_space<vmem_shared>> -> memref<78x16xf32, #tpu.memory_space<vmem_shared>>
      tpu.wait_dma2 semaphore(%run_scoped3A_206 : memref<!tpu.dma_semaphore, #tpu.memory_space<semaphore_mem>>) src(%dma_wait3A_226 : memref<78x16xf32, #tpu.memory_space<vmem_shared>>) dst(%dma_wait3A_224 : memref<78x16xf32, #tpu.memory_space<vmem>>)
      tpu.yield
    }) : () -> ()
    %add3A_64 = arith.constant 60096 : i32
    %add3A_65 = arith.addi %add3A_64, %add3A_39 : i32
    "tpu.region"() ({
      %run_scoped3A_206 = tpu.sem_alloc : memref<!tpu.dma_semaphore, #tpu.memory_space<semaphore_mem>>
      %dma_start3A_207 = arith.constant 936 : i32
      %dma_start3A_208 = arith.constant 0 : i32
      %dma_start3A_209 = tpu.memref_slice %arg10[%dma_start3A_207, %dma_start3A_208] : memref<1248x16xf32, #tpu.memory_space<vmem>> -> memref<78x16xf32, #tpu.memory_space<vmem>>
      %dma_start3A_210 = arith.constant 0 : i32
      %dma_start3A_211 = tpu.memref_slice %arg13[%add3A_65, %dma_start3A_210] : memref<80128x16xf32, #tpu.memory_space<vmem_shared>> -> memref<78x16xf32, #tpu.memory_space<vmem_shared>>
      %dma_start3A_212 = arith.constant 936 : i32
      %dma_start3A_213 = arith.constant 0 : i32
      %dma_start3A_214 = tpu.memref_slice %arg10[%dma_start3A_212, %dma_start3A_213] : memref<1248x16xf32, #tpu.memory_space<vmem>> -> memref<78x16xf32, #tpu.memory_space<vmem>>
      %dma_start3A_215 = arith.constant 0 : i32
      %dma_start3A_216 = tpu.memref_slice %arg13[%add3A_65, %dma_start3A_215] : memref<80128x16xf32, #tpu.memory_space<vmem_shared>> -> memref<78x16xf32, #tpu.memory_space<vmem_shared>>
      tpu.enqueue_dma source(%dma_start3A_216 : memref<78x16xf32, #tpu.memory_space<vmem_shared>>) target(%dma_start3A_214 : memref<78x16xf32, #tpu.memory_space<vmem>>) target_semaphore(%run_scoped3A_206 : memref<!tpu.dma_semaphore, #tpu.memory_space<semaphore_mem>>)
      %dma_wait3A_217 = arith.constant 936 : i32
      %dma_wait3A_218 = arith.constant 0 : i32
      %dma_wait3A_219 = tpu.memref_slice %arg10[%dma_wait3A_217, %dma_wait3A_218] : memref<1248x16xf32, #tpu.memory_space<vmem>> -> memref<78x16xf32, #tpu.memory_space<vmem>>
      %dma_wait3A_220 = arith.constant 0 : i32
      %dma_wait3A_221 = tpu.memref_slice %arg13[%add3A_65, %dma_wait3A_220] : memref<80128x16xf32, #tpu.memory_space<vmem_shared>> -> memref<78x16xf32, #tpu.memory_space<vmem_shared>>
      %dma_wait3A_222 = arith.constant 936 : i32
      %dma_wait3A_223 = arith.constant 0 : i32
      %dma_wait3A_224 = tpu.memref_slice %arg10[%dma_wait3A_222, %dma_wait3A_223] : memref<1248x16xf32, #tpu.memory_space<vmem>> -> memref<78x16xf32, #tpu.memory_space<vmem>>
      %dma_wait3A_225 = arith.constant 0 : i32
      %dma_wait3A_226 = tpu.memref_slice %arg13[%add3A_65, %dma_wait3A_225] : memref<80128x16xf32, #tpu.memory_space<vmem_shared>> -> memref<78x16xf32, #tpu.memory_space<vmem_shared>>
      tpu.wait_dma2 semaphore(%run_scoped3A_206 : memref<!tpu.dma_semaphore, #tpu.memory_space<semaphore_mem>>) src(%dma_wait3A_226 : memref<78x16xf32, #tpu.memory_space<vmem_shared>>) dst(%dma_wait3A_224 : memref<78x16xf32, #tpu.memory_space<vmem>>)
      tpu.yield
    }) : () -> ()
    %add3A_66 = arith.constant 65104 : i32
    %add3A_67 = arith.addi %add3A_66, %add3A_39 : i32
    "tpu.region"() ({
      %run_scoped3A_206 = tpu.sem_alloc : memref<!tpu.dma_semaphore, #tpu.memory_space<semaphore_mem>>
      %dma_start3A_207 = arith.constant 1014 : i32
      %dma_start3A_208 = arith.constant 0 : i32
      %dma_start3A_209 = tpu.memref_slice %arg10[%dma_start3A_207, %dma_start3A_208] : memref<1248x16xf32, #tpu.memory_space<vmem>> -> memref<78x16xf32, #tpu.memory_space<vmem>>
      %dma_start3A_210 = arith.constant 0 : i32
      %dma_start3A_211 = tpu.memref_slice %arg13[%add3A_67, %dma_start3A_210] : memref<80128x16xf32, #tpu.memory_space<vmem_shared>> -> memref<78x16xf32, #tpu.memory_space<vmem_shared>>
      %dma_start3A_212 = arith.constant 1014 : i32
      %dma_start3A_213 = arith.constant 0 : i32
      %dma_start3A_214 = tpu.memref_slice %arg10[%dma_start3A_212, %dma_start3A_213] : memref<1248x16xf32, #tpu.memory_space<vmem>> -> memref<78x16xf32, #tpu.memory_space<vmem>>
      %dma_start3A_215 = arith.constant 0 : i32
      %dma_start3A_216 = tpu.memref_slice %arg13[%add3A_67, %dma_start3A_215] : memref<80128x16xf32, #tpu.memory_space<vmem_shared>> -> memref<78x16xf32, #tpu.memory_space<vmem_shared>>
      tpu.enqueue_dma source(%dma_start3A_216 : memref<78x16xf32, #tpu.memory_space<vmem_shared>>) target(%dma_start3A_214 : memref<78x16xf32, #tpu.memory_space<vmem>>) target_semaphore(%run_scoped3A_206 : memref<!tpu.dma_semaphore, #tpu.memory_space<semaphore_mem>>)
      %dma_wait3A_217 = arith.constant 1014 : i32
      %dma_wait3A_218 = arith.constant 0 : i32
      %dma_wait3A_219 = tpu.memref_slice %arg10[%dma_wait3A_217, %dma_wait3A_218] : memref<1248x16xf32, #tpu.memory_space<vmem>> -> memref<78x16xf32, #tpu.memory_space<vmem>>
      %dma_wait3A_220 = arith.constant 0 : i32
      %dma_wait3A_221 = tpu.memref_slice %arg13[%add3A_67, %dma_wait3A_220] : memref<80128x16xf32, #tpu.memory_space<vmem_shared>> -> memref<78x16xf32, #tpu.memory_space<vmem_shared>>
      %dma_wait3A_222 = arith.constant 1014 : i32
      %dma_wait3A_223 = arith.constant 0 : i32
      %dma_wait3A_224 = tpu.memref_slice %arg10[%dma_wait3A_222, %dma_wait3A_223] : memref<1248x16xf32, #tpu.memory_space<vmem>> -> memref<78x16xf32, #tpu.memory_space<vmem>>
      %dma_wait3A_225 = arith.constant 0 : i32
      %dma_wait3A_226 = tpu.memref_slice %arg13[%add3A_67, %dma_wait3A_225] : memref<80128x16xf32, #tpu.memory_space<vmem_shared>> -> memref<78x16xf32, #tpu.memory_space<vmem_shared>>
      tpu.wait_dma2 semaphore(%run_scoped3A_206 : memref<!tpu.dma_semaphore, #tpu.memory_space<semaphore_mem>>) src(%dma_wait3A_226 : memref<78x16xf32, #tpu.memory_space<vmem_shared>>) dst(%dma_wait3A_224 : memref<78x16xf32, #tpu.memory_space<vmem>>)
      tpu.yield
    }) : () -> ()
    %add3A_68 = arith.constant 70112 : i32
    %add3A_69 = arith.addi %add3A_68, %add3A_39 : i32
    "tpu.region"() ({
      %run_scoped3A_206 = tpu.sem_alloc : memref<!tpu.dma_semaphore, #tpu.memory_space<semaphore_mem>>
      %dma_start3A_207 = arith.constant 1092 : i32
      %dma_start3A_208 = arith.constant 0 : i32
      %dma_start3A_209 = tpu.memref_slice %arg10[%dma_start3A_207, %dma_start3A_208] : memref<1248x16xf32, #tpu.memory_space<vmem>> -> memref<78x16xf32, #tpu.memory_space<vmem>>
      %dma_start3A_210 = arith.constant 0 : i32
      %dma_start3A_211 = tpu.memref_slice %arg13[%add3A_69, %dma_start3A_210] : memref<80128x16xf32, #tpu.memory_space<vmem_shared>> -> memref<78x16xf32, #tpu.memory_space<vmem_shared>>
      %dma_start3A_212 = arith.constant 1092 : i32
      %dma_start3A_213 = arith.constant 0 : i32
      %dma_start3A_214 = tpu.memref_slice %arg10[%dma_start3A_212, %dma_start3A_213] : memref<1248x16xf32, #tpu.memory_space<vmem>> -> memref<78x16xf32, #tpu.memory_space<vmem>>
      %dma_start3A_215 = arith.constant 0 : i32
      %dma_start3A_216 = tpu.memref_slice %arg13[%add3A_69, %dma_start3A_215] : memref<80128x16xf32, #tpu.memory_space<vmem_shared>> -> memref<78x16xf32, #tpu.memory_space<vmem_shared>>
      tpu.enqueue_dma source(%dma_start3A_216 : memref<78x16xf32, #tpu.memory_space<vmem_shared>>) target(%dma_start3A_214 : memref<78x16xf32, #tpu.memory_space<vmem>>) target_semaphore(%run_scoped3A_206 : memref<!tpu.dma_semaphore, #tpu.memory_space<semaphore_mem>>)
      %dma_wait3A_217 = arith.constant 1092 : i32
      %dma_wait3A_218 = arith.constant 0 : i32
      %dma_wait3A_219 = tpu.memref_slice %arg10[%dma_wait3A_217, %dma_wait3A_218] : memref<1248x16xf32, #tpu.memory_space<vmem>> -> memref<78x16xf32, #tpu.memory_space<vmem>>
      %dma_wait3A_220 = arith.constant 0 : i32
      %dma_wait3A_221 = tpu.memref_slice %arg13[%add3A_69, %dma_wait3A_220] : memref<80128x16xf32, #tpu.memory_space<vmem_shared>> -> memref<78x16xf32, #tpu.memory_space<vmem_shared>>
      %dma_wait3A_222 = arith.constant 1092 : i32
      %dma_wait3A_223 = arith.constant 0 : i32
      %dma_wait3A_224 = tpu.memref_slice %arg10[%dma_wait3A_222, %dma_wait3A_223] : memref<1248x16xf32, #tpu.memory_space<vmem>> -> memref<78x16xf32, #tpu.memory_space<vmem>>
      %dma_wait3A_225 = arith.constant 0 : i32
      %dma_wait3A_226 = tpu.memref_slice %arg13[%add3A_69, %dma_wait3A_225] : memref<80128x16xf32, #tpu.memory_space<vmem_shared>> -> memref<78x16xf32, #tpu.memory_space<vmem_shared>>
      tpu.wait_dma2 semaphore(%run_scoped3A_206 : memref<!tpu.dma_semaphore, #tpu.memory_space<semaphore_mem>>) src(%dma_wait3A_226 : memref<78x16xf32, #tpu.memory_space<vmem_shared>>) dst(%dma_wait3A_224 : memref<78x16xf32, #tpu.memory_space<vmem>>)
      tpu.yield
    }) : () -> ()
    %add3A_70 = arith.constant 75120 : i32
    %add3A_71 = arith.addi %add3A_70, %add3A_39 : i32
    "tpu.region"() ({
      %run_scoped3A_206 = tpu.sem_alloc : memref<!tpu.dma_semaphore, #tpu.memory_space<semaphore_mem>>
      %dma_start3A_207 = arith.constant 1170 : i32
      %dma_start3A_208 = arith.constant 0 : i32
      %dma_start3A_209 = tpu.memref_slice %arg10[%dma_start3A_207, %dma_start3A_208] : memref<1248x16xf32, #tpu.memory_space<vmem>> -> memref<78x16xf32, #tpu.memory_space<vmem>>
      %dma_start3A_210 = arith.constant 0 : i32
      %dma_start3A_211 = tpu.memref_slice %arg13[%add3A_71, %dma_start3A_210] : memref<80128x16xf32, #tpu.memory_space<vmem_shared>> -> memref<78x16xf32, #tpu.memory_space<vmem_shared>>
      %dma_start3A_212 = arith.constant 1170 : i32
      %dma_start3A_213 = arith.constant 0 : i32
      %dma_start3A_214 = tpu.memref_slice %arg10[%dma_start3A_212, %dma_start3A_213] : memref<1248x16xf32, #tpu.memory_space<vmem>> -> memref<78x16xf32, #tpu.memory_space<vmem>>
      %dma_start3A_215 = arith.constant 0 : i32
      %dma_start3A_216 = tpu.memref_slice %arg13[%add3A_71, %dma_start3A_215] : memref<80128x16xf32, #tpu.memory_space<vmem_shared>> -> memref<78x16xf32, #tpu.memory_space<vmem_shared>>
      tpu.enqueue_dma source(%dma_start3A_216 : memref<78x16xf32, #tpu.memory_space<vmem_shared>>) target(%dma_start3A_214 : memref<78x16xf32, #tpu.memory_space<vmem>>) target_semaphore(%run_scoped3A_206 : memref<!tpu.dma_semaphore, #tpu.memory_space<semaphore_mem>>)
      %dma_wait3A_217 = arith.constant 1170 : i32
      %dma_wait3A_218 = arith.constant 0 : i32
      %dma_wait3A_219 = tpu.memref_slice %arg10[%dma_wait3A_217, %dma_wait3A_218] : memref<1248x16xf32, #tpu.memory_space<vmem>> -> memref<78x16xf32, #tpu.memory_space<vmem>>
      %dma_wait3A_220 = arith.constant 0 : i32
      %dma_wait3A_221 = tpu.memref_slice %arg13[%add3A_71, %dma_wait3A_220] : memref<80128x16xf32, #tpu.memory_space<vmem_shared>> -> memref<78x16xf32, #tpu.memory_space<vmem_shared>>
      %dma_wait3A_222 = arith.constant 1170 : i32
      %dma_wait3A_223 = arith.constant 0 : i32
      %dma_wait3A_224 = tpu.memref_slice %arg10[%dma_wait3A_222, %dma_wait3A_223] : memref<1248x16xf32, #tpu.memory_space<vmem>> -> memref<78x16xf32, #tpu.memory_space<vmem>>
      %dma_wait3A_225 = arith.constant 0 : i32
      %dma_wait3A_226 = tpu.memref_slice %arg13[%add3A_71, %dma_wait3A_225] : memref<80128x16xf32, #tpu.memory_space<vmem_shared>> -> memref<78x16xf32, #tpu.memory_space<vmem_shared>>
      tpu.wait_dma2 semaphore(%run_scoped3A_206 : memref<!tpu.dma_semaphore, #tpu.memory_space<semaphore_mem>>) src(%dma_wait3A_226 : memref<78x16xf32, #tpu.memory_space<vmem_shared>>) dst(%dma_wait3A_224 : memref<78x16xf32, #tpu.memory_space<vmem>>)
      tpu.yield
    }) : () -> ()
    %scan3A_72 = arith.constant 0 : i32
    %scan3A_73 = arith.constant 78 : i32
    %scan3A_74 = arith.addi %scan3A_72, %scan3A_73 : i32
    %scan3A_75 = arith.constant 1 : i32
    scf.for %scan3A_206 = %scan3A_72 to %scan3A_74 step %scan3A_75  : i32 {
      %mul3A_207 = arith.constant 1 : i32
      %mul3A_208 = arith.muli %scan3A_206, %mul3A_207 : i32
      %add3A_209 = arith.constant 0 : i32
      %add3A_210 = arith.addi %add3A_209, %mul3A_208 : i32
      %get3A = arith.index_cast %add3A_210 : i32 to index
      %get3A_211 = arith.constant 0 : index
      %get3A_212 = tpu.vector_load %arg10[%get3A, %get3A_211] {strides = array<i32>} : memref<1248x16xf32, #tpu.memory_space<vmem>>, vector<1x16xf32>,
      %get3A_213 = vector.shape_cast %get3A_212 : vector<1x16xf32> to vector<16xf32>
      %add3A_214 = arith.constant 78 : i32
      %add3A_215 = arith.addi %add3A_214, %add3A_210 : i32
      %get3A_216 = arith.index_cast %add3A_215 : i32 to index
      %get3A_217 = arith.constant 0 : index
      %get3A_218 = tpu.vector_load %arg10[%get3A_216, %get3A_217] {strides = array<i32>} : memref<1248x16xf32, #tpu.memory_space<vmem>>, vector<1x16xf32>,
      %get3A_219 = vector.shape_cast %get3A_218 : vector<1x16xf32> to vector<16xf32>
      %add3A_220 = arith.addf %get3A_213, %get3A_219 : vector<16xf32>
      %add3A_221 = arith.constant 156 : i32
      %add3A_222 = arith.addi %add3A_221, %add3A_210 : i32
      %get3A_223 = arith.index_cast %add3A_222 : i32 to index
      %get3A_224 = arith.constant 0 : index
      %get3A_225 = tpu.vector_load %arg10[%get3A_223, %get3A_224] {strides = array<i32>} : memref<1248x16xf32, #tpu.memory_space<vmem>>, vector<1x16xf32>,
      %get3A_226 = vector.shape_cast %get3A_225 : vector<1x16xf32> to vector<16xf32>
      %add3A_227 = arith.addf %add3A_220, %get3A_226 : vector<16xf32>
      %add3A_228 = arith.constant 234 : i32
      %add3A_229 = arith.addi %add3A_228, %add3A_210 : i32
      %get3A_230 = arith.index_cast %add3A_229 : i32 to index
      %get3A_231 = arith.constant 0 : index
      %get3A_232 = tpu.vector_load %arg10[%get3A_230, %get3A_231] {strides = array<i32>} : memref<1248x16xf32, #tpu.memory_space<vmem>>, vector<1x16xf32>,
      %get3A_233 = vector.shape_cast %get3A_232 : vector<1x16xf32> to vector<16xf32>
      %add3A_234 = arith.addf %add3A_227, %get3A_233 : vector<16xf32>
      %add3A_235 = arith.constant 312 : i32
      %add3A_236 = arith.addi %add3A_235, %add3A_210 : i32
      %get3A_237 = arith.index_cast %add3A_236 : i32 to index
      %get3A_238 = arith.constant 0 : index
      %get3A_239 = tpu.vector_load %arg10[%get3A_237, %get3A_238] {strides = array<i32>} : memref<1248x16xf32, #tpu.memory_space<vmem>>, vector<1x16xf32>,
      %get3A_240 = vector.shape_cast %get3A_239 : vector<1x16xf32> to vector<16xf32>
      %add3A_241 = arith.addf %add3A_234, %get3A_240 : vector<16xf32>
      %add3A_242 = arith.constant 390 : i32
      %add3A_243 = arith.addi %add3A_242, %add3A_210 : i32
      %get3A_244 = arith.index_cast %add3A_243 : i32 to index
      %get3A_245 = arith.constant 0 : index
      %get3A_246 = tpu.vector_load %arg10[%get3A_244, %get3A_245] {strides = array<i32>} : memref<1248x16xf32, #tpu.memory_space<vmem>>, vector<1x16xf32>,
      %get3A_247 = vector.shape_cast %get3A_246 : vector<1x16xf32> to vector<16xf32>
      %add3A_248 = arith.addf %add3A_241, %get3A_247 : vector<16xf32>
      %add3A_249 = arith.constant 468 : i32
      %add3A_250 = arith.addi %add3A_249, %add3A_210 : i32
      %get3A_251 = arith.index_cast %add3A_250 : i32 to index
      %get3A_252 = arith.constant 0 : index
      %get3A_253 = tpu.vector_load %arg10[%get3A_251, %get3A_252] {strides = array<i32>} : memref<1248x16xf32, #tpu.memory_space<vmem>>, vector<1x16xf32>,
      %get3A_254 = vector.shape_cast %get3A_253 : vector<1x16xf32> to vector<16xf32>
      %add3A_255 = arith.addf %add3A_248, %get3A_254 : vector<16xf32>
      %add3A_256 = arith.constant 546 : i32
      %add3A_257 = arith.addi %add3A_256, %add3A_210 : i32
      %get3A_258 = arith.index_cast %add3A_257 : i32 to index
      %get3A_259 = arith.constant 0 : index
      %get3A_260 = tpu.vector_load %arg10[%get3A_258, %get3A_259] {strides = array<i32>} : memref<1248x16xf32, #tpu.memory_space<vmem>>, vector<1x16xf32>,
      %get3A_261 = vector.shape_cast %get3A_260 : vector<1x16xf32> to vector<16xf32>
      %add3A_262 = arith.addf %add3A_255, %get3A_261 : vector<16xf32>
      %add3A_263 = arith.constant 624 : i32
      %add3A_264 = arith.addi %add3A_263, %add3A_210 : i32
      %get3A_265 = arith.index_cast %add3A_264 : i32 to index
      %get3A_266 = arith.constant 0 : index
      %get3A_267 = tpu.vector_load %arg10[%get3A_265, %get3A_266] {strides = array<i32>} : memref<1248x16xf32, #tpu.memory_space<vmem>>, vector<1x16xf32>,
      %get3A_268 = vector.shape_cast %get3A_267 : vector<1x16xf32> to vector<16xf32>
      %add3A_269 = arith.addf %add3A_262, %get3A_268 : vector<16xf32>
      %add3A_270 = arith.constant 702 : i32
      %add3A_271 = arith.addi %add3A_270, %add3A_210 : i32
      %get3A_272 = arith.index_cast %add3A_271 : i32 to index
      %get3A_273 = arith.constant 0 : index
      %get3A_274 = tpu.vector_load %arg10[%get3A_272, %get3A_273] {strides = array<i32>} : memref<1248x16xf32, #tpu.memory_space<vmem>>, vector<1x16xf32>,
      %get3A_275 = vector.shape_cast %get3A_274 : vector<1x16xf32> to vector<16xf32>
      %add3A_276 = arith.addf %add3A_269, %get3A_275 : vector<16xf32>
      %add3A_277 = arith.constant 780 : i32
      %add3A_278 = arith.addi %add3A_277, %add3A_210 : i32
      %get3A_279 = arith.index_cast %add3A_278 : i32 to index
      %get3A_280 = arith.constant 0 : index
      %get3A_281 = tpu.vector_load %arg10[%get3A_279, %get3A_280] {strides = array<i32>} : memref<1248x16xf32, #tpu.memory_space<vmem>>, vector<1x16xf32>,
      %get3A_282 = vector.shape_cast %get3A_281 : vector<1x16xf32> to vector<16xf32>
      %add3A_283 = arith.addf %add3A_276, %get3A_282 : vector<16xf32>
      %add3A_284 = arith.constant 858 : i32
      %add3A_285 = arith.addi %add3A_284, %add3A_210 : i32
      %get3A_286 = arith.index_cast %add3A_285 : i32 to index
      %get3A_287 = arith.constant 0 : index
      %get3A_288 = tpu.vector_load %arg10[%get3A_286, %get3A_287] {strides = array<i32>} : memref<1248x16xf32, #tpu.memory_space<vmem>>, vector<1x16xf32>,
      %get3A_289 = vector.shape_cast %get3A_288 : vector<1x16xf32> to vector<16xf32>
      %add3A_290 = arith.addf %add3A_283, %get3A_289 : vector<16xf32>
      %add3A_291 = arith.constant 936 : i32
      %add3A_292 = arith.addi %add3A_291, %add3A_210 : i32
      %get3A_293 = arith.index_cast %add3A_292 : i32 to index
      %get3A_294 = arith.constant 0 : index
      %get3A_295 = tpu.vector_load %arg10[%get3A_293, %get3A_294] {strides = array<i32>} : memref<1248x16xf32, #tpu.memory_space<vmem>>, vector<1x16xf32>,
      %get3A_296 = vector.shape_cast %get3A_295 : vector<1x16xf32> to vector<16xf32>
      %add3A_297 = arith.addf %add3A_290, %get3A_296 : vector<16xf32>
      %add3A_298 = arith.constant 1014 : i32
      %add3A_299 = arith.addi %add3A_298, %add3A_210 : i32
      %get3A_300 = arith.index_cast %add3A_299 : i32 to index
      %get3A_301 = arith.constant 0 : index
      %get3A_302 = tpu.vector_load %arg10[%get3A_300, %get3A_301] {strides = array<i32>} : memref<1248x16xf32, #tpu.memory_space<vmem>>, vector<1x16xf32>,
      %get3A_303 = vector.shape_cast %get3A_302 : vector<1x16xf32> to vector<16xf32>
      %add3A_304 = arith.addf %add3A_297, %get3A_303 : vector<16xf32>
      %add3A_305 = arith.constant 1092 : i32
      %add3A_306 = arith.addi %add3A_305, %add3A_210 : i32
      %get3A_307 = arith.index_cast %add3A_306 : i32 to index
      %get3A_308 = arith.constant 0 : index
      %get3A_309 = tpu.vector_load %arg10[%get3A_307, %get3A_308] {strides = array<i32>} : memref<1248x16xf32, #tpu.memory_space<vmem>>, vector<1x16xf32>,
      %get3A_310 = vector.shape_cast %get3A_309 : vector<1x16xf32> to vector<16xf32>
      %add3A_311 = arith.addf %add3A_304, %get3A_310 : vector<16xf32>
      %add3A_312 = arith.constant 1170 : i32
      %add3A_313 = arith.addi %add3A_312, %add3A_210 : i32
      %get3A_314 = arith.index_cast %add3A_313 : i32 to index
      %get3A_315 = arith.constant 0 : index
      %get3A_316 = tpu.vector_load %arg10[%get3A_314, %get3A_315] {strides = array<i32>} : memref<1248x16xf32, #tpu.memory_space<vmem>>, vector<1x16xf32>,
      %get3A_317 = vector.shape_cast %get3A_316 : vector<1x16xf32> to vector<16xf32>
      %add3A_318 = arith.addf %add3A_311, %get3A_317 : vector<16xf32>
      %swap3A = arith.index_cast %add3A_210 : i32 to index
      %swap3A_319 = arith.constant 0 : index
      %swap3A_320 = tpu.vector_load %arg9[%swap3A, %swap3A_319] {strides = array<i32>} : memref<78x16xf32, #tpu.memory_space<vmem>>, vector<1x16xf32>,
      %swap3A_321 = vector.shape_cast %swap3A_320 : vector<1x16xf32> to vector<16xf32>
      %swap3A_322 = vector.shape_cast %add3A_318 : vector<16xf32> to vector<1x16xf32>
      tpu.vector_store %arg9[%swap3A, %swap3A_319], %swap3A_322 {strides = array<i32>} : memref<78x16xf32, #tpu.memory_space<vmem>>, vector<1x16xf32>,
    }
    %scan3A_76 = arith.constant 78 : i32
    %add3A_77 = arith.addi %mul3A_0, %add3A_39 : i32
    "tpu.region"() ({
      %run_scoped3A_206 = tpu.sem_alloc : memref<!tpu.dma_semaphore, #tpu.memory_space<semaphore_mem>>
      %dma_start3A_207 = arith.constant 0 : i32
      %dma_start3A_208 = arith.constant 0 : i32
      %dma_start3A_209 = tpu.memref_slice %arg9[%dma_start3A_207, %dma_start3A_208] : memref<78x16xf32, #tpu.memory_space<vmem>> -> memref<78x16xf32, #tpu.memory_space<vmem>>
      %dma_start3A_210 = arith.constant 0 : i32
      %dma_start3A_211 = tpu.memref_slice %arg5[%add3A_77, %dma_start3A_210] : memref<10000x16xf32, #tpu.memory_space<hbm>> -> memref<78x16xf32, #tpu.memory_space<hbm>>
      %dma_start3A_212 = arith.constant 0 : i32
      %dma_start3A_213 = tpu.memref_slice %arg5[%add3A_77, %dma_start3A_212] : memref<10000x16xf32, #tpu.memory_space<hbm>> -> memref<78x16xf32, #tpu.memory_space<hbm>>
      %dma_start3A_214 = arith.constant 0 : i32
      %dma_start3A_215 = arith.constant 0 : i32
      %dma_start3A_216 = tpu.memref_slice %arg9[%dma_start3A_214, %dma_start3A_215] : memref<78x16xf32, #tpu.memory_space<vmem>> -> memref<78x16xf32, #tpu.memory_space<vmem>>
      tpu.enqueue_dma source(%dma_start3A_216 : memref<78x16xf32, #tpu.memory_space<vmem>>) target(%dma_start3A_213 : memref<78x16xf32, #tpu.memory_space<hbm>>) target_semaphore(%run_scoped3A_206 : memref<!tpu.dma_semaphore, #tpu.memory_space<semaphore_mem>>)
      %dma_wait3A_217 = arith.constant 0 : i32
      %dma_wait3A_218 = arith.constant 0 : i32
      %dma_wait3A_219 = tpu.memref_slice %arg9[%dma_wait3A_217, %dma_wait3A_218] : memref<78x16xf32, #tpu.memory_space<vmem>> -> memref<78x16xf32, #tpu.memory_space<vmem>>
      %dma_wait3A_220 = arith.constant 0 : i32
      %dma_wait3A_221 = tpu.memref_slice %arg5[%add3A_77, %dma_wait3A_220] : memref<10000x16xf32, #tpu.memory_space<hbm>> -> memref<78x16xf32, #tpu.memory_space<hbm>>
      %dma_wait3A_222 = arith.constant 0 : i32
      %dma_wait3A_223 = tpu.memref_slice %arg5[%add3A_77, %dma_wait3A_222] : memref<10000x16xf32, #tpu.memory_space<hbm>> -> memref<78x16xf32, #tpu.memory_space<hbm>>
      %dma_wait3A_224 = arith.constant 0 : i32
      %dma_wait3A_225 = arith.constant 0 : i32
      %dma_wait3A_226 = tpu.memref_slice %arg9[%dma_wait3A_224, %dma_wait3A_225] : memref<78x16xf32, #tpu.memory_space<vmem>> -> memref<78x16xf32, #tpu.memory_space<vmem>>
      tpu.wait_dma2 semaphore(%run_scoped3A_206 : memref<!tpu.dma_semaphore, #tpu.memory_space<semaphore_mem>>) src(%dma_wait3A_226 : memref<78x16xf32, #tpu.memory_space<vmem>>) dst(%dma_wait3A_223 : memref<78x16xf32, #tpu.memory_space<hbm>>)
      tpu.yield
    }) : () -> ()
    %mul3A_78 = arith.constant 312 : i32
    %mul3A_79 = arith.muli %arg1, %mul3A_78 : i32
    %add3A_80 = arith.constant 78 : i32
    %add3A_81 = arith.addi %mul3A_79, %add3A_80 : i32
    %add3A_82 = arith.constant 0 : i32
    %add3A_83 = arith.addi %add3A_82, %add3A_81 : i32
    "tpu.region"() ({
      %run_scoped3A_206 = tpu.sem_alloc : memref<!tpu.dma_semaphore, #tpu.memory_space<semaphore_mem>>
      %dma_start3A_207 = arith.constant 0 : i32
      %dma_start3A_208 = arith.constant 0 : i32
      %dma_start3A_209 = tpu.memref_slice %arg10[%dma_start3A_207, %dma_start3A_208] : memref<1248x16xf32, #tpu.memory_space<vmem>> -> memref<78x16xf32, #tpu.memory_space<vmem>>
      %dma_start3A_210 = arith.constant 0 : i32
      %dma_start3A_211 = tpu.memref_slice %arg13[%add3A_83, %dma_start3A_210] : memref<80128x16xf32, #tpu.memory_space<vmem_shared>> -> memref<78x16xf32, #tpu.memory_space<vmem_shared>>
      %dma_start3A_212 = arith.constant 0 : i32
      %dma_start3A_213 = arith.constant 0 : i32
      %dma_start3A_214 = tpu.memref_slice %arg10[%dma_start3A_212, %dma_start3A_213] : memref<1248x16xf32, #tpu.memory_space<vmem>> -> memref<78x16xf32, #tpu.memory_space<vmem>>
      %dma_start3A_215 = arith.constant 0 : i32
      %dma_start3A_216 = tpu.memref_slice %arg13[%add3A_83, %dma_start3A_215] : memref<80128x16xf32, #tpu.memory_space<vmem_shared>> -> memref<78x16xf32, #tpu.memory_space<vmem_shared>>
      tpu.enqueue_dma source(%dma_start3A_216 : memref<78x16xf32, #tpu.memory_space<vmem_shared>>) target(%dma_start3A_214 : memref<78x16xf32, #tpu.memory_space<vmem>>) target_semaphore(%run_scoped3A_206 : memref<!tpu.dma_semaphore, #tpu.memory_space<semaphore_mem>>)
      %dma_wait3A_217 = arith.constant 0 : i32
      %dma_wait3A_218 = arith.constant 0 : i32
      %dma_wait3A_219 = tpu.memref_slice %arg10[%dma_wait3A_217, %dma_wait3A_218] : memref<1248x16xf32, #tpu.memory_space<vmem>> -> memref<78x16xf32, #tpu.memory_space<vmem>>
      %dma_wait3A_220 = arith.constant 0 : i32
      %dma_wait3A_221 = tpu.memref_slice %arg13[%add3A_83, %dma_wait3A_220] : memref<80128x16xf32, #tpu.memory_space<vmem_shared>> -> memref<78x16xf32, #tpu.memory_space<vmem_shared>>
      %dma_wait3A_222 = arith.constant 0 : i32
      %dma_wait3A_223 = arith.constant 0 : i32
      %dma_wait3A_224 = tpu.memref_slice %arg10[%dma_wait3A_222, %dma_wait3A_223] : memref<1248x16xf32, #tpu.memory_space<vmem>> -> memref<78x16xf32, #tpu.memory_space<vmem>>
      %dma_wait3A_225 = arith.constant 0 : i32
      %dma_wait3A_226 = tpu.memref_slice %arg13[%add3A_83, %dma_wait3A_225] : memref<80128x16xf32, #tpu.memory_space<vmem_shared>> -> memref<78x16xf32, #tpu.memory_space<vmem_shared>>
      tpu.wait_dma2 semaphore(%run_scoped3A_206 : memref<!tpu.dma_semaphore, #tpu.memory_space<semaphore_mem>>) src(%dma_wait3A_226 : memref<78x16xf32, #tpu.memory_space<vmem_shared>>) dst(%dma_wait3A_224 : memref<78x16xf32, #tpu.memory_space<vmem>>)
      tpu.yield
    }) : () -> ()
    %add3A_84 = arith.constant 5008 : i32
    %add3A_85 = arith.addi %add3A_84, %add3A_81 : i32
    "tpu.region"() ({
      %run_scoped3A_206 = tpu.sem_alloc : memref<!tpu.dma_semaphore, #tpu.memory_space<semaphore_mem>>
      %dma_start3A_207 = arith.constant 78 : i32
      %dma_start3A_208 = arith.constant 0 : i32
      %dma_start3A_209 = tpu.memref_slice %arg10[%dma_start3A_207, %dma_start3A_208] : memref<1248x16xf32, #tpu.memory_space<vmem>> -> memref<78x16xf32, #tpu.memory_space<vmem>>
      %dma_start3A_210 = arith.constant 0 : i32
      %dma_start3A_211 = tpu.memref_slice %arg13[%add3A_85, %dma_start3A_210] : memref<80128x16xf32, #tpu.memory_space<vmem_shared>> -> memref<78x16xf32, #tpu.memory_space<vmem_shared>>
      %dma_start3A_212 = arith.constant 78 : i32
      %dma_start3A_213 = arith.constant 0 : i32
      %dma_start3A_214 = tpu.memref_slice %arg10[%dma_start3A_212, %dma_start3A_213] : memref<1248x16xf32, #tpu.memory_space<vmem>> -> memref<78x16xf32, #tpu.memory_space<vmem>>
      %dma_start3A_215 = arith.constant 0 : i32
      %dma_start3A_216 = tpu.memref_slice %arg13[%add3A_85, %dma_start3A_215] : memref<80128x16xf32, #tpu.memory_space<vmem_shared>> -> memref<78x16xf32, #tpu.memory_space<vmem_shared>>
      tpu.enqueue_dma source(%dma_start3A_216 : memref<78x16xf32, #tpu.memory_space<vmem_shared>>) target(%dma_start3A_214 : memref<78x16xf32, #tpu.memory_space<vmem>>) target_semaphore(%run_scoped3A_206 : memref<!tpu.dma_semaphore, #tpu.memory_space<semaphore_mem>>)
      %dma_wait3A_217 = arith.constant 78 : i32
      %dma_wait3A_218 = arith.constant 0 : i32
      %dma_wait3A_219 = tpu.memref_slice %arg10[%dma_wait3A_217, %dma_wait3A_218] : memref<1248x16xf32, #tpu.memory_space<vmem>> -> memref<78x16xf32, #tpu.memory_space<vmem>>
      %dma_wait3A_220 = arith.constant 0 : i32
      %dma_wait3A_221 = tpu.memref_slice %arg13[%add3A_85, %dma_wait3A_220] : memref<80128x16xf32, #tpu.memory_space<vmem_shared>> -> memref<78x16xf32, #tpu.memory_space<vmem_shared>>
      %dma_wait3A_222 = arith.constant 78 : i32
      %dma_wait3A_223 = arith.constant 0 : i32
      %dma_wait3A_224 = tpu.memref_slice %arg10[%dma_wait3A_222, %dma_wait3A_223] : memref<1248x16xf32, #tpu.memory_space<vmem>> -> memref<78x16xf32, #tpu.memory_space<vmem>>
      %dma_wait3A_225 = arith.constant 0 : i32
      %dma_wait3A_226 = tpu.memref_slice %arg13[%add3A_85, %dma_wait3A_225] : memref<80128x16xf32, #tpu.memory_space<vmem_shared>> -> memref<78x16xf32, #tpu.memory_space<vmem_shared>>
      tpu.wait_dma2 semaphore(%run_scoped3A_206 : memref<!tpu.dma_semaphore, #tpu.memory_space<semaphore_mem>>) src(%dma_wait3A_226 : memref<78x16xf32, #tpu.memory_space<vmem_shared>>) dst(%dma_wait3A_224 : memref<78x16xf32, #tpu.memory_space<vmem>>)
      tpu.yield
    }) : () -> ()
    %add3A_86 = arith.constant 10016 : i32
    %add3A_87 = arith.addi %add3A_86, %add3A_81 : i32
    "tpu.region"() ({
      %run_scoped3A_206 = tpu.sem_alloc : memref<!tpu.dma_semaphore, #tpu.memory_space<semaphore_mem>>
      %dma_start3A_207 = arith.constant 156 : i32
      %dma_start3A_208 = arith.constant 0 : i32
      %dma_start3A_209 = tpu.memref_slice %arg10[%dma_start3A_207, %dma_start3A_208] : memref<1248x16xf32, #tpu.memory_space<vmem>> -> memref<78x16xf32, #tpu.memory_space<vmem>>
      %dma_start3A_210 = arith.constant 0 : i32
      %dma_start3A_211 = tpu.memref_slice %arg13[%add3A_87, %dma_start3A_210] : memref<80128x16xf32, #tpu.memory_space<vmem_shared>> -> memref<78x16xf32, #tpu.memory_space<vmem_shared>>
      %dma_start3A_212 = arith.constant 156 : i32
      %dma_start3A_213 = arith.constant 0 : i32
      %dma_start3A_214 = tpu.memref_slice %arg10[%dma_start3A_212, %dma_start3A_213] : memref<1248x16xf32, #tpu.memory_space<vmem>> -> memref<78x16xf32, #tpu.memory_space<vmem>>
      %dma_start3A_215 = arith.constant 0 : i32
      %dma_start3A_216 = tpu.memref_slice %arg13[%add3A_87, %dma_start3A_215] : memref<80128x16xf32, #tpu.memory_space<vmem_shared>> -> memref<78x16xf32, #tpu.memory_space<vmem_shared>>
      tpu.enqueue_dma source(%dma_start3A_216 : memref<78x16xf32, #tpu.memory_space<vmem_shared>>) target(%dma_start3A_214 : memref<78x16xf32, #tpu.memory_space<vmem>>) target_semaphore(%run_scoped3A_206 : memref<!tpu.dma_semaphore, #tpu.memory_space<semaphore_mem>>)
      %dma_wait3A_217 = arith.constant 156 : i32
      %dma_wait3A_218 = arith.constant 0 : i32
      %dma_wait3A_219 = tpu.memref_slice %arg10[%dma_wait3A_217, %dma_wait3A_218] : memref<1248x16xf32, #tpu.memory_space<vmem>> -> memref<78x16xf32, #tpu.memory_space<vmem>>
      %dma_wait3A_220 = arith.constant 0 : i32
      %dma_wait3A_221 = tpu.memref_slice %arg13[%add3A_87, %dma_wait3A_220] : memref<80128x16xf32, #tpu.memory_space<vmem_shared>> -> memref<78x16xf32, #tpu.memory_space<vmem_shared>>
      %dma_wait3A_222 = arith.constant 156 : i32
      %dma_wait3A_223 = arith.constant 0 : i32
      %dma_wait3A_224 = tpu.memref_slice %arg10[%dma_wait3A_222, %dma_wait3A_223] : memref<1248x16xf32, #tpu.memory_space<vmem>> -> memref<78x16xf32, #tpu.memory_space<vmem>>
      %dma_wait3A_225 = arith.constant 0 : i32
      %dma_wait3A_226 = tpu.memref_slice %arg13[%add3A_87, %dma_wait3A_225] : memref<80128x16xf32, #tpu.memory_space<vmem_shared>> -> memref<78x16xf32, #tpu.memory_space<vmem_shared>>
      tpu.wait_dma2 semaphore(%run_scoped3A_206 : memref<!tpu.dma_semaphore, #tpu.memory_space<semaphore_mem>>) src(%dma_wait3A_226 : memref<78x16xf32, #tpu.memory_space<vmem_shared>>) dst(%dma_wait3A_224 : memref<78x16xf32, #tpu.memory_space<vmem>>)
      tpu.yield
    }) : () -> ()
    %add3A_88 = arith.constant 15024 : i32
    %add3A_89 = arith.addi %add3A_88, %add3A_81 : i32
    "tpu.region"() ({
      %run_scoped3A_206 = tpu.sem_alloc : memref<!tpu.dma_semaphore, #tpu.memory_space<semaphore_mem>>
      %dma_start3A_207 = arith.constant 234 : i32
      %dma_start3A_208 = arith.constant 0 : i32
      %dma_start3A_209 = tpu.memref_slice %arg10[%dma_start3A_207, %dma_start3A_208] : memref<1248x16xf32, #tpu.memory_space<vmem>> -> memref<78x16xf32, #tpu.memory_space<vmem>>
      %dma_start3A_210 = arith.constant 0 : i32
      %dma_start3A_211 = tpu.memref_slice %arg13[%add3A_89, %dma_start3A_210] : memref<80128x16xf32, #tpu.memory_space<vmem_shared>> -> memref<78x16xf32, #tpu.memory_space<vmem_shared>>
      %dma_start3A_212 = arith.constant 234 : i32
      %dma_start3A_213 = arith.constant 0 : i32
      %dma_start3A_214 = tpu.memref_slice %arg10[%dma_start3A_212, %dma_start3A_213] : memref<1248x16xf32, #tpu.memory_space<vmem>> -> memref<78x16xf32, #tpu.memory_space<vmem>>
      %dma_start3A_215 = arith.constant 0 : i32
      %dma_start3A_216 = tpu.memref_slice %arg13[%add3A_89, %dma_start3A_215] : memref<80128x16xf32, #tpu.memory_space<vmem_shared>> -> memref<78x16xf32, #tpu.memory_space<vmem_shared>>
      tpu.enqueue_dma source(%dma_start3A_216 : memref<78x16xf32, #tpu.memory_space<vmem_shared>>) target(%dma_start3A_214 : memref<78x16xf32, #tpu.memory_space<vmem>>) target_semaphore(%run_scoped3A_206 : memref<!tpu.dma_semaphore, #tpu.memory_space<semaphore_mem>>)
      %dma_wait3A_217 = arith.constant 234 : i32
      %dma_wait3A_218 = arith.constant 0 : i32
      %dma_wait3A_219 = tpu.memref_slice %arg10[%dma_wait3A_217, %dma_wait3A_218] : memref<1248x16xf32, #tpu.memory_space<vmem>> -> memref<78x16xf32, #tpu.memory_space<vmem>>
      %dma_wait3A_220 = arith.constant 0 : i32
      %dma_wait3A_221 = tpu.memref_slice %arg13[%add3A_89, %dma_wait3A_220] : memref<80128x16xf32, #tpu.memory_space<vmem_shared>> -> memref<78x16xf32, #tpu.memory_space<vmem_shared>>
      %dma_wait3A_222 = arith.constant 234 : i32
      %dma_wait3A_223 = arith.constant 0 : i32
      %dma_wait3A_224 = tpu.memref_slice %arg10[%dma_wait3A_222, %dma_wait3A_223] : memref<1248x16xf32, #tpu.memory_space<vmem>> -> memref<78x16xf32, #tpu.memory_space<vmem>>
      %dma_wait3A_225 = arith.constant 0 : i32
      %dma_wait3A_226 = tpu.memref_slice %arg13[%add3A_89, %dma_wait3A_225] : memref<80128x16xf32, #tpu.memory_space<vmem_shared>> -> memref<78x16xf32, #tpu.memory_space<vmem_shared>>
      tpu.wait_dma2 semaphore(%run_scoped3A_206 : memref<!tpu.dma_semaphore, #tpu.memory_space<semaphore_mem>>) src(%dma_wait3A_226 : memref<78x16xf32, #tpu.memory_space<vmem_shared>>) dst(%dma_wait3A_224 : memref<78x16xf32, #tpu.memory_space<vmem>>)
      tpu.yield
    }) : () -> ()
    %add3A_90 = arith.constant 20032 : i32
    %add3A_91 = arith.addi %add3A_90, %add3A_81 : i32
    "tpu.region"() ({
      %run_scoped3A_206 = tpu.sem_alloc : memref<!tpu.dma_semaphore, #tpu.memory_space<semaphore_mem>>
      %dma_start3A_207 = arith.constant 312 : i32
      %dma_start3A_208 = arith.constant 0 : i32
      %dma_start3A_209 = tpu.memref_slice %arg10[%dma_start3A_207, %dma_start3A_208] : memref<1248x16xf32, #tpu.memory_space<vmem>> -> memref<78x16xf32, #tpu.memory_space<vmem>>
      %dma_start3A_210 = arith.constant 0 : i32
      %dma_start3A_211 = tpu.memref_slice %arg13[%add3A_91, %dma_start3A_210] : memref<80128x16xf32, #tpu.memory_space<vmem_shared>> -> memref<78x16xf32, #tpu.memory_space<vmem_shared>>
      %dma_start3A_212 = arith.constant 312 : i32
      %dma_start3A_213 = arith.constant 0 : i32
      %dma_start3A_214 = tpu.memref_slice %arg10[%dma_start3A_212, %dma_start3A_213] : memref<1248x16xf32, #tpu.memory_space<vmem>> -> memref<78x16xf32, #tpu.memory_space<vmem>>
      %dma_start3A_215 = arith.constant 0 : i32
      %dma_start3A_216 = tpu.memref_slice %arg13[%add3A_91, %dma_start3A_215] : memref<80128x16xf32, #tpu.memory_space<vmem_shared>> -> memref<78x16xf32, #tpu.memory_space<vmem_shared>>
      tpu.enqueue_dma source(%dma_start3A_216 : memref<78x16xf32, #tpu.memory_space<vmem_shared>>) target(%dma_start3A_214 : memref<78x16xf32, #tpu.memory_space<vmem>>) target_semaphore(%run_scoped3A_206 : memref<!tpu.dma_semaphore, #tpu.memory_space<semaphore_mem>>)
      %dma_wait3A_217 = arith.constant 312 : i32
      %dma_wait3A_218 = arith.constant 0 : i32
      %dma_wait3A_219 = tpu.memref_slice %arg10[%dma_wait3A_217, %dma_wait3A_218] : memref<1248x16xf32, #tpu.memory_space<vmem>> -> memref<78x16xf32, #tpu.memory_space<vmem>>
      %dma_wait3A_220 = arith.constant 0 : i32
      %dma_wait3A_221 = tpu.memref_slice %arg13[%add3A_91, %dma_wait3A_220] : memref<80128x16xf32, #tpu.memory_space<vmem_shared>> -> memref<78x16xf32, #tpu.memory_space<vmem_shared>>
      %dma_wait3A_222 = arith.constant 312 : i32
      %dma_wait3A_223 = arith.constant 0 : i32
      %dma_wait3A_224 = tpu.memref_slice %arg10[%dma_wait3A_222, %dma_wait3A_223] : memref<1248x16xf32, #tpu.memory_space<vmem>> -> memref<78x16xf32, #tpu.memory_space<vmem>>
      %dma_wait3A_225 = arith.constant 0 : i32
      %dma_wait3A_226 = tpu.memref_slice %arg13[%add3A_91, %dma_wait3A_225] : memref<80128x16xf32, #tpu.memory_space<vmem_shared>> -> memref<78x16xf32, #tpu.memory_space<vmem_shared>>
      tpu.wait_dma2 semaphore(%run_scoped3A_206 : memref<!tpu.dma_semaphore, #tpu.memory_space<semaphore_mem>>) src(%dma_wait3A_226 : memref<78x16xf32, #tpu.memory_space<vmem_shared>>) dst(%dma_wait3A_224 : memref<78x16xf32, #tpu.memory_space<vmem>>)
      tpu.yield
    }) : () -> ()
    %add3A_92 = arith.constant 25040 : i32
    %add3A_93 = arith.addi %add3A_92, %add3A_81 : i32
    "tpu.region"() ({
      %run_scoped3A_206 = tpu.sem_alloc : memref<!tpu.dma_semaphore, #tpu.memory_space<semaphore_mem>>
      %dma_start3A_207 = arith.constant 390 : i32
      %dma_start3A_208 = arith.constant 0 : i32
      %dma_start3A_209 = tpu.memref_slice %arg10[%dma_start3A_207, %dma_start3A_208] : memref<1248x16xf32, #tpu.memory_space<vmem>> -> memref<78x16xf32, #tpu.memory_space<vmem>>
      %dma_start3A_210 = arith.constant 0 : i32
      %dma_start3A_211 = tpu.memref_slice %arg13[%add3A_93, %dma_start3A_210] : memref<80128x16xf32, #tpu.memory_space<vmem_shared>> -> memref<78x16xf32, #tpu.memory_space<vmem_shared>>
      %dma_start3A_212 = arith.constant 390 : i32
      %dma_start3A_213 = arith.constant 0 : i32
      %dma_start3A_214 = tpu.memref_slice %arg10[%dma_start3A_212, %dma_start3A_213] : memref<1248x16xf32, #tpu.memory_space<vmem>> -> memref<78x16xf32, #tpu.memory_space<vmem>>
      %dma_start3A_215 = arith.constant 0 : i32
      %dma_start3A_216 = tpu.memref_slice %arg13[%add3A_93, %dma_start3A_215] : memref<80128x16xf32, #tpu.memory_space<vmem_shared>> -> memref<78x16xf32, #tpu.memory_space<vmem_shared>>
      tpu.enqueue_dma source(%dma_start3A_216 : memref<78x16xf32, #tpu.memory_space<vmem_shared>>) target(%dma_start3A_214 : memref<78x16xf32, #tpu.memory_space<vmem>>) target_semaphore(%run_scoped3A_206 : memref<!tpu.dma_semaphore, #tpu.memory_space<semaphore_mem>>)
      %dma_wait3A_217 = arith.constant 390 : i32
      %dma_wait3A_218 = arith.constant 0 : i32
      %dma_wait3A_219 = tpu.memref_slice %arg10[%dma_wait3A_217, %dma_wait3A_218] : memref<1248x16xf32, #tpu.memory_space<vmem>> -> memref<78x16xf32, #tpu.memory_space<vmem>>
      %dma_wait3A_220 = arith.constant 0 : i32
      %dma_wait3A_221 = tpu.memref_slice %arg13[%add3A_93, %dma_wait3A_220] : memref<80128x16xf32, #tpu.memory_space<vmem_shared>> -> memref<78x16xf32, #tpu.memory_space<vmem_shared>>
      %dma_wait3A_222 = arith.constant 390 : i32
      %dma_wait3A_223 = arith.constant 0 : i32
      %dma_wait3A_224 = tpu.memref_slice %arg10[%dma_wait3A_222, %dma_wait3A_223] : memref<1248x16xf32, #tpu.memory_space<vmem>> -> memref<78x16xf32, #tpu.memory_space<vmem>>
      %dma_wait3A_225 = arith.constant 0 : i32
      %dma_wait3A_226 = tpu.memref_slice %arg13[%add3A_93, %dma_wait3A_225] : memref<80128x16xf32, #tpu.memory_space<vmem_shared>> -> memref<78x16xf32, #tpu.memory_space<vmem_shared>>
      tpu.wait_dma2 semaphore(%run_scoped3A_206 : memref<!tpu.dma_semaphore, #tpu.memory_space<semaphore_mem>>) src(%dma_wait3A_226 : memref<78x16xf32, #tpu.memory_space<vmem_shared>>) dst(%dma_wait3A_224 : memref<78x16xf32, #tpu.memory_space<vmem>>)
      tpu.yield
    }) : () -> ()
    %add3A_94 = arith.constant 30048 : i32
    %add3A_95 = arith.addi %add3A_94, %add3A_81 : i32
    "tpu.region"() ({
      %run_scoped3A_206 = tpu.sem_alloc : memref<!tpu.dma_semaphore, #tpu.memory_space<semaphore_mem>>
      %dma_start3A_207 = arith.constant 468 : i32
      %dma_start3A_208 = arith.constant 0 : i32
      %dma_start3A_209 = tpu.memref_slice %arg10[%dma_start3A_207, %dma_start3A_208] : memref<1248x16xf32, #tpu.memory_space<vmem>> -> memref<78x16xf32, #tpu.memory_space<vmem>>
      %dma_start3A_210 = arith.constant 0 : i32
      %dma_start3A_211 = tpu.memref_slice %arg13[%add3A_95, %dma_start3A_210] : memref<80128x16xf32, #tpu.memory_space<vmem_shared>> -> memref<78x16xf32, #tpu.memory_space<vmem_shared>>
      %dma_start3A_212 = arith.constant 468 : i32
      %dma_start3A_213 = arith.constant 0 : i32
      %dma_start3A_214 = tpu.memref_slice %arg10[%dma_start3A_212, %dma_start3A_213] : memref<1248x16xf32, #tpu.memory_space<vmem>> -> memref<78x16xf32, #tpu.memory_space<vmem>>
      %dma_start3A_215 = arith.constant 0 : i32
      %dma_start3A_216 = tpu.memref_slice %arg13[%add3A_95, %dma_start3A_215] : memref<80128x16xf32, #tpu.memory_space<vmem_shared>> -> memref<78x16xf32, #tpu.memory_space<vmem_shared>>
      tpu.enqueue_dma source(%dma_start3A_216 : memref<78x16xf32, #tpu.memory_space<vmem_shared>>) target(%dma_start3A_214 : memref<78x16xf32, #tpu.memory_space<vmem>>) target_semaphore(%run_scoped3A_206 : memref<!tpu.dma_semaphore, #tpu.memory_space<semaphore_mem>>)
      %dma_wait3A_217 = arith.constant 468 : i32
      %dma_wait3A_218 = arith.constant 0 : i32
      %dma_wait3A_219 = tpu.memref_slice %arg10[%dma_wait3A_217, %dma_wait3A_218] : memref<1248x16xf32, #tpu.memory_space<vmem>> -> memref<78x16xf32, #tpu.memory_space<vmem>>
      %dma_wait3A_220 = arith.constant 0 : i32
      %dma_wait3A_221 = tpu.memref_slice %arg13[%add3A_95, %dma_wait3A_220] : memref<80128x16xf32, #tpu.memory_space<vmem_shared>> -> memref<78x16xf32, #tpu.memory_space<vmem_shared>>
      %dma_wait3A_222 = arith.constant 468 : i32
      %dma_wait3A_223 = arith.constant 0 : i32
      %dma_wait3A_224 = tpu.memref_slice %arg10[%dma_wait3A_222, %dma_wait3A_223] : memref<1248x16xf32, #tpu.memory_space<vmem>> -> memref<78x16xf32, #tpu.memory_space<vmem>>
      %dma_wait3A_225 = arith.constant 0 : i32
      %dma_wait3A_226 = tpu.memref_slice %arg13[%add3A_95, %dma_wait3A_225] : memref<80128x16xf32, #tpu.memory_space<vmem_shared>> -> memref<78x16xf32, #tpu.memory_space<vmem_shared>>
      tpu.wait_dma2 semaphore(%run_scoped3A_206 : memref<!tpu.dma_semaphore, #tpu.memory_space<semaphore_mem>>) src(%dma_wait3A_226 : memref<78x16xf32, #tpu.memory_space<vmem_shared>>) dst(%dma_wait3A_224 : memref<78x16xf32, #tpu.memory_space<vmem>>)
      tpu.yield
    }) : () -> ()
    %add3A_96 = arith.constant 35056 : i32
    %add3A_97 = arith.addi %add3A_96, %add3A_81 : i32
    "tpu.region"() ({
      %run_scoped3A_206 = tpu.sem_alloc : memref<!tpu.dma_semaphore, #tpu.memory_space<semaphore_mem>>
      %dma_start3A_207 = arith.constant 546 : i32
      %dma_start3A_208 = arith.constant 0 : i32
      %dma_start3A_209 = tpu.memref_slice %arg10[%dma_start3A_207, %dma_start3A_208] : memref<1248x16xf32, #tpu.memory_space<vmem>> -> memref<78x16xf32, #tpu.memory_space<vmem>>
      %dma_start3A_210 = arith.constant 0 : i32
      %dma_start3A_211 = tpu.memref_slice %arg13[%add3A_97, %dma_start3A_210] : memref<80128x16xf32, #tpu.memory_space<vmem_shared>> -> memref<78x16xf32, #tpu.memory_space<vmem_shared>>
      %dma_start3A_212 = arith.constant 546 : i32
      %dma_start3A_213 = arith.constant 0 : i32
      %dma_start3A_214 = tpu.memref_slice %arg10[%dma_start3A_212, %dma_start3A_213] : memref<1248x16xf32, #tpu.memory_space<vmem>> -> memref<78x16xf32, #tpu.memory_space<vmem>>
      %dma_start3A_215 = arith.constant 0 : i32
      %dma_start3A_216 = tpu.memref_slice %arg13[%add3A_97, %dma_start3A_215] : memref<80128x16xf32, #tpu.memory_space<vmem_shared>> -> memref<78x16xf32, #tpu.memory_space<vmem_shared>>
      tpu.enqueue_dma source(%dma_start3A_216 : memref<78x16xf32, #tpu.memory_space<vmem_shared>>) target(%dma_start3A_214 : memref<78x16xf32, #tpu.memory_space<vmem>>) target_semaphore(%run_scoped3A_206 : memref<!tpu.dma_semaphore, #tpu.memory_space<semaphore_mem>>)
      %dma_wait3A_217 = arith.constant 546 : i32
      %dma_wait3A_218 = arith.constant 0 : i32
      %dma_wait3A_219 = tpu.memref_slice %arg10[%dma_wait3A_217, %dma_wait3A_218] : memref<1248x16xf32, #tpu.memory_space<vmem>> -> memref<78x16xf32, #tpu.memory_space<vmem>>
      %dma_wait3A_220 = arith.constant 0 : i32
      %dma_wait3A_221 = tpu.memref_slice %arg13[%add3A_97, %dma_wait3A_220] : memref<80128x16xf32, #tpu.memory_space<vmem_shared>> -> memref<78x16xf32, #tpu.memory_space<vmem_shared>>
      %dma_wait3A_222 = arith.constant 546 : i32
      %dma_wait3A_223 = arith.constant 0 : i32
      %dma_wait3A_224 = tpu.memref_slice %arg10[%dma_wait3A_222, %dma_wait3A_223] : memref<1248x16xf32, #tpu.memory_space<vmem>> -> memref<78x16xf32, #tpu.memory_space<vmem>>
      %dma_wait3A_225 = arith.constant 0 : i32
      %dma_wait3A_226 = tpu.memref_slice %arg13[%add3A_97, %dma_wait3A_225] : memref<80128x16xf32, #tpu.memory_space<vmem_shared>> -> memref<78x16xf32, #tpu.memory_space<vmem_shared>>
      tpu.wait_dma2 semaphore(%run_scoped3A_206 : memref<!tpu.dma_semaphore, #tpu.memory_space<semaphore_mem>>) src(%dma_wait3A_226 : memref<78x16xf32, #tpu.memory_space<vmem_shared>>) dst(%dma_wait3A_224 : memref<78x16xf32, #tpu.memory_space<vmem>>)
      tpu.yield
    }) : () -> ()
    %add3A_98 = arith.constant 40064 : i32
    %add3A_99 = arith.addi %add3A_98, %add3A_81 : i32
    "tpu.region"() ({
      %run_scoped3A_206 = tpu.sem_alloc : memref<!tpu.dma_semaphore, #tpu.memory_space<semaphore_mem>>
      %dma_start3A_207 = arith.constant 624 : i32
      %dma_start3A_208 = arith.constant 0 : i32
      %dma_start3A_209 = tpu.memref_slice %arg10[%dma_start3A_207, %dma_start3A_208] : memref<1248x16xf32, #tpu.memory_space<vmem>> -> memref<78x16xf32, #tpu.memory_space<vmem>>
      %dma_start3A_210 = arith.constant 0 : i32
      %dma_start3A_211 = tpu.memref_slice %arg13[%add3A_99, %dma_start3A_210] : memref<80128x16xf32, #tpu.memory_space<vmem_shared>> -> memref<78x16xf32, #tpu.memory_space<vmem_shared>>
      %dma_start3A_212 = arith.constant 624 : i32
      %dma_start3A_213 = arith.constant 0 : i32
      %dma_start3A_214 = tpu.memref_slice %arg10[%dma_start3A_212, %dma_start3A_213] : memref<1248x16xf32, #tpu.memory_space<vmem>> -> memref<78x16xf32, #tpu.memory_space<vmem>>
      %dma_start3A_215 = arith.constant 0 : i32
      %dma_start3A_216 = tpu.memref_slice %arg13[%add3A_99, %dma_start3A_215] : memref<80128x16xf32, #tpu.memory_space<vmem_shared>> -> memref<78x16xf32, #tpu.memory_space<vmem_shared>>
      tpu.enqueue_dma source(%dma_start3A_216 : memref<78x16xf32, #tpu.memory_space<vmem_shared>>) target(%dma_start3A_214 : memref<78x16xf32, #tpu.memory_space<vmem>>) target_semaphore(%run_scoped3A_206 : memref<!tpu.dma_semaphore, #tpu.memory_space<semaphore_mem>>)
      %dma_wait3A_217 = arith.constant 624 : i32
      %dma_wait3A_218 = arith.constant 0 : i32
      %dma_wait3A_219 = tpu.memref_slice %arg10[%dma_wait3A_217, %dma_wait3A_218] : memref<1248x16xf32, #tpu.memory_space<vmem>> -> memref<78x16xf32, #tpu.memory_space<vmem>>
      %dma_wait3A_220 = arith.constant 0 : i32
      %dma_wait3A_221 = tpu.memref_slice %arg13[%add3A_99, %dma_wait3A_220] : memref<80128x16xf32, #tpu.memory_space<vmem_shared>> -> memref<78x16xf32, #tpu.memory_space<vmem_shared>>
      %dma_wait3A_222 = arith.constant 624 : i32
      %dma_wait3A_223 = arith.constant 0 : i32
      %dma_wait3A_224 = tpu.memref_slice %arg10[%dma_wait3A_222, %dma_wait3A_223] : memref<1248x16xf32, #tpu.memory_space<vmem>> -> memref<78x16xf32, #tpu.memory_space<vmem>>
      %dma_wait3A_225 = arith.constant 0 : i32
      %dma_wait3A_226 = tpu.memref_slice %arg13[%add3A_99, %dma_wait3A_225] : memref<80128x16xf32, #tpu.memory_space<vmem_shared>> -> memref<78x16xf32, #tpu.memory_space<vmem_shared>>
      tpu.wait_dma2 semaphore(%run_scoped3A_206 : memref<!tpu.dma_semaphore, #tpu.memory_space<semaphore_mem>>) src(%dma_wait3A_226 : memref<78x16xf32, #tpu.memory_space<vmem_shared>>) dst(%dma_wait3A_224 : memref<78x16xf32, #tpu.memory_space<vmem>>)
      tpu.yield
    }) : () -> ()
    %add3A_100 = arith.constant 45072 : i32
    %add3A_101 = arith.addi %add3A_100, %add3A_81 : i32
    "tpu.region"() ({
      %run_scoped3A_206 = tpu.sem_alloc : memref<!tpu.dma_semaphore, #tpu.memory_space<semaphore_mem>>
      %dma_start3A_207 = arith.constant 702 : i32
      %dma_start3A_208 = arith.constant 0 : i32
      %dma_start3A_209 = tpu.memref_slice %arg10[%dma_start3A_207, %dma_start3A_208] : memref<1248x16xf32, #tpu.memory_space<vmem>> -> memref<78x16xf32, #tpu.memory_space<vmem>>
      %dma_start3A_210 = arith.constant 0 : i32
      %dma_start3A_211 = tpu.memref_slice %arg13[%add3A_101, %dma_start3A_210] : memref<80128x16xf32, #tpu.memory_space<vmem_shared>> -> memref<78x16xf32, #tpu.memory_space<vmem_shared>>
      %dma_start3A_212 = arith.constant 702 : i32
      %dma_start3A_213 = arith.constant 0 : i32
      %dma_start3A_214 = tpu.memref_slice %arg10[%dma_start3A_212, %dma_start3A_213] : memref<1248x16xf32, #tpu.memory_space<vmem>> -> memref<78x16xf32, #tpu.memory_space<vmem>>
      %dma_start3A_215 = arith.constant 0 : i32
      %dma_start3A_216 = tpu.memref_slice %arg13[%add3A_101, %dma_start3A_215] : memref<80128x16xf32, #tpu.memory_space<vmem_shared>> -> memref<78x16xf32, #tpu.memory_space<vmem_shared>>
      tpu.enqueue_dma source(%dma_start3A_216 : memref<78x16xf32, #tpu.memory_space<vmem_shared>>) target(%dma_start3A_214 : memref<78x16xf32, #tpu.memory_space<vmem>>) target_semaphore(%run_scoped3A_206 : memref<!tpu.dma_semaphore, #tpu.memory_space<semaphore_mem>>)
      %dma_wait3A_217 = arith.constant 702 : i32
      %dma_wait3A_218 = arith.constant 0 : i32
      %dma_wait3A_219 = tpu.memref_slice %arg10[%dma_wait3A_217, %dma_wait3A_218] : memref<1248x16xf32, #tpu.memory_space<vmem>> -> memref<78x16xf32, #tpu.memory_space<vmem>>
      %dma_wait3A_220 = arith.constant 0 : i32
      %dma_wait3A_221 = tpu.memref_slice %arg13[%add3A_101, %dma_wait3A_220] : memref<80128x16xf32, #tpu.memory_space<vmem_shared>> -> memref<78x16xf32, #tpu.memory_space<vmem_shared>>
      %dma_wait3A_222 = arith.constant 702 : i32
      %dma_wait3A_223 = arith.constant 0 : i32
      %dma_wait3A_224 = tpu.memref_slice %arg10[%dma_wait3A_222, %dma_wait3A_223] : memref<1248x16xf32, #tpu.memory_space<vmem>> -> memref<78x16xf32, #tpu.memory_space<vmem>>
      %dma_wait3A_225 = arith.constant 0 : i32
      %dma_wait3A_226 = tpu.memref_slice %arg13[%add3A_101, %dma_wait3A_225] : memref<80128x16xf32, #tpu.memory_space<vmem_shared>> -> memref<78x16xf32, #tpu.memory_space<vmem_shared>>
      tpu.wait_dma2 semaphore(%run_scoped3A_206 : memref<!tpu.dma_semaphore, #tpu.memory_space<semaphore_mem>>) src(%dma_wait3A_226 : memref<78x16xf32, #tpu.memory_space<vmem_shared>>) dst(%dma_wait3A_224 : memref<78x16xf32, #tpu.memory_space<vmem>>)
      tpu.yield
    }) : () -> ()
    %add3A_102 = arith.constant 50080 : i32
    %add3A_103 = arith.addi %add3A_102, %add3A_81 : i32
    "tpu.region"() ({
      %run_scoped3A_206 = tpu.sem_alloc : memref<!tpu.dma_semaphore, #tpu.memory_space<semaphore_mem>>
      %dma_start3A_207 = arith.constant 780 : i32
      %dma_start3A_208 = arith.constant 0 : i32
      %dma_start3A_209 = tpu.memref_slice %arg10[%dma_start3A_207, %dma_start3A_208] : memref<1248x16xf32, #tpu.memory_space<vmem>> -> memref<78x16xf32, #tpu.memory_space<vmem>>
      %dma_start3A_210 = arith.constant 0 : i32
      %dma_start3A_211 = tpu.memref_slice %arg13[%add3A_103, %dma_start3A_210] : memref<80128x16xf32, #tpu.memory_space<vmem_shared>> -> memref<78x16xf32, #tpu.memory_space<vmem_shared>>
      %dma_start3A_212 = arith.constant 780 : i32
      %dma_start3A_213 = arith.constant 0 : i32
      %dma_start3A_214 = tpu.memref_slice %arg10[%dma_start3A_212, %dma_start3A_213] : memref<1248x16xf32, #tpu.memory_space<vmem>> -> memref<78x16xf32, #tpu.memory_space<vmem>>
      %dma_start3A_215 = arith.constant 0 : i32
      %dma_start3A_216 = tpu.memref_slice %arg13[%add3A_103, %dma_start3A_215] : memref<80128x16xf32, #tpu.memory_space<vmem_shared>> -> memref<78x16xf32, #tpu.memory_space<vmem_shared>>
      tpu.enqueue_dma source(%dma_start3A_216 : memref<78x16xf32, #tpu.memory_space<vmem_shared>>) target(%dma_start3A_214 : memref<78x16xf32, #tpu.memory_space<vmem>>) target_semaphore(%run_scoped3A_206 : memref<!tpu.dma_semaphore, #tpu.memory_space<semaphore_mem>>)
      %dma_wait3A_217 = arith.constant 780 : i32
      %dma_wait3A_218 = arith.constant 0 : i32
      %dma_wait3A_219 = tpu.memref_slice %arg10[%dma_wait3A_217, %dma_wait3A_218] : memref<1248x16xf32, #tpu.memory_space<vmem>> -> memref<78x16xf32, #tpu.memory_space<vmem>>
      %dma_wait3A_220 = arith.constant 0 : i32
      %dma_wait3A_221 = tpu.memref_slice %arg13[%add3A_103, %dma_wait3A_220] : memref<80128x16xf32, #tpu.memory_space<vmem_shared>> -> memref<78x16xf32, #tpu.memory_space<vmem_shared>>
      %dma_wait3A_222 = arith.constant 780 : i32
      %dma_wait3A_223 = arith.constant 0 : i32
      %dma_wait3A_224 = tpu.memref_slice %arg10[%dma_wait3A_222, %dma_wait3A_223] : memref<1248x16xf32, #tpu.memory_space<vmem>> -> memref<78x16xf32, #tpu.memory_space<vmem>>
      %dma_wait3A_225 = arith.constant 0 : i32
      %dma_wait3A_226 = tpu.memref_slice %arg13[%add3A_103, %dma_wait3A_225] : memref<80128x16xf32, #tpu.memory_space<vmem_shared>> -> memref<78x16xf32, #tpu.memory_space<vmem_shared>>
      tpu.wait_dma2 semaphore(%run_scoped3A_206 : memref<!tpu.dma_semaphore, #tpu.memory_space<semaphore_mem>>) src(%dma_wait3A_226 : memref<78x16xf32, #tpu.memory_space<vmem_shared>>) dst(%dma_wait3A_224 : memref<78x16xf32, #tpu.memory_space<vmem>>)
      tpu.yield
    }) : () -> ()
    %add3A_104 = arith.constant 55088 : i32
    %add3A_105 = arith.addi %add3A_104, %add3A_81 : i32
    "tpu.region"() ({
      %run_scoped3A_206 = tpu.sem_alloc : memref<!tpu.dma_semaphore, #tpu.memory_space<semaphore_mem>>
      %dma_start3A_207 = arith.constant 858 : i32
      %dma_start3A_208 = arith.constant 0 : i32
      %dma_start3A_209 = tpu.memref_slice %arg10[%dma_start3A_207, %dma_start3A_208] : memref<1248x16xf32, #tpu.memory_space<vmem>> -> memref<78x16xf32, #tpu.memory_space<vmem>>
      %dma_start3A_210 = arith.constant 0 : i32
      %dma_start3A_211 = tpu.memref_slice %arg13[%add3A_105, %dma_start3A_210] : memref<80128x16xf32, #tpu.memory_space<vmem_shared>> -> memref<78x16xf32, #tpu.memory_space<vmem_shared>>
      %dma_start3A_212 = arith.constant 858 : i32
      %dma_start3A_213 = arith.constant 0 : i32
      %dma_start3A_214 = tpu.memref_slice %arg10[%dma_start3A_212, %dma_start3A_213] : memref<1248x16xf32, #tpu.memory_space<vmem>> -> memref<78x16xf32, #tpu.memory_space<vmem>>
      %dma_start3A_215 = arith.constant 0 : i32
      %dma_start3A_216 = tpu.memref_slice %arg13[%add3A_105, %dma_start3A_215] : memref<80128x16xf32, #tpu.memory_space<vmem_shared>> -> memref<78x16xf32, #tpu.memory_space<vmem_shared>>
      tpu.enqueue_dma source(%dma_start3A_216 : memref<78x16xf32, #tpu.memory_space<vmem_shared>>) target(%dma_start3A_214 : memref<78x16xf32, #tpu.memory_space<vmem>>) target_semaphore(%run_scoped3A_206 : memref<!tpu.dma_semaphore, #tpu.memory_space<semaphore_mem>>)
      %dma_wait3A_217 = arith.constant 858 : i32
      %dma_wait3A_218 = arith.constant 0 : i32
      %dma_wait3A_219 = tpu.memref_slice %arg10[%dma_wait3A_217, %dma_wait3A_218] : memref<1248x16xf32, #tpu.memory_space<vmem>> -> memref<78x16xf32, #tpu.memory_space<vmem>>
      %dma_wait3A_220 = arith.constant 0 : i32
      %dma_wait3A_221 = tpu.memref_slice %arg13[%add3A_105, %dma_wait3A_220] : memref<80128x16xf32, #tpu.memory_space<vmem_shared>> -> memref<78x16xf32, #tpu.memory_space<vmem_shared>>
      %dma_wait3A_222 = arith.constant 858 : i32
      %dma_wait3A_223 = arith.constant 0 : i32
      %dma_wait3A_224 = tpu.memref_slice %arg10[%dma_wait3A_222, %dma_wait3A_223] : memref<1248x16xf32, #tpu.memory_space<vmem>> -> memref<78x16xf32, #tpu.memory_space<vmem>>
      %dma_wait3A_225 = arith.constant 0 : i32
      %dma_wait3A_226 = tpu.memref_slice %arg13[%add3A_105, %dma_wait3A_225] : memref<80128x16xf32, #tpu.memory_space<vmem_shared>> -> memref<78x16xf32, #tpu.memory_space<vmem_shared>>
      tpu.wait_dma2 semaphore(%run_scoped3A_206 : memref<!tpu.dma_semaphore, #tpu.memory_space<semaphore_mem>>) src(%dma_wait3A_226 : memref<78x16xf32, #tpu.memory_space<vmem_shared>>) dst(%dma_wait3A_224 : memref<78x16xf32, #tpu.memory_space<vmem>>)
      tpu.yield
    }) : () -> ()
    %add3A_106 = arith.constant 60096 : i32
    %add3A_107 = arith.addi %add3A_106, %add3A_81 : i32
    "tpu.region"() ({
      %run_scoped3A_206 = tpu.sem_alloc : memref<!tpu.dma_semaphore, #tpu.memory_space<semaphore_mem>>
      %dma_start3A_207 = arith.constant 936 : i32
      %dma_start3A_208 = arith.constant 0 : i32
      %dma_start3A_209 = tpu.memref_slice %arg10[%dma_start3A_207, %dma_start3A_208] : memref<1248x16xf32, #tpu.memory_space<vmem>> -> memref<78x16xf32, #tpu.memory_space<vmem>>
      %dma_start3A_210 = arith.constant 0 : i32
      %dma_start3A_211 = tpu.memref_slice %arg13[%add3A_107, %dma_start3A_210] : memref<80128x16xf32, #tpu.memory_space<vmem_shared>> -> memref<78x16xf32, #tpu.memory_space<vmem_shared>>
      %dma_start3A_212 = arith.constant 936 : i32
      %dma_start3A_213 = arith.constant 0 : i32
      %dma_start3A_214 = tpu.memref_slice %arg10[%dma_start3A_212, %dma_start3A_213] : memref<1248x16xf32, #tpu.memory_space<vmem>> -> memref<78x16xf32, #tpu.memory_space<vmem>>
      %dma_start3A_215 = arith.constant 0 : i32
      %dma_start3A_216 = tpu.memref_slice %arg13[%add3A_107, %dma_start3A_215] : memref<80128x16xf32, #tpu.memory_space<vmem_shared>> -> memref<78x16xf32, #tpu.memory_space<vmem_shared>>
      tpu.enqueue_dma source(%dma_start3A_216 : memref<78x16xf32, #tpu.memory_space<vmem_shared>>) target(%dma_start3A_214 : memref<78x16xf32, #tpu.memory_space<vmem>>) target_semaphore(%run_scoped3A_206 : memref<!tpu.dma_semaphore, #tpu.memory_space<semaphore_mem>>)
      %dma_wait3A_217 = arith.constant 936 : i32
      %dma_wait3A_218 = arith.constant 0 : i32
      %dma_wait3A_219 = tpu.memref_slice %arg10[%dma_wait3A_217, %dma_wait3A_218] : memref<1248x16xf32, #tpu.memory_space<vmem>> -> memref<78x16xf32, #tpu.memory_space<vmem>>
      %dma_wait3A_220 = arith.constant 0 : i32
      %dma_wait3A_221 = tpu.memref_slice %arg13[%add3A_107, %dma_wait3A_220] : memref<80128x16xf32, #tpu.memory_space<vmem_shared>> -> memref<78x16xf32, #tpu.memory_space<vmem_shared>>
      %dma_wait3A_222 = arith.constant 936 : i32
      %dma_wait3A_223 = arith.constant 0 : i32
      %dma_wait3A_224 = tpu.memref_slice %arg10[%dma_wait3A_222, %dma_wait3A_223] : memref<1248x16xf32, #tpu.memory_space<vmem>> -> memref<78x16xf32, #tpu.memory_space<vmem>>
      %dma_wait3A_225 = arith.constant 0 : i32
      %dma_wait3A_226 = tpu.memref_slice %arg13[%add3A_107, %dma_wait3A_225] : memref<80128x16xf32, #tpu.memory_space<vmem_shared>> -> memref<78x16xf32, #tpu.memory_space<vmem_shared>>
      tpu.wait_dma2 semaphore(%run_scoped3A_206 : memref<!tpu.dma_semaphore, #tpu.memory_space<semaphore_mem>>) src(%dma_wait3A_226 : memref<78x16xf32, #tpu.memory_space<vmem_shared>>) dst(%dma_wait3A_224 : memref<78x16xf32, #tpu.memory_space<vmem>>)
      tpu.yield
    }) : () -> ()
    %add3A_108 = arith.constant 65104 : i32
    %add3A_109 = arith.addi %add3A_108, %add3A_81 : i32
    "tpu.region"() ({
      %run_scoped3A_206 = tpu.sem_alloc : memref<!tpu.dma_semaphore, #tpu.memory_space<semaphore_mem>>
      %dma_start3A_207 = arith.constant 1014 : i32
      %dma_start3A_208 = arith.constant 0 : i32
      %dma_start3A_209 = tpu.memref_slice %arg10[%dma_start3A_207, %dma_start3A_208] : memref<1248x16xf32, #tpu.memory_space<vmem>> -> memref<78x16xf32, #tpu.memory_space<vmem>>
      %dma_start3A_210 = arith.constant 0 : i32
      %dma_start3A_211 = tpu.memref_slice %arg13[%add3A_109, %dma_start3A_210] : memref<80128x16xf32, #tpu.memory_space<vmem_shared>> -> memref<78x16xf32, #tpu.memory_space<vmem_shared>>
      %dma_start3A_212 = arith.constant 1014 : i32
      %dma_start3A_213 = arith.constant 0 : i32
      %dma_start3A_214 = tpu.memref_slice %arg10[%dma_start3A_212, %dma_start3A_213] : memref<1248x16xf32, #tpu.memory_space<vmem>> -> memref<78x16xf32, #tpu.memory_space<vmem>>
      %dma_start3A_215 = arith.constant 0 : i32
      %dma_start3A_216 = tpu.memref_slice %arg13[%add3A_109, %dma_start3A_215] : memref<80128x16xf32, #tpu.memory_space<vmem_shared>> -> memref<78x16xf32, #tpu.memory_space<vmem_shared>>
      tpu.enqueue_dma source(%dma_start3A_216 : memref<78x16xf32, #tpu.memory_space<vmem_shared>>) target(%dma_start3A_214 : memref<78x16xf32, #tpu.memory_space<vmem>>) target_semaphore(%run_scoped3A_206 : memref<!tpu.dma_semaphore, #tpu.memory_space<semaphore_mem>>)
      %dma_wait3A_217 = arith.constant 1014 : i32
      %dma_wait3A_218 = arith.constant 0 : i32
      %dma_wait3A_219 = tpu.memref_slice %arg10[%dma_wait3A_217, %dma_wait3A_218] : memref<1248x16xf32, #tpu.memory_space<vmem>> -> memref<78x16xf32, #tpu.memory_space<vmem>>
      %dma_wait3A_220 = arith.constant 0 : i32
      %dma_wait3A_221 = tpu.memref_slice %arg13[%add3A_109, %dma_wait3A_220] : memref<80128x16xf32, #tpu.memory_space<vmem_shared>> -> memref<78x16xf32, #tpu.memory_space<vmem_shared>>
      %dma_wait3A_222 = arith.constant 1014 : i32
      %dma_wait3A_223 = arith.constant 0 : i32
      %dma_wait3A_224 = tpu.memref_slice %arg10[%dma_wait3A_222, %dma_wait3A_223] : memref<1248x16xf32, #tpu.memory_space<vmem>> -> memref<78x16xf32, #tpu.memory_space<vmem>>
      %dma_wait3A_225 = arith.constant 0 : i32
      %dma_wait3A_226 = tpu.memref_slice %arg13[%add3A_109, %dma_wait3A_225] : memref<80128x16xf32, #tpu.memory_space<vmem_shared>> -> memref<78x16xf32, #tpu.memory_space<vmem_shared>>
      tpu.wait_dma2 semaphore(%run_scoped3A_206 : memref<!tpu.dma_semaphore, #tpu.memory_space<semaphore_mem>>) src(%dma_wait3A_226 : memref<78x16xf32, #tpu.memory_space<vmem_shared>>) dst(%dma_wait3A_224 : memref<78x16xf32, #tpu.memory_space<vmem>>)
      tpu.yield
    }) : () -> ()
    %add3A_110 = arith.constant 70112 : i32
    %add3A_111 = arith.addi %add3A_110, %add3A_81 : i32
    "tpu.region"() ({
      %run_scoped3A_206 = tpu.sem_alloc : memref<!tpu.dma_semaphore, #tpu.memory_space<semaphore_mem>>
      %dma_start3A_207 = arith.constant 1092 : i32
      %dma_start3A_208 = arith.constant 0 : i32
      %dma_start3A_209 = tpu.memref_slice %arg10[%dma_start3A_207, %dma_start3A_208] : memref<1248x16xf32, #tpu.memory_space<vmem>> -> memref<78x16xf32, #tpu.memory_space<vmem>>
      %dma_start3A_210 = arith.constant 0 : i32
      %dma_start3A_211 = tpu.memref_slice %arg13[%add3A_111, %dma_start3A_210] : memref<80128x16xf32, #tpu.memory_space<vmem_shared>> -> memref<78x16xf32, #tpu.memory_space<vmem_shared>>
      %dma_start3A_212 = arith.constant 1092 : i32
      %dma_start3A_213 = arith.constant 0 : i32
      %dma_start3A_214 = tpu.memref_slice %arg10[%dma_start3A_212, %dma_start3A_213] : memref<1248x16xf32, #tpu.memory_space<vmem>> -> memref<78x16xf32, #tpu.memory_space<vmem>>
      %dma_start3A_215 = arith.constant 0 : i32
      %dma_start3A_216 = tpu.memref_slice %arg13[%add3A_111, %dma_start3A_215] : memref<80128x16xf32, #tpu.memory_space<vmem_shared>> -> memref<78x16xf32, #tpu.memory_space<vmem_shared>>
      tpu.enqueue_dma source(%dma_start3A_216 : memref<78x16xf32, #tpu.memory_space<vmem_shared>>) target(%dma_start3A_214 : memref<78x16xf32, #tpu.memory_space<vmem>>) target_semaphore(%run_scoped3A_206 : memref<!tpu.dma_semaphore, #tpu.memory_space<semaphore_mem>>)
      %dma_wait3A_217 = arith.constant 1092 : i32
      %dma_wait3A_218 = arith.constant 0 : i32
      %dma_wait3A_219 = tpu.memref_slice %arg10[%dma_wait3A_217, %dma_wait3A_218] : memref<1248x16xf32, #tpu.memory_space<vmem>> -> memref<78x16xf32, #tpu.memory_space<vmem>>
      %dma_wait3A_220 = arith.constant 0 : i32
      %dma_wait3A_221 = tpu.memref_slice %arg13[%add3A_111, %dma_wait3A_220] : memref<80128x16xf32, #tpu.memory_space<vmem_shared>> -> memref<78x16xf32, #tpu.memory_space<vmem_shared>>
      %dma_wait3A_222 = arith.constant 1092 : i32
      %dma_wait3A_223 = arith.constant 0 : i32
      %dma_wait3A_224 = tpu.memref_slice %arg10[%dma_wait3A_222, %dma_wait3A_223] : memref<1248x16xf32, #tpu.memory_space<vmem>> -> memref<78x16xf32, #tpu.memory_space<vmem>>
      %dma_wait3A_225 = arith.constant 0 : i32
      %dma_wait3A_226 = tpu.memref_slice %arg13[%add3A_111, %dma_wait3A_225] : memref<80128x16xf32, #tpu.memory_space<vmem_shared>> -> memref<78x16xf32, #tpu.memory_space<vmem_shared>>
      tpu.wait_dma2 semaphore(%run_scoped3A_206 : memref<!tpu.dma_semaphore, #tpu.memory_space<semaphore_mem>>) src(%dma_wait3A_226 : memref<78x16xf32, #tpu.memory_space<vmem_shared>>) dst(%dma_wait3A_224 : memref<78x16xf32, #tpu.memory_space<vmem>>)
      tpu.yield
    }) : () -> ()
    %add3A_112 = arith.constant 75120 : i32
    %add3A_113 = arith.addi %add3A_112, %add3A_81 : i32
    "tpu.region"() ({
      %run_scoped3A_206 = tpu.sem_alloc : memref<!tpu.dma_semaphore, #tpu.memory_space<semaphore_mem>>
      %dma_start3A_207 = arith.constant 1170 : i32
      %dma_start3A_208 = arith.constant 0 : i32
      %dma_start3A_209 = tpu.memref_slice %arg10[%dma_start3A_207, %dma_start3A_208] : memref<1248x16xf32, #tpu.memory_space<vmem>> -> memref<78x16xf32, #tpu.memory_space<vmem>>
      %dma_start3A_210 = arith.constant 0 : i32
      %dma_start3A_211 = tpu.memref_slice %arg13[%add3A_113, %dma_start3A_210] : memref<80128x16xf32, #tpu.memory_space<vmem_shared>> -> memref<78x16xf32, #tpu.memory_space<vmem_shared>>
      %dma_start3A_212 = arith.constant 1170 : i32
      %dma_start3A_213 = arith.constant 0 : i32
      %dma_start3A_214 = tpu.memref_slice %arg10[%dma_start3A_212, %dma_start3A_213] : memref<1248x16xf32, #tpu.memory_space<vmem>> -> memref<78x16xf32, #tpu.memory_space<vmem>>
      %dma_start3A_215 = arith.constant 0 : i32
      %dma_start3A_216 = tpu.memref_slice %arg13[%add3A_113, %dma_start3A_215] : memref<80128x16xf32, #tpu.memory_space<vmem_shared>> -> memref<78x16xf32, #tpu.memory_space<vmem_shared>>
      tpu.enqueue_dma source(%dma_start3A_216 : memref<78x16xf32, #tpu.memory_space<vmem_shared>>) target(%dma_start3A_214 : memref<78x16xf32, #tpu.memory_space<vmem>>) target_semaphore(%run_scoped3A_206 : memref<!tpu.dma_semaphore, #tpu.memory_space<semaphore_mem>>)
      %dma_wait3A_217 = arith.constant 1170 : i32
      %dma_wait3A_218 = arith.constant 0 : i32
      %dma_wait3A_219 = tpu.memref_slice %arg10[%dma_wait3A_217, %dma_wait3A_218] : memref<1248x16xf32, #tpu.memory_space<vmem>> -> memref<78x16xf32, #tpu.memory_space<vmem>>
      %dma_wait3A_220 = arith.constant 0 : i32
      %dma_wait3A_221 = tpu.memref_slice %arg13[%add3A_113, %dma_wait3A_220] : memref<80128x16xf32, #tpu.memory_space<vmem_shared>> -> memref<78x16xf32, #tpu.memory_space<vmem_shared>>
      %dma_wait3A_222 = arith.constant 1170 : i32
      %dma_wait3A_223 = arith.constant 0 : i32
      %dma_wait3A_224 = tpu.memref_slice %arg10[%dma_wait3A_222, %dma_wait3A_223] : memref<1248x16xf32, #tpu.memory_space<vmem>> -> memref<78x16xf32, #tpu.memory_space<vmem>>
      %dma_wait3A_225 = arith.constant 0 : i32
      %dma_wait3A_226 = tpu.memref_slice %arg13[%add3A_113, %dma_wait3A_225] : memref<80128x16xf32, #tpu.memory_space<vmem_shared>> -> memref<78x16xf32, #tpu.memory_space<vmem_shared>>
      tpu.wait_dma2 semaphore(%run_scoped3A_206 : memref<!tpu.dma_semaphore, #tpu.memory_space<semaphore_mem>>) src(%dma_wait3A_226 : memref<78x16xf32, #tpu.memory_space<vmem_shared>>) dst(%dma_wait3A_224 : memref<78x16xf32, #tpu.memory_space<vmem>>)
      tpu.yield
    }) : () -> ()
    %scan3A_114 = arith.constant 0 : i32
    %scan3A_115 = arith.constant 78 : i32
    %scan3A_116 = arith.addi %scan3A_114, %scan3A_115 : i32
    %scan3A_117 = arith.constant 1 : i32
    scf.for %scan3A_206 = %scan3A_114 to %scan3A_116 step %scan3A_117  : i32 {
      %mul3A_207 = arith.constant 1 : i32
      %mul3A_208 = arith.muli %scan3A_206, %mul3A_207 : i32
      %add3A_209 = arith.constant 0 : i32
      %add3A_210 = arith.addi %add3A_209, %mul3A_208 : i32
      %get3A = arith.index_cast %add3A_210 : i32 to index
      %get3A_211 = arith.constant 0 : index
      %get3A_212 = tpu.vector_load %arg10[%get3A, %get3A_211] {strides = array<i32>} : memref<1248x16xf32, #tpu.memory_space<vmem>>, vector<1x16xf32>,
      %get3A_213 = vector.shape_cast %get3A_212 : vector<1x16xf32> to vector<16xf32>
      %add3A_214 = arith.constant 78 : i32
      %add3A_215 = arith.addi %add3A_214, %add3A_210 : i32
      %get3A_216 = arith.index_cast %add3A_215 : i32 to index
      %get3A_217 = arith.constant 0 : index
      %get3A_218 = tpu.vector_load %arg10[%get3A_216, %get3A_217] {strides = array<i32>} : memref<1248x16xf32, #tpu.memory_space<vmem>>, vector<1x16xf32>,
      %get3A_219 = vector.shape_cast %get3A_218 : vector<1x16xf32> to vector<16xf32>
      %add3A_220 = arith.addf %get3A_213, %get3A_219 : vector<16xf32>
      %add3A_221 = arith.constant 156 : i32
      %add3A_222 = arith.addi %add3A_221, %add3A_210 : i32
      %get3A_223 = arith.index_cast %add3A_222 : i32 to index
      %get3A_224 = arith.constant 0 : index
      %get3A_225 = tpu.vector_load %arg10[%get3A_223, %get3A_224] {strides = array<i32>} : memref<1248x16xf32, #tpu.memory_space<vmem>>, vector<1x16xf32>,
      %get3A_226 = vector.shape_cast %get3A_225 : vector<1x16xf32> to vector<16xf32>
      %add3A_227 = arith.addf %add3A_220, %get3A_226 : vector<16xf32>
      %add3A_228 = arith.constant 234 : i32
      %add3A_229 = arith.addi %add3A_228, %add3A_210 : i32
      %get3A_230 = arith.index_cast %add3A_229 : i32 to index
      %get3A_231 = arith.constant 0 : index
      %get3A_232 = tpu.vector_load %arg10[%get3A_230, %get3A_231] {strides = array<i32>} : memref<1248x16xf32, #tpu.memory_space<vmem>>, vector<1x16xf32>,
      %get3A_233 = vector.shape_cast %get3A_232 : vector<1x16xf32> to vector<16xf32>
      %add3A_234 = arith.addf %add3A_227, %get3A_233 : vector<16xf32>
      %add3A_235 = arith.constant 312 : i32
      %add3A_236 = arith.addi %add3A_235, %add3A_210 : i32
      %get3A_237 = arith.index_cast %add3A_236 : i32 to index
      %get3A_238 = arith.constant 0 : index
      %get3A_239 = tpu.vector_load %arg10[%get3A_237, %get3A_238] {strides = array<i32>} : memref<1248x16xf32, #tpu.memory_space<vmem>>, vector<1x16xf32>,
      %get3A_240 = vector.shape_cast %get3A_239 : vector<1x16xf32> to vector<16xf32>
      %add3A_241 = arith.addf %add3A_234, %get3A_240 : vector<16xf32>
      %add3A_242 = arith.constant 390 : i32
      %add3A_243 = arith.addi %add3A_242, %add3A_210 : i32
      %get3A_244 = arith.index_cast %add3A_243 : i32 to index
      %get3A_245 = arith.constant 0 : index
      %get3A_246 = tpu.vector_load %arg10[%get3A_244, %get3A_245] {strides = array<i32>} : memref<1248x16xf32, #tpu.memory_space<vmem>>, vector<1x16xf32>,
      %get3A_247 = vector.shape_cast %get3A_246 : vector<1x16xf32> to vector<16xf32>
      %add3A_248 = arith.addf %add3A_241, %get3A_247 : vector<16xf32>
      %add3A_249 = arith.constant 468 : i32
      %add3A_250 = arith.addi %add3A_249, %add3A_210 : i32
      %get3A_251 = arith.index_cast %add3A_250 : i32 to index
      %get3A_252 = arith.constant 0 : index
      %get3A_253 = tpu.vector_load %arg10[%get3A_251, %get3A_252] {strides = array<i32>} : memref<1248x16xf32, #tpu.memory_space<vmem>>, vector<1x16xf32>,
      %get3A_254 = vector.shape_cast %get3A_253 : vector<1x16xf32> to vector<16xf32>
      %add3A_255 = arith.addf %add3A_248, %get3A_254 : vector<16xf32>
      %add3A_256 = arith.constant 546 : i32
      %add3A_257 = arith.addi %add3A_256, %add3A_210 : i32
      %get3A_258 = arith.index_cast %add3A_257 : i32 to index
      %get3A_259 = arith.constant 0 : index
      %get3A_260 = tpu.vector_load %arg10[%get3A_258, %get3A_259] {strides = array<i32>} : memref<1248x16xf32, #tpu.memory_space<vmem>>, vector<1x16xf32>,
      %get3A_261 = vector.shape_cast %get3A_260 : vector<1x16xf32> to vector<16xf32>
      %add3A_262 = arith.addf %add3A_255, %get3A_261 : vector<16xf32>
      %add3A_263 = arith.constant 624 : i32
      %add3A_264 = arith.addi %add3A_263, %add3A_210 : i32
      %get3A_265 = arith.index_cast %add3A_264 : i32 to index
      %get3A_266 = arith.constant 0 : index
      %get3A_267 = tpu.vector_load %arg10[%get3A_265, %get3A_266] {strides = array<i32>} : memref<1248x16xf32, #tpu.memory_space<vmem>>, vector<1x16xf32>,
      %get3A_268 = vector.shape_cast %get3A_267 : vector<1x16xf32> to vector<16xf32>
      %add3A_269 = arith.addf %add3A_262, %get3A_268 : vector<16xf32>
      %add3A_270 = arith.constant 702 : i32
      %add3A_271 = arith.addi %add3A_270, %add3A_210 : i32
      %get3A_272 = arith.index_cast %add3A_271 : i32 to index
      %get3A_273 = arith.constant 0 : index
      %get3A_274 = tpu.vector_load %arg10[%get3A_272, %get3A_273] {strides = array<i32>} : memref<1248x16xf32, #tpu.memory_space<vmem>>, vector<1x16xf32>,
      %get3A_275 = vector.shape_cast %get3A_274 : vector<1x16xf32> to vector<16xf32>
      %add3A_276 = arith.addf %add3A_269, %get3A_275 : vector<16xf32>
      %add3A_277 = arith.constant 780 : i32
      %add3A_278 = arith.addi %add3A_277, %add3A_210 : i32
      %get3A_279 = arith.index_cast %add3A_278 : i32 to index
      %get3A_280 = arith.constant 0 : index
      %get3A_281 = tpu.vector_load %arg10[%get3A_279, %get3A_280] {strides = array<i32>} : memref<1248x16xf32, #tpu.memory_space<vmem>>, vector<1x16xf32>,
      %get3A_282 = vector.shape_cast %get3A_281 : vector<1x16xf32> to vector<16xf32>
      %add3A_283 = arith.addf %add3A_276, %get3A_282 : vector<16xf32>
      %add3A_284 = arith.constant 858 : i32
      %add3A_285 = arith.addi %add3A_284, %add3A_210 : i32
      %get3A_286 = arith.index_cast %add3A_285 : i32 to index
      %get3A_287 = arith.constant 0 : index
      %get3A_288 = tpu.vector_load %arg10[%get3A_286, %get3A_287] {strides = array<i32>} : memref<1248x16xf32, #tpu.memory_space<vmem>>, vector<1x16xf32>,
      %get3A_289 = vector.shape_cast %get3A_288 : vector<1x16xf32> to vector<16xf32>
      %add3A_290 = arith.addf %add3A_283, %get3A_289 : vector<16xf32>
      %add3A_291 = arith.constant 936 : i32
      %add3A_292 = arith.addi %add3A_291, %add3A_210 : i32
      %get3A_293 = arith.index_cast %add3A_292 : i32 to index
      %get3A_294 = arith.constant 0 : index
      %get3A_295 = tpu.vector_load %arg10[%get3A_293, %get3A_294] {strides = array<i32>} : memref<1248x16xf32, #tpu.memory_space<vmem>>, vector<1x16xf32>,
      %get3A_296 = vector.shape_cast %get3A_295 : vector<1x16xf32> to vector<16xf32>
      %add3A_297 = arith.addf %add3A_290, %get3A_296 : vector<16xf32>
      %add3A_298 = arith.constant 1014 : i32
      %add3A_299 = arith.addi %add3A_298, %add3A_210 : i32
      %get3A_300 = arith.index_cast %add3A_299 : i32 to index
      %get3A_301 = arith.constant 0 : index
      %get3A_302 = tpu.vector_load %arg10[%get3A_300, %get3A_301] {strides = array<i32>} : memref<1248x16xf32, #tpu.memory_space<vmem>>, vector<1x16xf32>,
      %get3A_303 = vector.shape_cast %get3A_302 : vector<1x16xf32> to vector<16xf32>
      %add3A_304 = arith.addf %add3A_297, %get3A_303 : vector<16xf32>
      %add3A_305 = arith.constant 1092 : i32
      %add3A_306 = arith.addi %add3A_305, %add3A_210 : i32
      %get3A_307 = arith.index_cast %add3A_306 : i32 to index
      %get3A_308 = arith.constant 0 : index
      %get3A_309 = tpu.vector_load %arg10[%get3A_307, %get3A_308] {strides = array<i32>} : memref<1248x16xf32, #tpu.memory_space<vmem>>, vector<1x16xf32>,
      %get3A_310 = vector.shape_cast %get3A_309 : vector<1x16xf32> to vector<16xf32>
      %add3A_311 = arith.addf %add3A_304, %get3A_310 : vector<16xf32>
      %add3A_312 = arith.constant 1170 : i32
      %add3A_313 = arith.addi %add3A_312, %add3A_210 : i32
      %get3A_314 = arith.index_cast %add3A_313 : i32 to index
      %get3A_315 = arith.constant 0 : index
      %get3A_316 = tpu.vector_load %arg10[%get3A_314, %get3A_315] {strides = array<i32>} : memref<1248x16xf32, #tpu.memory_space<vmem>>, vector<1x16xf32>,
      %get3A_317 = vector.shape_cast %get3A_316 : vector<1x16xf32> to vector<16xf32>
      %add3A_318 = arith.addf %add3A_311, %get3A_317 : vector<16xf32>
      %swap3A = arith.index_cast %add3A_210 : i32 to index
      %swap3A_319 = arith.constant 0 : index
      %swap3A_320 = tpu.vector_load %arg9[%swap3A, %swap3A_319] {strides = array<i32>} : memref<78x16xf32, #tpu.memory_space<vmem>>, vector<1x16xf32>,
      %swap3A_321 = vector.shape_cast %swap3A_320 : vector<1x16xf32> to vector<16xf32>
      %swap3A_322 = vector.shape_cast %add3A_318 : vector<16xf32> to vector<1x16xf32>
      tpu.vector_store %arg9[%swap3A, %swap3A_319], %swap3A_322 {strides = array<i32>} : memref<78x16xf32, #tpu.memory_space<vmem>>, vector<1x16xf32>,
    }
    %scan3A_118 = arith.constant 78 : i32
    %add3A_119 = arith.addi %mul3A_0, %add3A_81 : i32
    "tpu.region"() ({
      %run_scoped3A_206 = tpu.sem_alloc : memref<!tpu.dma_semaphore, #tpu.memory_space<semaphore_mem>>
      %dma_start3A_207 = arith.constant 0 : i32
      %dma_start3A_208 = arith.constant 0 : i32
      %dma_start3A_209 = tpu.memref_slice %arg9[%dma_start3A_207, %dma_start3A_208] : memref<78x16xf32, #tpu.memory_space<vmem>> -> memref<78x16xf32, #tpu.memory_space<vmem>>
      %dma_start3A_210 = arith.constant 0 : i32
      %dma_start3A_211 = tpu.memref_slice %arg5[%add3A_119, %dma_start3A_210] : memref<10000x16xf32, #tpu.memory_space<hbm>> -> memref<78x16xf32, #tpu.memory_space<hbm>>
      %dma_start3A_212 = arith.constant 0 : i32
      %dma_start3A_213 = tpu.memref_slice %arg5[%add3A_119, %dma_start3A_212] : memref<10000x16xf32, #tpu.memory_space<hbm>> -> memref<78x16xf32, #tpu.memory_space<hbm>>
      %dma_start3A_214 = arith.constant 0 : i32
      %dma_start3A_215 = arith.constant 0 : i32
      %dma_start3A_216 = tpu.memref_slice %arg9[%dma_start3A_214, %dma_start3A_215] : memref<78x16xf32, #tpu.memory_space<vmem>> -> memref<78x16xf32, #tpu.memory_space<vmem>>
      tpu.enqueue_dma source(%dma_start3A_216 : memref<78x16xf32, #tpu.memory_space<vmem>>) target(%dma_start3A_213 : memref<78x16xf32, #tpu.memory_space<hbm>>) target_semaphore(%run_scoped3A_206 : memref<!tpu.dma_semaphore, #tpu.memory_space<semaphore_mem>>)
      %dma_wait3A_217 = arith.constant 0 : i32
      %dma_wait3A_218 = arith.constant 0 : i32
      %dma_wait3A_219 = tpu.memref_slice %arg9[%dma_wait3A_217, %dma_wait3A_218] : memref<78x16xf32, #tpu.memory_space<vmem>> -> memref<78x16xf32, #tpu.memory_space<vmem>>
      %dma_wait3A_220 = arith.constant 0 : i32
      %dma_wait3A_221 = tpu.memref_slice %arg5[%add3A_119, %dma_wait3A_220] : memref<10000x16xf32, #tpu.memory_space<hbm>> -> memref<78x16xf32, #tpu.memory_space<hbm>>
      %dma_wait3A_222 = arith.constant 0 : i32
      %dma_wait3A_223 = tpu.memref_slice %arg5[%add3A_119, %dma_wait3A_222] : memref<10000x16xf32, #tpu.memory_space<hbm>> -> memref<78x16xf32, #tpu.memory_space<hbm>>
      %dma_wait3A_224 = arith.constant 0 : i32
      %dma_wait3A_225 = arith.constant 0 : i32
      %dma_wait3A_226 = tpu.memref_slice %arg9[%dma_wait3A_224, %dma_wait3A_225] : memref<78x16xf32, #tpu.memory_space<vmem>> -> memref<78x16xf32, #tpu.memory_space<vmem>>
      tpu.wait_dma2 semaphore(%run_scoped3A_206 : memref<!tpu.dma_semaphore, #tpu.memory_space<semaphore_mem>>) src(%dma_wait3A_226 : memref<78x16xf32, #tpu.memory_space<vmem>>) dst(%dma_wait3A_223 : memref<78x16xf32, #tpu.memory_space<hbm>>)
      tpu.yield
    }) : () -> ()
    %mul3A_120 = arith.constant 312 : i32
    %mul3A_121 = arith.muli %arg1, %mul3A_120 : i32
    %add3A_122 = arith.constant 156 : i32
    %add3A_123 = arith.addi %mul3A_121, %add3A_122 : i32
    %add3A_124 = arith.constant 0 : i32
    %add3A_125 = arith.addi %add3A_124, %add3A_123 : i32
    "tpu.region"() ({
      %run_scoped3A_206 = tpu.sem_alloc : memref<!tpu.dma_semaphore, #tpu.memory_space<semaphore_mem>>
      %dma_start3A_207 = arith.constant 0 : i32
      %dma_start3A_208 = arith.constant 0 : i32
      %dma_start3A_209 = tpu.memref_slice %arg10[%dma_start3A_207, %dma_start3A_208] : memref<1248x16xf32, #tpu.memory_space<vmem>> -> memref<78x16xf32, #tpu.memory_space<vmem>>
      %dma_start3A_210 = arith.constant 0 : i32
      %dma_start3A_211 = tpu.memref_slice %arg13[%add3A_125, %dma_start3A_210] : memref<80128x16xf32, #tpu.memory_space<vmem_shared>> -> memref<78x16xf32, #tpu.memory_space<vmem_shared>>
      %dma_start3A_212 = arith.constant 0 : i32
      %dma_start3A_213 = arith.constant 0 : i32
      %dma_start3A_214 = tpu.memref_slice %arg10[%dma_start3A_212, %dma_start3A_213] : memref<1248x16xf32, #tpu.memory_space<vmem>> -> memref<78x16xf32, #tpu.memory_space<vmem>>
      %dma_start3A_215 = arith.constant 0 : i32
      %dma_start3A_216 = tpu.memref_slice %arg13[%add3A_125, %dma_start3A_215] : memref<80128x16xf32, #tpu.memory_space<vmem_shared>> -> memref<78x16xf32, #tpu.memory_space<vmem_shared>>
      tpu.enqueue_dma source(%dma_start3A_216 : memref<78x16xf32, #tpu.memory_space<vmem_shared>>) target(%dma_start3A_214 : memref<78x16xf32, #tpu.memory_space<vmem>>) target_semaphore(%run_scoped3A_206 : memref<!tpu.dma_semaphore, #tpu.memory_space<semaphore_mem>>)
      %dma_wait3A_217 = arith.constant 0 : i32
      %dma_wait3A_218 = arith.constant 0 : i32
      %dma_wait3A_219 = tpu.memref_slice %arg10[%dma_wait3A_217, %dma_wait3A_218] : memref<1248x16xf32, #tpu.memory_space<vmem>> -> memref<78x16xf32, #tpu.memory_space<vmem>>
      %dma_wait3A_220 = arith.constant 0 : i32
      %dma_wait3A_221 = tpu.memref_slice %arg13[%add3A_125, %dma_wait3A_220] : memref<80128x16xf32, #tpu.memory_space<vmem_shared>> -> memref<78x16xf32, #tpu.memory_space<vmem_shared>>
      %dma_wait3A_222 = arith.constant 0 : i32
      %dma_wait3A_223 = arith.constant 0 : i32
      %dma_wait3A_224 = tpu.memref_slice %arg10[%dma_wait3A_222, %dma_wait3A_223] : memref<1248x16xf32, #tpu.memory_space<vmem>> -> memref<78x16xf32, #tpu.memory_space<vmem>>
      %dma_wait3A_225 = arith.constant 0 : i32
      %dma_wait3A_226 = tpu.memref_slice %arg13[%add3A_125, %dma_wait3A_225] : memref<80128x16xf32, #tpu.memory_space<vmem_shared>> -> memref<78x16xf32, #tpu.memory_space<vmem_shared>>
      tpu.wait_dma2 semaphore(%run_scoped3A_206 : memref<!tpu.dma_semaphore, #tpu.memory_space<semaphore_mem>>) src(%dma_wait3A_226 : memref<78x16xf32, #tpu.memory_space<vmem_shared>>) dst(%dma_wait3A_224 : memref<78x16xf32, #tpu.memory_space<vmem>>)
      tpu.yield
    }) : () -> ()
    %add3A_126 = arith.constant 5008 : i32
    %add3A_127 = arith.addi %add3A_126, %add3A_123 : i32
    "tpu.region"() ({
      %run_scoped3A_206 = tpu.sem_alloc : memref<!tpu.dma_semaphore, #tpu.memory_space<semaphore_mem>>
      %dma_start3A_207 = arith.constant 78 : i32
      %dma_start3A_208 = arith.constant 0 : i32
      %dma_start3A_209 = tpu.memref_slice %arg10[%dma_start3A_207, %dma_start3A_208] : memref<1248x16xf32, #tpu.memory_space<vmem>> -> memref<78x16xf32, #tpu.memory_space<vmem>>
      %dma_start3A_210 = arith.constant 0 : i32
      %dma_start3A_211 = tpu.memref_slice %arg13[%add3A_127, %dma_start3A_210] : memref<80128x16xf32, #tpu.memory_space<vmem_shared>> -> memref<78x16xf32, #tpu.memory_space<vmem_shared>>
      %dma_start3A_212 = arith.constant 78 : i32
      %dma_start3A_213 = arith.constant 0 : i32
      %dma_start3A_214 = tpu.memref_slice %arg10[%dma_start3A_212, %dma_start3A_213] : memref<1248x16xf32, #tpu.memory_space<vmem>> -> memref<78x16xf32, #tpu.memory_space<vmem>>
      %dma_start3A_215 = arith.constant 0 : i32
      %dma_start3A_216 = tpu.memref_slice %arg13[%add3A_127, %dma_start3A_215] : memref<80128x16xf32, #tpu.memory_space<vmem_shared>> -> memref<78x16xf32, #tpu.memory_space<vmem_shared>>
      tpu.enqueue_dma source(%dma_start3A_216 : memref<78x16xf32, #tpu.memory_space<vmem_shared>>) target(%dma_start3A_214 : memref<78x16xf32, #tpu.memory_space<vmem>>) target_semaphore(%run_scoped3A_206 : memref<!tpu.dma_semaphore, #tpu.memory_space<semaphore_mem>>)
      %dma_wait3A_217 = arith.constant 78 : i32
      %dma_wait3A_218 = arith.constant 0 : i32
      %dma_wait3A_219 = tpu.memref_slice %arg10[%dma_wait3A_217, %dma_wait3A_218] : memref<1248x16xf32, #tpu.memory_space<vmem>> -> memref<78x16xf32, #tpu.memory_space<vmem>>
      %dma_wait3A_220 = arith.constant 0 : i32
      %dma_wait3A_221 = tpu.memref_slice %arg13[%add3A_127, %dma_wait3A_220] : memref<80128x16xf32, #tpu.memory_space<vmem_shared>> -> memref<78x16xf32, #tpu.memory_space<vmem_shared>>
      %dma_wait3A_222 = arith.constant 78 : i32
      %dma_wait3A_223 = arith.constant 0 : i32
      %dma_wait3A_224 = tpu.memref_slice %arg10[%dma_wait3A_222, %dma_wait3A_223] : memref<1248x16xf32, #tpu.memory_space<vmem>> -> memref<78x16xf32, #tpu.memory_space<vmem>>
      %dma_wait3A_225 = arith.constant 0 : i32
      %dma_wait3A_226 = tpu.memref_slice %arg13[%add3A_127, %dma_wait3A_225] : memref<80128x16xf32, #tpu.memory_space<vmem_shared>> -> memref<78x16xf32, #tpu.memory_space<vmem_shared>>
      tpu.wait_dma2 semaphore(%run_scoped3A_206 : memref<!tpu.dma_semaphore, #tpu.memory_space<semaphore_mem>>) src(%dma_wait3A_226 : memref<78x16xf32, #tpu.memory_space<vmem_shared>>) dst(%dma_wait3A_224 : memref<78x16xf32, #tpu.memory_space<vmem>>)
      tpu.yield
    }) : () -> ()
    %add3A_128 = arith.constant 10016 : i32
    %add3A_129 = arith.addi %add3A_128, %add3A_123 : i32
    "tpu.region"() ({
      %run_scoped3A_206 = tpu.sem_alloc : memref<!tpu.dma_semaphore, #tpu.memory_space<semaphore_mem>>
      %dma_start3A_207 = arith.constant 156 : i32
      %dma_start3A_208 = arith.constant 0 : i32
      %dma_start3A_209 = tpu.memref_slice %arg10[%dma_start3A_207, %dma_start3A_208] : memref<1248x16xf32, #tpu.memory_space<vmem>> -> memref<78x16xf32, #tpu.memory_space<vmem>>
      %dma_start3A_210 = arith.constant 0 : i32
      %dma_start3A_211 = tpu.memref_slice %arg13[%add3A_129, %dma_start3A_210] : memref<80128x16xf32, #tpu.memory_space<vmem_shared>> -> memref<78x16xf32, #tpu.memory_space<vmem_shared>>
      %dma_start3A_212 = arith.constant 156 : i32
      %dma_start3A_213 = arith.constant 0 : i32
      %dma_start3A_214 = tpu.memref_slice %arg10[%dma_start3A_212, %dma_start3A_213] : memref<1248x16xf32, #tpu.memory_space<vmem>> -> memref<78x16xf32, #tpu.memory_space<vmem>>
      %dma_start3A_215 = arith.constant 0 : i32
      %dma_start3A_216 = tpu.memref_slice %arg13[%add3A_129, %dma_start3A_215] : memref<80128x16xf32, #tpu.memory_space<vmem_shared>> -> memref<78x16xf32, #tpu.memory_space<vmem_shared>>
      tpu.enqueue_dma source(%dma_start3A_216 : memref<78x16xf32, #tpu.memory_space<vmem_shared>>) target(%dma_start3A_214 : memref<78x16xf32, #tpu.memory_space<vmem>>) target_semaphore(%run_scoped3A_206 : memref<!tpu.dma_semaphore, #tpu.memory_space<semaphore_mem>>)
      %dma_wait3A_217 = arith.constant 156 : i32
      %dma_wait3A_218 = arith.constant 0 : i32
      %dma_wait3A_219 = tpu.memref_slice %arg10[%dma_wait3A_217, %dma_wait3A_218] : memref<1248x16xf32, #tpu.memory_space<vmem>> -> memref<78x16xf32, #tpu.memory_space<vmem>>
      %dma_wait3A_220 = arith.constant 0 : i32
      %dma_wait3A_221 = tpu.memref_slice %arg13[%add3A_129, %dma_wait3A_220] : memref<80128x16xf32, #tpu.memory_space<vmem_shared>> -> memref<78x16xf32, #tpu.memory_space<vmem_shared>>
      %dma_wait3A_222 = arith.constant 156 : i32
      %dma_wait3A_223 = arith.constant 0 : i32
      %dma_wait3A_224 = tpu.memref_slice %arg10[%dma_wait3A_222, %dma_wait3A_223] : memref<1248x16xf32, #tpu.memory_space<vmem>> -> memref<78x16xf32, #tpu.memory_space<vmem>>
      %dma_wait3A_225 = arith.constant 0 : i32
      %dma_wait3A_226 = tpu.memref_slice %arg13[%add3A_129, %dma_wait3A_225] : memref<80128x16xf32, #tpu.memory_space<vmem_shared>> -> memref<78x16xf32, #tpu.memory_space<vmem_shared>>
      tpu.wait_dma2 semaphore(%run_scoped3A_206 : memref<!tpu.dma_semaphore, #tpu.memory_space<semaphore_mem>>) src(%dma_wait3A_226 : memref<78x16xf32, #tpu.memory_space<vmem_shared>>) dst(%dma_wait3A_224 : memref<78x16xf32, #tpu.memory_space<vmem>>)
      tpu.yield
    }) : () -> ()
    %add3A_130 = arith.constant 15024 : i32
    %add3A_131 = arith.addi %add3A_130, %add3A_123 : i32
    "tpu.region"() ({
      %run_scoped3A_206 = tpu.sem_alloc : memref<!tpu.dma_semaphore, #tpu.memory_space<semaphore_mem>>
      %dma_start3A_207 = arith.constant 234 : i32
      %dma_start3A_208 = arith.constant 0 : i32
      %dma_start3A_209 = tpu.memref_slice %arg10[%dma_start3A_207, %dma_start3A_208] : memref<1248x16xf32, #tpu.memory_space<vmem>> -> memref<78x16xf32, #tpu.memory_space<vmem>>
      %dma_start3A_210 = arith.constant 0 : i32
      %dma_start3A_211 = tpu.memref_slice %arg13[%add3A_131, %dma_start3A_210] : memref<80128x16xf32, #tpu.memory_space<vmem_shared>> -> memref<78x16xf32, #tpu.memory_space<vmem_shared>>
      %dma_start3A_212 = arith.constant 234 : i32
      %dma_start3A_213 = arith.constant 0 : i32
      %dma_start3A_214 = tpu.memref_slice %arg10[%dma_start3A_212, %dma_start3A_213] : memref<1248x16xf32, #tpu.memory_space<vmem>> -> memref<78x16xf32, #tpu.memory_space<vmem>>
      %dma_start3A_215 = arith.constant 0 : i32
      %dma_start3A_216 = tpu.memref_slice %arg13[%add3A_131, %dma_start3A_215] : memref<80128x16xf32, #tpu.memory_space<vmem_shared>> -> memref<78x16xf32, #tpu.memory_space<vmem_shared>>
      tpu.enqueue_dma source(%dma_start3A_216 : memref<78x16xf32, #tpu.memory_space<vmem_shared>>) target(%dma_start3A_214 : memref<78x16xf32, #tpu.memory_space<vmem>>) target_semaphore(%run_scoped3A_206 : memref<!tpu.dma_semaphore, #tpu.memory_space<semaphore_mem>>)
      %dma_wait3A_217 = arith.constant 234 : i32
      %dma_wait3A_218 = arith.constant 0 : i32
      %dma_wait3A_219 = tpu.memref_slice %arg10[%dma_wait3A_217, %dma_wait3A_218] : memref<1248x16xf32, #tpu.memory_space<vmem>> -> memref<78x16xf32, #tpu.memory_space<vmem>>
      %dma_wait3A_220 = arith.constant 0 : i32
      %dma_wait3A_221 = tpu.memref_slice %arg13[%add3A_131, %dma_wait3A_220] : memref<80128x16xf32, #tpu.memory_space<vmem_shared>> -> memref<78x16xf32, #tpu.memory_space<vmem_shared>>
      %dma_wait3A_222 = arith.constant 234 : i32
      %dma_wait3A_223 = arith.constant 0 : i32
      %dma_wait3A_224 = tpu.memref_slice %arg10[%dma_wait3A_222, %dma_wait3A_223] : memref<1248x16xf32, #tpu.memory_space<vmem>> -> memref<78x16xf32, #tpu.memory_space<vmem>>
      %dma_wait3A_225 = arith.constant 0 : i32
      %dma_wait3A_226 = tpu.memref_slice %arg13[%add3A_131, %dma_wait3A_225] : memref<80128x16xf32, #tpu.memory_space<vmem_shared>> -> memref<78x16xf32, #tpu.memory_space<vmem_shared>>
      tpu.wait_dma2 semaphore(%run_scoped3A_206 : memref<!tpu.dma_semaphore, #tpu.memory_space<semaphore_mem>>) src(%dma_wait3A_226 : memref<78x16xf32, #tpu.memory_space<vmem_shared>>) dst(%dma_wait3A_224 : memref<78x16xf32, #tpu.memory_space<vmem>>)
      tpu.yield
    }) : () -> ()
    %add3A_132 = arith.constant 20032 : i32
    %add3A_133 = arith.addi %add3A_132, %add3A_123 : i32
    "tpu.region"() ({
      %run_scoped3A_206 = tpu.sem_alloc : memref<!tpu.dma_semaphore, #tpu.memory_space<semaphore_mem>>
      %dma_start3A_207 = arith.constant 312 : i32
      %dma_start3A_208 = arith.constant 0 : i32
      %dma_start3A_209 = tpu.memref_slice %arg10[%dma_start3A_207, %dma_start3A_208] : memref<1248x16xf32, #tpu.memory_space<vmem>> -> memref<78x16xf32, #tpu.memory_space<vmem>>
      %dma_start3A_210 = arith.constant 0 : i32
      %dma_start3A_211 = tpu.memref_slice %arg13[%add3A_133, %dma_start3A_210] : memref<80128x16xf32, #tpu.memory_space<vmem_shared>> -> memref<78x16xf32, #tpu.memory_space<vmem_shared>>
      %dma_start3A_212 = arith.constant 312 : i32
      %dma_start3A_213 = arith.constant 0 : i32
      %dma_start3A_214 = tpu.memref_slice %arg10[%dma_start3A_212, %dma_start3A_213] : memref<1248x16xf32, #tpu.memory_space<vmem>> -> memref<78x16xf32, #tpu.memory_space<vmem>>
      %dma_start3A_215 = arith.constant 0 : i32
      %dma_start3A_216 = tpu.memref_slice %arg13[%add3A_133, %dma_start3A_215] : memref<80128x16xf32, #tpu.memory_space<vmem_shared>> -> memref<78x16xf32, #tpu.memory_space<vmem_shared>>
      tpu.enqueue_dma source(%dma_start3A_216 : memref<78x16xf32, #tpu.memory_space<vmem_shared>>) target(%dma_start3A_214 : memref<78x16xf32, #tpu.memory_space<vmem>>) target_semaphore(%run_scoped3A_206 : memref<!tpu.dma_semaphore, #tpu.memory_space<semaphore_mem>>)
      %dma_wait3A_217 = arith.constant 312 : i32
      %dma_wait3A_218 = arith.constant 0 : i32
      %dma_wait3A_219 = tpu.memref_slice %arg10[%dma_wait3A_217, %dma_wait3A_218] : memref<1248x16xf32, #tpu.memory_space<vmem>> -> memref<78x16xf32, #tpu.memory_space<vmem>>
      %dma_wait3A_220 = arith.constant 0 : i32
      %dma_wait3A_221 = tpu.memref_slice %arg13[%add3A_133, %dma_wait3A_220] : memref<80128x16xf32, #tpu.memory_space<vmem_shared>> -> memref<78x16xf32, #tpu.memory_space<vmem_shared>>
      %dma_wait3A_222 = arith.constant 312 : i32
      %dma_wait3A_223 = arith.constant 0 : i32
      %dma_wait3A_224 = tpu.memref_slice %arg10[%dma_wait3A_222, %dma_wait3A_223] : memref<1248x16xf32, #tpu.memory_space<vmem>> -> memref<78x16xf32, #tpu.memory_space<vmem>>
      %dma_wait3A_225 = arith.constant 0 : i32
      %dma_wait3A_226 = tpu.memref_slice %arg13[%add3A_133, %dma_wait3A_225] : memref<80128x16xf32, #tpu.memory_space<vmem_shared>> -> memref<78x16xf32, #tpu.memory_space<vmem_shared>>
      tpu.wait_dma2 semaphore(%run_scoped3A_206 : memref<!tpu.dma_semaphore, #tpu.memory_space<semaphore_mem>>) src(%dma_wait3A_226 : memref<78x16xf32, #tpu.memory_space<vmem_shared>>) dst(%dma_wait3A_224 : memref<78x16xf32, #tpu.memory_space<vmem>>)
      tpu.yield
    }) : () -> ()
    %add3A_134 = arith.constant 25040 : i32
    %add3A_135 = arith.addi %add3A_134, %add3A_123 : i32
    "tpu.region"() ({
      %run_scoped3A_206 = tpu.sem_alloc : memref<!tpu.dma_semaphore, #tpu.memory_space<semaphore_mem>>
      %dma_start3A_207 = arith.constant 390 : i32
      %dma_start3A_208 = arith.constant 0 : i32
      %dma_start3A_209 = tpu.memref_slice %arg10[%dma_start3A_207, %dma_start3A_208] : memref<1248x16xf32, #tpu.memory_space<vmem>> -> memref<78x16xf32, #tpu.memory_space<vmem>>
      %dma_start3A_210 = arith.constant 0 : i32
      %dma_start3A_211 = tpu.memref_slice %arg13[%add3A_135, %dma_start3A_210] : memref<80128x16xf32, #tpu.memory_space<vmem_shared>> -> memref<78x16xf32, #tpu.memory_space<vmem_shared>>
      %dma_start3A_212 = arith.constant 390 : i32
      %dma_start3A_213 = arith.constant 0 : i32
      %dma_start3A_214 = tpu.memref_slice %arg10[%dma_start3A_212, %dma_start3A_213] : memref<1248x16xf32, #tpu.memory_space<vmem>> -> memref<78x16xf32, #tpu.memory_space<vmem>>
      %dma_start3A_215 = arith.constant 0 : i32
      %dma_start3A_216 = tpu.memref_slice %arg13[%add3A_135, %dma_start3A_215] : memref<80128x16xf32, #tpu.memory_space<vmem_shared>> -> memref<78x16xf32, #tpu.memory_space<vmem_shared>>
      tpu.enqueue_dma source(%dma_start3A_216 : memref<78x16xf32, #tpu.memory_space<vmem_shared>>) target(%dma_start3A_214 : memref<78x16xf32, #tpu.memory_space<vmem>>) target_semaphore(%run_scoped3A_206 : memref<!tpu.dma_semaphore, #tpu.memory_space<semaphore_mem>>)
      %dma_wait3A_217 = arith.constant 390 : i32
      %dma_wait3A_218 = arith.constant 0 : i32
      %dma_wait3A_219 = tpu.memref_slice %arg10[%dma_wait3A_217, %dma_wait3A_218] : memref<1248x16xf32, #tpu.memory_space<vmem>> -> memref<78x16xf32, #tpu.memory_space<vmem>>
      %dma_wait3A_220 = arith.constant 0 : i32
      %dma_wait3A_221 = tpu.memref_slice %arg13[%add3A_135, %dma_wait3A_220] : memref<80128x16xf32, #tpu.memory_space<vmem_shared>> -> memref<78x16xf32, #tpu.memory_space<vmem_shared>>
      %dma_wait3A_222 = arith.constant 390 : i32
      %dma_wait3A_223 = arith.constant 0 : i32
      %dma_wait3A_224 = tpu.memref_slice %arg10[%dma_wait3A_222, %dma_wait3A_223] : memref<1248x16xf32, #tpu.memory_space<vmem>> -> memref<78x16xf32, #tpu.memory_space<vmem>>
      %dma_wait3A_225 = arith.constant 0 : i32
      %dma_wait3A_226 = tpu.memref_slice %arg13[%add3A_135, %dma_wait3A_225] : memref<80128x16xf32, #tpu.memory_space<vmem_shared>> -> memref<78x16xf32, #tpu.memory_space<vmem_shared>>
      tpu.wait_dma2 semaphore(%run_scoped3A_206 : memref<!tpu.dma_semaphore, #tpu.memory_space<semaphore_mem>>) src(%dma_wait3A_226 : memref<78x16xf32, #tpu.memory_space<vmem_shared>>) dst(%dma_wait3A_224 : memref<78x16xf32, #tpu.memory_space<vmem>>)
      tpu.yield
    }) : () -> ()
    %add3A_136 = arith.constant 30048 : i32
    %add3A_137 = arith.addi %add3A_136, %add3A_123 : i32
    "tpu.region"() ({
      %run_scoped3A_206 = tpu.sem_alloc : memref<!tpu.dma_semaphore, #tpu.memory_space<semaphore_mem>>
      %dma_start3A_207 = arith.constant 468 : i32
      %dma_start3A_208 = arith.constant 0 : i32
      %dma_start3A_209 = tpu.memref_slice %arg10[%dma_start3A_207, %dma_start3A_208] : memref<1248x16xf32, #tpu.memory_space<vmem>> -> memref<78x16xf32, #tpu.memory_space<vmem>>
      %dma_start3A_210 = arith.constant 0 : i32
      %dma_start3A_211 = tpu.memref_slice %arg13[%add3A_137, %dma_start3A_210] : memref<80128x16xf32, #tpu.memory_space<vmem_shared>> -> memref<78x16xf32, #tpu.memory_space<vmem_shared>>
      %dma_start3A_212 = arith.constant 468 : i32
      %dma_start3A_213 = arith.constant 0 : i32
      %dma_start3A_214 = tpu.memref_slice %arg10[%dma_start3A_212, %dma_start3A_213] : memref<1248x16xf32, #tpu.memory_space<vmem>> -> memref<78x16xf32, #tpu.memory_space<vmem>>
      %dma_start3A_215 = arith.constant 0 : i32
      %dma_start3A_216 = tpu.memref_slice %arg13[%add3A_137, %dma_start3A_215] : memref<80128x16xf32, #tpu.memory_space<vmem_shared>> -> memref<78x16xf32, #tpu.memory_space<vmem_shared>>
      tpu.enqueue_dma source(%dma_start3A_216 : memref<78x16xf32, #tpu.memory_space<vmem_shared>>) target(%dma_start3A_214 : memref<78x16xf32, #tpu.memory_space<vmem>>) target_semaphore(%run_scoped3A_206 : memref<!tpu.dma_semaphore, #tpu.memory_space<semaphore_mem>>)
      %dma_wait3A_217 = arith.constant 468 : i32
      %dma_wait3A_218 = arith.constant 0 : i32
      %dma_wait3A_219 = tpu.memref_slice %arg10[%dma_wait3A_217, %dma_wait3A_218] : memref<1248x16xf32, #tpu.memory_space<vmem>> -> memref<78x16xf32, #tpu.memory_space<vmem>>
      %dma_wait3A_220 = arith.constant 0 : i32
      %dma_wait3A_221 = tpu.memref_slice %arg13[%add3A_137, %dma_wait3A_220] : memref<80128x16xf32, #tpu.memory_space<vmem_shared>> -> memref<78x16xf32, #tpu.memory_space<vmem_shared>>
      %dma_wait3A_222 = arith.constant 468 : i32
      %dma_wait3A_223 = arith.constant 0 : i32
      %dma_wait3A_224 = tpu.memref_slice %arg10[%dma_wait3A_222, %dma_wait3A_223] : memref<1248x16xf32, #tpu.memory_space<vmem>> -> memref<78x16xf32, #tpu.memory_space<vmem>>
      %dma_wait3A_225 = arith.constant 0 : i32
      %dma_wait3A_226 = tpu.memref_slice %arg13[%add3A_137, %dma_wait3A_225] : memref<80128x16xf32, #tpu.memory_space<vmem_shared>> -> memref<78x16xf32, #tpu.memory_space<vmem_shared>>
      tpu.wait_dma2 semaphore(%run_scoped3A_206 : memref<!tpu.dma_semaphore, #tpu.memory_space<semaphore_mem>>) src(%dma_wait3A_226 : memref<78x16xf32, #tpu.memory_space<vmem_shared>>) dst(%dma_wait3A_224 : memref<78x16xf32, #tpu.memory_space<vmem>>)
      tpu.yield
    }) : () -> ()
    %add3A_138 = arith.constant 35056 : i32
    %add3A_139 = arith.addi %add3A_138, %add3A_123 : i32
    "tpu.region"() ({
      %run_scoped3A_206 = tpu.sem_alloc : memref<!tpu.dma_semaphore, #tpu.memory_space<semaphore_mem>>
      %dma_start3A_207 = arith.constant 546 : i32
      %dma_start3A_208 = arith.constant 0 : i32
      %dma_start3A_209 = tpu.memref_slice %arg10[%dma_start3A_207, %dma_start3A_208] : memref<1248x16xf32, #tpu.memory_space<vmem>> -> memref<78x16xf32, #tpu.memory_space<vmem>>
      %dma_start3A_210 = arith.constant 0 : i32
      %dma_start3A_211 = tpu.memref_slice %arg13[%add3A_139, %dma_start3A_210] : memref<80128x16xf32, #tpu.memory_space<vmem_shared>> -> memref<78x16xf32, #tpu.memory_space<vmem_shared>>
      %dma_start3A_212 = arith.constant 546 : i32
      %dma_start3A_213 = arith.constant 0 : i32
      %dma_start3A_214 = tpu.memref_slice %arg10[%dma_start3A_212, %dma_start3A_213] : memref<1248x16xf32, #tpu.memory_space<vmem>> -> memref<78x16xf32, #tpu.memory_space<vmem>>
      %dma_start3A_215 = arith.constant 0 : i32
      %dma_start3A_216 = tpu.memref_slice %arg13[%add3A_139, %dma_start3A_215] : memref<80128x16xf32, #tpu.memory_space<vmem_shared>> -> memref<78x16xf32, #tpu.memory_space<vmem_shared>>
      tpu.enqueue_dma source(%dma_start3A_216 : memref<78x16xf32, #tpu.memory_space<vmem_shared>>) target(%dma_start3A_214 : memref<78x16xf32, #tpu.memory_space<vmem>>) target_semaphore(%run_scoped3A_206 : memref<!tpu.dma_semaphore, #tpu.memory_space<semaphore_mem>>)
      %dma_wait3A_217 = arith.constant 546 : i32
      %dma_wait3A_218 = arith.constant 0 : i32
      %dma_wait3A_219 = tpu.memref_slice %arg10[%dma_wait3A_217, %dma_wait3A_218] : memref<1248x16xf32, #tpu.memory_space<vmem>> -> memref<78x16xf32, #tpu.memory_space<vmem>>
      %dma_wait3A_220 = arith.constant 0 : i32
      %dma_wait3A_221 = tpu.memref_slice %arg13[%add3A_139, %dma_wait3A_220] : memref<80128x16xf32, #tpu.memory_space<vmem_shared>> -> memref<78x16xf32, #tpu.memory_space<vmem_shared>>
      %dma_wait3A_222 = arith.constant 546 : i32
      %dma_wait3A_223 = arith.constant 0 : i32
      %dma_wait3A_224 = tpu.memref_slice %arg10[%dma_wait3A_222, %dma_wait3A_223] : memref<1248x16xf32, #tpu.memory_space<vmem>> -> memref<78x16xf32, #tpu.memory_space<vmem>>
      %dma_wait3A_225 = arith.constant 0 : i32
      %dma_wait3A_226 = tpu.memref_slice %arg13[%add3A_139, %dma_wait3A_225] : memref<80128x16xf32, #tpu.memory_space<vmem_shared>> -> memref<78x16xf32, #tpu.memory_space<vmem_shared>>
      tpu.wait_dma2 semaphore(%run_scoped3A_206 : memref<!tpu.dma_semaphore, #tpu.memory_space<semaphore_mem>>) src(%dma_wait3A_226 : memref<78x16xf32, #tpu.memory_space<vmem_shared>>) dst(%dma_wait3A_224 : memref<78x16xf32, #tpu.memory_space<vmem>>)
      tpu.yield
    }) : () -> ()
    %add3A_140 = arith.constant 40064 : i32
    %add3A_141 = arith.addi %add3A_140, %add3A_123 : i32
    "tpu.region"() ({
      %run_scoped3A_206 = tpu.sem_alloc : memref<!tpu.dma_semaphore, #tpu.memory_space<semaphore_mem>>
      %dma_start3A_207 = arith.constant 624 : i32
      %dma_start3A_208 = arith.constant 0 : i32
      %dma_start3A_209 = tpu.memref_slice %arg10[%dma_start3A_207, %dma_start3A_208] : memref<1248x16xf32, #tpu.memory_space<vmem>> -> memref<78x16xf32, #tpu.memory_space<vmem>>
      %dma_start3A_210 = arith.constant 0 : i32
      %dma_start3A_211 = tpu.memref_slice %arg13[%add3A_141, %dma_start3A_210] : memref<80128x16xf32, #tpu.memory_space<vmem_shared>> -> memref<78x16xf32, #tpu.memory_space<vmem_shared>>
      %dma_start3A_212 = arith.constant 624 : i32
      %dma_start3A_213 = arith.constant 0 : i32
      %dma_start3A_214 = tpu.memref_slice %arg10[%dma_start3A_212, %dma_start3A_213] : memref<1248x16xf32, #tpu.memory_space<vmem>> -> memref<78x16xf32, #tpu.memory_space<vmem>>
      %dma_start3A_215 = arith.constant 0 : i32
      %dma_start3A_216 = tpu.memref_slice %arg13[%add3A_141, %dma_start3A_215] : memref<80128x16xf32, #tpu.memory_space<vmem_shared>> -> memref<78x16xf32, #tpu.memory_space<vmem_shared>>
      tpu.enqueue_dma source(%dma_start3A_216 : memref<78x16xf32, #tpu.memory_space<vmem_shared>>) target(%dma_start3A_214 : memref<78x16xf32, #tpu.memory_space<vmem>>) target_semaphore(%run_scoped3A_206 : memref<!tpu.dma_semaphore, #tpu.memory_space<semaphore_mem>>)
      %dma_wait3A_217 = arith.constant 624 : i32
      %dma_wait3A_218 = arith.constant 0 : i32
      %dma_wait3A_219 = tpu.memref_slice %arg10[%dma_wait3A_217, %dma_wait3A_218] : memref<1248x16xf32, #tpu.memory_space<vmem>> -> memref<78x16xf32, #tpu.memory_space<vmem>>
      %dma_wait3A_220 = arith.constant 0 : i32
      %dma_wait3A_221 = tpu.memref_slice %arg13[%add3A_141, %dma_wait3A_220] : memref<80128x16xf32, #tpu.memory_space<vmem_shared>> -> memref<78x16xf32, #tpu.memory_space<vmem_shared>>
      %dma_wait3A_222 = arith.constant 624 : i32
      %dma_wait3A_223 = arith.constant 0 : i32
      %dma_wait3A_224 = tpu.memref_slice %arg10[%dma_wait3A_222, %dma_wait3A_223] : memref<1248x16xf32, #tpu.memory_space<vmem>> -> memref<78x16xf32, #tpu.memory_space<vmem>>
      %dma_wait3A_225 = arith.constant 0 : i32
      %dma_wait3A_226 = tpu.memref_slice %arg13[%add3A_141, %dma_wait3A_225] : memref<80128x16xf32, #tpu.memory_space<vmem_shared>> -> memref<78x16xf32, #tpu.memory_space<vmem_shared>>
      tpu.wait_dma2 semaphore(%run_scoped3A_206 : memref<!tpu.dma_semaphore, #tpu.memory_space<semaphore_mem>>) src(%dma_wait3A_226 : memref<78x16xf32, #tpu.memory_space<vmem_shared>>) dst(%dma_wait3A_224 : memref<78x16xf32, #tpu.memory_space<vmem>>)
      tpu.yield
    }) : () -> ()
    %add3A_142 = arith.constant 45072 : i32
    %add3A_143 = arith.addi %add3A_142, %add3A_123 : i32
    "tpu.region"() ({
      %run_scoped3A_206 = tpu.sem_alloc : memref<!tpu.dma_semaphore, #tpu.memory_space<semaphore_mem>>
      %dma_start3A_207 = arith.constant 702 : i32
      %dma_start3A_208 = arith.constant 0 : i32
      %dma_start3A_209 = tpu.memref_slice %arg10[%dma_start3A_207, %dma_start3A_208] : memref<1248x16xf32, #tpu.memory_space<vmem>> -> memref<78x16xf32, #tpu.memory_space<vmem>>
      %dma_start3A_210 = arith.constant 0 : i32
      %dma_start3A_211 = tpu.memref_slice %arg13[%add3A_143, %dma_start3A_210] : memref<80128x16xf32, #tpu.memory_space<vmem_shared>> -> memref<78x16xf32, #tpu.memory_space<vmem_shared>>
      %dma_start3A_212 = arith.constant 702 : i32
      %dma_start3A_213 = arith.constant 0 : i32
      %dma_start3A_214 = tpu.memref_slice %arg10[%dma_start3A_212, %dma_start3A_213] : memref<1248x16xf32, #tpu.memory_space<vmem>> -> memref<78x16xf32, #tpu.memory_space<vmem>>
      %dma_start3A_215 = arith.constant 0 : i32
      %dma_start3A_216 = tpu.memref_slice %arg13[%add3A_143, %dma_start3A_215] : memref<80128x16xf32, #tpu.memory_space<vmem_shared>> -> memref<78x16xf32, #tpu.memory_space<vmem_shared>>
      tpu.enqueue_dma source(%dma_start3A_216 : memref<78x16xf32, #tpu.memory_space<vmem_shared>>) target(%dma_start3A_214 : memref<78x16xf32, #tpu.memory_space<vmem>>) target_semaphore(%run_scoped3A_206 : memref<!tpu.dma_semaphore, #tpu.memory_space<semaphore_mem>>)
      %dma_wait3A_217 = arith.constant 702 : i32
      %dma_wait3A_218 = arith.constant 0 : i32
      %dma_wait3A_219 = tpu.memref_slice %arg10[%dma_wait3A_217, %dma_wait3A_218] : memref<1248x16xf32, #tpu.memory_space<vmem>> -> memref<78x16xf32, #tpu.memory_space<vmem>>
      %dma_wait3A_220 = arith.constant 0 : i32
      %dma_wait3A_221 = tpu.memref_slice %arg13[%add3A_143, %dma_wait3A_220] : memref<80128x16xf32, #tpu.memory_space<vmem_shared>> -> memref<78x16xf32, #tpu.memory_space<vmem_shared>>
      %dma_wait3A_222 = arith.constant 702 : i32
      %dma_wait3A_223 = arith.constant 0 : i32
      %dma_wait3A_224 = tpu.memref_slice %arg10[%dma_wait3A_222, %dma_wait3A_223] : memref<1248x16xf32, #tpu.memory_space<vmem>> -> memref<78x16xf32, #tpu.memory_space<vmem>>
      %dma_wait3A_225 = arith.constant 0 : i32
      %dma_wait3A_226 = tpu.memref_slice %arg13[%add3A_143, %dma_wait3A_225] : memref<80128x16xf32, #tpu.memory_space<vmem_shared>> -> memref<78x16xf32, #tpu.memory_space<vmem_shared>>
      tpu.wait_dma2 semaphore(%run_scoped3A_206 : memref<!tpu.dma_semaphore, #tpu.memory_space<semaphore_mem>>) src(%dma_wait3A_226 : memref<78x16xf32, #tpu.memory_space<vmem_shared>>) dst(%dma_wait3A_224 : memref<78x16xf32, #tpu.memory_space<vmem>>)
      tpu.yield
    }) : () -> ()
    %add3A_144 = arith.constant 50080 : i32
    %add3A_145 = arith.addi %add3A_144, %add3A_123 : i32
    "tpu.region"() ({
      %run_scoped3A_206 = tpu.sem_alloc : memref<!tpu.dma_semaphore, #tpu.memory_space<semaphore_mem>>
      %dma_start3A_207 = arith.constant 780 : i32
      %dma_start3A_208 = arith.constant 0 : i32
      %dma_start3A_209 = tpu.memref_slice %arg10[%dma_start3A_207, %dma_start3A_208] : memref<1248x16xf32, #tpu.memory_space<vmem>> -> memref<78x16xf32, #tpu.memory_space<vmem>>
      %dma_start3A_210 = arith.constant 0 : i32
      %dma_start3A_211 = tpu.memref_slice %arg13[%add3A_145, %dma_start3A_210] : memref<80128x16xf32, #tpu.memory_space<vmem_shared>> -> memref<78x16xf32, #tpu.memory_space<vmem_shared>>
      %dma_start3A_212 = arith.constant 780 : i32
      %dma_start3A_213 = arith.constant 0 : i32
      %dma_start3A_214 = tpu.memref_slice %arg10[%dma_start3A_212, %dma_start3A_213] : memref<1248x16xf32, #tpu.memory_space<vmem>> -> memref<78x16xf32, #tpu.memory_space<vmem>>
      %dma_start3A_215 = arith.constant 0 : i32
      %dma_start3A_216 = tpu.memref_slice %arg13[%add3A_145, %dma_start3A_215] : memref<80128x16xf32, #tpu.memory_space<vmem_shared>> -> memref<78x16xf32, #tpu.memory_space<vmem_shared>>
      tpu.enqueue_dma source(%dma_start3A_216 : memref<78x16xf32, #tpu.memory_space<vmem_shared>>) target(%dma_start3A_214 : memref<78x16xf32, #tpu.memory_space<vmem>>) target_semaphore(%run_scoped3A_206 : memref<!tpu.dma_semaphore, #tpu.memory_space<semaphore_mem>>)
      %dma_wait3A_217 = arith.constant 780 : i32
      %dma_wait3A_218 = arith.constant 0 : i32
      %dma_wait3A_219 = tpu.memref_slice %arg10[%dma_wait3A_217, %dma_wait3A_218] : memref<1248x16xf32, #tpu.memory_space<vmem>> -> memref<78x16xf32, #tpu.memory_space<vmem>>
      %dma_wait3A_220 = arith.constant 0 : i32
      %dma_wait3A_221 = tpu.memref_slice %arg13[%add3A_145, %dma_wait3A_220] : memref<80128x16xf32, #tpu.memory_space<vmem_shared>> -> memref<78x16xf32, #tpu.memory_space<vmem_shared>>
      %dma_wait3A_222 = arith.constant 780 : i32
      %dma_wait3A_223 = arith.constant 0 : i32
      %dma_wait3A_224 = tpu.memref_slice %arg10[%dma_wait3A_222, %dma_wait3A_223] : memref<1248x16xf32, #tpu.memory_space<vmem>> -> memref<78x16xf32, #tpu.memory_space<vmem>>
      %dma_wait3A_225 = arith.constant 0 : i32
      %dma_wait3A_226 = tpu.memref_slice %arg13[%add3A_145, %dma_wait3A_225] : memref<80128x16xf32, #tpu.memory_space<vmem_shared>> -> memref<78x16xf32, #tpu.memory_space<vmem_shared>>
      tpu.wait_dma2 semaphore(%run_scoped3A_206 : memref<!tpu.dma_semaphore, #tpu.memory_space<semaphore_mem>>) src(%dma_wait3A_226 : memref<78x16xf32, #tpu.memory_space<vmem_shared>>) dst(%dma_wait3A_224 : memref<78x16xf32, #tpu.memory_space<vmem>>)
      tpu.yield
    }) : () -> ()
    %add3A_146 = arith.constant 55088 : i32
    %add3A_147 = arith.addi %add3A_146, %add3A_123 : i32
    "tpu.region"() ({
      %run_scoped3A_206 = tpu.sem_alloc : memref<!tpu.dma_semaphore, #tpu.memory_space<semaphore_mem>>
      %dma_start3A_207 = arith.constant 858 : i32
      %dma_start3A_208 = arith.constant 0 : i32
      %dma_start3A_209 = tpu.memref_slice %arg10[%dma_start3A_207, %dma_start3A_208] : memref<1248x16xf32, #tpu.memory_space<vmem>> -> memref<78x16xf32, #tpu.memory_space<vmem>>
      %dma_start3A_210 = arith.constant 0 : i32
      %dma_start3A_211 = tpu.memref_slice %arg13[%add3A_147, %dma_start3A_210] : memref<80128x16xf32, #tpu.memory_space<vmem_shared>> -> memref<78x16xf32, #tpu.memory_space<vmem_shared>>
      %dma_start3A_212 = arith.constant 858 : i32
      %dma_start3A_213 = arith.constant 0 : i32
      %dma_start3A_214 = tpu.memref_slice %arg10[%dma_start3A_212, %dma_start3A_213] : memref<1248x16xf32, #tpu.memory_space<vmem>> -> memref<78x16xf32, #tpu.memory_space<vmem>>
      %dma_start3A_215 = arith.constant 0 : i32
      %dma_start3A_216 = tpu.memref_slice %arg13[%add3A_147, %dma_start3A_215] : memref<80128x16xf32, #tpu.memory_space<vmem_shared>> -> memref<78x16xf32, #tpu.memory_space<vmem_shared>>
      tpu.enqueue_dma source(%dma_start3A_216 : memref<78x16xf32, #tpu.memory_space<vmem_shared>>) target(%dma_start3A_214 : memref<78x16xf32, #tpu.memory_space<vmem>>) target_semaphore(%run_scoped3A_206 : memref<!tpu.dma_semaphore, #tpu.memory_space<semaphore_mem>>)
      %dma_wait3A_217 = arith.constant 858 : i32
      %dma_wait3A_218 = arith.constant 0 : i32
      %dma_wait3A_219 = tpu.memref_slice %arg10[%dma_wait3A_217, %dma_wait3A_218] : memref<1248x16xf32, #tpu.memory_space<vmem>> -> memref<78x16xf32, #tpu.memory_space<vmem>>
      %dma_wait3A_220 = arith.constant 0 : i32
      %dma_wait3A_221 = tpu.memref_slice %arg13[%add3A_147, %dma_wait3A_220] : memref<80128x16xf32, #tpu.memory_space<vmem_shared>> -> memref<78x16xf32, #tpu.memory_space<vmem_shared>>
      %dma_wait3A_222 = arith.constant 858 : i32
      %dma_wait3A_223 = arith.constant 0 : i32
      %dma_wait3A_224 = tpu.memref_slice %arg10[%dma_wait3A_222, %dma_wait3A_223] : memref<1248x16xf32, #tpu.memory_space<vmem>> -> memref<78x16xf32, #tpu.memory_space<vmem>>
      %dma_wait3A_225 = arith.constant 0 : i32
      %dma_wait3A_226 = tpu.memref_slice %arg13[%add3A_147, %dma_wait3A_225] : memref<80128x16xf32, #tpu.memory_space<vmem_shared>> -> memref<78x16xf32, #tpu.memory_space<vmem_shared>>
      tpu.wait_dma2 semaphore(%run_scoped3A_206 : memref<!tpu.dma_semaphore, #tpu.memory_space<semaphore_mem>>) src(%dma_wait3A_226 : memref<78x16xf32, #tpu.memory_space<vmem_shared>>) dst(%dma_wait3A_224 : memref<78x16xf32, #tpu.memory_space<vmem>>)
      tpu.yield
    }) : () -> ()
    %add3A_148 = arith.constant 60096 : i32
    %add3A_149 = arith.addi %add3A_148, %add3A_123 : i32
    "tpu.region"() ({
      %run_scoped3A_206 = tpu.sem_alloc : memref<!tpu.dma_semaphore, #tpu.memory_space<semaphore_mem>>
      %dma_start3A_207 = arith.constant 936 : i32
      %dma_start3A_208 = arith.constant 0 : i32
      %dma_start3A_209 = tpu.memref_slice %arg10[%dma_start3A_207, %dma_start3A_208] : memref<1248x16xf32, #tpu.memory_space<vmem>> -> memref<78x16xf32, #tpu.memory_space<vmem>>
      %dma_start3A_210 = arith.constant 0 : i32
      %dma_start3A_211 = tpu.memref_slice %arg13[%add3A_149, %dma_start3A_210] : memref<80128x16xf32, #tpu.memory_space<vmem_shared>> -> memref<78x16xf32, #tpu.memory_space<vmem_shared>>
      %dma_start3A_212 = arith.constant 936 : i32
      %dma_start3A_213 = arith.constant 0 : i32
      %dma_start3A_214 = tpu.memref_slice %arg10[%dma_start3A_212, %dma_start3A_213] : memref<1248x16xf32, #tpu.memory_space<vmem>> -> memref<78x16xf32, #tpu.memory_space<vmem>>
      %dma_start3A_215 = arith.constant 0 : i32
      %dma_start3A_216 = tpu.memref_slice %arg13[%add3A_149, %dma_start3A_215] : memref<80128x16xf32, #tpu.memory_space<vmem_shared>> -> memref<78x16xf32, #tpu.memory_space<vmem_shared>>
      tpu.enqueue_dma source(%dma_start3A_216 : memref<78x16xf32, #tpu.memory_space<vmem_shared>>) target(%dma_start3A_214 : memref<78x16xf32, #tpu.memory_space<vmem>>) target_semaphore(%run_scoped3A_206 : memref<!tpu.dma_semaphore, #tpu.memory_space<semaphore_mem>>)
      %dma_wait3A_217 = arith.constant 936 : i32
      %dma_wait3A_218 = arith.constant 0 : i32
      %dma_wait3A_219 = tpu.memref_slice %arg10[%dma_wait3A_217, %dma_wait3A_218] : memref<1248x16xf32, #tpu.memory_space<vmem>> -> memref<78x16xf32, #tpu.memory_space<vmem>>
      %dma_wait3A_220 = arith.constant 0 : i32
      %dma_wait3A_221 = tpu.memref_slice %arg13[%add3A_149, %dma_wait3A_220] : memref<80128x16xf32, #tpu.memory_space<vmem_shared>> -> memref<78x16xf32, #tpu.memory_space<vmem_shared>>
      %dma_wait3A_222 = arith.constant 936 : i32
      %dma_wait3A_223 = arith.constant 0 : i32
      %dma_wait3A_224 = tpu.memref_slice %arg10[%dma_wait3A_222, %dma_wait3A_223] : memref<1248x16xf32, #tpu.memory_space<vmem>> -> memref<78x16xf32, #tpu.memory_space<vmem>>
      %dma_wait3A_225 = arith.constant 0 : i32
      %dma_wait3A_226 = tpu.memref_slice %arg13[%add3A_149, %dma_wait3A_225] : memref<80128x16xf32, #tpu.memory_space<vmem_shared>> -> memref<78x16xf32, #tpu.memory_space<vmem_shared>>
      tpu.wait_dma2 semaphore(%run_scoped3A_206 : memref<!tpu.dma_semaphore, #tpu.memory_space<semaphore_mem>>) src(%dma_wait3A_226 : memref<78x16xf32, #tpu.memory_space<vmem_shared>>) dst(%dma_wait3A_224 : memref<78x16xf32, #tpu.memory_space<vmem>>)
      tpu.yield
    }) : () -> ()
    %add3A_150 = arith.constant 65104 : i32
    %add3A_151 = arith.addi %add3A_150, %add3A_123 : i32
    "tpu.region"() ({
      %run_scoped3A_206 = tpu.sem_alloc : memref<!tpu.dma_semaphore, #tpu.memory_space<semaphore_mem>>
      %dma_start3A_207 = arith.constant 1014 : i32
      %dma_start3A_208 = arith.constant 0 : i32
      %dma_start3A_209 = tpu.memref_slice %arg10[%dma_start3A_207, %dma_start3A_208] : memref<1248x16xf32, #tpu.memory_space<vmem>> -> memref<78x16xf32, #tpu.memory_space<vmem>>
      %dma_start3A_210 = arith.constant 0 : i32
      %dma_start3A_211 = tpu.memref_slice %arg13[%add3A_151, %dma_start3A_210] : memref<80128x16xf32, #tpu.memory_space<vmem_shared>> -> memref<78x16xf32, #tpu.memory_space<vmem_shared>>
      %dma_start3A_212 = arith.constant 1014 : i32
      %dma_start3A_213 = arith.constant 0 : i32
      %dma_start3A_214 = tpu.memref_slice %arg10[%dma_start3A_212, %dma_start3A_213] : memref<1248x16xf32, #tpu.memory_space<vmem>> -> memref<78x16xf32, #tpu.memory_space<vmem>>
      %dma_start3A_215 = arith.constant 0 : i32
      %dma_start3A_216 = tpu.memref_slice %arg13[%add3A_151, %dma_start3A_215] : memref<80128x16xf32, #tpu.memory_space<vmem_shared>> -> memref<78x16xf32, #tpu.memory_space<vmem_shared>>
      tpu.enqueue_dma source(%dma_start3A_216 : memref<78x16xf32, #tpu.memory_space<vmem_shared>>) target(%dma_start3A_214 : memref<78x16xf32, #tpu.memory_space<vmem>>) target_semaphore(%run_scoped3A_206 : memref<!tpu.dma_semaphore, #tpu.memory_space<semaphore_mem>>)
      %dma_wait3A_217 = arith.constant 1014 : i32
      %dma_wait3A_218 = arith.constant 0 : i32
      %dma_wait3A_219 = tpu.memref_slice %arg10[%dma_wait3A_217, %dma_wait3A_218] : memref<1248x16xf32, #tpu.memory_space<vmem>> -> memref<78x16xf32, #tpu.memory_space<vmem>>
      %dma_wait3A_220 = arith.constant 0 : i32
      %dma_wait3A_221 = tpu.memref_slice %arg13[%add3A_151, %dma_wait3A_220] : memref<80128x16xf32, #tpu.memory_space<vmem_shared>> -> memref<78x16xf32, #tpu.memory_space<vmem_shared>>
      %dma_wait3A_222 = arith.constant 1014 : i32
      %dma_wait3A_223 = arith.constant 0 : i32
      %dma_wait3A_224 = tpu.memref_slice %arg10[%dma_wait3A_222, %dma_wait3A_223] : memref<1248x16xf32, #tpu.memory_space<vmem>> -> memref<78x16xf32, #tpu.memory_space<vmem>>
      %dma_wait3A_225 = arith.constant 0 : i32
      %dma_wait3A_226 = tpu.memref_slice %arg13[%add3A_151, %dma_wait3A_225] : memref<80128x16xf32, #tpu.memory_space<vmem_shared>> -> memref<78x16xf32, #tpu.memory_space<vmem_shared>>
      tpu.wait_dma2 semaphore(%run_scoped3A_206 : memref<!tpu.dma_semaphore, #tpu.memory_space<semaphore_mem>>) src(%dma_wait3A_226 : memref<78x16xf32, #tpu.memory_space<vmem_shared>>) dst(%dma_wait3A_224 : memref<78x16xf32, #tpu.memory_space<vmem>>)
      tpu.yield
    }) : () -> ()
    %add3A_152 = arith.constant 70112 : i32
    %add3A_153 = arith.addi %add3A_152, %add3A_123 : i32
    "tpu.region"() ({
      %run_scoped3A_206 = tpu.sem_alloc : memref<!tpu.dma_semaphore, #tpu.memory_space<semaphore_mem>>
      %dma_start3A_207 = arith.constant 1092 : i32
      %dma_start3A_208 = arith.constant 0 : i32
      %dma_start3A_209 = tpu.memref_slice %arg10[%dma_start3A_207, %dma_start3A_208] : memref<1248x16xf32, #tpu.memory_space<vmem>> -> memref<78x16xf32, #tpu.memory_space<vmem>>
      %dma_start3A_210 = arith.constant 0 : i32
      %dma_start3A_211 = tpu.memref_slice %arg13[%add3A_153, %dma_start3A_210] : memref<80128x16xf32, #tpu.memory_space<vmem_shared>> -> memref<78x16xf32, #tpu.memory_space<vmem_shared>>
      %dma_start3A_212 = arith.constant 1092 : i32
      %dma_start3A_213 = arith.constant 0 : i32
      %dma_start3A_214 = tpu.memref_slice %arg10[%dma_start3A_212, %dma_start3A_213] : memref<1248x16xf32, #tpu.memory_space<vmem>> -> memref<78x16xf32, #tpu.memory_space<vmem>>
      %dma_start3A_215 = arith.constant 0 : i32
      %dma_start3A_216 = tpu.memref_slice %arg13[%add3A_153, %dma_start3A_215] : memref<80128x16xf32, #tpu.memory_space<vmem_shared>> -> memref<78x16xf32, #tpu.memory_space<vmem_shared>>
      tpu.enqueue_dma source(%dma_start3A_216 : memref<78x16xf32, #tpu.memory_space<vmem_shared>>) target(%dma_start3A_214 : memref<78x16xf32, #tpu.memory_space<vmem>>) target_semaphore(%run_scoped3A_206 : memref<!tpu.dma_semaphore, #tpu.memory_space<semaphore_mem>>)
      %dma_wait3A_217 = arith.constant 1092 : i32
      %dma_wait3A_218 = arith.constant 0 : i32
      %dma_wait3A_219 = tpu.memref_slice %arg10[%dma_wait3A_217, %dma_wait3A_218] : memref<1248x16xf32, #tpu.memory_space<vmem>> -> memref<78x16xf32, #tpu.memory_space<vmem>>
      %dma_wait3A_220 = arith.constant 0 : i32
      %dma_wait3A_221 = tpu.memref_slice %arg13[%add3A_153, %dma_wait3A_220] : memref<80128x16xf32, #tpu.memory_space<vmem_shared>> -> memref<78x16xf32, #tpu.memory_space<vmem_shared>>
      %dma_wait3A_222 = arith.constant 1092 : i32
      %dma_wait3A_223 = arith.constant 0 : i32
      %dma_wait3A_224 = tpu.memref_slice %arg10[%dma_wait3A_222, %dma_wait3A_223] : memref<1248x16xf32, #tpu.memory_space<vmem>> -> memref<78x16xf32, #tpu.memory_space<vmem>>
      %dma_wait3A_225 = arith.constant 0 : i32
      %dma_wait3A_226 = tpu.memref_slice %arg13[%add3A_153, %dma_wait3A_225] : memref<80128x16xf32, #tpu.memory_space<vmem_shared>> -> memref<78x16xf32, #tpu.memory_space<vmem_shared>>
      tpu.wait_dma2 semaphore(%run_scoped3A_206 : memref<!tpu.dma_semaphore, #tpu.memory_space<semaphore_mem>>) src(%dma_wait3A_226 : memref<78x16xf32, #tpu.memory_space<vmem_shared>>) dst(%dma_wait3A_224 : memref<78x16xf32, #tpu.memory_space<vmem>>)
      tpu.yield
    }) : () -> ()
    %add3A_154 = arith.constant 75120 : i32
    %add3A_155 = arith.addi %add3A_154, %add3A_123 : i32
    "tpu.region"() ({
      %run_scoped3A_206 = tpu.sem_alloc : memref<!tpu.dma_semaphore, #tpu.memory_space<semaphore_mem>>
      %dma_start3A_207 = arith.constant 1170 : i32
      %dma_start3A_208 = arith.constant 0 : i32
      %dma_start3A_209 = tpu.memref_slice %arg10[%dma_start3A_207, %dma_start3A_208] : memref<1248x16xf32, #tpu.memory_space<vmem>> -> memref<78x16xf32, #tpu.memory_space<vmem>>
      %dma_start3A_210 = arith.constant 0 : i32
      %dma_start3A_211 = tpu.memref_slice %arg13[%add3A_155, %dma_start3A_210] : memref<80128x16xf32, #tpu.memory_space<vmem_shared>> -> memref<78x16xf32, #tpu.memory_space<vmem_shared>>
      %dma_start3A_212 = arith.constant 1170 : i32
      %dma_start3A_213 = arith.constant 0 : i32
      %dma_start3A_214 = tpu.memref_slice %arg10[%dma_start3A_212, %dma_start3A_213] : memref<1248x16xf32, #tpu.memory_space<vmem>> -> memref<78x16xf32, #tpu.memory_space<vmem>>
      %dma_start3A_215 = arith.constant 0 : i32
      %dma_start3A_216 = tpu.memref_slice %arg13[%add3A_155, %dma_start3A_215] : memref<80128x16xf32, #tpu.memory_space<vmem_shared>> -> memref<78x16xf32, #tpu.memory_space<vmem_shared>>
      tpu.enqueue_dma source(%dma_start3A_216 : memref<78x16xf32, #tpu.memory_space<vmem_shared>>) target(%dma_start3A_214 : memref<78x16xf32, #tpu.memory_space<vmem>>) target_semaphore(%run_scoped3A_206 : memref<!tpu.dma_semaphore, #tpu.memory_space<semaphore_mem>>)
      %dma_wait3A_217 = arith.constant 1170 : i32
      %dma_wait3A_218 = arith.constant 0 : i32
      %dma_wait3A_219 = tpu.memref_slice %arg10[%dma_wait3A_217, %dma_wait3A_218] : memref<1248x16xf32, #tpu.memory_space<vmem>> -> memref<78x16xf32, #tpu.memory_space<vmem>>
      %dma_wait3A_220 = arith.constant 0 : i32
      %dma_wait3A_221 = tpu.memref_slice %arg13[%add3A_155, %dma_wait3A_220] : memref<80128x16xf32, #tpu.memory_space<vmem_shared>> -> memref<78x16xf32, #tpu.memory_space<vmem_shared>>
      %dma_wait3A_222 = arith.constant 1170 : i32
      %dma_wait3A_223 = arith.constant 0 : i32
      %dma_wait3A_224 = tpu.memref_slice %arg10[%dma_wait3A_222, %dma_wait3A_223] : memref<1248x16xf32, #tpu.memory_space<vmem>> -> memref<78x16xf32, #tpu.memory_space<vmem>>
      %dma_wait3A_225 = arith.constant 0 : i32
      %dma_wait3A_226 = tpu.memref_slice %arg13[%add3A_155, %dma_wait3A_225] : memref<80128x16xf32, #tpu.memory_space<vmem_shared>> -> memref<78x16xf32, #tpu.memory_space<vmem_shared>>
      tpu.wait_dma2 semaphore(%run_scoped3A_206 : memref<!tpu.dma_semaphore, #tpu.memory_space<semaphore_mem>>) src(%dma_wait3A_226 : memref<78x16xf32, #tpu.memory_space<vmem_shared>>) dst(%dma_wait3A_224 : memref<78x16xf32, #tpu.memory_space<vmem>>)
      tpu.yield
    }) : () -> ()
    %scan3A_156 = arith.constant 0 : i32
    %scan3A_157 = arith.constant 78 : i32
    %scan3A_158 = arith.addi %scan3A_156, %scan3A_157 : i32
    %scan3A_159 = arith.constant 1 : i32
    scf.for %scan3A_206 = %scan3A_156 to %scan3A_158 step %scan3A_159  : i32 {
      %mul3A_207 = arith.constant 1 : i32
      %mul3A_208 = arith.muli %scan3A_206, %mul3A_207 : i32
      %add3A_209 = arith.constant 0 : i32
      %add3A_210 = arith.addi %add3A_209, %mul3A_208 : i32
      %get3A = arith.index_cast %add3A_210 : i32 to index
      %get3A_211 = arith.constant 0 : index
      %get3A_212 = tpu.vector_load %arg10[%get3A, %get3A_211] {strides = array<i32>} : memref<1248x16xf32, #tpu.memory_space<vmem>>, vector<1x16xf32>,
      %get3A_213 = vector.shape_cast %get3A_212 : vector<1x16xf32> to vector<16xf32>
      %add3A_214 = arith.constant 78 : i32
      %add3A_215 = arith.addi %add3A_214, %add3A_210 : i32
      %get3A_216 = arith.index_cast %add3A_215 : i32 to index
      %get3A_217 = arith.constant 0 : index
      %get3A_218 = tpu.vector_load %arg10[%get3A_216, %get3A_217] {strides = array<i32>} : memref<1248x16xf32, #tpu.memory_space<vmem>>, vector<1x16xf32>,
      %get3A_219 = vector.shape_cast %get3A_218 : vector<1x16xf32> to vector<16xf32>
      %add3A_220 = arith.addf %get3A_213, %get3A_219 : vector<16xf32>
      %add3A_221 = arith.constant 156 : i32
      %add3A_222 = arith.addi %add3A_221, %add3A_210 : i32
      %get3A_223 = arith.index_cast %add3A_222 : i32 to index
      %get3A_224 = arith.constant 0 : index
      %get3A_225 = tpu.vector_load %arg10[%get3A_223, %get3A_224] {strides = array<i32>} : memref<1248x16xf32, #tpu.memory_space<vmem>>, vector<1x16xf32>,
      %get3A_226 = vector.shape_cast %get3A_225 : vector<1x16xf32> to vector<16xf32>
      %add3A_227 = arith.addf %add3A_220, %get3A_226 : vector<16xf32>
      %add3A_228 = arith.constant 234 : i32
      %add3A_229 = arith.addi %add3A_228, %add3A_210 : i32
      %get3A_230 = arith.index_cast %add3A_229 : i32 to index
      %get3A_231 = arith.constant 0 : index
      %get3A_232 = tpu.vector_load %arg10[%get3A_230, %get3A_231] {strides = array<i32>} : memref<1248x16xf32, #tpu.memory_space<vmem>>, vector<1x16xf32>,
      %get3A_233 = vector.shape_cast %get3A_232 : vector<1x16xf32> to vector<16xf32>
      %add3A_234 = arith.addf %add3A_227, %get3A_233 : vector<16xf32>
      %add3A_235 = arith.constant 312 : i32
      %add3A_236 = arith.addi %add3A_235, %add3A_210 : i32
      %get3A_237 = arith.index_cast %add3A_236 : i32 to index
      %get3A_238 = arith.constant 0 : index
      %get3A_239 = tpu.vector_load %arg10[%get3A_237, %get3A_238] {strides = array<i32>} : memref<1248x16xf32, #tpu.memory_space<vmem>>, vector<1x16xf32>,
      %get3A_240 = vector.shape_cast %get3A_239 : vector<1x16xf32> to vector<16xf32>
      %add3A_241 = arith.addf %add3A_234, %get3A_240 : vector<16xf32>
      %add3A_242 = arith.constant 390 : i32
      %add3A_243 = arith.addi %add3A_242, %add3A_210 : i32
      %get3A_244 = arith.index_cast %add3A_243 : i32 to index
      %get3A_245 = arith.constant 0 : index
      %get3A_246 = tpu.vector_load %arg10[%get3A_244, %get3A_245] {strides = array<i32>} : memref<1248x16xf32, #tpu.memory_space<vmem>>, vector<1x16xf32>,
      %get3A_247 = vector.shape_cast %get3A_246 : vector<1x16xf32> to vector<16xf32>
      %add3A_248 = arith.addf %add3A_241, %get3A_247 : vector<16xf32>
      %add3A_249 = arith.constant 468 : i32
      %add3A_250 = arith.addi %add3A_249, %add3A_210 : i32
      %get3A_251 = arith.index_cast %add3A_250 : i32 to index
      %get3A_252 = arith.constant 0 : index
      %get3A_253 = tpu.vector_load %arg10[%get3A_251, %get3A_252] {strides = array<i32>} : memref<1248x16xf32, #tpu.memory_space<vmem>>, vector<1x16xf32>,
      %get3A_254 = vector.shape_cast %get3A_253 : vector<1x16xf32> to vector<16xf32>
      %add3A_255 = arith.addf %add3A_248, %get3A_254 : vector<16xf32>
      %add3A_256 = arith.constant 546 : i32
      %add3A_257 = arith.addi %add3A_256, %add3A_210 : i32
      %get3A_258 = arith.index_cast %add3A_257 : i32 to index
      %get3A_259 = arith.constant 0 : index
      %get3A_260 = tpu.vector_load %arg10[%get3A_258, %get3A_259] {strides = array<i32>} : memref<1248x16xf32, #tpu.memory_space<vmem>>, vector<1x16xf32>,
      %get3A_261 = vector.shape_cast %get3A_260 : vector<1x16xf32> to vector<16xf32>
      %add3A_262 = arith.addf %add3A_255, %get3A_261 : vector<16xf32>
      %add3A_263 = arith.constant 624 : i32
      %add3A_264 = arith.addi %add3A_263, %add3A_210 : i32
      %get3A_265 = arith.index_cast %add3A_264 : i32 to index
      %get3A_266 = arith.constant 0 : index
      %get3A_267 = tpu.vector_load %arg10[%get3A_265, %get3A_266] {strides = array<i32>} : memref<1248x16xf32, #tpu.memory_space<vmem>>, vector<1x16xf32>,
      %get3A_268 = vector.shape_cast %get3A_267 : vector<1x16xf32> to vector<16xf32>
      %add3A_269 = arith.addf %add3A_262, %get3A_268 : vector<16xf32>
      %add3A_270 = arith.constant 702 : i32
      %add3A_271 = arith.addi %add3A_270, %add3A_210 : i32
      %get3A_272 = arith.index_cast %add3A_271 : i32 to index
      %get3A_273 = arith.constant 0 : index
      %get3A_274 = tpu.vector_load %arg10[%get3A_272, %get3A_273] {strides = array<i32>} : memref<1248x16xf32, #tpu.memory_space<vmem>>, vector<1x16xf32>,
      %get3A_275 = vector.shape_cast %get3A_274 : vector<1x16xf32> to vector<16xf32>
      %add3A_276 = arith.addf %add3A_269, %get3A_275 : vector<16xf32>
      %add3A_277 = arith.constant 780 : i32
      %add3A_278 = arith.addi %add3A_277, %add3A_210 : i32
      %get3A_279 = arith.index_cast %add3A_278 : i32 to index
      %get3A_280 = arith.constant 0 : index
      %get3A_281 = tpu.vector_load %arg10[%get3A_279, %get3A_280] {strides = array<i32>} : memref<1248x16xf32, #tpu.memory_space<vmem>>, vector<1x16xf32>,
      %get3A_282 = vector.shape_cast %get3A_281 : vector<1x16xf32> to vector<16xf32>
      %add3A_283 = arith.addf %add3A_276, %get3A_282 : vector<16xf32>
      %add3A_284 = arith.constant 858 : i32
      %add3A_285 = arith.addi %add3A_284, %add3A_210 : i32
      %get3A_286 = arith.index_cast %add3A_285 : i32 to index
      %get3A_287 = arith.constant 0 : index
      %get3A_288 = tpu.vector_load %arg10[%get3A_286, %get3A_287] {strides = array<i32>} : memref<1248x16xf32, #tpu.memory_space<vmem>>, vector<1x16xf32>,
      %get3A_289 = vector.shape_cast %get3A_288 : vector<1x16xf32> to vector<16xf32>
      %add3A_290 = arith.addf %add3A_283, %get3A_289 : vector<16xf32>
      %add3A_291 = arith.constant 936 : i32
      %add3A_292 = arith.addi %add3A_291, %add3A_210 : i32
      %get3A_293 = arith.index_cast %add3A_292 : i32 to index
      %get3A_294 = arith.constant 0 : index
      %get3A_295 = tpu.vector_load %arg10[%get3A_293, %get3A_294] {strides = array<i32>} : memref<1248x16xf32, #tpu.memory_space<vmem>>, vector<1x16xf32>,
      %get3A_296 = vector.shape_cast %get3A_295 : vector<1x16xf32> to vector<16xf32>
      %add3A_297 = arith.addf %add3A_290, %get3A_296 : vector<16xf32>
      %add3A_298 = arith.constant 1014 : i32
      %add3A_299 = arith.addi %add3A_298, %add3A_210 : i32
      %get3A_300 = arith.index_cast %add3A_299 : i32 to index
      %get3A_301 = arith.constant 0 : index
      %get3A_302 = tpu.vector_load %arg10[%get3A_300, %get3A_301] {strides = array<i32>} : memref<1248x16xf32, #tpu.memory_space<vmem>>, vector<1x16xf32>,
      %get3A_303 = vector.shape_cast %get3A_302 : vector<1x16xf32> to vector<16xf32>
      %add3A_304 = arith.addf %add3A_297, %get3A_303 : vector<16xf32>
      %add3A_305 = arith.constant 1092 : i32
      %add3A_306 = arith.addi %add3A_305, %add3A_210 : i32
      %get3A_307 = arith.index_cast %add3A_306 : i32 to index
      %get3A_308 = arith.constant 0 : index
      %get3A_309 = tpu.vector_load %arg10[%get3A_307, %get3A_308] {strides = array<i32>} : memref<1248x16xf32, #tpu.memory_space<vmem>>, vector<1x16xf32>,
      %get3A_310 = vector.shape_cast %get3A_309 : vector<1x16xf32> to vector<16xf32>
      %add3A_311 = arith.addf %add3A_304, %get3A_310 : vector<16xf32>
      %add3A_312 = arith.constant 1170 : i32
      %add3A_313 = arith.addi %add3A_312, %add3A_210 : i32
      %get3A_314 = arith.index_cast %add3A_313 : i32 to index
      %get3A_315 = arith.constant 0 : index
      %get3A_316 = tpu.vector_load %arg10[%get3A_314, %get3A_315] {strides = array<i32>} : memref<1248x16xf32, #tpu.memory_space<vmem>>, vector<1x16xf32>,
      %get3A_317 = vector.shape_cast %get3A_316 : vector<1x16xf32> to vector<16xf32>
      %add3A_318 = arith.addf %add3A_311, %get3A_317 : vector<16xf32>
      %swap3A = arith.index_cast %add3A_210 : i32 to index
      %swap3A_319 = arith.constant 0 : index
      %swap3A_320 = tpu.vector_load %arg9[%swap3A, %swap3A_319] {strides = array<i32>} : memref<78x16xf32, #tpu.memory_space<vmem>>, vector<1x16xf32>,
      %swap3A_321 = vector.shape_cast %swap3A_320 : vector<1x16xf32> to vector<16xf32>
      %swap3A_322 = vector.shape_cast %add3A_318 : vector<16xf32> to vector<1x16xf32>
      tpu.vector_store %arg9[%swap3A, %swap3A_319], %swap3A_322 {strides = array<i32>} : memref<78x16xf32, #tpu.memory_space<vmem>>, vector<1x16xf32>,
    }
    %scan3A_160 = arith.constant 78 : i32
    %add3A_161 = arith.addi %mul3A_0, %add3A_123 : i32
    "tpu.region"() ({
      %run_scoped3A_206 = tpu.sem_alloc : memref<!tpu.dma_semaphore, #tpu.memory_space<semaphore_mem>>
      %dma_start3A_207 = arith.constant 0 : i32
      %dma_start3A_208 = arith.constant 0 : i32
      %dma_start3A_209 = tpu.memref_slice %arg9[%dma_start3A_207, %dma_start3A_208] : memref<78x16xf32, #tpu.memory_space<vmem>> -> memref<78x16xf32, #tpu.memory_space<vmem>>
      %dma_start3A_210 = arith.constant 0 : i32
      %dma_start3A_211 = tpu.memref_slice %arg5[%add3A_161, %dma_start3A_210] : memref<10000x16xf32, #tpu.memory_space<hbm>> -> memref<78x16xf32, #tpu.memory_space<hbm>>
      %dma_start3A_212 = arith.constant 0 : i32
      %dma_start3A_213 = tpu.memref_slice %arg5[%add3A_161, %dma_start3A_212] : memref<10000x16xf32, #tpu.memory_space<hbm>> -> memref<78x16xf32, #tpu.memory_space<hbm>>
      %dma_start3A_214 = arith.constant 0 : i32
      %dma_start3A_215 = arith.constant 0 : i32
      %dma_start3A_216 = tpu.memref_slice %arg9[%dma_start3A_214, %dma_start3A_215] : memref<78x16xf32, #tpu.memory_space<vmem>> -> memref<78x16xf32, #tpu.memory_space<vmem>>
      tpu.enqueue_dma source(%dma_start3A_216 : memref<78x16xf32, #tpu.memory_space<vmem>>) target(%dma_start3A_213 : memref<78x16xf32, #tpu.memory_space<hbm>>) target_semaphore(%run_scoped3A_206 : memref<!tpu.dma_semaphore, #tpu.memory_space<semaphore_mem>>)
      %dma_wait3A_217 = arith.constant 0 : i32
      %dma_wait3A_218 = arith.constant 0 : i32
      %dma_wait3A_219 = tpu.memref_slice %arg9[%dma_wait3A_217, %dma_wait3A_218] : memref<78x16xf32, #tpu.memory_space<vmem>> -> memref<78x16xf32, #tpu.memory_space<vmem>>
      %dma_wait3A_220 = arith.constant 0 : i32
      %dma_wait3A_221 = tpu.memref_slice %arg5[%add3A_161, %dma_wait3A_220] : memref<10000x16xf32, #tpu.memory_space<hbm>> -> memref<78x16xf32, #tpu.memory_space<hbm>>
      %dma_wait3A_222 = arith.constant 0 : i32
      %dma_wait3A_223 = tpu.memref_slice %arg5[%add3A_161, %dma_wait3A_222] : memref<10000x16xf32, #tpu.memory_space<hbm>> -> memref<78x16xf32, #tpu.memory_space<hbm>>
      %dma_wait3A_224 = arith.constant 0 : i32
      %dma_wait3A_225 = arith.constant 0 : i32
      %dma_wait3A_226 = tpu.memref_slice %arg9[%dma_wait3A_224, %dma_wait3A_225] : memref<78x16xf32, #tpu.memory_space<vmem>> -> memref<78x16xf32, #tpu.memory_space<vmem>>
      tpu.wait_dma2 semaphore(%run_scoped3A_206 : memref<!tpu.dma_semaphore, #tpu.memory_space<semaphore_mem>>) src(%dma_wait3A_226 : memref<78x16xf32, #tpu.memory_space<vmem>>) dst(%dma_wait3A_223 : memref<78x16xf32, #tpu.memory_space<hbm>>)
      tpu.yield
    }) : () -> ()
    %mul3A_162 = arith.constant 312 : i32
    %mul3A_163 = arith.muli %arg1, %mul3A_162 : i32
    %add3A_164 = arith.constant 234 : i32
    %add3A_165 = arith.addi %mul3A_163, %add3A_164 : i32
    %add3A_166 = arith.constant 0 : i32
    %add3A_167 = arith.addi %add3A_166, %add3A_165 : i32
    "tpu.region"() ({
      %run_scoped3A_206 = tpu.sem_alloc : memref<!tpu.dma_semaphore, #tpu.memory_space<semaphore_mem>>
      %dma_start3A_207 = arith.constant 0 : i32
      %dma_start3A_208 = arith.constant 0 : i32
      %dma_start3A_209 = tpu.memref_slice %arg10[%dma_start3A_207, %dma_start3A_208] : memref<1248x16xf32, #tpu.memory_space<vmem>> -> memref<78x16xf32, #tpu.memory_space<vmem>>
      %dma_start3A_210 = arith.constant 0 : i32
      %dma_start3A_211 = tpu.memref_slice %arg13[%add3A_167, %dma_start3A_210] : memref<80128x16xf32, #tpu.memory_space<vmem_shared>> -> memref<78x16xf32, #tpu.memory_space<vmem_shared>>
      %dma_start3A_212 = arith.constant 0 : i32
      %dma_start3A_213 = arith.constant 0 : i32
      %dma_start3A_214 = tpu.memref_slice %arg10[%dma_start3A_212, %dma_start3A_213] : memref<1248x16xf32, #tpu.memory_space<vmem>> -> memref<78x16xf32, #tpu.memory_space<vmem>>
      %dma_start3A_215 = arith.constant 0 : i32
      %dma_start3A_216 = tpu.memref_slice %arg13[%add3A_167, %dma_start3A_215] : memref<80128x16xf32, #tpu.memory_space<vmem_shared>> -> memref<78x16xf32, #tpu.memory_space<vmem_shared>>
      tpu.enqueue_dma source(%dma_start3A_216 : memref<78x16xf32, #tpu.memory_space<vmem_shared>>) target(%dma_start3A_214 : memref<78x16xf32, #tpu.memory_space<vmem>>) target_semaphore(%run_scoped3A_206 : memref<!tpu.dma_semaphore, #tpu.memory_space<semaphore_mem>>)
      %dma_wait3A_217 = arith.constant 0 : i32
      %dma_wait3A_218 = arith.constant 0 : i32
      %dma_wait3A_219 = tpu.memref_slice %arg10[%dma_wait3A_217, %dma_wait3A_218] : memref<1248x16xf32, #tpu.memory_space<vmem>> -> memref<78x16xf32, #tpu.memory_space<vmem>>
      %dma_wait3A_220 = arith.constant 0 : i32
      %dma_wait3A_221 = tpu.memref_slice %arg13[%add3A_167, %dma_wait3A_220] : memref<80128x16xf32, #tpu.memory_space<vmem_shared>> -> memref<78x16xf32, #tpu.memory_space<vmem_shared>>
      %dma_wait3A_222 = arith.constant 0 : i32
      %dma_wait3A_223 = arith.constant 0 : i32
      %dma_wait3A_224 = tpu.memref_slice %arg10[%dma_wait3A_222, %dma_wait3A_223] : memref<1248x16xf32, #tpu.memory_space<vmem>> -> memref<78x16xf32, #tpu.memory_space<vmem>>
      %dma_wait3A_225 = arith.constant 0 : i32
      %dma_wait3A_226 = tpu.memref_slice %arg13[%add3A_167, %dma_wait3A_225] : memref<80128x16xf32, #tpu.memory_space<vmem_shared>> -> memref<78x16xf32, #tpu.memory_space<vmem_shared>>
      tpu.wait_dma2 semaphore(%run_scoped3A_206 : memref<!tpu.dma_semaphore, #tpu.memory_space<semaphore_mem>>) src(%dma_wait3A_226 : memref<78x16xf32, #tpu.memory_space<vmem_shared>>) dst(%dma_wait3A_224 : memref<78x16xf32, #tpu.memory_space<vmem>>)
      tpu.yield
    }) : () -> ()
    %add3A_168 = arith.constant 5008 : i32
    %add3A_169 = arith.addi %add3A_168, %add3A_165 : i32
    "tpu.region"() ({
      %run_scoped3A_206 = tpu.sem_alloc : memref<!tpu.dma_semaphore, #tpu.memory_space<semaphore_mem>>
      %dma_start3A_207 = arith.constant 78 : i32
      %dma_start3A_208 = arith.constant 0 : i32
      %dma_start3A_209 = tpu.memref_slice %arg10[%dma_start3A_207, %dma_start3A_208] : memref<1248x16xf32, #tpu.memory_space<vmem>> -> memref<78x16xf32, #tpu.memory_space<vmem>>
      %dma_start3A_210 = arith.constant 0 : i32
      %dma_start3A_211 = tpu.memref_slice %arg13[%add3A_169, %dma_start3A_210] : memref<80128x16xf32, #tpu.memory_space<vmem_shared>> -> memref<78x16xf32, #tpu.memory_space<vmem_shared>>
      %dma_start3A_212 = arith.constant 78 : i32
      %dma_start3A_213 = arith.constant 0 : i32
      %dma_start3A_214 = tpu.memref_slice %arg10[%dma_start3A_212, %dma_start3A_213] : memref<1248x16xf32, #tpu.memory_space<vmem>> -> memref<78x16xf32, #tpu.memory_space<vmem>>
      %dma_start3A_215 = arith.constant 0 : i32
      %dma_start3A_216 = tpu.memref_slice %arg13[%add3A_169, %dma_start3A_215] : memref<80128x16xf32, #tpu.memory_space<vmem_shared>> -> memref<78x16xf32, #tpu.memory_space<vmem_shared>>
      tpu.enqueue_dma source(%dma_start3A_216 : memref<78x16xf32, #tpu.memory_space<vmem_shared>>) target(%dma_start3A_214 : memref<78x16xf32, #tpu.memory_space<vmem>>) target_semaphore(%run_scoped3A_206 : memref<!tpu.dma_semaphore, #tpu.memory_space<semaphore_mem>>)
      %dma_wait3A_217 = arith.constant 78 : i32
      %dma_wait3A_218 = arith.constant 0 : i32
      %dma_wait3A_219 = tpu.memref_slice %arg10[%dma_wait3A_217, %dma_wait3A_218] : memref<1248x16xf32, #tpu.memory_space<vmem>> -> memref<78x16xf32, #tpu.memory_space<vmem>>
      %dma_wait3A_220 = arith.constant 0 : i32
      %dma_wait3A_221 = tpu.memref_slice %arg13[%add3A_169, %dma_wait3A_220] : memref<80128x16xf32, #tpu.memory_space<vmem_shared>> -> memref<78x16xf32, #tpu.memory_space<vmem_shared>>
      %dma_wait3A_222 = arith.constant 78 : i32
      %dma_wait3A_223 = arith.constant 0 : i32
      %dma_wait3A_224 = tpu.memref_slice %arg10[%dma_wait3A_222, %dma_wait3A_223] : memref<1248x16xf32, #tpu.memory_space<vmem>> -> memref<78x16xf32, #tpu.memory_space<vmem>>
      %dma_wait3A_225 = arith.constant 0 : i32
      %dma_wait3A_226 = tpu.memref_slice %arg13[%add3A_169, %dma_wait3A_225] : memref<80128x16xf32, #tpu.memory_space<vmem_shared>> -> memref<78x16xf32, #tpu.memory_space<vmem_shared>>
      tpu.wait_dma2 semaphore(%run_scoped3A_206 : memref<!tpu.dma_semaphore, #tpu.memory_space<semaphore_mem>>) src(%dma_wait3A_226 : memref<78x16xf32, #tpu.memory_space<vmem_shared>>) dst(%dma_wait3A_224 : memref<78x16xf32, #tpu.memory_space<vmem>>)
      tpu.yield
    }) : () -> ()
    %add3A_170 = arith.constant 10016 : i32
    %add3A_171 = arith.addi %add3A_170, %add3A_165 : i32
    "tpu.region"() ({
      %run_scoped3A_206 = tpu.sem_alloc : memref<!tpu.dma_semaphore, #tpu.memory_space<semaphore_mem>>
      %dma_start3A_207 = arith.constant 156 : i32
      %dma_start3A_208 = arith.constant 0 : i32
      %dma_start3A_209 = tpu.memref_slice %arg10[%dma_start3A_207, %dma_start3A_208] : memref<1248x16xf32, #tpu.memory_space<vmem>> -> memref<78x16xf32, #tpu.memory_space<vmem>>
      %dma_start3A_210 = arith.constant 0 : i32
      %dma_start3A_211 = tpu.memref_slice %arg13[%add3A_171, %dma_start3A_210] : memref<80128x16xf32, #tpu.memory_space<vmem_shared>> -> memref<78x16xf32, #tpu.memory_space<vmem_shared>>
      %dma_start3A_212 = arith.constant 156 : i32
      %dma_start3A_213 = arith.constant 0 : i32
      %dma_start3A_214 = tpu.memref_slice %arg10[%dma_start3A_212, %dma_start3A_213] : memref<1248x16xf32, #tpu.memory_space<vmem>> -> memref<78x16xf32, #tpu.memory_space<vmem>>
      %dma_start3A_215 = arith.constant 0 : i32
      %dma_start3A_216 = tpu.memref_slice %arg13[%add3A_171, %dma_start3A_215] : memref<80128x16xf32, #tpu.memory_space<vmem_shared>> -> memref<78x16xf32, #tpu.memory_space<vmem_shared>>
      tpu.enqueue_dma source(%dma_start3A_216 : memref<78x16xf32, #tpu.memory_space<vmem_shared>>) target(%dma_start3A_214 : memref<78x16xf32, #tpu.memory_space<vmem>>) target_semaphore(%run_scoped3A_206 : memref<!tpu.dma_semaphore, #tpu.memory_space<semaphore_mem>>)
      %dma_wait3A_217 = arith.constant 156 : i32
      %dma_wait3A_218 = arith.constant 0 : i32
      %dma_wait3A_219 = tpu.memref_slice %arg10[%dma_wait3A_217, %dma_wait3A_218] : memref<1248x16xf32, #tpu.memory_space<vmem>> -> memref<78x16xf32, #tpu.memory_space<vmem>>
      %dma_wait3A_220 = arith.constant 0 : i32
      %dma_wait3A_221 = tpu.memref_slice %arg13[%add3A_171, %dma_wait3A_220] : memref<80128x16xf32, #tpu.memory_space<vmem_shared>> -> memref<78x16xf32, #tpu.memory_space<vmem_shared>>
      %dma_wait3A_222 = arith.constant 156 : i32
      %dma_wait3A_223 = arith.constant 0 : i32
      %dma_wait3A_224 = tpu.memref_slice %arg10[%dma_wait3A_222, %dma_wait3A_223] : memref<1248x16xf32, #tpu.memory_space<vmem>> -> memref<78x16xf32, #tpu.memory_space<vmem>>
      %dma_wait3A_225 = arith.constant 0 : i32
      %dma_wait3A_226 = tpu.memref_slice %arg13[%add3A_171, %dma_wait3A_225] : memref<80128x16xf32, #tpu.memory_space<vmem_shared>> -> memref<78x16xf32, #tpu.memory_space<vmem_shared>>
      tpu.wait_dma2 semaphore(%run_scoped3A_206 : memref<!tpu.dma_semaphore, #tpu.memory_space<semaphore_mem>>) src(%dma_wait3A_226 : memref<78x16xf32, #tpu.memory_space<vmem_shared>>) dst(%dma_wait3A_224 : memref<78x16xf32, #tpu.memory_space<vmem>>)
      tpu.yield
    }) : () -> ()
    %add3A_172 = arith.constant 15024 : i32
    %add3A_173 = arith.addi %add3A_172, %add3A_165 : i32
    "tpu.region"() ({
      %run_scoped3A_206 = tpu.sem_alloc : memref<!tpu.dma_semaphore, #tpu.memory_space<semaphore_mem>>
      %dma_start3A_207 = arith.constant 234 : i32
      %dma_start3A_208 = arith.constant 0 : i32
      %dma_start3A_209 = tpu.memref_slice %arg10[%dma_start3A_207, %dma_start3A_208] : memref<1248x16xf32, #tpu.memory_space<vmem>> -> memref<78x16xf32, #tpu.memory_space<vmem>>
      %dma_start3A_210 = arith.constant 0 : i32
      %dma_start3A_211 = tpu.memref_slice %arg13[%add3A_173, %dma_start3A_210] : memref<80128x16xf32, #tpu.memory_space<vmem_shared>> -> memref<78x16xf32, #tpu.memory_space<vmem_shared>>
      %dma_start3A_212 = arith.constant 234 : i32
      %dma_start3A_213 = arith.constant 0 : i32
      %dma_start3A_214 = tpu.memref_slice %arg10[%dma_start3A_212, %dma_start3A_213] : memref<1248x16xf32, #tpu.memory_space<vmem>> -> memref<78x16xf32, #tpu.memory_space<vmem>>
      %dma_start3A_215 = arith.constant 0 : i32
      %dma_start3A_216 = tpu.memref_slice %arg13[%add3A_173, %dma_start3A_215] : memref<80128x16xf32, #tpu.memory_space<vmem_shared>> -> memref<78x16xf32, #tpu.memory_space<vmem_shared>>
      tpu.enqueue_dma source(%dma_start3A_216 : memref<78x16xf32, #tpu.memory_space<vmem_shared>>) target(%dma_start3A_214 : memref<78x16xf32, #tpu.memory_space<vmem>>) target_semaphore(%run_scoped3A_206 : memref<!tpu.dma_semaphore, #tpu.memory_space<semaphore_mem>>)
      %dma_wait3A_217 = arith.constant 234 : i32
      %dma_wait3A_218 = arith.constant 0 : i32
      %dma_wait3A_219 = tpu.memref_slice %arg10[%dma_wait3A_217, %dma_wait3A_218] : memref<1248x16xf32, #tpu.memory_space<vmem>> -> memref<78x16xf32, #tpu.memory_space<vmem>>
      %dma_wait3A_220 = arith.constant 0 : i32
      %dma_wait3A_221 = tpu.memref_slice %arg13[%add3A_173, %dma_wait3A_220] : memref<80128x16xf32, #tpu.memory_space<vmem_shared>> -> memref<78x16xf32, #tpu.memory_space<vmem_shared>>
      %dma_wait3A_222 = arith.constant 234 : i32
      %dma_wait3A_223 = arith.constant 0 : i32
      %dma_wait3A_224 = tpu.memref_slice %arg10[%dma_wait3A_222, %dma_wait3A_223] : memref<1248x16xf32, #tpu.memory_space<vmem>> -> memref<78x16xf32, #tpu.memory_space<vmem>>
      %dma_wait3A_225 = arith.constant 0 : i32
      %dma_wait3A_226 = tpu.memref_slice %arg13[%add3A_173, %dma_wait3A_225] : memref<80128x16xf32, #tpu.memory_space<vmem_shared>> -> memref<78x16xf32, #tpu.memory_space<vmem_shared>>
      tpu.wait_dma2 semaphore(%run_scoped3A_206 : memref<!tpu.dma_semaphore, #tpu.memory_space<semaphore_mem>>) src(%dma_wait3A_226 : memref<78x16xf32, #tpu.memory_space<vmem_shared>>) dst(%dma_wait3A_224 : memref<78x16xf32, #tpu.memory_space<vmem>>)
      tpu.yield
    }) : () -> ()
    %add3A_174 = arith.constant 20032 : i32
    %add3A_175 = arith.addi %add3A_174, %add3A_165 : i32
    "tpu.region"() ({
      %run_scoped3A_206 = tpu.sem_alloc : memref<!tpu.dma_semaphore, #tpu.memory_space<semaphore_mem>>
      %dma_start3A_207 = arith.constant 312 : i32
      %dma_start3A_208 = arith.constant 0 : i32
      %dma_start3A_209 = tpu.memref_slice %arg10[%dma_start3A_207, %dma_start3A_208] : memref<1248x16xf32, #tpu.memory_space<vmem>> -> memref<78x16xf32, #tpu.memory_space<vmem>>
      %dma_start3A_210 = arith.constant 0 : i32
      %dma_start3A_211 = tpu.memref_slice %arg13[%add3A_175, %dma_start3A_210] : memref<80128x16xf32, #tpu.memory_space<vmem_shared>> -> memref<78x16xf32, #tpu.memory_space<vmem_shared>>
      %dma_start3A_212 = arith.constant 312 : i32
      %dma_start3A_213 = arith.constant 0 : i32
      %dma_start3A_214 = tpu.memref_slice %arg10[%dma_start3A_212, %dma_start3A_213] : memref<1248x16xf32, #tpu.memory_space<vmem>> -> memref<78x16xf32, #tpu.memory_space<vmem>>
      %dma_start3A_215 = arith.constant 0 : i32
      %dma_start3A_216 = tpu.memref_slice %arg13[%add3A_175, %dma_start3A_215] : memref<80128x16xf32, #tpu.memory_space<vmem_shared>> -> memref<78x16xf32, #tpu.memory_space<vmem_shared>>
      tpu.enqueue_dma source(%dma_start3A_216 : memref<78x16xf32, #tpu.memory_space<vmem_shared>>) target(%dma_start3A_214 : memref<78x16xf32, #tpu.memory_space<vmem>>) target_semaphore(%run_scoped3A_206 : memref<!tpu.dma_semaphore, #tpu.memory_space<semaphore_mem>>)
      %dma_wait3A_217 = arith.constant 312 : i32
      %dma_wait3A_218 = arith.constant 0 : i32
      %dma_wait3A_219 = tpu.memref_slice %arg10[%dma_wait3A_217, %dma_wait3A_218] : memref<1248x16xf32, #tpu.memory_space<vmem>> -> memref<78x16xf32, #tpu.memory_space<vmem>>
      %dma_wait3A_220 = arith.constant 0 : i32
      %dma_wait3A_221 = tpu.memref_slice %arg13[%add3A_175, %dma_wait3A_220] : memref<80128x16xf32, #tpu.memory_space<vmem_shared>> -> memref<78x16xf32, #tpu.memory_space<vmem_shared>>
      %dma_wait3A_222 = arith.constant 312 : i32
      %dma_wait3A_223 = arith.constant 0 : i32
      %dma_wait3A_224 = tpu.memref_slice %arg10[%dma_wait3A_222, %dma_wait3A_223] : memref<1248x16xf32, #tpu.memory_space<vmem>> -> memref<78x16xf32, #tpu.memory_space<vmem>>
      %dma_wait3A_225 = arith.constant 0 : i32
      %dma_wait3A_226 = tpu.memref_slice %arg13[%add3A_175, %dma_wait3A_225] : memref<80128x16xf32, #tpu.memory_space<vmem_shared>> -> memref<78x16xf32, #tpu.memory_space<vmem_shared>>
      tpu.wait_dma2 semaphore(%run_scoped3A_206 : memref<!tpu.dma_semaphore, #tpu.memory_space<semaphore_mem>>) src(%dma_wait3A_226 : memref<78x16xf32, #tpu.memory_space<vmem_shared>>) dst(%dma_wait3A_224 : memref<78x16xf32, #tpu.memory_space<vmem>>)
      tpu.yield
    }) : () -> ()
    %add3A_176 = arith.constant 25040 : i32
    %add3A_177 = arith.addi %add3A_176, %add3A_165 : i32
    "tpu.region"() ({
      %run_scoped3A_206 = tpu.sem_alloc : memref<!tpu.dma_semaphore, #tpu.memory_space<semaphore_mem>>
      %dma_start3A_207 = arith.constant 390 : i32
      %dma_start3A_208 = arith.constant 0 : i32
      %dma_start3A_209 = tpu.memref_slice %arg10[%dma_start3A_207, %dma_start3A_208] : memref<1248x16xf32, #tpu.memory_space<vmem>> -> memref<78x16xf32, #tpu.memory_space<vmem>>
      %dma_start3A_210 = arith.constant 0 : i32
      %dma_start3A_211 = tpu.memref_slice %arg13[%add3A_177, %dma_start3A_210] : memref<80128x16xf32, #tpu.memory_space<vmem_shared>> -> memref<78x16xf32, #tpu.memory_space<vmem_shared>>
      %dma_start3A_212 = arith.constant 390 : i32
      %dma_start3A_213 = arith.constant 0 : i32
      %dma_start3A_214 = tpu.memref_slice %arg10[%dma_start3A_212, %dma_start3A_213] : memref<1248x16xf32, #tpu.memory_space<vmem>> -> memref<78x16xf32, #tpu.memory_space<vmem>>
      %dma_start3A_215 = arith.constant 0 : i32
      %dma_start3A_216 = tpu.memref_slice %arg13[%add3A_177, %dma_start3A_215] : memref<80128x16xf32, #tpu.memory_space<vmem_shared>> -> memref<78x16xf32, #tpu.memory_space<vmem_shared>>
      tpu.enqueue_dma source(%dma_start3A_216 : memref<78x16xf32, #tpu.memory_space<vmem_shared>>) target(%dma_start3A_214 : memref<78x16xf32, #tpu.memory_space<vmem>>) target_semaphore(%run_scoped3A_206 : memref<!tpu.dma_semaphore, #tpu.memory_space<semaphore_mem>>)
      %dma_wait3A_217 = arith.constant 390 : i32
      %dma_wait3A_218 = arith.constant 0 : i32
      %dma_wait3A_219 = tpu.memref_slice %arg10[%dma_wait3A_217, %dma_wait3A_218] : memref<1248x16xf32, #tpu.memory_space<vmem>> -> memref<78x16xf32, #tpu.memory_space<vmem>>
      %dma_wait3A_220 = arith.constant 0 : i32
      %dma_wait3A_221 = tpu.memref_slice %arg13[%add3A_177, %dma_wait3A_220] : memref<80128x16xf32, #tpu.memory_space<vmem_shared>> -> memref<78x16xf32, #tpu.memory_space<vmem_shared>>
      %dma_wait3A_222 = arith.constant 390 : i32
      %dma_wait3A_223 = arith.constant 0 : i32
      %dma_wait3A_224 = tpu.memref_slice %arg10[%dma_wait3A_222, %dma_wait3A_223] : memref<1248x16xf32, #tpu.memory_space<vmem>> -> memref<78x16xf32, #tpu.memory_space<vmem>>
      %dma_wait3A_225 = arith.constant 0 : i32
      %dma_wait3A_226 = tpu.memref_slice %arg13[%add3A_177, %dma_wait3A_225] : memref<80128x16xf32, #tpu.memory_space<vmem_shared>> -> memref<78x16xf32, #tpu.memory_space<vmem_shared>>
      tpu.wait_dma2 semaphore(%run_scoped3A_206 : memref<!tpu.dma_semaphore, #tpu.memory_space<semaphore_mem>>) src(%dma_wait3A_226 : memref<78x16xf32, #tpu.memory_space<vmem_shared>>) dst(%dma_wait3A_224 : memref<78x16xf32, #tpu.memory_space<vmem>>)
      tpu.yield
    }) : () -> ()
    %add3A_178 = arith.constant 30048 : i32
    %add3A_179 = arith.addi %add3A_178, %add3A_165 : i32
    "tpu.region"() ({
      %run_scoped3A_206 = tpu.sem_alloc : memref<!tpu.dma_semaphore, #tpu.memory_space<semaphore_mem>>
      %dma_start3A_207 = arith.constant 468 : i32
      %dma_start3A_208 = arith.constant 0 : i32
      %dma_start3A_209 = tpu.memref_slice %arg10[%dma_start3A_207, %dma_start3A_208] : memref<1248x16xf32, #tpu.memory_space<vmem>> -> memref<78x16xf32, #tpu.memory_space<vmem>>
      %dma_start3A_210 = arith.constant 0 : i32
      %dma_start3A_211 = tpu.memref_slice %arg13[%add3A_179, %dma_start3A_210] : memref<80128x16xf32, #tpu.memory_space<vmem_shared>> -> memref<78x16xf32, #tpu.memory_space<vmem_shared>>
      %dma_start3A_212 = arith.constant 468 : i32
      %dma_start3A_213 = arith.constant 0 : i32
      %dma_start3A_214 = tpu.memref_slice %arg10[%dma_start3A_212, %dma_start3A_213] : memref<1248x16xf32, #tpu.memory_space<vmem>> -> memref<78x16xf32, #tpu.memory_space<vmem>>
      %dma_start3A_215 = arith.constant 0 : i32
      %dma_start3A_216 = tpu.memref_slice %arg13[%add3A_179, %dma_start3A_215] : memref<80128x16xf32, #tpu.memory_space<vmem_shared>> -> memref<78x16xf32, #tpu.memory_space<vmem_shared>>
      tpu.enqueue_dma source(%dma_start3A_216 : memref<78x16xf32, #tpu.memory_space<vmem_shared>>) target(%dma_start3A_214 : memref<78x16xf32, #tpu.memory_space<vmem>>) target_semaphore(%run_scoped3A_206 : memref<!tpu.dma_semaphore, #tpu.memory_space<semaphore_mem>>)
      %dma_wait3A_217 = arith.constant 468 : i32
      %dma_wait3A_218 = arith.constant 0 : i32
      %dma_wait3A_219 = tpu.memref_slice %arg10[%dma_wait3A_217, %dma_wait3A_218] : memref<1248x16xf32, #tpu.memory_space<vmem>> -> memref<78x16xf32, #tpu.memory_space<vmem>>
      %dma_wait3A_220 = arith.constant 0 : i32
      %dma_wait3A_221 = tpu.memref_slice %arg13[%add3A_179, %dma_wait3A_220] : memref<80128x16xf32, #tpu.memory_space<vmem_shared>> -> memref<78x16xf32, #tpu.memory_space<vmem_shared>>
      %dma_wait3A_222 = arith.constant 468 : i32
      %dma_wait3A_223 = arith.constant 0 : i32
      %dma_wait3A_224 = tpu.memref_slice %arg10[%dma_wait3A_222, %dma_wait3A_223] : memref<1248x16xf32, #tpu.memory_space<vmem>> -> memref<78x16xf32, #tpu.memory_space<vmem>>
      %dma_wait3A_225 = arith.constant 0 : i32
      %dma_wait3A_226 = tpu.memref_slice %arg13[%add3A_179, %dma_wait3A_225] : memref<80128x16xf32, #tpu.memory_space<vmem_shared>> -> memref<78x16xf32, #tpu.memory_space<vmem_shared>>
      tpu.wait_dma2 semaphore(%run_scoped3A_206 : memref<!tpu.dma_semaphore, #tpu.memory_space<semaphore_mem>>) src(%dma_wait3A_226 : memref<78x16xf32, #tpu.memory_space<vmem_shared>>) dst(%dma_wait3A_224 : memref<78x16xf32, #tpu.memory_space<vmem>>)
      tpu.yield
    }) : () -> ()
    %add3A_180 = arith.constant 35056 : i32
    %add3A_181 = arith.addi %add3A_180, %add3A_165 : i32
    "tpu.region"() ({
      %run_scoped3A_206 = tpu.sem_alloc : memref<!tpu.dma_semaphore, #tpu.memory_space<semaphore_mem>>
      %dma_start3A_207 = arith.constant 546 : i32
      %dma_start3A_208 = arith.constant 0 : i32
      %dma_start3A_209 = tpu.memref_slice %arg10[%dma_start3A_207, %dma_start3A_208] : memref<1248x16xf32, #tpu.memory_space<vmem>> -> memref<78x16xf32, #tpu.memory_space<vmem>>
      %dma_start3A_210 = arith.constant 0 : i32
      %dma_start3A_211 = tpu.memref_slice %arg13[%add3A_181, %dma_start3A_210] : memref<80128x16xf32, #tpu.memory_space<vmem_shared>> -> memref<78x16xf32, #tpu.memory_space<vmem_shared>>
      %dma_start3A_212 = arith.constant 546 : i32
      %dma_start3A_213 = arith.constant 0 : i32
      %dma_start3A_214 = tpu.memref_slice %arg10[%dma_start3A_212, %dma_start3A_213] : memref<1248x16xf32, #tpu.memory_space<vmem>> -> memref<78x16xf32, #tpu.memory_space<vmem>>
      %dma_start3A_215 = arith.constant 0 : i32
      %dma_start3A_216 = tpu.memref_slice %arg13[%add3A_181, %dma_start3A_215] : memref<80128x16xf32, #tpu.memory_space<vmem_shared>> -> memref<78x16xf32, #tpu.memory_space<vmem_shared>>
      tpu.enqueue_dma source(%dma_start3A_216 : memref<78x16xf32, #tpu.memory_space<vmem_shared>>) target(%dma_start3A_214 : memref<78x16xf32, #tpu.memory_space<vmem>>) target_semaphore(%run_scoped3A_206 : memref<!tpu.dma_semaphore, #tpu.memory_space<semaphore_mem>>)
      %dma_wait3A_217 = arith.constant 546 : i32
      %dma_wait3A_218 = arith.constant 0 : i32
      %dma_wait3A_219 = tpu.memref_slice %arg10[%dma_wait3A_217, %dma_wait3A_218] : memref<1248x16xf32, #tpu.memory_space<vmem>> -> memref<78x16xf32, #tpu.memory_space<vmem>>
      %dma_wait3A_220 = arith.constant 0 : i32
      %dma_wait3A_221 = tpu.memref_slice %arg13[%add3A_181, %dma_wait3A_220] : memref<80128x16xf32, #tpu.memory_space<vmem_shared>> -> memref<78x16xf32, #tpu.memory_space<vmem_shared>>
      %dma_wait3A_222 = arith.constant 546 : i32
      %dma_wait3A_223 = arith.constant 0 : i32
      %dma_wait3A_224 = tpu.memref_slice %arg10[%dma_wait3A_222, %dma_wait3A_223] : memref<1248x16xf32, #tpu.memory_space<vmem>> -> memref<78x16xf32, #tpu.memory_space<vmem>>
      %dma_wait3A_225 = arith.constant 0 : i32
      %dma_wait3A_226 = tpu.memref_slice %arg13[%add3A_181, %dma_wait3A_225] : memref<80128x16xf32, #tpu.memory_space<vmem_shared>> -> memref<78x16xf32, #tpu.memory_space<vmem_shared>>
      tpu.wait_dma2 semaphore(%run_scoped3A_206 : memref<!tpu.dma_semaphore, #tpu.memory_space<semaphore_mem>>) src(%dma_wait3A_226 : memref<78x16xf32, #tpu.memory_space<vmem_shared>>) dst(%dma_wait3A_224 : memref<78x16xf32, #tpu.memory_space<vmem>>)
      tpu.yield
    }) : () -> ()
    %add3A_182 = arith.constant 40064 : i32
    %add3A_183 = arith.addi %add3A_182, %add3A_165 : i32
    "tpu.region"() ({
      %run_scoped3A_206 = tpu.sem_alloc : memref<!tpu.dma_semaphore, #tpu.memory_space<semaphore_mem>>
      %dma_start3A_207 = arith.constant 624 : i32
      %dma_start3A_208 = arith.constant 0 : i32
      %dma_start3A_209 = tpu.memref_slice %arg10[%dma_start3A_207, %dma_start3A_208] : memref<1248x16xf32, #tpu.memory_space<vmem>> -> memref<78x16xf32, #tpu.memory_space<vmem>>
      %dma_start3A_210 = arith.constant 0 : i32
      %dma_start3A_211 = tpu.memref_slice %arg13[%add3A_183, %dma_start3A_210] : memref<80128x16xf32, #tpu.memory_space<vmem_shared>> -> memref<78x16xf32, #tpu.memory_space<vmem_shared>>
      %dma_start3A_212 = arith.constant 624 : i32
      %dma_start3A_213 = arith.constant 0 : i32
      %dma_start3A_214 = tpu.memref_slice %arg10[%dma_start3A_212, %dma_start3A_213] : memref<1248x16xf32, #tpu.memory_space<vmem>> -> memref<78x16xf32, #tpu.memory_space<vmem>>
      %dma_start3A_215 = arith.constant 0 : i32
      %dma_start3A_216 = tpu.memref_slice %arg13[%add3A_183, %dma_start3A_215] : memref<80128x16xf32, #tpu.memory_space<vmem_shared>> -> memref<78x16xf32, #tpu.memory_space<vmem_shared>>
      tpu.enqueue_dma source(%dma_start3A_216 : memref<78x16xf32, #tpu.memory_space<vmem_shared>>) target(%dma_start3A_214 : memref<78x16xf32, #tpu.memory_space<vmem>>) target_semaphore(%run_scoped3A_206 : memref<!tpu.dma_semaphore, #tpu.memory_space<semaphore_mem>>)
      %dma_wait3A_217 = arith.constant 624 : i32
      %dma_wait3A_218 = arith.constant 0 : i32
      %dma_wait3A_219 = tpu.memref_slice %arg10[%dma_wait3A_217, %dma_wait3A_218] : memref<1248x16xf32, #tpu.memory_space<vmem>> -> memref<78x16xf32, #tpu.memory_space<vmem>>
      %dma_wait3A_220 = arith.constant 0 : i32
      %dma_wait3A_221 = tpu.memref_slice %arg13[%add3A_183, %dma_wait3A_220] : memref<80128x16xf32, #tpu.memory_space<vmem_shared>> -> memref<78x16xf32, #tpu.memory_space<vmem_shared>>
      %dma_wait3A_222 = arith.constant 624 : i32
      %dma_wait3A_223 = arith.constant 0 : i32
      %dma_wait3A_224 = tpu.memref_slice %arg10[%dma_wait3A_222, %dma_wait3A_223] : memref<1248x16xf32, #tpu.memory_space<vmem>> -> memref<78x16xf32, #tpu.memory_space<vmem>>
      %dma_wait3A_225 = arith.constant 0 : i32
      %dma_wait3A_226 = tpu.memref_slice %arg13[%add3A_183, %dma_wait3A_225] : memref<80128x16xf32, #tpu.memory_space<vmem_shared>> -> memref<78x16xf32, #tpu.memory_space<vmem_shared>>
      tpu.wait_dma2 semaphore(%run_scoped3A_206 : memref<!tpu.dma_semaphore, #tpu.memory_space<semaphore_mem>>) src(%dma_wait3A_226 : memref<78x16xf32, #tpu.memory_space<vmem_shared>>) dst(%dma_wait3A_224 : memref<78x16xf32, #tpu.memory_space<vmem>>)
      tpu.yield
    }) : () -> ()
    %add3A_184 = arith.constant 45072 : i32
    %add3A_185 = arith.addi %add3A_184, %add3A_165 : i32
    "tpu.region"() ({
      %run_scoped3A_206 = tpu.sem_alloc : memref<!tpu.dma_semaphore, #tpu.memory_space<semaphore_mem>>
      %dma_start3A_207 = arith.constant 702 : i32
      %dma_start3A_208 = arith.constant 0 : i32
      %dma_start3A_209 = tpu.memref_slice %arg10[%dma_start3A_207, %dma_start3A_208] : memref<1248x16xf32, #tpu.memory_space<vmem>> -> memref<78x16xf32, #tpu.memory_space<vmem>>
      %dma_start3A_210 = arith.constant 0 : i32
      %dma_start3A_211 = tpu.memref_slice %arg13[%add3A_185, %dma_start3A_210] : memref<80128x16xf32, #tpu.memory_space<vmem_shared>> -> memref<78x16xf32, #tpu.memory_space<vmem_shared>>
      %dma_start3A_212 = arith.constant 702 : i32
      %dma_start3A_213 = arith.constant 0 : i32
      %dma_start3A_214 = tpu.memref_slice %arg10[%dma_start3A_212, %dma_start3A_213] : memref<1248x16xf32, #tpu.memory_space<vmem>> -> memref<78x16xf32, #tpu.memory_space<vmem>>
      %dma_start3A_215 = arith.constant 0 : i32
      %dma_start3A_216 = tpu.memref_slice %arg13[%add3A_185, %dma_start3A_215] : memref<80128x16xf32, #tpu.memory_space<vmem_shared>> -> memref<78x16xf32, #tpu.memory_space<vmem_shared>>
      tpu.enqueue_dma source(%dma_start3A_216 : memref<78x16xf32, #tpu.memory_space<vmem_shared>>) target(%dma_start3A_214 : memref<78x16xf32, #tpu.memory_space<vmem>>) target_semaphore(%run_scoped3A_206 : memref<!tpu.dma_semaphore, #tpu.memory_space<semaphore_mem>>)
      %dma_wait3A_217 = arith.constant 702 : i32
      %dma_wait3A_218 = arith.constant 0 : i32
      %dma_wait3A_219 = tpu.memref_slice %arg10[%dma_wait3A_217, %dma_wait3A_218] : memref<1248x16xf32, #tpu.memory_space<vmem>> -> memref<78x16xf32, #tpu.memory_space<vmem>>
      %dma_wait3A_220 = arith.constant 0 : i32
      %dma_wait3A_221 = tpu.memref_slice %arg13[%add3A_185, %dma_wait3A_220] : memref<80128x16xf32, #tpu.memory_space<vmem_shared>> -> memref<78x16xf32, #tpu.memory_space<vmem_shared>>
      %dma_wait3A_222 = arith.constant 702 : i32
      %dma_wait3A_223 = arith.constant 0 : i32
      %dma_wait3A_224 = tpu.memref_slice %arg10[%dma_wait3A_222, %dma_wait3A_223] : memref<1248x16xf32, #tpu.memory_space<vmem>> -> memref<78x16xf32, #tpu.memory_space<vmem>>
      %dma_wait3A_225 = arith.constant 0 : i32
      %dma_wait3A_226 = tpu.memref_slice %arg13[%add3A_185, %dma_wait3A_225] : memref<80128x16xf32, #tpu.memory_space<vmem_shared>> -> memref<78x16xf32, #tpu.memory_space<vmem_shared>>
      tpu.wait_dma2 semaphore(%run_scoped3A_206 : memref<!tpu.dma_semaphore, #tpu.memory_space<semaphore_mem>>) src(%dma_wait3A_226 : memref<78x16xf32, #tpu.memory_space<vmem_shared>>) dst(%dma_wait3A_224 : memref<78x16xf32, #tpu.memory_space<vmem>>)
      tpu.yield
    }) : () -> ()
    %add3A_186 = arith.constant 50080 : i32
    %add3A_187 = arith.addi %add3A_186, %add3A_165 : i32
    "tpu.region"() ({
      %run_scoped3A_206 = tpu.sem_alloc : memref<!tpu.dma_semaphore, #tpu.memory_space<semaphore_mem>>
      %dma_start3A_207 = arith.constant 780 : i32
      %dma_start3A_208 = arith.constant 0 : i32
      %dma_start3A_209 = tpu.memref_slice %arg10[%dma_start3A_207, %dma_start3A_208] : memref<1248x16xf32, #tpu.memory_space<vmem>> -> memref<78x16xf32, #tpu.memory_space<vmem>>
      %dma_start3A_210 = arith.constant 0 : i32
      %dma_start3A_211 = tpu.memref_slice %arg13[%add3A_187, %dma_start3A_210] : memref<80128x16xf32, #tpu.memory_space<vmem_shared>> -> memref<78x16xf32, #tpu.memory_space<vmem_shared>>
      %dma_start3A_212 = arith.constant 780 : i32
      %dma_start3A_213 = arith.constant 0 : i32
      %dma_start3A_214 = tpu.memref_slice %arg10[%dma_start3A_212, %dma_start3A_213] : memref<1248x16xf32, #tpu.memory_space<vmem>> -> memref<78x16xf32, #tpu.memory_space<vmem>>
      %dma_start3A_215 = arith.constant 0 : i32
      %dma_start3A_216 = tpu.memref_slice %arg13[%add3A_187, %dma_start3A_215] : memref<80128x16xf32, #tpu.memory_space<vmem_shared>> -> memref<78x16xf32, #tpu.memory_space<vmem_shared>>
      tpu.enqueue_dma source(%dma_start3A_216 : memref<78x16xf32, #tpu.memory_space<vmem_shared>>) target(%dma_start3A_214 : memref<78x16xf32, #tpu.memory_space<vmem>>) target_semaphore(%run_scoped3A_206 : memref<!tpu.dma_semaphore, #tpu.memory_space<semaphore_mem>>)
      %dma_wait3A_217 = arith.constant 780 : i32
      %dma_wait3A_218 = arith.constant 0 : i32
      %dma_wait3A_219 = tpu.memref_slice %arg10[%dma_wait3A_217, %dma_wait3A_218] : memref<1248x16xf32, #tpu.memory_space<vmem>> -> memref<78x16xf32, #tpu.memory_space<vmem>>
      %dma_wait3A_220 = arith.constant 0 : i32
      %dma_wait3A_221 = tpu.memref_slice %arg13[%add3A_187, %dma_wait3A_220] : memref<80128x16xf32, #tpu.memory_space<vmem_shared>> -> memref<78x16xf32, #tpu.memory_space<vmem_shared>>
      %dma_wait3A_222 = arith.constant 780 : i32
      %dma_wait3A_223 = arith.constant 0 : i32
      %dma_wait3A_224 = tpu.memref_slice %arg10[%dma_wait3A_222, %dma_wait3A_223] : memref<1248x16xf32, #tpu.memory_space<vmem>> -> memref<78x16xf32, #tpu.memory_space<vmem>>
      %dma_wait3A_225 = arith.constant 0 : i32
      %dma_wait3A_226 = tpu.memref_slice %arg13[%add3A_187, %dma_wait3A_225] : memref<80128x16xf32, #tpu.memory_space<vmem_shared>> -> memref<78x16xf32, #tpu.memory_space<vmem_shared>>
      tpu.wait_dma2 semaphore(%run_scoped3A_206 : memref<!tpu.dma_semaphore, #tpu.memory_space<semaphore_mem>>) src(%dma_wait3A_226 : memref<78x16xf32, #tpu.memory_space<vmem_shared>>) dst(%dma_wait3A_224 : memref<78x16xf32, #tpu.memory_space<vmem>>)
      tpu.yield
    }) : () -> ()
    %add3A_188 = arith.constant 55088 : i32
    %add3A_189 = arith.addi %add3A_188, %add3A_165 : i32
    "tpu.region"() ({
      %run_scoped3A_206 = tpu.sem_alloc : memref<!tpu.dma_semaphore, #tpu.memory_space<semaphore_mem>>
      %dma_start3A_207 = arith.constant 858 : i32
      %dma_start3A_208 = arith.constant 0 : i32
      %dma_start3A_209 = tpu.memref_slice %arg10[%dma_start3A_207, %dma_start3A_208] : memref<1248x16xf32, #tpu.memory_space<vmem>> -> memref<78x16xf32, #tpu.memory_space<vmem>>
      %dma_start3A_210 = arith.constant 0 : i32
      %dma_start3A_211 = tpu.memref_slice %arg13[%add3A_189, %dma_start3A_210] : memref<80128x16xf32, #tpu.memory_space<vmem_shared>> -> memref<78x16xf32, #tpu.memory_space<vmem_shared>>
      %dma_start3A_212 = arith.constant 858 : i32
      %dma_start3A_213 = arith.constant 0 : i32
      %dma_start3A_214 = tpu.memref_slice %arg10[%dma_start3A_212, %dma_start3A_213] : memref<1248x16xf32, #tpu.memory_space<vmem>> -> memref<78x16xf32, #tpu.memory_space<vmem>>
      %dma_start3A_215 = arith.constant 0 : i32
      %dma_start3A_216 = tpu.memref_slice %arg13[%add3A_189, %dma_start3A_215] : memref<80128x16xf32, #tpu.memory_space<vmem_shared>> -> memref<78x16xf32, #tpu.memory_space<vmem_shared>>
      tpu.enqueue_dma source(%dma_start3A_216 : memref<78x16xf32, #tpu.memory_space<vmem_shared>>) target(%dma_start3A_214 : memref<78x16xf32, #tpu.memory_space<vmem>>) target_semaphore(%run_scoped3A_206 : memref<!tpu.dma_semaphore, #tpu.memory_space<semaphore_mem>>)
      %dma_wait3A_217 = arith.constant 858 : i32
      %dma_wait3A_218 = arith.constant 0 : i32
      %dma_wait3A_219 = tpu.memref_slice %arg10[%dma_wait3A_217, %dma_wait3A_218] : memref<1248x16xf32, #tpu.memory_space<vmem>> -> memref<78x16xf32, #tpu.memory_space<vmem>>
      %dma_wait3A_220 = arith.constant 0 : i32
      %dma_wait3A_221 = tpu.memref_slice %arg13[%add3A_189, %dma_wait3A_220] : memref<80128x16xf32, #tpu.memory_space<vmem_shared>> -> memref<78x16xf32, #tpu.memory_space<vmem_shared>>
      %dma_wait3A_222 = arith.constant 858 : i32
      %dma_wait3A_223 = arith.constant 0 : i32
      %dma_wait3A_224 = tpu.memref_slice %arg10[%dma_wait3A_222, %dma_wait3A_223] : memref<1248x16xf32, #tpu.memory_space<vmem>> -> memref<78x16xf32, #tpu.memory_space<vmem>>
      %dma_wait3A_225 = arith.constant 0 : i32
      %dma_wait3A_226 = tpu.memref_slice %arg13[%add3A_189, %dma_wait3A_225] : memref<80128x16xf32, #tpu.memory_space<vmem_shared>> -> memref<78x16xf32, #tpu.memory_space<vmem_shared>>
      tpu.wait_dma2 semaphore(%run_scoped3A_206 : memref<!tpu.dma_semaphore, #tpu.memory_space<semaphore_mem>>) src(%dma_wait3A_226 : memref<78x16xf32, #tpu.memory_space<vmem_shared>>) dst(%dma_wait3A_224 : memref<78x16xf32, #tpu.memory_space<vmem>>)
      tpu.yield
    }) : () -> ()
    %add3A_190 = arith.constant 60096 : i32
    %add3A_191 = arith.addi %add3A_190, %add3A_165 : i32
    "tpu.region"() ({
      %run_scoped3A_206 = tpu.sem_alloc : memref<!tpu.dma_semaphore, #tpu.memory_space<semaphore_mem>>
      %dma_start3A_207 = arith.constant 936 : i32
      %dma_start3A_208 = arith.constant 0 : i32
      %dma_start3A_209 = tpu.memref_slice %arg10[%dma_start3A_207, %dma_start3A_208] : memref<1248x16xf32, #tpu.memory_space<vmem>> -> memref<78x16xf32, #tpu.memory_space<vmem>>
      %dma_start3A_210 = arith.constant 0 : i32
      %dma_start3A_211 = tpu.memref_slice %arg13[%add3A_191, %dma_start3A_210] : memref<80128x16xf32, #tpu.memory_space<vmem_shared>> -> memref<78x16xf32, #tpu.memory_space<vmem_shared>>
      %dma_start3A_212 = arith.constant 936 : i32
      %dma_start3A_213 = arith.constant 0 : i32
      %dma_start3A_214 = tpu.memref_slice %arg10[%dma_start3A_212, %dma_start3A_213] : memref<1248x16xf32, #tpu.memory_space<vmem>> -> memref<78x16xf32, #tpu.memory_space<vmem>>
      %dma_start3A_215 = arith.constant 0 : i32
      %dma_start3A_216 = tpu.memref_slice %arg13[%add3A_191, %dma_start3A_215] : memref<80128x16xf32, #tpu.memory_space<vmem_shared>> -> memref<78x16xf32, #tpu.memory_space<vmem_shared>>
      tpu.enqueue_dma source(%dma_start3A_216 : memref<78x16xf32, #tpu.memory_space<vmem_shared>>) target(%dma_start3A_214 : memref<78x16xf32, #tpu.memory_space<vmem>>) target_semaphore(%run_scoped3A_206 : memref<!tpu.dma_semaphore, #tpu.memory_space<semaphore_mem>>)
      %dma_wait3A_217 = arith.constant 936 : i32
      %dma_wait3A_218 = arith.constant 0 : i32
      %dma_wait3A_219 = tpu.memref_slice %arg10[%dma_wait3A_217, %dma_wait3A_218] : memref<1248x16xf32, #tpu.memory_space<vmem>> -> memref<78x16xf32, #tpu.memory_space<vmem>>
      %dma_wait3A_220 = arith.constant 0 : i32
      %dma_wait3A_221 = tpu.memref_slice %arg13[%add3A_191, %dma_wait3A_220] : memref<80128x16xf32, #tpu.memory_space<vmem_shared>> -> memref<78x16xf32, #tpu.memory_space<vmem_shared>>
      %dma_wait3A_222 = arith.constant 936 : i32
      %dma_wait3A_223 = arith.constant 0 : i32
      %dma_wait3A_224 = tpu.memref_slice %arg10[%dma_wait3A_222, %dma_wait3A_223] : memref<1248x16xf32, #tpu.memory_space<vmem>> -> memref<78x16xf32, #tpu.memory_space<vmem>>
      %dma_wait3A_225 = arith.constant 0 : i32
      %dma_wait3A_226 = tpu.memref_slice %arg13[%add3A_191, %dma_wait3A_225] : memref<80128x16xf32, #tpu.memory_space<vmem_shared>> -> memref<78x16xf32, #tpu.memory_space<vmem_shared>>
      tpu.wait_dma2 semaphore(%run_scoped3A_206 : memref<!tpu.dma_semaphore, #tpu.memory_space<semaphore_mem>>) src(%dma_wait3A_226 : memref<78x16xf32, #tpu.memory_space<vmem_shared>>) dst(%dma_wait3A_224 : memref<78x16xf32, #tpu.memory_space<vmem>>)
      tpu.yield
    }) : () -> ()
    %add3A_192 = arith.constant 65104 : i32
    %add3A_193 = arith.addi %add3A_192, %add3A_165 : i32
    "tpu.region"() ({
      %run_scoped3A_206 = tpu.sem_alloc : memref<!tpu.dma_semaphore, #tpu.memory_space<semaphore_mem>>
      %dma_start3A_207 = arith.constant 1014 : i32
      %dma_start3A_208 = arith.constant 0 : i32
      %dma_start3A_209 = tpu.memref_slice %arg10[%dma_start3A_207, %dma_start3A_208] : memref<1248x16xf32, #tpu.memory_space<vmem>> -> memref<78x16xf32, #tpu.memory_space<vmem>>
      %dma_start3A_210 = arith.constant 0 : i32
      %dma_start3A_211 = tpu.memref_slice %arg13[%add3A_193, %dma_start3A_210] : memref<80128x16xf32, #tpu.memory_space<vmem_shared>> -> memref<78x16xf32, #tpu.memory_space<vmem_shared>>
      %dma_start3A_212 = arith.constant 1014 : i32
      %dma_start3A_213 = arith.constant 0 : i32
      %dma_start3A_214 = tpu.memref_slice %arg10[%dma_start3A_212, %dma_start3A_213] : memref<1248x16xf32, #tpu.memory_space<vmem>> -> memref<78x16xf32, #tpu.memory_space<vmem>>
      %dma_start3A_215 = arith.constant 0 : i32
      %dma_start3A_216 = tpu.memref_slice %arg13[%add3A_193, %dma_start3A_215] : memref<80128x16xf32, #tpu.memory_space<vmem_shared>> -> memref<78x16xf32, #tpu.memory_space<vmem_shared>>
      tpu.enqueue_dma source(%dma_start3A_216 : memref<78x16xf32, #tpu.memory_space<vmem_shared>>) target(%dma_start3A_214 : memref<78x16xf32, #tpu.memory_space<vmem>>) target_semaphore(%run_scoped3A_206 : memref<!tpu.dma_semaphore, #tpu.memory_space<semaphore_mem>>)
      %dma_wait3A_217 = arith.constant 1014 : i32
      %dma_wait3A_218 = arith.constant 0 : i32
      %dma_wait3A_219 = tpu.memref_slice %arg10[%dma_wait3A_217, %dma_wait3A_218] : memref<1248x16xf32, #tpu.memory_space<vmem>> -> memref<78x16xf32, #tpu.memory_space<vmem>>
      %dma_wait3A_220 = arith.constant 0 : i32
      %dma_wait3A_221 = tpu.memref_slice %arg13[%add3A_193, %dma_wait3A_220] : memref<80128x16xf32, #tpu.memory_space<vmem_shared>> -> memref<78x16xf32, #tpu.memory_space<vmem_shared>>
      %dma_wait3A_222 = arith.constant 1014 : i32
      %dma_wait3A_223 = arith.constant 0 : i32
      %dma_wait3A_224 = tpu.memref_slice %arg10[%dma_wait3A_222, %dma_wait3A_223] : memref<1248x16xf32, #tpu.memory_space<vmem>> -> memref<78x16xf32, #tpu.memory_space<vmem>>
      %dma_wait3A_225 = arith.constant 0 : i32
      %dma_wait3A_226 = tpu.memref_slice %arg13[%add3A_193, %dma_wait3A_225] : memref<80128x16xf32, #tpu.memory_space<vmem_shared>> -> memref<78x16xf32, #tpu.memory_space<vmem_shared>>
      tpu.wait_dma2 semaphore(%run_scoped3A_206 : memref<!tpu.dma_semaphore, #tpu.memory_space<semaphore_mem>>) src(%dma_wait3A_226 : memref<78x16xf32, #tpu.memory_space<vmem_shared>>) dst(%dma_wait3A_224 : memref<78x16xf32, #tpu.memory_space<vmem>>)
      tpu.yield
    }) : () -> ()
    %add3A_194 = arith.constant 70112 : i32
    %add3A_195 = arith.addi %add3A_194, %add3A_165 : i32
    "tpu.region"() ({
      %run_scoped3A_206 = tpu.sem_alloc : memref<!tpu.dma_semaphore, #tpu.memory_space<semaphore_mem>>
      %dma_start3A_207 = arith.constant 1092 : i32
      %dma_start3A_208 = arith.constant 0 : i32
      %dma_start3A_209 = tpu.memref_slice %arg10[%dma_start3A_207, %dma_start3A_208] : memref<1248x16xf32, #tpu.memory_space<vmem>> -> memref<78x16xf32, #tpu.memory_space<vmem>>
      %dma_start3A_210 = arith.constant 0 : i32
      %dma_start3A_211 = tpu.memref_slice %arg13[%add3A_195, %dma_start3A_210] : memref<80128x16xf32, #tpu.memory_space<vmem_shared>> -> memref<78x16xf32, #tpu.memory_space<vmem_shared>>
      %dma_start3A_212 = arith.constant 1092 : i32
      %dma_start3A_213 = arith.constant 0 : i32
      %dma_start3A_214 = tpu.memref_slice %arg10[%dma_start3A_212, %dma_start3A_213] : memref<1248x16xf32, #tpu.memory_space<vmem>> -> memref<78x16xf32, #tpu.memory_space<vmem>>
      %dma_start3A_215 = arith.constant 0 : i32
      %dma_start3A_216 = tpu.memref_slice %arg13[%add3A_195, %dma_start3A_215] : memref<80128x16xf32, #tpu.memory_space<vmem_shared>> -> memref<78x16xf32, #tpu.memory_space<vmem_shared>>
      tpu.enqueue_dma source(%dma_start3A_216 : memref<78x16xf32, #tpu.memory_space<vmem_shared>>) target(%dma_start3A_214 : memref<78x16xf32, #tpu.memory_space<vmem>>) target_semaphore(%run_scoped3A_206 : memref<!tpu.dma_semaphore, #tpu.memory_space<semaphore_mem>>)
      %dma_wait3A_217 = arith.constant 1092 : i32
      %dma_wait3A_218 = arith.constant 0 : i32
      %dma_wait3A_219 = tpu.memref_slice %arg10[%dma_wait3A_217, %dma_wait3A_218] : memref<1248x16xf32, #tpu.memory_space<vmem>> -> memref<78x16xf32, #tpu.memory_space<vmem>>
      %dma_wait3A_220 = arith.constant 0 : i32
      %dma_wait3A_221 = tpu.memref_slice %arg13[%add3A_195, %dma_wait3A_220] : memref<80128x16xf32, #tpu.memory_space<vmem_shared>> -> memref<78x16xf32, #tpu.memory_space<vmem_shared>>
      %dma_wait3A_222 = arith.constant 1092 : i32
      %dma_wait3A_223 = arith.constant 0 : i32
      %dma_wait3A_224 = tpu.memref_slice %arg10[%dma_wait3A_222, %dma_wait3A_223] : memref<1248x16xf32, #tpu.memory_space<vmem>> -> memref<78x16xf32, #tpu.memory_space<vmem>>
      %dma_wait3A_225 = arith.constant 0 : i32
      %dma_wait3A_226 = tpu.memref_slice %arg13[%add3A_195, %dma_wait3A_225] : memref<80128x16xf32, #tpu.memory_space<vmem_shared>> -> memref<78x16xf32, #tpu.memory_space<vmem_shared>>
      tpu.wait_dma2 semaphore(%run_scoped3A_206 : memref<!tpu.dma_semaphore, #tpu.memory_space<semaphore_mem>>) src(%dma_wait3A_226 : memref<78x16xf32, #tpu.memory_space<vmem_shared>>) dst(%dma_wait3A_224 : memref<78x16xf32, #tpu.memory_space<vmem>>)
      tpu.yield
    }) : () -> ()
    %add3A_196 = arith.constant 75120 : i32
    %add3A_197 = arith.addi %add3A_196, %add3A_165 : i32
    "tpu.region"() ({
      %run_scoped3A_206 = tpu.sem_alloc : memref<!tpu.dma_semaphore, #tpu.memory_space<semaphore_mem>>
      %dma_start3A_207 = arith.constant 1170 : i32
      %dma_start3A_208 = arith.constant 0 : i32
      %dma_start3A_209 = tpu.memref_slice %arg10[%dma_start3A_207, %dma_start3A_208] : memref<1248x16xf32, #tpu.memory_space<vmem>> -> memref<78x16xf32, #tpu.memory_space<vmem>>
      %dma_start3A_210 = arith.constant 0 : i32
      %dma_start3A_211 = tpu.memref_slice %arg13[%add3A_197, %dma_start3A_210] : memref<80128x16xf32, #tpu.memory_space<vmem_shared>> -> memref<78x16xf32, #tpu.memory_space<vmem_shared>>
      %dma_start3A_212 = arith.constant 1170 : i32
      %dma_start3A_213 = arith.constant 0 : i32
      %dma_start3A_214 = tpu.memref_slice %arg10[%dma_start3A_212, %dma_start3A_213] : memref<1248x16xf32, #tpu.memory_space<vmem>> -> memref<78x16xf32, #tpu.memory_space<vmem>>
      %dma_start3A_215 = arith.constant 0 : i32
      %dma_start3A_216 = tpu.memref_slice %arg13[%add3A_197, %dma_start3A_215] : memref<80128x16xf32, #tpu.memory_space<vmem_shared>> -> memref<78x16xf32, #tpu.memory_space<vmem_shared>>
      tpu.enqueue_dma source(%dma_start3A_216 : memref<78x16xf32, #tpu.memory_space<vmem_shared>>) target(%dma_start3A_214 : memref<78x16xf32, #tpu.memory_space<vmem>>) target_semaphore(%run_scoped3A_206 : memref<!tpu.dma_semaphore, #tpu.memory_space<semaphore_mem>>)
      %dma_wait3A_217 = arith.constant 1170 : i32
      %dma_wait3A_218 = arith.constant 0 : i32
      %dma_wait3A_219 = tpu.memref_slice %arg10[%dma_wait3A_217, %dma_wait3A_218] : memref<1248x16xf32, #tpu.memory_space<vmem>> -> memref<78x16xf32, #tpu.memory_space<vmem>>
      %dma_wait3A_220 = arith.constant 0 : i32
      %dma_wait3A_221 = tpu.memref_slice %arg13[%add3A_197, %dma_wait3A_220] : memref<80128x16xf32, #tpu.memory_space<vmem_shared>> -> memref<78x16xf32, #tpu.memory_space<vmem_shared>>
      %dma_wait3A_222 = arith.constant 1170 : i32
      %dma_wait3A_223 = arith.constant 0 : i32
      %dma_wait3A_224 = tpu.memref_slice %arg10[%dma_wait3A_222, %dma_wait3A_223] : memref<1248x16xf32, #tpu.memory_space<vmem>> -> memref<78x16xf32, #tpu.memory_space<vmem>>
      %dma_wait3A_225 = arith.constant 0 : i32
      %dma_wait3A_226 = tpu.memref_slice %arg13[%add3A_197, %dma_wait3A_225] : memref<80128x16xf32, #tpu.memory_space<vmem_shared>> -> memref<78x16xf32, #tpu.memory_space<vmem_shared>>
      tpu.wait_dma2 semaphore(%run_scoped3A_206 : memref<!tpu.dma_semaphore, #tpu.memory_space<semaphore_mem>>) src(%dma_wait3A_226 : memref<78x16xf32, #tpu.memory_space<vmem_shared>>) dst(%dma_wait3A_224 : memref<78x16xf32, #tpu.memory_space<vmem>>)
      tpu.yield
    }) : () -> ()
    %scan3A_198 = arith.constant 0 : i32
    %scan3A_199 = arith.constant 78 : i32
    %scan3A_200 = arith.addi %scan3A_198, %scan3A_199 : i32
    %scan3A_201 = arith.constant 1 : i32
    scf.for %scan3A_206 = %scan3A_198 to %scan3A_200 step %scan3A_201  : i32 {
      %mul3A_207 = arith.constant 1 : i32
      %mul3A_208 = arith.muli %scan3A_206, %mul3A_207 : i32
      %add3A_209 = arith.constant 0 : i32
      %add3A_210 = arith.addi %add3A_209, %mul3A_208 : i32
      %get3A = arith.index_cast %add3A_210 : i32 to index
      %get3A_211 = arith.constant 0 : index
      %get3A_212 = tpu.vector_load %arg10[%get3A, %get3A_211] {strides = array<i32>} : memref<1248x16xf32, #tpu.memory_space<vmem>>, vector<1x16xf32>,
      %get3A_213 = vector.shape_cast %get3A_212 : vector<1x16xf32> to vector<16xf32>
      %add3A_214 = arith.constant 78 : i32
      %add3A_215 = arith.addi %add3A_214, %add3A_210 : i32
      %get3A_216 = arith.index_cast %add3A_215 : i32 to index
      %get3A_217 = arith.constant 0 : index
      %get3A_218 = tpu.vector_load %arg10[%get3A_216, %get3A_217] {strides = array<i32>} : memref<1248x16xf32, #tpu.memory_space<vmem>>, vector<1x16xf32>,
      %get3A_219 = vector.shape_cast %get3A_218 : vector<1x16xf32> to vector<16xf32>
      %add3A_220 = arith.addf %get3A_213, %get3A_219 : vector<16xf32>
      %add3A_221 = arith.constant 156 : i32
      %add3A_222 = arith.addi %add3A_221, %add3A_210 : i32
      %get3A_223 = arith.index_cast %add3A_222 : i32 to index
      %get3A_224 = arith.constant 0 : index
      %get3A_225 = tpu.vector_load %arg10[%get3A_223, %get3A_224] {strides = array<i32>} : memref<1248x16xf32, #tpu.memory_space<vmem>>, vector<1x16xf32>,
      %get3A_226 = vector.shape_cast %get3A_225 : vector<1x16xf32> to vector<16xf32>
      %add3A_227 = arith.addf %add3A_220, %get3A_226 : vector<16xf32>
      %add3A_228 = arith.constant 234 : i32
      %add3A_229 = arith.addi %add3A_228, %add3A_210 : i32
      %get3A_230 = arith.index_cast %add3A_229 : i32 to index
      %get3A_231 = arith.constant 0 : index
      %get3A_232 = tpu.vector_load %arg10[%get3A_230, %get3A_231] {strides = array<i32>} : memref<1248x16xf32, #tpu.memory_space<vmem>>, vector<1x16xf32>,
      %get3A_233 = vector.shape_cast %get3A_232 : vector<1x16xf32> to vector<16xf32>
      %add3A_234 = arith.addf %add3A_227, %get3A_233 : vector<16xf32>
      %add3A_235 = arith.constant 312 : i32
      %add3A_236 = arith.addi %add3A_235, %add3A_210 : i32
      %get3A_237 = arith.index_cast %add3A_236 : i32 to index
      %get3A_238 = arith.constant 0 : index
      %get3A_239 = tpu.vector_load %arg10[%get3A_237, %get3A_238] {strides = array<i32>} : memref<1248x16xf32, #tpu.memory_space<vmem>>, vector<1x16xf32>,
      %get3A_240 = vector.shape_cast %get3A_239 : vector<1x16xf32> to vector<16xf32>
      %add3A_241 = arith.addf %add3A_234, %get3A_240 : vector<16xf32>
      %add3A_242 = arith.constant 390 : i32
      %add3A_243 = arith.addi %add3A_242, %add3A_210 : i32
      %get3A_244 = arith.index_cast %add3A_243 : i32 to index
      %get3A_245 = arith.constant 0 : index
      %get3A_246 = tpu.vector_load %arg10[%get3A_244, %get3A_245] {strides = array<i32>} : memref<1248x16xf32, #tpu.memory_space<vmem>>, vector<1x16xf32>,
      %get3A_247 = vector.shape_cast %get3A_246 : vector<1x16xf32> to vector<16xf32>
      %add3A_248 = arith.addf %add3A_241, %get3A_247 : vector<16xf32>
      %add3A_249 = arith.constant 468 : i32
      %add3A_250 = arith.addi %add3A_249, %add3A_210 : i32
      %get3A_251 = arith.index_cast %add3A_250 : i32 to index
      %get3A_252 = arith.constant 0 : index
      %get3A_253 = tpu.vector_load %arg10[%get3A_251, %get3A_252] {strides = array<i32>} : memref<1248x16xf32, #tpu.memory_space<vmem>>, vector<1x16xf32>,
      %get3A_254 = vector.shape_cast %get3A_253 : vector<1x16xf32> to vector<16xf32>
      %add3A_255 = arith.addf %add3A_248, %get3A_254 : vector<16xf32>
      %add3A_256 = arith.constant 546 : i32
      %add3A_257 = arith.addi %add3A_256, %add3A_210 : i32
      %get3A_258 = arith.index_cast %add3A_257 : i32 to index
      %get3A_259 = arith.constant 0 : index
      %get3A_260 = tpu.vector_load %arg10[%get3A_258, %get3A_259] {strides = array<i32>} : memref<1248x16xf32, #tpu.memory_space<vmem>>, vector<1x16xf32>,
      %get3A_261 = vector.shape_cast %get3A_260 : vector<1x16xf32> to vector<16xf32>
      %add3A_262 = arith.addf %add3A_255, %get3A_261 : vector<16xf32>
      %add3A_263 = arith.constant 624 : i32
      %add3A_264 = arith.addi %add3A_263, %add3A_210 : i32
      %get3A_265 = arith.index_cast %add3A_264 : i32 to index
      %get3A_266 = arith.constant 0 : index
      %get3A_267 = tpu.vector_load %arg10[%get3A_265, %get3A_266] {strides = array<i32>} : memref<1248x16xf32, #tpu.memory_space<vmem>>, vector<1x16xf32>,
      %get3A_268 = vector.shape_cast %get3A_267 : vector<1x16xf32> to vector<16xf32>
      %add3A_269 = arith.addf %add3A_262, %get3A_268 : vector<16xf32>
      %add3A_270 = arith.constant 702 : i32
      %add3A_271 = arith.addi %add3A_270, %add3A_210 : i32
      %get3A_272 = arith.index_cast %add3A_271 : i32 to index
      %get3A_273 = arith.constant 0 : index
      %get3A_274 = tpu.vector_load %arg10[%get3A_272, %get3A_273] {strides = array<i32>} : memref<1248x16xf32, #tpu.memory_space<vmem>>, vector<1x16xf32>,
      %get3A_275 = vector.shape_cast %get3A_274 : vector<1x16xf32> to vector<16xf32>
      %add3A_276 = arith.addf %add3A_269, %get3A_275 : vector<16xf32>
      %add3A_277 = arith.constant 780 : i32
      %add3A_278 = arith.addi %add3A_277, %add3A_210 : i32
      %get3A_279 = arith.index_cast %add3A_278 : i32 to index
      %get3A_280 = arith.constant 0 : index
      %get3A_281 = tpu.vector_load %arg10[%get3A_279, %get3A_280] {strides = array<i32>} : memref<1248x16xf32, #tpu.memory_space<vmem>>, vector<1x16xf32>,
      %get3A_282 = vector.shape_cast %get3A_281 : vector<1x16xf32> to vector<16xf32>
      %add3A_283 = arith.addf %add3A_276, %get3A_282 : vector<16xf32>
      %add3A_284 = arith.constant 858 : i32
      %add3A_285 = arith.addi %add3A_284, %add3A_210 : i32
      %get3A_286 = arith.index_cast %add3A_285 : i32 to index
      %get3A_287 = arith.constant 0 : index
      %get3A_288 = tpu.vector_load %arg10[%get3A_286, %get3A_287] {strides = array<i32>} : memref<1248x16xf32, #tpu.memory_space<vmem>>, vector<1x16xf32>,
      %get3A_289 = vector.shape_cast %get3A_288 : vector<1x16xf32> to vector<16xf32>
      %add3A_290 = arith.addf %add3A_283, %get3A_289 : vector<16xf32>
      %add3A_291 = arith.constant 936 : i32
      %add3A_292 = arith.addi %add3A_291, %add3A_210 : i32
      %get3A_293 = arith.index_cast %add3A_292 : i32 to index
      %get3A_294 = arith.constant 0 : index
      %get3A_295 = tpu.vector_load %arg10[%get3A_293, %get3A_294] {strides = array<i32>} : memref<1248x16xf32, #tpu.memory_space<vmem>>, vector<1x16xf32>,
      %get3A_296 = vector.shape_cast %get3A_295 : vector<1x16xf32> to vector<16xf32>
      %add3A_297 = arith.addf %add3A_290, %get3A_296 : vector<16xf32>
      %add3A_298 = arith.constant 1014 : i32
      %add3A_299 = arith.addi %add3A_298, %add3A_210 : i32
      %get3A_300 = arith.index_cast %add3A_299 : i32 to index
      %get3A_301 = arith.constant 0 : index
      %get3A_302 = tpu.vector_load %arg10[%get3A_300, %get3A_301] {strides = array<i32>} : memref<1248x16xf32, #tpu.memory_space<vmem>>, vector<1x16xf32>,
      %get3A_303 = vector.shape_cast %get3A_302 : vector<1x16xf32> to vector<16xf32>
      %add3A_304 = arith.addf %add3A_297, %get3A_303 : vector<16xf32>
      %add3A_305 = arith.constant 1092 : i32
      %add3A_306 = arith.addi %add3A_305, %add3A_210 : i32
      %get3A_307 = arith.index_cast %add3A_306 : i32 to index
      %get3A_308 = arith.constant 0 : index
      %get3A_309 = tpu.vector_load %arg10[%get3A_307, %get3A_308] {strides = array<i32>} : memref<1248x16xf32, #tpu.memory_space<vmem>>, vector<1x16xf32>,
      %get3A_310 = vector.shape_cast %get3A_309 : vector<1x16xf32> to vector<16xf32>
      %add3A_311 = arith.addf %add3A_304, %get3A_310 : vector<16xf32>
      %add3A_312 = arith.constant 1170 : i32
      %add3A_313 = arith.addi %add3A_312, %add3A_210 : i32
      %get3A_314 = arith.index_cast %add3A_313 : i32 to index
      %get3A_315 = arith.constant 0 : index
      %get3A_316 = tpu.vector_load %arg10[%get3A_314, %get3A_315] {strides = array<i32>} : memref<1248x16xf32, #tpu.memory_space<vmem>>, vector<1x16xf32>,
      %get3A_317 = vector.shape_cast %get3A_316 : vector<1x16xf32> to vector<16xf32>
      %add3A_318 = arith.addf %add3A_311, %get3A_317 : vector<16xf32>
      %swap3A = arith.index_cast %add3A_210 : i32 to index
      %swap3A_319 = arith.constant 0 : index
      %swap3A_320 = tpu.vector_load %arg9[%swap3A, %swap3A_319] {strides = array<i32>} : memref<78x16xf32, #tpu.memory_space<vmem>>, vector<1x16xf32>,
      %swap3A_321 = vector.shape_cast %swap3A_320 : vector<1x16xf32> to vector<16xf32>
      %swap3A_322 = vector.shape_cast %add3A_318 : vector<16xf32> to vector<1x16xf32>
      tpu.vector_store %arg9[%swap3A, %swap3A_319], %swap3A_322 {strides = array<i32>} : memref<78x16xf32, #tpu.memory_space<vmem>>, vector<1x16xf32>,
    }
    %scan3A_202 = arith.constant 78 : i32
    %add3A_203 = arith.addi %mul3A_0, %add3A_165 : i32
    "tpu.region"() ({
      %run_scoped3A_206 = tpu.sem_alloc : memref<!tpu.dma_semaphore, #tpu.memory_space<semaphore_mem>>
      %dma_start3A_207 = arith.constant 0 : i32
      %dma_start3A_208 = arith.constant 0 : i32
      %dma_start3A_209 = tpu.memref_slice %arg9[%dma_start3A_207, %dma_start3A_208] : memref<78x16xf32, #tpu.memory_space<vmem>> -> memref<78x16xf32, #tpu.memory_space<vmem>>
      %dma_start3A_210 = arith.constant 0 : i32
      %dma_start3A_211 = tpu.memref_slice %arg5[%add3A_203, %dma_start3A_210] : memref<10000x16xf32, #tpu.memory_space<hbm>> -> memref<78x16xf32, #tpu.memory_space<hbm>>
      %dma_start3A_212 = arith.constant 0 : i32
      %dma_start3A_213 = tpu.memref_slice %arg5[%add3A_203, %dma_start3A_212] : memref<10000x16xf32, #tpu.memory_space<hbm>> -> memref<78x16xf32, #tpu.memory_space<hbm>>
      %dma_start3A_214 = arith.constant 0 : i32
      %dma_start3A_215 = arith.constant 0 : i32
      %dma_start3A_216 = tpu.memref_slice %arg9[%dma_start3A_214, %dma_start3A_215] : memref<78x16xf32, #tpu.memory_space<vmem>> -> memref<78x16xf32, #tpu.memory_space<vmem>>
      tpu.enqueue_dma source(%dma_start3A_216 : memref<78x16xf32, #tpu.memory_space<vmem>>) target(%dma_start3A_213 : memref<78x16xf32, #tpu.memory_space<hbm>>) target_semaphore(%run_scoped3A_206 : memref<!tpu.dma_semaphore, #tpu.memory_space<semaphore_mem>>)
      %dma_wait3A_217 = arith.constant 0 : i32
      %dma_wait3A_218 = arith.constant 0 : i32
      %dma_wait3A_219 = tpu.memref_slice %arg9[%dma_wait3A_217, %dma_wait3A_218] : memref<78x16xf32, #tpu.memory_space<vmem>> -> memref<78x16xf32, #tpu.memory_space<vmem>>
      %dma_wait3A_220 = arith.constant 0 : i32
      %dma_wait3A_221 = tpu.memref_slice %arg5[%add3A_203, %dma_wait3A_220] : memref<10000x16xf32, #tpu.memory_space<hbm>> -> memref<78x16xf32, #tpu.memory_space<hbm>>
      %dma_wait3A_222 = arith.constant 0 : i32
      %dma_wait3A_223 = tpu.memref_slice %arg5[%add3A_203, %dma_wait3A_222] : memref<10000x16xf32, #tpu.memory_space<hbm>> -> memref<78x16xf32, #tpu.memory_space<hbm>>
      %dma_wait3A_224 = arith.constant 0 : i32
      %dma_wait3A_225 = arith.constant 0 : i32
      %dma_wait3A_226 = tpu.memref_slice %arg9[%dma_wait3A_224, %dma_wait3A_225] : memref<78x16xf32, #tpu.memory_space<vmem>> -> memref<78x16xf32, #tpu.memory_space<vmem>>
      tpu.wait_dma2 semaphore(%run_scoped3A_206 : memref<!tpu.dma_semaphore, #tpu.memory_space<semaphore_mem>>) src(%dma_wait3A_226 : memref<78x16xf32, #tpu.memory_space<vmem>>) dst(%dma_wait3A_223 : memref<78x16xf32, #tpu.memory_space<hbm>>)
      tpu.yield
    }) : () -> ()
    %eq3A = arith.constant 15 : i32
    %eq3A_204 = arith.cmpi eq, %arg1, %eq3A : i32
    %convert_element_type3A = arith.extui %eq3A_204 : i1 to i32
    %cond3A = arith.constant 0 : i32
    %cond3A_205 = arith.cmpi ne, %convert_element_type3A, %cond3A : i32
    scf.if %cond3A_205 {
      "tpu.region"() ({
        %run_scoped3A_213 = tpu.sem_alloc : memref<!tpu.dma_semaphore, #tpu.memory_space<semaphore_mem>>
        %dma_start3A_214 = arith.constant 0 : i32
        %dma_start3A_215 = arith.constant 0 : i32
        %dma_start3A_216 = tpu.memref_slice %arg10[%dma_start3A_214, %dma_start3A_215] : memref<1248x16xf32, #tpu.memory_space<vmem>> -> memref<8x16xf32, #tpu.memory_space<vmem>>
        %dma_start3A_217 = arith.constant 4992 : i32
        %dma_start3A_218 = arith.constant 0 : i32
        %dma_start3A_219 = tpu.memref_slice %arg13[%dma_start3A_217, %dma_start3A_218] : memref<80128x16xf32, #tpu.memory_space<vmem_shared>> -> memref<8x16xf32, #tpu.memory_space<vmem_shared>>
        %dma_start3A_220 = arith.constant 0 : i32
        %dma_start3A_221 = arith.constant 0 : i32
        %dma_start3A_222 = tpu.memref_slice %arg10[%dma_start3A_220, %dma_start3A_221] : memref<1248x16xf32, #tpu.memory_space<vmem>> -> memref<8x16xf32, #tpu.memory_space<vmem>>
        %dma_start3A_223 = arith.constant 4992 : i32
        %dma_start3A_224 = arith.constant 0 : i32
        %dma_start3A_225 = tpu.memref_slice %arg13[%dma_start3A_223, %dma_start3A_224] : memref<80128x16xf32, #tpu.memory_space<vmem_shared>> -> memref<8x16xf32, #tpu.memory_space<vmem_shared>>
        tpu.enqueue_dma source(%dma_start3A_225 : memref<8x16xf32, #tpu.memory_space<vmem_shared>>) target(%dma_start3A_222 : memref<8x16xf32, #tpu.memory_space<vmem>>) target_semaphore(%run_scoped3A_213 : memref<!tpu.dma_semaphore, #tpu.memory_space<semaphore_mem>>)
        %dma_wait3A_226 = arith.constant 0 : i32
        %dma_wait3A_227 = arith.constant 0 : i32
        %dma_wait3A_228 = tpu.memref_slice %arg10[%dma_wait3A_226, %dma_wait3A_227] : memref<1248x16xf32, #tpu.memory_space<vmem>> -> memref<8x16xf32, #tpu.memory_space<vmem>>
        %dma_wait3A_229 = arith.constant 4992 : i32
        %dma_wait3A_230 = arith.constant 0 : i32
        %dma_wait3A_231 = tpu.memref_slice %arg13[%dma_wait3A_229, %dma_wait3A_230] : memref<80128x16xf32, #tpu.memory_space<vmem_shared>> -> memref<8x16xf32, #tpu.memory_space<vmem_shared>>
        %dma_wait3A_232 = arith.constant 0 : i32
        %dma_wait3A_233 = arith.constant 0 : i32
        %dma_wait3A_234 = tpu.memref_slice %arg10[%dma_wait3A_232, %dma_wait3A_233] : memref<1248x16xf32, #tpu.memory_space<vmem>> -> memref<8x16xf32, #tpu.memory_space<vmem>>
        %dma_wait3A_235 = arith.constant 4992 : i32
        %dma_wait3A_236 = arith.constant 0 : i32
        %dma_wait3A_237 = tpu.memref_slice %arg13[%dma_wait3A_235, %dma_wait3A_236] : memref<80128x16xf32, #tpu.memory_space<vmem_shared>> -> memref<8x16xf32, #tpu.memory_space<vmem_shared>>
        tpu.wait_dma2 semaphore(%run_scoped3A_213 : memref<!tpu.dma_semaphore, #tpu.memory_space<semaphore_mem>>) src(%dma_wait3A_237 : memref<8x16xf32, #tpu.memory_space<vmem_shared>>) dst(%dma_wait3A_234 : memref<8x16xf32, #tpu.memory_space<vmem>>)
        tpu.yield
      }) : () -> ()
      "tpu.region"() ({
        %run_scoped3A_213 = tpu.sem_alloc : memref<!tpu.dma_semaphore, #tpu.memory_space<semaphore_mem>>
        %dma_start3A_214 = arith.constant 8 : i32
        %dma_start3A_215 = arith.constant 0 : i32
        %dma_start3A_216 = tpu.memref_slice %arg10[%dma_start3A_214, %dma_start3A_215] : memref<1248x16xf32, #tpu.memory_space<vmem>> -> memref<8x16xf32, #tpu.memory_space<vmem>>
        %dma_start3A_217 = arith.constant 10000 : i32
        %dma_start3A_218 = arith.constant 0 : i32
        %dma_start3A_219 = tpu.memref_slice %arg13[%dma_start3A_217, %dma_start3A_218] : memref<80128x16xf32, #tpu.memory_space<vmem_shared>> -> memref<8x16xf32, #tpu.memory_space<vmem_shared>>
        %dma_start3A_220 = arith.constant 8 : i32
        %dma_start3A_221 = arith.constant 0 : i32
        %dma_start3A_222 = tpu.memref_slice %arg10[%dma_start3A_220, %dma_start3A_221] : memref<1248x16xf32, #tpu.memory_space<vmem>> -> memref<8x16xf32, #tpu.memory_space<vmem>>
        %dma_start3A_223 = arith.constant 10000 : i32
        %dma_start3A_224 = arith.constant 0 : i32
        %dma_start3A_225 = tpu.memref_slice %arg13[%dma_start3A_223, %dma_start3A_224] : memref<80128x16xf32, #tpu.memory_space<vmem_shared>> -> memref<8x16xf32, #tpu.memory_space<vmem_shared>>
        tpu.enqueue_dma source(%dma_start3A_225 : memref<8x16xf32, #tpu.memory_space<vmem_shared>>) target(%dma_start3A_222 : memref<8x16xf32, #tpu.memory_space<vmem>>) target_semaphore(%run_scoped3A_213 : memref<!tpu.dma_semaphore, #tpu.memory_space<semaphore_mem>>)
        %dma_wait3A_226 = arith.constant 8 : i32
        %dma_wait3A_227 = arith.constant 0 : i32
        %dma_wait3A_228 = tpu.memref_slice %arg10[%dma_wait3A_226, %dma_wait3A_227] : memref<1248x16xf32, #tpu.memory_space<vmem>> -> memref<8x16xf32, #tpu.memory_space<vmem>>
        %dma_wait3A_229 = arith.constant 10000 : i32
        %dma_wait3A_230 = arith.constant 0 : i32
        %dma_wait3A_231 = tpu.memref_slice %arg13[%dma_wait3A_229, %dma_wait3A_230] : memref<80128x16xf32, #tpu.memory_space<vmem_shared>> -> memref<8x16xf32, #tpu.memory_space<vmem_shared>>
        %dma_wait3A_232 = arith.constant 8 : i32
        %dma_wait3A_233 = arith.constant 0 : i32
        %dma_wait3A_234 = tpu.memref_slice %arg10[%dma_wait3A_232, %dma_wait3A_233] : memref<1248x16xf32, #tpu.memory_space<vmem>> -> memref<8x16xf32, #tpu.memory_space<vmem>>
        %dma_wait3A_235 = arith.constant 10000 : i32
        %dma_wait3A_236 = arith.constant 0 : i32
        %dma_wait3A_237 = tpu.memref_slice %arg13[%dma_wait3A_235, %dma_wait3A_236] : memref<80128x16xf32, #tpu.memory_space<vmem_shared>> -> memref<8x16xf32, #tpu.memory_space<vmem_shared>>
        tpu.wait_dma2 semaphore(%run_scoped3A_213 : memref<!tpu.dma_semaphore, #tpu.memory_space<semaphore_mem>>) src(%dma_wait3A_237 : memref<8x16xf32, #tpu.memory_space<vmem_shared>>) dst(%dma_wait3A_234 : memref<8x16xf32, #tpu.memory_space<vmem>>)
        tpu.yield
      }) : () -> ()
      "tpu.region"() ({
        %run_scoped3A_213 = tpu.sem_alloc : memref<!tpu.dma_semaphore, #tpu.memory_space<semaphore_mem>>
        %dma_start3A_214 = arith.constant 16 : i32
        %dma_start3A_215 = arith.constant 0 : i32
        %dma_start3A_216 = tpu.memref_slice %arg10[%dma_start3A_214, %dma_start3A_215] : memref<1248x16xf32, #tpu.memory_space<vmem>> -> memref<8x16xf32, #tpu.memory_space<vmem>>
        %dma_start3A_217 = arith.constant 15008 : i32
        %dma_start3A_218 = arith.constant 0 : i32
        %dma_start3A_219 = tpu.memref_slice %arg13[%dma_start3A_217, %dma_start3A_218] : memref<80128x16xf32, #tpu.memory_space<vmem_shared>> -> memref<8x16xf32, #tpu.memory_space<vmem_shared>>
        %dma_start3A_220 = arith.constant 16 : i32
        %dma_start3A_221 = arith.constant 0 : i32
        %dma_start3A_222 = tpu.memref_slice %arg10[%dma_start3A_220, %dma_start3A_221] : memref<1248x16xf32, #tpu.memory_space<vmem>> -> memref<8x16xf32, #tpu.memory_space<vmem>>
        %dma_start3A_223 = arith.constant 15008 : i32
        %dma_start3A_224 = arith.constant 0 : i32
        %dma_start3A_225 = tpu.memref_slice %arg13[%dma_start3A_223, %dma_start3A_224] : memref<80128x16xf32, #tpu.memory_space<vmem_shared>> -> memref<8x16xf32, #tpu.memory_space<vmem_shared>>
        tpu.enqueue_dma source(%dma_start3A_225 : memref<8x16xf32, #tpu.memory_space<vmem_shared>>) target(%dma_start3A_222 : memref<8x16xf32, #tpu.memory_space<vmem>>) target_semaphore(%run_scoped3A_213 : memref<!tpu.dma_semaphore, #tpu.memory_space<semaphore_mem>>)
        %dma_wait3A_226 = arith.constant 16 : i32
        %dma_wait3A_227 = arith.constant 0 : i32
        %dma_wait3A_228 = tpu.memref_slice %arg10[%dma_wait3A_226, %dma_wait3A_227] : memref<1248x16xf32, #tpu.memory_space<vmem>> -> memref<8x16xf32, #tpu.memory_space<vmem>>
        %dma_wait3A_229 = arith.constant 15008 : i32
        %dma_wait3A_230 = arith.constant 0 : i32
        %dma_wait3A_231 = tpu.memref_slice %arg13[%dma_wait3A_229, %dma_wait3A_230] : memref<80128x16xf32, #tpu.memory_space<vmem_shared>> -> memref<8x16xf32, #tpu.memory_space<vmem_shared>>
        %dma_wait3A_232 = arith.constant 16 : i32
        %dma_wait3A_233 = arith.constant 0 : i32
        %dma_wait3A_234 = tpu.memref_slice %arg10[%dma_wait3A_232, %dma_wait3A_233] : memref<1248x16xf32, #tpu.memory_space<vmem>> -> memref<8x16xf32, #tpu.memory_space<vmem>>
        %dma_wait3A_235 = arith.constant 15008 : i32
        %dma_wait3A_236 = arith.constant 0 : i32
        %dma_wait3A_237 = tpu.memref_slice %arg13[%dma_wait3A_235, %dma_wait3A_236] : memref<80128x16xf32, #tpu.memory_space<vmem_shared>> -> memref<8x16xf32, #tpu.memory_space<vmem_shared>>
        tpu.wait_dma2 semaphore(%run_scoped3A_213 : memref<!tpu.dma_semaphore, #tpu.memory_space<semaphore_mem>>) src(%dma_wait3A_237 : memref<8x16xf32, #tpu.memory_space<vmem_shared>>) dst(%dma_wait3A_234 : memref<8x16xf32, #tpu.memory_space<vmem>>)
        tpu.yield
      }) : () -> ()
      "tpu.region"() ({
        %run_scoped3A_213 = tpu.sem_alloc : memref<!tpu.dma_semaphore, #tpu.memory_space<semaphore_mem>>
        %dma_start3A_214 = arith.constant 24 : i32
        %dma_start3A_215 = arith.constant 0 : i32
        %dma_start3A_216 = tpu.memref_slice %arg10[%dma_start3A_214, %dma_start3A_215] : memref<1248x16xf32, #tpu.memory_space<vmem>> -> memref<8x16xf32, #tpu.memory_space<vmem>>
        %dma_start3A_217 = arith.constant 20016 : i32
        %dma_start3A_218 = arith.constant 0 : i32
        %dma_start3A_219 = tpu.memref_slice %arg13[%dma_start3A_217, %dma_start3A_218] : memref<80128x16xf32, #tpu.memory_space<vmem_shared>> -> memref<8x16xf32, #tpu.memory_space<vmem_shared>>
        %dma_start3A_220 = arith.constant 24 : i32
        %dma_start3A_221 = arith.constant 0 : i32
        %dma_start3A_222 = tpu.memref_slice %arg10[%dma_start3A_220, %dma_start3A_221] : memref<1248x16xf32, #tpu.memory_space<vmem>> -> memref<8x16xf32, #tpu.memory_space<vmem>>
        %dma_start3A_223 = arith.constant 20016 : i32
        %dma_start3A_224 = arith.constant 0 : i32
        %dma_start3A_225 = tpu.memref_slice %arg13[%dma_start3A_223, %dma_start3A_224] : memref<80128x16xf32, #tpu.memory_space<vmem_shared>> -> memref<8x16xf32, #tpu.memory_space<vmem_shared>>
        tpu.enqueue_dma source(%dma_start3A_225 : memref<8x16xf32, #tpu.memory_space<vmem_shared>>) target(%dma_start3A_222 : memref<8x16xf32, #tpu.memory_space<vmem>>) target_semaphore(%run_scoped3A_213 : memref<!tpu.dma_semaphore, #tpu.memory_space<semaphore_mem>>)
        %dma_wait3A_226 = arith.constant 24 : i32
        %dma_wait3A_227 = arith.constant 0 : i32
        %dma_wait3A_228 = tpu.memref_slice %arg10[%dma_wait3A_226, %dma_wait3A_227] : memref<1248x16xf32, #tpu.memory_space<vmem>> -> memref<8x16xf32, #tpu.memory_space<vmem>>
        %dma_wait3A_229 = arith.constant 20016 : i32
        %dma_wait3A_230 = arith.constant 0 : i32
        %dma_wait3A_231 = tpu.memref_slice %arg13[%dma_wait3A_229, %dma_wait3A_230] : memref<80128x16xf32, #tpu.memory_space<vmem_shared>> -> memref<8x16xf32, #tpu.memory_space<vmem_shared>>
        %dma_wait3A_232 = arith.constant 24 : i32
        %dma_wait3A_233 = arith.constant 0 : i32
        %dma_wait3A_234 = tpu.memref_slice %arg10[%dma_wait3A_232, %dma_wait3A_233] : memref<1248x16xf32, #tpu.memory_space<vmem>> -> memref<8x16xf32, #tpu.memory_space<vmem>>
        %dma_wait3A_235 = arith.constant 20016 : i32
        %dma_wait3A_236 = arith.constant 0 : i32
        %dma_wait3A_237 = tpu.memref_slice %arg13[%dma_wait3A_235, %dma_wait3A_236] : memref<80128x16xf32, #tpu.memory_space<vmem_shared>> -> memref<8x16xf32, #tpu.memory_space<vmem_shared>>
        tpu.wait_dma2 semaphore(%run_scoped3A_213 : memref<!tpu.dma_semaphore, #tpu.memory_space<semaphore_mem>>) src(%dma_wait3A_237 : memref<8x16xf32, #tpu.memory_space<vmem_shared>>) dst(%dma_wait3A_234 : memref<8x16xf32, #tpu.memory_space<vmem>>)
        tpu.yield
      }) : () -> ()
      "tpu.region"() ({
        %run_scoped3A_213 = tpu.sem_alloc : memref<!tpu.dma_semaphore, #tpu.memory_space<semaphore_mem>>
        %dma_start3A_214 = arith.constant 32 : i32
        %dma_start3A_215 = arith.constant 0 : i32
        %dma_start3A_216 = tpu.memref_slice %arg10[%dma_start3A_214, %dma_start3A_215] : memref<1248x16xf32, #tpu.memory_space<vmem>> -> memref<8x16xf32, #tpu.memory_space<vmem>>
        %dma_start3A_217 = arith.constant 25024 : i32
        %dma_start3A_218 = arith.constant 0 : i32
        %dma_start3A_219 = tpu.memref_slice %arg13[%dma_start3A_217, %dma_start3A_218] : memref<80128x16xf32, #tpu.memory_space<vmem_shared>> -> memref<8x16xf32, #tpu.memory_space<vmem_shared>>
        %dma_start3A_220 = arith.constant 32 : i32
        %dma_start3A_221 = arith.constant 0 : i32
        %dma_start3A_222 = tpu.memref_slice %arg10[%dma_start3A_220, %dma_start3A_221] : memref<1248x16xf32, #tpu.memory_space<vmem>> -> memref<8x16xf32, #tpu.memory_space<vmem>>
        %dma_start3A_223 = arith.constant 25024 : i32
        %dma_start3A_224 = arith.constant 0 : i32
        %dma_start3A_225 = tpu.memref_slice %arg13[%dma_start3A_223, %dma_start3A_224] : memref<80128x16xf32, #tpu.memory_space<vmem_shared>> -> memref<8x16xf32, #tpu.memory_space<vmem_shared>>
        tpu.enqueue_dma source(%dma_start3A_225 : memref<8x16xf32, #tpu.memory_space<vmem_shared>>) target(%dma_start3A_222 : memref<8x16xf32, #tpu.memory_space<vmem>>) target_semaphore(%run_scoped3A_213 : memref<!tpu.dma_semaphore, #tpu.memory_space<semaphore_mem>>)
        %dma_wait3A_226 = arith.constant 32 : i32
        %dma_wait3A_227 = arith.constant 0 : i32
        %dma_wait3A_228 = tpu.memref_slice %arg10[%dma_wait3A_226, %dma_wait3A_227] : memref<1248x16xf32, #tpu.memory_space<vmem>> -> memref<8x16xf32, #tpu.memory_space<vmem>>
        %dma_wait3A_229 = arith.constant 25024 : i32
        %dma_wait3A_230 = arith.constant 0 : i32
        %dma_wait3A_231 = tpu.memref_slice %arg13[%dma_wait3A_229, %dma_wait3A_230] : memref<80128x16xf32, #tpu.memory_space<vmem_shared>> -> memref<8x16xf32, #tpu.memory_space<vmem_shared>>
        %dma_wait3A_232 = arith.constant 32 : i32
        %dma_wait3A_233 = arith.constant 0 : i32
        %dma_wait3A_234 = tpu.memref_slice %arg10[%dma_wait3A_232, %dma_wait3A_233] : memref<1248x16xf32, #tpu.memory_space<vmem>> -> memref<8x16xf32, #tpu.memory_space<vmem>>
        %dma_wait3A_235 = arith.constant 25024 : i32
        %dma_wait3A_236 = arith.constant 0 : i32
        %dma_wait3A_237 = tpu.memref_slice %arg13[%dma_wait3A_235, %dma_wait3A_236] : memref<80128x16xf32, #tpu.memory_space<vmem_shared>> -> memref<8x16xf32, #tpu.memory_space<vmem_shared>>
        tpu.wait_dma2 semaphore(%run_scoped3A_213 : memref<!tpu.dma_semaphore, #tpu.memory_space<semaphore_mem>>) src(%dma_wait3A_237 : memref<8x16xf32, #tpu.memory_space<vmem_shared>>) dst(%dma_wait3A_234 : memref<8x16xf32, #tpu.memory_space<vmem>>)
        tpu.yield
      }) : () -> ()
      "tpu.region"() ({
        %run_scoped3A_213 = tpu.sem_alloc : memref<!tpu.dma_semaphore, #tpu.memory_space<semaphore_mem>>
        %dma_start3A_214 = arith.constant 40 : i32
        %dma_start3A_215 = arith.constant 0 : i32
        %dma_start3A_216 = tpu.memref_slice %arg10[%dma_start3A_214, %dma_start3A_215] : memref<1248x16xf32, #tpu.memory_space<vmem>> -> memref<8x16xf32, #tpu.memory_space<vmem>>
        %dma_start3A_217 = arith.constant 30032 : i32
        %dma_start3A_218 = arith.constant 0 : i32
        %dma_start3A_219 = tpu.memref_slice %arg13[%dma_start3A_217, %dma_start3A_218] : memref<80128x16xf32, #tpu.memory_space<vmem_shared>> -> memref<8x16xf32, #tpu.memory_space<vmem_shared>>
        %dma_start3A_220 = arith.constant 40 : i32
        %dma_start3A_221 = arith.constant 0 : i32
        %dma_start3A_222 = tpu.memref_slice %arg10[%dma_start3A_220, %dma_start3A_221] : memref<1248x16xf32, #tpu.memory_space<vmem>> -> memref<8x16xf32, #tpu.memory_space<vmem>>
        %dma_start3A_223 = arith.constant 30032 : i32
        %dma_start3A_224 = arith.constant 0 : i32
        %dma_start3A_225 = tpu.memref_slice %arg13[%dma_start3A_223, %dma_start3A_224] : memref<80128x16xf32, #tpu.memory_space<vmem_shared>> -> memref<8x16xf32, #tpu.memory_space<vmem_shared>>
        tpu.enqueue_dma source(%dma_start3A_225 : memref<8x16xf32, #tpu.memory_space<vmem_shared>>) target(%dma_start3A_222 : memref<8x16xf32, #tpu.memory_space<vmem>>) target_semaphore(%run_scoped3A_213 : memref<!tpu.dma_semaphore, #tpu.memory_space<semaphore_mem>>)
        %dma_wait3A_226 = arith.constant 40 : i32
        %dma_wait3A_227 = arith.constant 0 : i32
        %dma_wait3A_228 = tpu.memref_slice %arg10[%dma_wait3A_226, %dma_wait3A_227] : memref<1248x16xf32, #tpu.memory_space<vmem>> -> memref<8x16xf32, #tpu.memory_space<vmem>>
        %dma_wait3A_229 = arith.constant 30032 : i32
        %dma_wait3A_230 = arith.constant 0 : i32
        %dma_wait3A_231 = tpu.memref_slice %arg13[%dma_wait3A_229, %dma_wait3A_230] : memref<80128x16xf32, #tpu.memory_space<vmem_shared>> -> memref<8x16xf32, #tpu.memory_space<vmem_shared>>
        %dma_wait3A_232 = arith.constant 40 : i32
        %dma_wait3A_233 = arith.constant 0 : i32
        %dma_wait3A_234 = tpu.memref_slice %arg10[%dma_wait3A_232, %dma_wait3A_233] : memref<1248x16xf32, #tpu.memory_space<vmem>> -> memref<8x16xf32, #tpu.memory_space<vmem>>
        %dma_wait3A_235 = arith.constant 30032 : i32
        %dma_wait3A_236 = arith.constant 0 : i32
        %dma_wait3A_237 = tpu.memref_slice %arg13[%dma_wait3A_235, %dma_wait3A_236] : memref<80128x16xf32, #tpu.memory_space<vmem_shared>> -> memref<8x16xf32, #tpu.memory_space<vmem_shared>>
        tpu.wait_dma2 semaphore(%run_scoped3A_213 : memref<!tpu.dma_semaphore, #tpu.memory_space<semaphore_mem>>) src(%dma_wait3A_237 : memref<8x16xf32, #tpu.memory_space<vmem_shared>>) dst(%dma_wait3A_234 : memref<8x16xf32, #tpu.memory_space<vmem>>)
        tpu.yield
      }) : () -> ()
      "tpu.region"() ({
        %run_scoped3A_213 = tpu.sem_alloc : memref<!tpu.dma_semaphore, #tpu.memory_space<semaphore_mem>>
        %dma_start3A_214 = arith.constant 48 : i32
        %dma_start3A_215 = arith.constant 0 : i32
        %dma_start3A_216 = tpu.memref_slice %arg10[%dma_start3A_214, %dma_start3A_215] : memref<1248x16xf32, #tpu.memory_space<vmem>> -> memref<8x16xf32, #tpu.memory_space<vmem>>
        %dma_start3A_217 = arith.constant 35040 : i32
        %dma_start3A_218 = arith.constant 0 : i32
        %dma_start3A_219 = tpu.memref_slice %arg13[%dma_start3A_217, %dma_start3A_218] : memref<80128x16xf32, #tpu.memory_space<vmem_shared>> -> memref<8x16xf32, #tpu.memory_space<vmem_shared>>
        %dma_start3A_220 = arith.constant 48 : i32
        %dma_start3A_221 = arith.constant 0 : i32
        %dma_start3A_222 = tpu.memref_slice %arg10[%dma_start3A_220, %dma_start3A_221] : memref<1248x16xf32, #tpu.memory_space<vmem>> -> memref<8x16xf32, #tpu.memory_space<vmem>>
        %dma_start3A_223 = arith.constant 35040 : i32
        %dma_start3A_224 = arith.constant 0 : i32
        %dma_start3A_225 = tpu.memref_slice %arg13[%dma_start3A_223, %dma_start3A_224] : memref<80128x16xf32, #tpu.memory_space<vmem_shared>> -> memref<8x16xf32, #tpu.memory_space<vmem_shared>>
        tpu.enqueue_dma source(%dma_start3A_225 : memref<8x16xf32, #tpu.memory_space<vmem_shared>>) target(%dma_start3A_222 : memref<8x16xf32, #tpu.memory_space<vmem>>) target_semaphore(%run_scoped3A_213 : memref<!tpu.dma_semaphore, #tpu.memory_space<semaphore_mem>>)
        %dma_wait3A_226 = arith.constant 48 : i32
        %dma_wait3A_227 = arith.constant 0 : i32
        %dma_wait3A_228 = tpu.memref_slice %arg10[%dma_wait3A_226, %dma_wait3A_227] : memref<1248x16xf32, #tpu.memory_space<vmem>> -> memref<8x16xf32, #tpu.memory_space<vmem>>
        %dma_wait3A_229 = arith.constant 35040 : i32
        %dma_wait3A_230 = arith.constant 0 : i32
        %dma_wait3A_231 = tpu.memref_slice %arg13[%dma_wait3A_229, %dma_wait3A_230] : memref<80128x16xf32, #tpu.memory_space<vmem_shared>> -> memref<8x16xf32, #tpu.memory_space<vmem_shared>>
        %dma_wait3A_232 = arith.constant 48 : i32
        %dma_wait3A_233 = arith.constant 0 : i32
        %dma_wait3A_234 = tpu.memref_slice %arg10[%dma_wait3A_232, %dma_wait3A_233] : memref<1248x16xf32, #tpu.memory_space<vmem>> -> memref<8x16xf32, #tpu.memory_space<vmem>>
        %dma_wait3A_235 = arith.constant 35040 : i32
        %dma_wait3A_236 = arith.constant 0 : i32
        %dma_wait3A_237 = tpu.memref_slice %arg13[%dma_wait3A_235, %dma_wait3A_236] : memref<80128x16xf32, #tpu.memory_space<vmem_shared>> -> memref<8x16xf32, #tpu.memory_space<vmem_shared>>
        tpu.wait_dma2 semaphore(%run_scoped3A_213 : memref<!tpu.dma_semaphore, #tpu.memory_space<semaphore_mem>>) src(%dma_wait3A_237 : memref<8x16xf32, #tpu.memory_space<vmem_shared>>) dst(%dma_wait3A_234 : memref<8x16xf32, #tpu.memory_space<vmem>>)
        tpu.yield
      }) : () -> ()
      "tpu.region"() ({
        %run_scoped3A_213 = tpu.sem_alloc : memref<!tpu.dma_semaphore, #tpu.memory_space<semaphore_mem>>
        %dma_start3A_214 = arith.constant 56 : i32
        %dma_start3A_215 = arith.constant 0 : i32
        %dma_start3A_216 = tpu.memref_slice %arg10[%dma_start3A_214, %dma_start3A_215] : memref<1248x16xf32, #tpu.memory_space<vmem>> -> memref<8x16xf32, #tpu.memory_space<vmem>>
        %dma_start3A_217 = arith.constant 40048 : i32
        %dma_start3A_218 = arith.constant 0 : i32
        %dma_start3A_219 = tpu.memref_slice %arg13[%dma_start3A_217, %dma_start3A_218] : memref<80128x16xf32, #tpu.memory_space<vmem_shared>> -> memref<8x16xf32, #tpu.memory_space<vmem_shared>>
        %dma_start3A_220 = arith.constant 56 : i32
        %dma_start3A_221 = arith.constant 0 : i32
        %dma_start3A_222 = tpu.memref_slice %arg10[%dma_start3A_220, %dma_start3A_221] : memref<1248x16xf32, #tpu.memory_space<vmem>> -> memref<8x16xf32, #tpu.memory_space<vmem>>
        %dma_start3A_223 = arith.constant 40048 : i32
        %dma_start3A_224 = arith.constant 0 : i32
        %dma_start3A_225 = tpu.memref_slice %arg13[%dma_start3A_223, %dma_start3A_224] : memref<80128x16xf32, #tpu.memory_space<vmem_shared>> -> memref<8x16xf32, #tpu.memory_space<vmem_shared>>
        tpu.enqueue_dma source(%dma_start3A_225 : memref<8x16xf32, #tpu.memory_space<vmem_shared>>) target(%dma_start3A_222 : memref<8x16xf32, #tpu.memory_space<vmem>>) target_semaphore(%run_scoped3A_213 : memref<!tpu.dma_semaphore, #tpu.memory_space<semaphore_mem>>)
        %dma_wait3A_226 = arith.constant 56 : i32
        %dma_wait3A_227 = arith.constant 0 : i32
        %dma_wait3A_228 = tpu.memref_slice %arg10[%dma_wait3A_226, %dma_wait3A_227] : memref<1248x16xf32, #tpu.memory_space<vmem>> -> memref<8x16xf32, #tpu.memory_space<vmem>>
        %dma_wait3A_229 = arith.constant 40048 : i32
        %dma_wait3A_230 = arith.constant 0 : i32
        %dma_wait3A_231 = tpu.memref_slice %arg13[%dma_wait3A_229, %dma_wait3A_230] : memref<80128x16xf32, #tpu.memory_space<vmem_shared>> -> memref<8x16xf32, #tpu.memory_space<vmem_shared>>
        %dma_wait3A_232 = arith.constant 56 : i32
        %dma_wait3A_233 = arith.constant 0 : i32
        %dma_wait3A_234 = tpu.memref_slice %arg10[%dma_wait3A_232, %dma_wait3A_233] : memref<1248x16xf32, #tpu.memory_space<vmem>> -> memref<8x16xf32, #tpu.memory_space<vmem>>
        %dma_wait3A_235 = arith.constant 40048 : i32
        %dma_wait3A_236 = arith.constant 0 : i32
        %dma_wait3A_237 = tpu.memref_slice %arg13[%dma_wait3A_235, %dma_wait3A_236] : memref<80128x16xf32, #tpu.memory_space<vmem_shared>> -> memref<8x16xf32, #tpu.memory_space<vmem_shared>>
        tpu.wait_dma2 semaphore(%run_scoped3A_213 : memref<!tpu.dma_semaphore, #tpu.memory_space<semaphore_mem>>) src(%dma_wait3A_237 : memref<8x16xf32, #tpu.memory_space<vmem_shared>>) dst(%dma_wait3A_234 : memref<8x16xf32, #tpu.memory_space<vmem>>)
        tpu.yield
      }) : () -> ()
      "tpu.region"() ({
        %run_scoped3A_213 = tpu.sem_alloc : memref<!tpu.dma_semaphore, #tpu.memory_space<semaphore_mem>>
        %dma_start3A_214 = arith.constant 64 : i32
        %dma_start3A_215 = arith.constant 0 : i32
        %dma_start3A_216 = tpu.memref_slice %arg10[%dma_start3A_214, %dma_start3A_215] : memref<1248x16xf32, #tpu.memory_space<vmem>> -> memref<8x16xf32, #tpu.memory_space<vmem>>
        %dma_start3A_217 = arith.constant 45056 : i32
        %dma_start3A_218 = arith.constant 0 : i32
        %dma_start3A_219 = tpu.memref_slice %arg13[%dma_start3A_217, %dma_start3A_218] : memref<80128x16xf32, #tpu.memory_space<vmem_shared>> -> memref<8x16xf32, #tpu.memory_space<vmem_shared>>
        %dma_start3A_220 = arith.constant 64 : i32
        %dma_start3A_221 = arith.constant 0 : i32
        %dma_start3A_222 = tpu.memref_slice %arg10[%dma_start3A_220, %dma_start3A_221] : memref<1248x16xf32, #tpu.memory_space<vmem>> -> memref<8x16xf32, #tpu.memory_space<vmem>>
        %dma_start3A_223 = arith.constant 45056 : i32
        %dma_start3A_224 = arith.constant 0 : i32
        %dma_start3A_225 = tpu.memref_slice %arg13[%dma_start3A_223, %dma_start3A_224] : memref<80128x16xf32, #tpu.memory_space<vmem_shared>> -> memref<8x16xf32, #tpu.memory_space<vmem_shared>>
        tpu.enqueue_dma source(%dma_start3A_225 : memref<8x16xf32, #tpu.memory_space<vmem_shared>>) target(%dma_start3A_222 : memref<8x16xf32, #tpu.memory_space<vmem>>) target_semaphore(%run_scoped3A_213 : memref<!tpu.dma_semaphore, #tpu.memory_space<semaphore_mem>>)
        %dma_wait3A_226 = arith.constant 64 : i32
        %dma_wait3A_227 = arith.constant 0 : i32
        %dma_wait3A_228 = tpu.memref_slice %arg10[%dma_wait3A_226, %dma_wait3A_227] : memref<1248x16xf32, #tpu.memory_space<vmem>> -> memref<8x16xf32, #tpu.memory_space<vmem>>
        %dma_wait3A_229 = arith.constant 45056 : i32
        %dma_wait3A_230 = arith.constant 0 : i32
        %dma_wait3A_231 = tpu.memref_slice %arg13[%dma_wait3A_229, %dma_wait3A_230] : memref<80128x16xf32, #tpu.memory_space<vmem_shared>> -> memref<8x16xf32, #tpu.memory_space<vmem_shared>>
        %dma_wait3A_232 = arith.constant 64 : i32
        %dma_wait3A_233 = arith.constant 0 : i32
        %dma_wait3A_234 = tpu.memref_slice %arg10[%dma_wait3A_232, %dma_wait3A_233] : memref<1248x16xf32, #tpu.memory_space<vmem>> -> memref<8x16xf32, #tpu.memory_space<vmem>>
        %dma_wait3A_235 = arith.constant 45056 : i32
        %dma_wait3A_236 = arith.constant 0 : i32
        %dma_wait3A_237 = tpu.memref_slice %arg13[%dma_wait3A_235, %dma_wait3A_236] : memref<80128x16xf32, #tpu.memory_space<vmem_shared>> -> memref<8x16xf32, #tpu.memory_space<vmem_shared>>
        tpu.wait_dma2 semaphore(%run_scoped3A_213 : memref<!tpu.dma_semaphore, #tpu.memory_space<semaphore_mem>>) src(%dma_wait3A_237 : memref<8x16xf32, #tpu.memory_space<vmem_shared>>) dst(%dma_wait3A_234 : memref<8x16xf32, #tpu.memory_space<vmem>>)
        tpu.yield
      }) : () -> ()
      "tpu.region"() ({
        %run_scoped3A_213 = tpu.sem_alloc : memref<!tpu.dma_semaphore, #tpu.memory_space<semaphore_mem>>
        %dma_start3A_214 = arith.constant 72 : i32
        %dma_start3A_215 = arith.constant 0 : i32
        %dma_start3A_216 = tpu.memref_slice %arg10[%dma_start3A_214, %dma_start3A_215] : memref<1248x16xf32, #tpu.memory_space<vmem>> -> memref<8x16xf32, #tpu.memory_space<vmem>>
        %dma_start3A_217 = arith.constant 50064 : i32
        %dma_start3A_218 = arith.constant 0 : i32
        %dma_start3A_219 = tpu.memref_slice %arg13[%dma_start3A_217, %dma_start3A_218] : memref<80128x16xf32, #tpu.memory_space<vmem_shared>> -> memref<8x16xf32, #tpu.memory_space<vmem_shared>>
        %dma_start3A_220 = arith.constant 72 : i32
        %dma_start3A_221 = arith.constant 0 : i32
        %dma_start3A_222 = tpu.memref_slice %arg10[%dma_start3A_220, %dma_start3A_221] : memref<1248x16xf32, #tpu.memory_space<vmem>> -> memref<8x16xf32, #tpu.memory_space<vmem>>
        %dma_start3A_223 = arith.constant 50064 : i32
        %dma_start3A_224 = arith.constant 0 : i32
        %dma_start3A_225 = tpu.memref_slice %arg13[%dma_start3A_223, %dma_start3A_224] : memref<80128x16xf32, #tpu.memory_space<vmem_shared>> -> memref<8x16xf32, #tpu.memory_space<vmem_shared>>
        tpu.enqueue_dma source(%dma_start3A_225 : memref<8x16xf32, #tpu.memory_space<vmem_shared>>) target(%dma_start3A_222 : memref<8x16xf32, #tpu.memory_space<vmem>>) target_semaphore(%run_scoped3A_213 : memref<!tpu.dma_semaphore, #tpu.memory_space<semaphore_mem>>)
        %dma_wait3A_226 = arith.constant 72 : i32
        %dma_wait3A_227 = arith.constant 0 : i32
        %dma_wait3A_228 = tpu.memref_slice %arg10[%dma_wait3A_226, %dma_wait3A_227] : memref<1248x16xf32, #tpu.memory_space<vmem>> -> memref<8x16xf32, #tpu.memory_space<vmem>>
        %dma_wait3A_229 = arith.constant 50064 : i32
        %dma_wait3A_230 = arith.constant 0 : i32
        %dma_wait3A_231 = tpu.memref_slice %arg13[%dma_wait3A_229, %dma_wait3A_230] : memref<80128x16xf32, #tpu.memory_space<vmem_shared>> -> memref<8x16xf32, #tpu.memory_space<vmem_shared>>
        %dma_wait3A_232 = arith.constant 72 : i32
        %dma_wait3A_233 = arith.constant 0 : i32
        %dma_wait3A_234 = tpu.memref_slice %arg10[%dma_wait3A_232, %dma_wait3A_233] : memref<1248x16xf32, #tpu.memory_space<vmem>> -> memref<8x16xf32, #tpu.memory_space<vmem>>
        %dma_wait3A_235 = arith.constant 50064 : i32
        %dma_wait3A_236 = arith.constant 0 : i32
        %dma_wait3A_237 = tpu.memref_slice %arg13[%dma_wait3A_235, %dma_wait3A_236] : memref<80128x16xf32, #tpu.memory_space<vmem_shared>> -> memref<8x16xf32, #tpu.memory_space<vmem_shared>>
        tpu.wait_dma2 semaphore(%run_scoped3A_213 : memref<!tpu.dma_semaphore, #tpu.memory_space<semaphore_mem>>) src(%dma_wait3A_237 : memref<8x16xf32, #tpu.memory_space<vmem_shared>>) dst(%dma_wait3A_234 : memref<8x16xf32, #tpu.memory_space<vmem>>)
        tpu.yield
      }) : () -> ()
      "tpu.region"() ({
        %run_scoped3A_213 = tpu.sem_alloc : memref<!tpu.dma_semaphore, #tpu.memory_space<semaphore_mem>>
        %dma_start3A_214 = arith.constant 80 : i32
        %dma_start3A_215 = arith.constant 0 : i32
        %dma_start3A_216 = tpu.memref_slice %arg10[%dma_start3A_214, %dma_start3A_215] : memref<1248x16xf32, #tpu.memory_space<vmem>> -> memref<8x16xf32, #tpu.memory_space<vmem>>
        %dma_start3A_217 = arith.constant 55072 : i32
        %dma_start3A_218 = arith.constant 0 : i32
        %dma_start3A_219 = tpu.memref_slice %arg13[%dma_start3A_217, %dma_start3A_218] : memref<80128x16xf32, #tpu.memory_space<vmem_shared>> -> memref<8x16xf32, #tpu.memory_space<vmem_shared>>
        %dma_start3A_220 = arith.constant 80 : i32
        %dma_start3A_221 = arith.constant 0 : i32
        %dma_start3A_222 = tpu.memref_slice %arg10[%dma_start3A_220, %dma_start3A_221] : memref<1248x16xf32, #tpu.memory_space<vmem>> -> memref<8x16xf32, #tpu.memory_space<vmem>>
        %dma_start3A_223 = arith.constant 55072 : i32
        %dma_start3A_224 = arith.constant 0 : i32
        %dma_start3A_225 = tpu.memref_slice %arg13[%dma_start3A_223, %dma_start3A_224] : memref<80128x16xf32, #tpu.memory_space<vmem_shared>> -> memref<8x16xf32, #tpu.memory_space<vmem_shared>>
        tpu.enqueue_dma source(%dma_start3A_225 : memref<8x16xf32, #tpu.memory_space<vmem_shared>>) target(%dma_start3A_222 : memref<8x16xf32, #tpu.memory_space<vmem>>) target_semaphore(%run_scoped3A_213 : memref<!tpu.dma_semaphore, #tpu.memory_space<semaphore_mem>>)
        %dma_wait3A_226 = arith.constant 80 : i32
        %dma_wait3A_227 = arith.constant 0 : i32
        %dma_wait3A_228 = tpu.memref_slice %arg10[%dma_wait3A_226, %dma_wait3A_227] : memref<1248x16xf32, #tpu.memory_space<vmem>> -> memref<8x16xf32, #tpu.memory_space<vmem>>
        %dma_wait3A_229 = arith.constant 55072 : i32
        %dma_wait3A_230 = arith.constant 0 : i32
        %dma_wait3A_231 = tpu.memref_slice %arg13[%dma_wait3A_229, %dma_wait3A_230] : memref<80128x16xf32, #tpu.memory_space<vmem_shared>> -> memref<8x16xf32, #tpu.memory_space<vmem_shared>>
        %dma_wait3A_232 = arith.constant 80 : i32
        %dma_wait3A_233 = arith.constant 0 : i32
        %dma_wait3A_234 = tpu.memref_slice %arg10[%dma_wait3A_232, %dma_wait3A_233] : memref<1248x16xf32, #tpu.memory_space<vmem>> -> memref<8x16xf32, #tpu.memory_space<vmem>>
        %dma_wait3A_235 = arith.constant 55072 : i32
        %dma_wait3A_236 = arith.constant 0 : i32
        %dma_wait3A_237 = tpu.memref_slice %arg13[%dma_wait3A_235, %dma_wait3A_236] : memref<80128x16xf32, #tpu.memory_space<vmem_shared>> -> memref<8x16xf32, #tpu.memory_space<vmem_shared>>
        tpu.wait_dma2 semaphore(%run_scoped3A_213 : memref<!tpu.dma_semaphore, #tpu.memory_space<semaphore_mem>>) src(%dma_wait3A_237 : memref<8x16xf32, #tpu.memory_space<vmem_shared>>) dst(%dma_wait3A_234 : memref<8x16xf32, #tpu.memory_space<vmem>>)
        tpu.yield
      }) : () -> ()
      "tpu.region"() ({
        %run_scoped3A_213 = tpu.sem_alloc : memref<!tpu.dma_semaphore, #tpu.memory_space<semaphore_mem>>
        %dma_start3A_214 = arith.constant 88 : i32
        %dma_start3A_215 = arith.constant 0 : i32
        %dma_start3A_216 = tpu.memref_slice %arg10[%dma_start3A_214, %dma_start3A_215] : memref<1248x16xf32, #tpu.memory_space<vmem>> -> memref<8x16xf32, #tpu.memory_space<vmem>>
        %dma_start3A_217 = arith.constant 60080 : i32
        %dma_start3A_218 = arith.constant 0 : i32
        %dma_start3A_219 = tpu.memref_slice %arg13[%dma_start3A_217, %dma_start3A_218] : memref<80128x16xf32, #tpu.memory_space<vmem_shared>> -> memref<8x16xf32, #tpu.memory_space<vmem_shared>>
        %dma_start3A_220 = arith.constant 88 : i32
        %dma_start3A_221 = arith.constant 0 : i32
        %dma_start3A_222 = tpu.memref_slice %arg10[%dma_start3A_220, %dma_start3A_221] : memref<1248x16xf32, #tpu.memory_space<vmem>> -> memref<8x16xf32, #tpu.memory_space<vmem>>
        %dma_start3A_223 = arith.constant 60080 : i32
        %dma_start3A_224 = arith.constant 0 : i32
        %dma_start3A_225 = tpu.memref_slice %arg13[%dma_start3A_223, %dma_start3A_224] : memref<80128x16xf32, #tpu.memory_space<vmem_shared>> -> memref<8x16xf32, #tpu.memory_space<vmem_shared>>
        tpu.enqueue_dma source(%dma_start3A_225 : memref<8x16xf32, #tpu.memory_space<vmem_shared>>) target(%dma_start3A_222 : memref<8x16xf32, #tpu.memory_space<vmem>>) target_semaphore(%run_scoped3A_213 : memref<!tpu.dma_semaphore, #tpu.memory_space<semaphore_mem>>)
        %dma_wait3A_226 = arith.constant 88 : i32
        %dma_wait3A_227 = arith.constant 0 : i32
        %dma_wait3A_228 = tpu.memref_slice %arg10[%dma_wait3A_226, %dma_wait3A_227] : memref<1248x16xf32, #tpu.memory_space<vmem>> -> memref<8x16xf32, #tpu.memory_space<vmem>>
        %dma_wait3A_229 = arith.constant 60080 : i32
        %dma_wait3A_230 = arith.constant 0 : i32
        %dma_wait3A_231 = tpu.memref_slice %arg13[%dma_wait3A_229, %dma_wait3A_230] : memref<80128x16xf32, #tpu.memory_space<vmem_shared>> -> memref<8x16xf32, #tpu.memory_space<vmem_shared>>
        %dma_wait3A_232 = arith.constant 88 : i32
        %dma_wait3A_233 = arith.constant 0 : i32
        %dma_wait3A_234 = tpu.memref_slice %arg10[%dma_wait3A_232, %dma_wait3A_233] : memref<1248x16xf32, #tpu.memory_space<vmem>> -> memref<8x16xf32, #tpu.memory_space<vmem>>
        %dma_wait3A_235 = arith.constant 60080 : i32
        %dma_wait3A_236 = arith.constant 0 : i32
        %dma_wait3A_237 = tpu.memref_slice %arg13[%dma_wait3A_235, %dma_wait3A_236] : memref<80128x16xf32, #tpu.memory_space<vmem_shared>> -> memref<8x16xf32, #tpu.memory_space<vmem_shared>>
        tpu.wait_dma2 semaphore(%run_scoped3A_213 : memref<!tpu.dma_semaphore, #tpu.memory_space<semaphore_mem>>) src(%dma_wait3A_237 : memref<8x16xf32, #tpu.memory_space<vmem_shared>>) dst(%dma_wait3A_234 : memref<8x16xf32, #tpu.memory_space<vmem>>)
        tpu.yield
      }) : () -> ()
      "tpu.region"() ({
        %run_scoped3A_213 = tpu.sem_alloc : memref<!tpu.dma_semaphore, #tpu.memory_space<semaphore_mem>>
        %dma_start3A_214 = arith.constant 96 : i32
        %dma_start3A_215 = arith.constant 0 : i32
        %dma_start3A_216 = tpu.memref_slice %arg10[%dma_start3A_214, %dma_start3A_215] : memref<1248x16xf32, #tpu.memory_space<vmem>> -> memref<8x16xf32, #tpu.memory_space<vmem>>
        %dma_start3A_217 = arith.constant 65088 : i32
        %dma_start3A_218 = arith.constant 0 : i32
        %dma_start3A_219 = tpu.memref_slice %arg13[%dma_start3A_217, %dma_start3A_218] : memref<80128x16xf32, #tpu.memory_space<vmem_shared>> -> memref<8x16xf32, #tpu.memory_space<vmem_shared>>
        %dma_start3A_220 = arith.constant 96 : i32
        %dma_start3A_221 = arith.constant 0 : i32
        %dma_start3A_222 = tpu.memref_slice %arg10[%dma_start3A_220, %dma_start3A_221] : memref<1248x16xf32, #tpu.memory_space<vmem>> -> memref<8x16xf32, #tpu.memory_space<vmem>>
        %dma_start3A_223 = arith.constant 65088 : i32
        %dma_start3A_224 = arith.constant 0 : i32
        %dma_start3A_225 = tpu.memref_slice %arg13[%dma_start3A_223, %dma_start3A_224] : memref<80128x16xf32, #tpu.memory_space<vmem_shared>> -> memref<8x16xf32, #tpu.memory_space<vmem_shared>>
        tpu.enqueue_dma source(%dma_start3A_225 : memref<8x16xf32, #tpu.memory_space<vmem_shared>>) target(%dma_start3A_222 : memref<8x16xf32, #tpu.memory_space<vmem>>) target_semaphore(%run_scoped3A_213 : memref<!tpu.dma_semaphore, #tpu.memory_space<semaphore_mem>>)
        %dma_wait3A_226 = arith.constant 96 : i32
        %dma_wait3A_227 = arith.constant 0 : i32
        %dma_wait3A_228 = tpu.memref_slice %arg10[%dma_wait3A_226, %dma_wait3A_227] : memref<1248x16xf32, #tpu.memory_space<vmem>> -> memref<8x16xf32, #tpu.memory_space<vmem>>
        %dma_wait3A_229 = arith.constant 65088 : i32
        %dma_wait3A_230 = arith.constant 0 : i32
        %dma_wait3A_231 = tpu.memref_slice %arg13[%dma_wait3A_229, %dma_wait3A_230] : memref<80128x16xf32, #tpu.memory_space<vmem_shared>> -> memref<8x16xf32, #tpu.memory_space<vmem_shared>>
        %dma_wait3A_232 = arith.constant 96 : i32
        %dma_wait3A_233 = arith.constant 0 : i32
        %dma_wait3A_234 = tpu.memref_slice %arg10[%dma_wait3A_232, %dma_wait3A_233] : memref<1248x16xf32, #tpu.memory_space<vmem>> -> memref<8x16xf32, #tpu.memory_space<vmem>>
        %dma_wait3A_235 = arith.constant 65088 : i32
        %dma_wait3A_236 = arith.constant 0 : i32
        %dma_wait3A_237 = tpu.memref_slice %arg13[%dma_wait3A_235, %dma_wait3A_236] : memref<80128x16xf32, #tpu.memory_space<vmem_shared>> -> memref<8x16xf32, #tpu.memory_space<vmem_shared>>
        tpu.wait_dma2 semaphore(%run_scoped3A_213 : memref<!tpu.dma_semaphore, #tpu.memory_space<semaphore_mem>>) src(%dma_wait3A_237 : memref<8x16xf32, #tpu.memory_space<vmem_shared>>) dst(%dma_wait3A_234 : memref<8x16xf32, #tpu.memory_space<vmem>>)
        tpu.yield
      }) : () -> ()
      "tpu.region"() ({
        %run_scoped3A_213 = tpu.sem_alloc : memref<!tpu.dma_semaphore, #tpu.memory_space<semaphore_mem>>
        %dma_start3A_214 = arith.constant 104 : i32
        %dma_start3A_215 = arith.constant 0 : i32
        %dma_start3A_216 = tpu.memref_slice %arg10[%dma_start3A_214, %dma_start3A_215] : memref<1248x16xf32, #tpu.memory_space<vmem>> -> memref<8x16xf32, #tpu.memory_space<vmem>>
        %dma_start3A_217 = arith.constant 70096 : i32
        %dma_start3A_218 = arith.constant 0 : i32
        %dma_start3A_219 = tpu.memref_slice %arg13[%dma_start3A_217, %dma_start3A_218] : memref<80128x16xf32, #tpu.memory_space<vmem_shared>> -> memref<8x16xf32, #tpu.memory_space<vmem_shared>>
        %dma_start3A_220 = arith.constant 104 : i32
        %dma_start3A_221 = arith.constant 0 : i32
        %dma_start3A_222 = tpu.memref_slice %arg10[%dma_start3A_220, %dma_start3A_221] : memref<1248x16xf32, #tpu.memory_space<vmem>> -> memref<8x16xf32, #tpu.memory_space<vmem>>
        %dma_start3A_223 = arith.constant 70096 : i32
        %dma_start3A_224 = arith.constant 0 : i32
        %dma_start3A_225 = tpu.memref_slice %arg13[%dma_start3A_223, %dma_start3A_224] : memref<80128x16xf32, #tpu.memory_space<vmem_shared>> -> memref<8x16xf32, #tpu.memory_space<vmem_shared>>
        tpu.enqueue_dma source(%dma_start3A_225 : memref<8x16xf32, #tpu.memory_space<vmem_shared>>) target(%dma_start3A_222 : memref<8x16xf32, #tpu.memory_space<vmem>>) target_semaphore(%run_scoped3A_213 : memref<!tpu.dma_semaphore, #tpu.memory_space<semaphore_mem>>)
        %dma_wait3A_226 = arith.constant 104 : i32
        %dma_wait3A_227 = arith.constant 0 : i32
        %dma_wait3A_228 = tpu.memref_slice %arg10[%dma_wait3A_226, %dma_wait3A_227] : memref<1248x16xf32, #tpu.memory_space<vmem>> -> memref<8x16xf32, #tpu.memory_space<vmem>>
        %dma_wait3A_229 = arith.constant 70096 : i32
        %dma_wait3A_230 = arith.constant 0 : i32
        %dma_wait3A_231 = tpu.memref_slice %arg13[%dma_wait3A_229, %dma_wait3A_230] : memref<80128x16xf32, #tpu.memory_space<vmem_shared>> -> memref<8x16xf32, #tpu.memory_space<vmem_shared>>
        %dma_wait3A_232 = arith.constant 104 : i32
        %dma_wait3A_233 = arith.constant 0 : i32
        %dma_wait3A_234 = tpu.memref_slice %arg10[%dma_wait3A_232, %dma_wait3A_233] : memref<1248x16xf32, #tpu.memory_space<vmem>> -> memref<8x16xf32, #tpu.memory_space<vmem>>
        %dma_wait3A_235 = arith.constant 70096 : i32
        %dma_wait3A_236 = arith.constant 0 : i32
        %dma_wait3A_237 = tpu.memref_slice %arg13[%dma_wait3A_235, %dma_wait3A_236] : memref<80128x16xf32, #tpu.memory_space<vmem_shared>> -> memref<8x16xf32, #tpu.memory_space<vmem_shared>>
        tpu.wait_dma2 semaphore(%run_scoped3A_213 : memref<!tpu.dma_semaphore, #tpu.memory_space<semaphore_mem>>) src(%dma_wait3A_237 : memref<8x16xf32, #tpu.memory_space<vmem_shared>>) dst(%dma_wait3A_234 : memref<8x16xf32, #tpu.memory_space<vmem>>)
        tpu.yield
      }) : () -> ()
      "tpu.region"() ({
        %run_scoped3A_213 = tpu.sem_alloc : memref<!tpu.dma_semaphore, #tpu.memory_space<semaphore_mem>>
        %dma_start3A_214 = arith.constant 112 : i32
        %dma_start3A_215 = arith.constant 0 : i32
        %dma_start3A_216 = tpu.memref_slice %arg10[%dma_start3A_214, %dma_start3A_215] : memref<1248x16xf32, #tpu.memory_space<vmem>> -> memref<8x16xf32, #tpu.memory_space<vmem>>
        %dma_start3A_217 = arith.constant 75104 : i32
        %dma_start3A_218 = arith.constant 0 : i32
        %dma_start3A_219 = tpu.memref_slice %arg13[%dma_start3A_217, %dma_start3A_218] : memref<80128x16xf32, #tpu.memory_space<vmem_shared>> -> memref<8x16xf32, #tpu.memory_space<vmem_shared>>
        %dma_start3A_220 = arith.constant 112 : i32
        %dma_start3A_221 = arith.constant 0 : i32
        %dma_start3A_222 = tpu.memref_slice %arg10[%dma_start3A_220, %dma_start3A_221] : memref<1248x16xf32, #tpu.memory_space<vmem>> -> memref<8x16xf32, #tpu.memory_space<vmem>>
        %dma_start3A_223 = arith.constant 75104 : i32
        %dma_start3A_224 = arith.constant 0 : i32
        %dma_start3A_225 = tpu.memref_slice %arg13[%dma_start3A_223, %dma_start3A_224] : memref<80128x16xf32, #tpu.memory_space<vmem_shared>> -> memref<8x16xf32, #tpu.memory_space<vmem_shared>>
        tpu.enqueue_dma source(%dma_start3A_225 : memref<8x16xf32, #tpu.memory_space<vmem_shared>>) target(%dma_start3A_222 : memref<8x16xf32, #tpu.memory_space<vmem>>) target_semaphore(%run_scoped3A_213 : memref<!tpu.dma_semaphore, #tpu.memory_space<semaphore_mem>>)
        %dma_wait3A_226 = arith.constant 112 : i32
        %dma_wait3A_227 = arith.constant 0 : i32
        %dma_wait3A_228 = tpu.memref_slice %arg10[%dma_wait3A_226, %dma_wait3A_227] : memref<1248x16xf32, #tpu.memory_space<vmem>> -> memref<8x16xf32, #tpu.memory_space<vmem>>
        %dma_wait3A_229 = arith.constant 75104 : i32
        %dma_wait3A_230 = arith.constant 0 : i32
        %dma_wait3A_231 = tpu.memref_slice %arg13[%dma_wait3A_229, %dma_wait3A_230] : memref<80128x16xf32, #tpu.memory_space<vmem_shared>> -> memref<8x16xf32, #tpu.memory_space<vmem_shared>>
        %dma_wait3A_232 = arith.constant 112 : i32
        %dma_wait3A_233 = arith.constant 0 : i32
        %dma_wait3A_234 = tpu.memref_slice %arg10[%dma_wait3A_232, %dma_wait3A_233] : memref<1248x16xf32, #tpu.memory_space<vmem>> -> memref<8x16xf32, #tpu.memory_space<vmem>>
        %dma_wait3A_235 = arith.constant 75104 : i32
        %dma_wait3A_236 = arith.constant 0 : i32
        %dma_wait3A_237 = tpu.memref_slice %arg13[%dma_wait3A_235, %dma_wait3A_236] : memref<80128x16xf32, #tpu.memory_space<vmem_shared>> -> memref<8x16xf32, #tpu.memory_space<vmem_shared>>
        tpu.wait_dma2 semaphore(%run_scoped3A_213 : memref<!tpu.dma_semaphore, #tpu.memory_space<semaphore_mem>>) src(%dma_wait3A_237 : memref<8x16xf32, #tpu.memory_space<vmem_shared>>) dst(%dma_wait3A_234 : memref<8x16xf32, #tpu.memory_space<vmem>>)
        tpu.yield
      }) : () -> ()
      "tpu.region"() ({
        %run_scoped3A_213 = tpu.sem_alloc : memref<!tpu.dma_semaphore, #tpu.memory_space<semaphore_mem>>
        %dma_start3A_214 = arith.constant 120 : i32
        %dma_start3A_215 = arith.constant 0 : i32
        %dma_start3A_216 = tpu.memref_slice %arg10[%dma_start3A_214, %dma_start3A_215] : memref<1248x16xf32, #tpu.memory_space<vmem>> -> memref<8x16xf32, #tpu.memory_space<vmem>>
        %dma_start3A_217 = arith.constant 80112 : i32
        %dma_start3A_218 = arith.constant 0 : i32
        %dma_start3A_219 = tpu.memref_slice %arg13[%dma_start3A_217, %dma_start3A_218] : memref<80128x16xf32, #tpu.memory_space<vmem_shared>> -> memref<8x16xf32, #tpu.memory_space<vmem_shared>>
        %dma_start3A_220 = arith.constant 120 : i32
        %dma_start3A_221 = arith.constant 0 : i32
        %dma_start3A_222 = tpu.memref_slice %arg10[%dma_start3A_220, %dma_start3A_221] : memref<1248x16xf32, #tpu.memory_space<vmem>> -> memref<8x16xf32, #tpu.memory_space<vmem>>
        %dma_start3A_223 = arith.constant 80112 : i32
        %dma_start3A_224 = arith.constant 0 : i32
        %dma_start3A_225 = tpu.memref_slice %arg13[%dma_start3A_223, %dma_start3A_224] : memref<80128x16xf32, #tpu.memory_space<vmem_shared>> -> memref<8x16xf32, #tpu.memory_space<vmem_shared>>
        tpu.enqueue_dma source(%dma_start3A_225 : memref<8x16xf32, #tpu.memory_space<vmem_shared>>) target(%dma_start3A_222 : memref<8x16xf32, #tpu.memory_space<vmem>>) target_semaphore(%run_scoped3A_213 : memref<!tpu.dma_semaphore, #tpu.memory_space<semaphore_mem>>)
        %dma_wait3A_226 = arith.constant 120 : i32
        %dma_wait3A_227 = arith.constant 0 : i32
        %dma_wait3A_228 = tpu.memref_slice %arg10[%dma_wait3A_226, %dma_wait3A_227] : memref<1248x16xf32, #tpu.memory_space<vmem>> -> memref<8x16xf32, #tpu.memory_space<vmem>>
        %dma_wait3A_229 = arith.constant 80112 : i32
        %dma_wait3A_230 = arith.constant 0 : i32
        %dma_wait3A_231 = tpu.memref_slice %arg13[%dma_wait3A_229, %dma_wait3A_230] : memref<80128x16xf32, #tpu.memory_space<vmem_shared>> -> memref<8x16xf32, #tpu.memory_space<vmem_shared>>
        %dma_wait3A_232 = arith.constant 120 : i32
        %dma_wait3A_233 = arith.constant 0 : i32
        %dma_wait3A_234 = tpu.memref_slice %arg10[%dma_wait3A_232, %dma_wait3A_233] : memref<1248x16xf32, #tpu.memory_space<vmem>> -> memref<8x16xf32, #tpu.memory_space<vmem>>
        %dma_wait3A_235 = arith.constant 80112 : i32
        %dma_wait3A_236 = arith.constant 0 : i32
        %dma_wait3A_237 = tpu.memref_slice %arg13[%dma_wait3A_235, %dma_wait3A_236] : memref<80128x16xf32, #tpu.memory_space<vmem_shared>> -> memref<8x16xf32, #tpu.memory_space<vmem_shared>>
        tpu.wait_dma2 semaphore(%run_scoped3A_213 : memref<!tpu.dma_semaphore, #tpu.memory_space<semaphore_mem>>) src(%dma_wait3A_237 : memref<8x16xf32, #tpu.memory_space<vmem_shared>>) dst(%dma_wait3A_234 : memref<8x16xf32, #tpu.memory_space<vmem>>)
        tpu.yield
      }) : () -> ()
      %scan3A_206 = arith.constant 0 : i32
      %scan3A_207 = arith.constant 8 : i32
      %scan3A_208 = arith.addi %scan3A_206, %scan3A_207 : i32
      %scan3A_209 = arith.constant 1 : i32
      scf.for %scan3A_213 = %scan3A_206 to %scan3A_208 step %scan3A_209  : i32 {
        %mul3A_214 = arith.constant 1 : i32
        %mul3A_215 = arith.muli %scan3A_213, %mul3A_214 : i32
        %add3A_216 = arith.constant 0 : i32
        %add3A_217 = arith.addi %add3A_216, %mul3A_215 : i32
        %get3A = arith.index_cast %add3A_217 : i32 to index
        %get3A_218 = arith.constant 0 : index
        %get3A_219 = tpu.vector_load %arg10[%get3A, %get3A_218] {strides = array<i32>} : memref<1248x16xf32, #tpu.memory_space<vmem>>, vector<1x16xf32>,
        %get3A_220 = vector.shape_cast %get3A_219 : vector<1x16xf32> to vector<16xf32>
        %add3A_221 = arith.constant 8 : i32
        %add3A_222 = arith.addi %add3A_221, %add3A_217 : i32
        %get3A_223 = arith.index_cast %add3A_222 : i32 to index
        %get3A_224 = arith.constant 0 : index
        %get3A_225 = tpu.vector_load %arg10[%get3A_223, %get3A_224] {strides = array<i32>} : memref<1248x16xf32, #tpu.memory_space<vmem>>, vector<1x16xf32>,
        %get3A_226 = vector.shape_cast %get3A_225 : vector<1x16xf32> to vector<16xf32>
        %add3A_227 = arith.addf %get3A_220, %get3A_226 : vector<16xf32>
        %add3A_228 = arith.constant 16 : i32
        %add3A_229 = arith.addi %add3A_228, %add3A_217 : i32
        %get3A_230 = arith.index_cast %add3A_229 : i32 to index
        %get3A_231 = arith.constant 0 : index
        %get3A_232 = tpu.vector_load %arg10[%get3A_230, %get3A_231] {strides = array<i32>} : memref<1248x16xf32, #tpu.memory_space<vmem>>, vector<1x16xf32>,
        %get3A_233 = vector.shape_cast %get3A_232 : vector<1x16xf32> to vector<16xf32>
        %add3A_234 = arith.addf %add3A_227, %get3A_233 : vector<16xf32>
        %add3A_235 = arith.constant 24 : i32
        %add3A_236 = arith.addi %add3A_235, %add3A_217 : i32
        %get3A_237 = arith.index_cast %add3A_236 : i32 to index
        %get3A_238 = arith.constant 0 : index
        %get3A_239 = tpu.vector_load %arg10[%get3A_237, %get3A_238] {strides = array<i32>} : memref<1248x16xf32, #tpu.memory_space<vmem>>, vector<1x16xf32>,
        %get3A_240 = vector.shape_cast %get3A_239 : vector<1x16xf32> to vector<16xf32>
        %add3A_241 = arith.addf %add3A_234, %get3A_240 : vector<16xf32>
        %add3A_242 = arith.constant 32 : i32
        %add3A_243 = arith.addi %add3A_242, %add3A_217 : i32
        %get3A_244 = arith.index_cast %add3A_243 : i32 to index
        %get3A_245 = arith.constant 0 : index
        %get3A_246 = tpu.vector_load %arg10[%get3A_244, %get3A_245] {strides = array<i32>} : memref<1248x16xf32, #tpu.memory_space<vmem>>, vector<1x16xf32>,
        %get3A_247 = vector.shape_cast %get3A_246 : vector<1x16xf32> to vector<16xf32>
        %add3A_248 = arith.addf %add3A_241, %get3A_247 : vector<16xf32>
        %add3A_249 = arith.constant 40 : i32
        %add3A_250 = arith.addi %add3A_249, %add3A_217 : i32
        %get3A_251 = arith.index_cast %add3A_250 : i32 to index
        %get3A_252 = arith.constant 0 : index
        %get3A_253 = tpu.vector_load %arg10[%get3A_251, %get3A_252] {strides = array<i32>} : memref<1248x16xf32, #tpu.memory_space<vmem>>, vector<1x16xf32>,
        %get3A_254 = vector.shape_cast %get3A_253 : vector<1x16xf32> to vector<16xf32>
        %add3A_255 = arith.addf %add3A_248, %get3A_254 : vector<16xf32>
        %add3A_256 = arith.constant 48 : i32
        %add3A_257 = arith.addi %add3A_256, %add3A_217 : i32
        %get3A_258 = arith.index_cast %add3A_257 : i32 to index
        %get3A_259 = arith.constant 0 : index
        %get3A_260 = tpu.vector_load %arg10[%get3A_258, %get3A_259] {strides = array<i32>} : memref<1248x16xf32, #tpu.memory_space<vmem>>, vector<1x16xf32>,
        %get3A_261 = vector.shape_cast %get3A_260 : vector<1x16xf32> to vector<16xf32>
        %add3A_262 = arith.addf %add3A_255, %get3A_261 : vector<16xf32>
        %add3A_263 = arith.constant 56 : i32
        %add3A_264 = arith.addi %add3A_263, %add3A_217 : i32
        %get3A_265 = arith.index_cast %add3A_264 : i32 to index
        %get3A_266 = arith.constant 0 : index
        %get3A_267 = tpu.vector_load %arg10[%get3A_265, %get3A_266] {strides = array<i32>} : memref<1248x16xf32, #tpu.memory_space<vmem>>, vector<1x16xf32>,
        %get3A_268 = vector.shape_cast %get3A_267 : vector<1x16xf32> to vector<16xf32>
        %add3A_269 = arith.addf %add3A_262, %get3A_268 : vector<16xf32>
        %add3A_270 = arith.constant 64 : i32
        %add3A_271 = arith.addi %add3A_270, %add3A_217 : i32
        %get3A_272 = arith.index_cast %add3A_271 : i32 to index
        %get3A_273 = arith.constant 0 : index
        %get3A_274 = tpu.vector_load %arg10[%get3A_272, %get3A_273] {strides = array<i32>} : memref<1248x16xf32, #tpu.memory_space<vmem>>, vector<1x16xf32>,
        %get3A_275 = vector.shape_cast %get3A_274 : vector<1x16xf32> to vector<16xf32>
        %add3A_276 = arith.addf %add3A_269, %get3A_275 : vector<16xf32>
        %add3A_277 = arith.constant 72 : i32
        %add3A_278 = arith.addi %add3A_277, %add3A_217 : i32
        %get3A_279 = arith.index_cast %add3A_278 : i32 to index
        %get3A_280 = arith.constant 0 : index
        %get3A_281 = tpu.vector_load %arg10[%get3A_279, %get3A_280] {strides = array<i32>} : memref<1248x16xf32, #tpu.memory_space<vmem>>, vector<1x16xf32>,
        %get3A_282 = vector.shape_cast %get3A_281 : vector<1x16xf32> to vector<16xf32>
        %add3A_283 = arith.addf %add3A_276, %get3A_282 : vector<16xf32>
        %add3A_284 = arith.constant 80 : i32
        %add3A_285 = arith.addi %add3A_284, %add3A_217 : i32
        %get3A_286 = arith.index_cast %add3A_285 : i32 to index
        %get3A_287 = arith.constant 0 : index
        %get3A_288 = tpu.vector_load %arg10[%get3A_286, %get3A_287] {strides = array<i32>} : memref<1248x16xf32, #tpu.memory_space<vmem>>, vector<1x16xf32>,
        %get3A_289 = vector.shape_cast %get3A_288 : vector<1x16xf32> to vector<16xf32>
        %add3A_290 = arith.addf %add3A_283, %get3A_289 : vector<16xf32>
        %add3A_291 = arith.constant 88 : i32
        %add3A_292 = arith.addi %add3A_291, %add3A_217 : i32
        %get3A_293 = arith.index_cast %add3A_292 : i32 to index
        %get3A_294 = arith.constant 0 : index
        %get3A_295 = tpu.vector_load %arg10[%get3A_293, %get3A_294] {strides = array<i32>} : memref<1248x16xf32, #tpu.memory_space<vmem>>, vector<1x16xf32>,
        %get3A_296 = vector.shape_cast %get3A_295 : vector<1x16xf32> to vector<16xf32>
        %add3A_297 = arith.addf %add3A_290, %get3A_296 : vector<16xf32>
        %add3A_298 = arith.constant 96 : i32
        %add3A_299 = arith.addi %add3A_298, %add3A_217 : i32
        %get3A_300 = arith.index_cast %add3A_299 : i32 to index
        %get3A_301 = arith.constant 0 : index
        %get3A_302 = tpu.vector_load %arg10[%get3A_300, %get3A_301] {strides = array<i32>} : memref<1248x16xf32, #tpu.memory_space<vmem>>, vector<1x16xf32>,
        %get3A_303 = vector.shape_cast %get3A_302 : vector<1x16xf32> to vector<16xf32>
        %add3A_304 = arith.addf %add3A_297, %get3A_303 : vector<16xf32>
        %add3A_305 = arith.constant 104 : i32
        %add3A_306 = arith.addi %add3A_305, %add3A_217 : i32
        %get3A_307 = arith.index_cast %add3A_306 : i32 to index
        %get3A_308 = arith.constant 0 : index
        %get3A_309 = tpu.vector_load %arg10[%get3A_307, %get3A_308] {strides = array<i32>} : memref<1248x16xf32, #tpu.memory_space<vmem>>, vector<1x16xf32>,
        %get3A_310 = vector.shape_cast %get3A_309 : vector<1x16xf32> to vector<16xf32>
        %add3A_311 = arith.addf %add3A_304, %get3A_310 : vector<16xf32>
        %add3A_312 = arith.constant 112 : i32
        %add3A_313 = arith.addi %add3A_312, %add3A_217 : i32
        %get3A_314 = arith.index_cast %add3A_313 : i32 to index
        %get3A_315 = arith.constant 0 : index
        %get3A_316 = tpu.vector_load %arg10[%get3A_314, %get3A_315] {strides = array<i32>} : memref<1248x16xf32, #tpu.memory_space<vmem>>, vector<1x16xf32>,
        %get3A_317 = vector.shape_cast %get3A_316 : vector<1x16xf32> to vector<16xf32>
        %add3A_318 = arith.addf %add3A_311, %get3A_317 : vector<16xf32>
        %add3A_319 = arith.constant 120 : i32
        %add3A_320 = arith.addi %add3A_319, %add3A_217 : i32
        %get3A_321 = arith.index_cast %add3A_320 : i32 to index
        %get3A_322 = arith.constant 0 : index
        %get3A_323 = tpu.vector_load %arg10[%get3A_321, %get3A_322] {strides = array<i32>} : memref<1248x16xf32, #tpu.memory_space<vmem>>, vector<1x16xf32>,
        %get3A_324 = vector.shape_cast %get3A_323 : vector<1x16xf32> to vector<16xf32>
        %add3A_325 = arith.addf %add3A_318, %get3A_324 : vector<16xf32>
        %swap3A = arith.index_cast %add3A_217 : i32 to index
        %swap3A_326 = arith.constant 0 : index
        %swap3A_327 = tpu.vector_load %arg9[%swap3A, %swap3A_326] {strides = array<i32>} : memref<78x16xf32, #tpu.memory_space<vmem>>, vector<1x16xf32>,
        %swap3A_328 = vector.shape_cast %swap3A_327 : vector<1x16xf32> to vector<16xf32>
        %swap3A_329 = vector.shape_cast %add3A_325 : vector<16xf32> to vector<1x16xf32>
        tpu.vector_store %arg9[%swap3A, %swap3A_326], %swap3A_329 {strides = array<i32>} : memref<78x16xf32, #tpu.memory_space<vmem>>, vector<1x16xf32>,
      }
      %scan3A_210 = arith.constant 8 : i32
      %add3A_211 = arith.constant 4992 : i32
      %add3A_212 = arith.addi %mul3A_0, %add3A_211 : i32
      "tpu.region"() ({
        %run_scoped3A_213 = tpu.sem_alloc : memref<!tpu.dma_semaphore, #tpu.memory_space<semaphore_mem>>
        %dma_start3A_214 = arith.constant 0 : i32
        %dma_start3A_215 = arith.constant 0 : i32
        %dma_start3A_216 = tpu.memref_slice %arg9[%dma_start3A_214, %dma_start3A_215] : memref<78x16xf32, #tpu.memory_space<vmem>> -> memref<8x16xf32, #tpu.memory_space<vmem>>
        %dma_start3A_217 = arith.constant 0 : i32
        %dma_start3A_218 = tpu.memref_slice %arg5[%add3A_212, %dma_start3A_217] : memref<10000x16xf32, #tpu.memory_space<hbm>> -> memref<8x16xf32, #tpu.memory_space<hbm>>
        %dma_start3A_219 = arith.constant 0 : i32
        %dma_start3A_220 = tpu.memref_slice %arg5[%add3A_212, %dma_start3A_219] : memref<10000x16xf32, #tpu.memory_space<hbm>> -> memref<8x16xf32, #tpu.memory_space<hbm>>
        %dma_start3A_221 = arith.constant 0 : i32
        %dma_start3A_222 = arith.constant 0 : i32
        %dma_start3A_223 = tpu.memref_slice %arg9[%dma_start3A_221, %dma_start3A_222] : memref<78x16xf32, #tpu.memory_space<vmem>> -> memref<8x16xf32, #tpu.memory_space<vmem>>
        tpu.enqueue_dma source(%dma_start3A_223 : memref<8x16xf32, #tpu.memory_space<vmem>>) target(%dma_start3A_220 : memref<8x16xf32, #tpu.memory_space<hbm>>) target_semaphore(%run_scoped3A_213 : memref<!tpu.dma_semaphore, #tpu.memory_space<semaphore_mem>>)
        %dma_wait3A_224 = arith.constant 0 : i32
        %dma_wait3A_225 = arith.constant 0 : i32
        %dma_wait3A_226 = tpu.memref_slice %arg9[%dma_wait3A_224, %dma_wait3A_225] : memref<78x16xf32, #tpu.memory_space<vmem>> -> memref<8x16xf32, #tpu.memory_space<vmem>>
        %dma_wait3A_227 = arith.constant 0 : i32
        %dma_wait3A_228 = tpu.memref_slice %arg5[%add3A_212, %dma_wait3A_227] : memref<10000x16xf32, #tpu.memory_space<hbm>> -> memref<8x16xf32, #tpu.memory_space<hbm>>
        %dma_wait3A_229 = arith.constant 0 : i32
        %dma_wait3A_230 = tpu.memref_slice %arg5[%add3A_212, %dma_wait3A_229] : memref<10000x16xf32, #tpu.memory_space<hbm>> -> memref<8x16xf32, #tpu.memory_space<hbm>>
        %dma_wait3A_231 = arith.constant 0 : i32
        %dma_wait3A_232 = arith.constant 0 : i32
        %dma_wait3A_233 = tpu.memref_slice %arg9[%dma_wait3A_231, %dma_wait3A_232] : memref<78x16xf32, #tpu.memory_space<vmem>> -> memref<8x16xf32, #tpu.memory_space<vmem>>
        tpu.wait_dma2 semaphore(%run_scoped3A_213 : memref<!tpu.dma_semaphore, #tpu.memory_space<semaphore_mem>>) src(%dma_wait3A_233 : memref<8x16xf32, #tpu.memory_space<vmem>>) dst(%dma_wait3A_230 : memref<8x16xf32, #tpu.memory_space<hbm>>)
        tpu.yield
      }) : () -> ()
    } else {
    }
    return
  }
}

#map = affine_map<(d0, d1) -> (0, 0)>
#map1 = affine_map<(d0, d1) -> (0, 0, 0)>
module attributes {stable_mosaic.version = 14 : i64} {
  func.func @_gather_body(%arg0: i32, %arg1: i32, %arg2: memref<10000x16xf32, #tpu.memory_space<hbm>>, %arg3: memref<32x125x80xi32, #tpu.memory_space<hbm>>, %arg4: memref<320000x16xf32, #tpu.memory_space<hbm>>, %arg5: memref<125x80xi32, #tpu.memory_space<vmem>>, %arg6: memref<80x16xf32, #tpu.memory_space<vmem>>, %arg7: memref<80x16xf32, #tpu.memory_space<vmem>>, %arg8: memref<!tpu.dma_semaphore, #tpu.memory_space<semaphore_mem>>, %arg9: memref<!tpu.dma_semaphore, #tpu.memory_space<semaphore_mem>>) attributes {dimension_semantics = [#tpu.dimension_semantics<core_parallel>, #tpu.dimension_semantics<subcore_parallel>], iteration_bounds = array<i64: 2, 16>, scalar_prefetch = 0 : i64, scratch_operands = 5 : i64, tpu.core_type = #tpu.core_type<sc_vector_subcore>, window_params = [{transform_indices = #map}, {transform_indices = #map1}, {transform_indices = #map}]} {
    %mul3A = arith.constant 2 : i32
    %mul3A_0 = arith.muli %arg1, %mul3A : i32
    %add3A = arith.addi %mul3A_0, %arg0 : i32
    "tpu.region"() ({
      %run_scoped3A = tpu.sem_alloc : memref<!tpu.dma_semaphore, #tpu.memory_space<semaphore_mem>>
      %dma_start3A_21 = arith.constant 0 : i32
      %dma_start3A_22 = arith.constant 0 : i32
      %dma_start3A_23 = tpu.memref_slice %arg3[%add3A, %dma_start3A_21, %dma_start3A_22] : memref<32x125x80xi32, #tpu.memory_space<hbm>> -> memref<1x125x80xi32, #tpu.memory_space<hbm>>
      %dma_start3A_24 = tpu.memref_squeeze %dma_start3A_23 : memref<1x125x80xi32, #tpu.memory_space<hbm>> -> memref<125x80xi32, #tpu.memory_space<hbm>>
      %dma_start3A_25 = arith.constant 0 : i32
      %dma_start3A_26 = arith.constant 0 : i32
      %dma_start3A_27 = tpu.memref_slice %arg3[%add3A, %dma_start3A_25, %dma_start3A_26] : memref<32x125x80xi32, #tpu.memory_space<hbm>> -> memref<1x125x80xi32, #tpu.memory_space<hbm>>
      %dma_start3A_28 = tpu.memref_squeeze %dma_start3A_27 : memref<1x125x80xi32, #tpu.memory_space<hbm>> -> memref<125x80xi32, #tpu.memory_space<hbm>>
      tpu.enqueue_dma source(%dma_start3A_28 : memref<125x80xi32, #tpu.memory_space<hbm>>) target(%arg5 : memref<125x80xi32, #tpu.memory_space<vmem>>) target_semaphore(%run_scoped3A : memref<!tpu.dma_semaphore, #tpu.memory_space<semaphore_mem>>)
      %dma_wait3A_29 = arith.constant 0 : i32
      %dma_wait3A_30 = arith.constant 0 : i32
      %dma_wait3A_31 = tpu.memref_slice %arg3[%add3A, %dma_wait3A_29, %dma_wait3A_30] : memref<32x125x80xi32, #tpu.memory_space<hbm>> -> memref<1x125x80xi32, #tpu.memory_space<hbm>>
      %dma_wait3A_32 = tpu.memref_squeeze %dma_wait3A_31 : memref<1x125x80xi32, #tpu.memory_space<hbm>> -> memref<125x80xi32, #tpu.memory_space<hbm>>
      %dma_wait3A_33 = arith.constant 0 : i32
      %dma_wait3A_34 = arith.constant 0 : i32
      %dma_wait3A_35 = tpu.memref_slice %arg3[%add3A, %dma_wait3A_33, %dma_wait3A_34] : memref<32x125x80xi32, #tpu.memory_space<hbm>> -> memref<1x125x80xi32, #tpu.memory_space<hbm>>
      %dma_wait3A_36 = tpu.memref_squeeze %dma_wait3A_35 : memref<1x125x80xi32, #tpu.memory_space<hbm>> -> memref<125x80xi32, #tpu.memory_space<hbm>>
      tpu.wait_dma2 semaphore(%run_scoped3A : memref<!tpu.dma_semaphore, #tpu.memory_space<semaphore_mem>>) src(%dma_wait3A_36 : memref<125x80xi32, #tpu.memory_space<hbm>>) dst(%arg5 : memref<125x80xi32, #tpu.memory_space<vmem>>)
      tpu.yield
    }) : () -> ()
    %mul3A_1 = arith.constant 10000 : i32
    %mul3A_2 = arith.muli %add3A, %mul3A_1 : i32
    %dma_start3A = arith.constant 0 : i32
    %dma_start3A_3 = arith.constant 0 : i32
    %dma_start3A_4 = tpu.memref_slice %arg5[%dma_start3A, %dma_start3A_3] : memref<125x80xi32, #tpu.memory_space<vmem>> -> memref<1x80xi32, #tpu.memory_space<vmem>>
    %dma_start3A_5 = tpu.memref_squeeze %dma_start3A_4 : memref<1x80xi32, #tpu.memory_space<vmem>> -> memref<80xi32, #tpu.memory_space<vmem>>
    %dma_start3A_6 = arith.constant 0 : i32
    %dma_start3A_7 = arith.constant 0 : i32
    %dma_start3A_8 = tpu.memref_slice %arg2[%dma_start3A_6, %dma_start3A_7] : memref<10000x16xf32, #tpu.memory_space<hbm>> -> memref<10000x16xf32, #tpu.memory_space<hbm>>
    tpu.enqueue_indirect_dma source(%dma_start3A_8 : memref<10000x16xf32, #tpu.memory_space<hbm>>) target(%arg6 : memref<80x16xf32, #tpu.memory_space<vmem>>) offsets(%dma_start3A_5 : memref<80xi32, #tpu.memory_space<vmem>>) semaphore(%arg8 : memref<!tpu.dma_semaphore, #tpu.memory_space<semaphore_mem>>)
    %scan3A = arith.constant 0 : i32
    %scan3A_9 = arith.constant 62 : i32
    %scan3A_10 = arith.addi %scan3A, %scan3A_9 : i32
    %scan3A_11 = arith.constant 1 : i32
    scf.for %scan3A_21 = %scan3A to %scan3A_10 step %scan3A_11  : i32 {
      %mul3A_22 = arith.constant 1 : i32
      %mul3A_23 = arith.muli %scan3A_21, %mul3A_22 : i32
      %add3A_24 = arith.constant 0 : i32
      %add3A_25 = arith.addi %add3A_24, %mul3A_23 : i32
      %mul3A_26 = arith.constant 2 : i32
      %mul3A_27 = arith.muli %add3A_25, %mul3A_26 : i32
      %dma_wait3A_28 = arith.constant 0 : i32
      %dma_wait3A_29 = tpu.memref_slice %arg5[%mul3A_27, %dma_wait3A_28] : memref<125x80xi32, #tpu.memory_space<vmem>> -> memref<1x80xi32, #tpu.memory_space<vmem>>
      %dma_wait3A_30 = tpu.memref_squeeze %dma_wait3A_29 : memref<1x80xi32, #tpu.memory_space<vmem>> -> memref<80xi32, #tpu.memory_space<vmem>>
      %dma_wait3A_31 = arith.constant 0 : i32
      %dma_wait3A_32 = arith.constant 0 : i32
      %dma_wait3A_33 = tpu.memref_slice %arg2[%dma_wait3A_31, %dma_wait3A_32] : memref<10000x16xf32, #tpu.memory_space<hbm>> -> memref<10000x16xf32, #tpu.memory_space<hbm>>
      tpu.wait_indirect_dma semaphore(%arg8 : memref<!tpu.dma_semaphore, #tpu.memory_space<semaphore_mem>>) src(%dma_wait3A_33 : memref<10000x16xf32, #tpu.memory_space<hbm>>) dst(%arg6 : memref<80x16xf32, #tpu.memory_space<vmem>>)
      %add3A_34 = arith.constant 1 : i32
      %add3A_35 = arith.addi %mul3A_27, %add3A_34 : i32
      %dma_start3A_36 = arith.constant 0 : i32
      %dma_start3A_37 = tpu.memref_slice %arg5[%add3A_35, %dma_start3A_36] : memref<125x80xi32, #tpu.memory_space<vmem>> -> memref<1x80xi32, #tpu.memory_space<vmem>>
      %dma_start3A_38 = tpu.memref_squeeze %dma_start3A_37 : memref<1x80xi32, #tpu.memory_space<vmem>> -> memref<80xi32, #tpu.memory_space<vmem>>
      %dma_start3A_39 = arith.constant 0 : i32
      %dma_start3A_40 = arith.constant 0 : i32
      %dma_start3A_41 = tpu.memref_slice %arg2[%dma_start3A_39, %dma_start3A_40] : memref<10000x16xf32, #tpu.memory_space<hbm>> -> memref<10000x16xf32, #tpu.memory_space<hbm>>
      tpu.enqueue_indirect_dma source(%dma_start3A_41 : memref<10000x16xf32, #tpu.memory_space<hbm>>) target(%arg7 : memref<80x16xf32, #tpu.memory_space<vmem>>) offsets(%dma_start3A_38 : memref<80xi32, #tpu.memory_space<vmem>>) semaphore(%arg9 : memref<!tpu.dma_semaphore, #tpu.memory_space<semaphore_mem>>)
      %mul3A_42 = arith.constant 80 : i32
      %mul3A_43 = arith.muli %mul3A_27, %mul3A_42 : i32
      %add3A_44 = arith.addi %mul3A_2, %mul3A_43 : i32
      "tpu.region"() ({
        %run_scoped3A = tpu.sem_alloc : memref<!tpu.dma_semaphore, #tpu.memory_space<semaphore_mem>>
        %dma_start3A_69 = arith.constant 0 : i32
        %dma_start3A_70 = tpu.memref_slice %arg4[%add3A_44, %dma_start3A_69] : memref<320000x16xf32, #tpu.memory_space<hbm>> -> memref<80x16xf32, #tpu.memory_space<hbm>>
        %dma_start3A_71 = arith.constant 0 : i32
        %dma_start3A_72 = tpu.memref_slice %arg4[%add3A_44, %dma_start3A_71] : memref<320000x16xf32, #tpu.memory_space<hbm>> -> memref<80x16xf32, #tpu.memory_space<hbm>>
        tpu.enqueue_dma source(%arg6 : memref<80x16xf32, #tpu.memory_space<vmem>>) target(%dma_start3A_72 : memref<80x16xf32, #tpu.memory_space<hbm>>) target_semaphore(%run_scoped3A : memref<!tpu.dma_semaphore, #tpu.memory_space<semaphore_mem>>)
        %dma_wait3A_73 = arith.constant 0 : i32
        %dma_wait3A_74 = tpu.memref_slice %arg4[%add3A_44, %dma_wait3A_73] : memref<320000x16xf32, #tpu.memory_space<hbm>> -> memref<80x16xf32, #tpu.memory_space<hbm>>
        %dma_wait3A_75 = arith.constant 0 : i32
        %dma_wait3A_76 = tpu.memref_slice %arg4[%add3A_44, %dma_wait3A_75] : memref<320000x16xf32, #tpu.memory_space<hbm>> -> memref<80x16xf32, #tpu.memory_space<hbm>>
        tpu.wait_dma2 semaphore(%run_scoped3A : memref<!tpu.dma_semaphore, #tpu.memory_space<semaphore_mem>>) src(%arg6 : memref<80x16xf32, #tpu.memory_space<vmem>>) dst(%dma_wait3A_76 : memref<80x16xf32, #tpu.memory_space<hbm>>)
        tpu.yield
      }) : () -> ()
      %add3A_45 = arith.constant 2 : i32
      %add3A_46 = arith.addi %mul3A_27, %add3A_45 : i32
      %lt3A = arith.constant 125 : i32
      %lt3A_47 = arith.cmpi slt, %add3A_46, %lt3A : i32
      %add3A_48 = arith.constant 2 : i32
      %add3A_49 = arith.addi %mul3A_27, %add3A_48 : i32
      %jit3A = arith.constant 0 : i32
      %select_n3A = arith.select %lt3A_47, %add3A_49, %jit3A : i32
      %dma_start3A_50 = arith.constant 0 : i32
      %dma_start3A_51 = tpu.memref_slice %arg5[%select_n3A, %dma_start3A_50] : memref<125x80xi32, #tpu.memory_space<vmem>> -> memref<1x80xi32, #tpu.memory_space<vmem>>
      %dma_start3A_52 = tpu.memref_squeeze %dma_start3A_51 : memref<1x80xi32, #tpu.memory_space<vmem>> -> memref<80xi32, #tpu.memory_space<vmem>>
      %dma_start3A_53 = arith.constant 0 : i32
      %dma_start3A_54 = arith.constant 0 : i32
      %dma_start3A_55 = tpu.memref_slice %arg2[%dma_start3A_53, %dma_start3A_54] : memref<10000x16xf32, #tpu.memory_space<hbm>> -> memref<10000x16xf32, #tpu.memory_space<hbm>>
      tpu.enqueue_indirect_dma source(%dma_start3A_55 : memref<10000x16xf32, #tpu.memory_space<hbm>>) target(%arg6 : memref<80x16xf32, #tpu.memory_space<vmem>>) offsets(%dma_start3A_52 : memref<80xi32, #tpu.memory_space<vmem>>) semaphore(%arg8 : memref<!tpu.dma_semaphore, #tpu.memory_space<semaphore_mem>>)
      %add3A_56 = arith.constant 1 : i32
      %add3A_57 = arith.addi %mul3A_27, %add3A_56 : i32
      %dma_wait3A_58 = arith.constant 0 : i32
      %dma_wait3A_59 = tpu.memref_slice %arg5[%add3A_57, %dma_wait3A_58] : memref<125x80xi32, #tpu.memory_space<vmem>> -> memref<1x80xi32, #tpu.memory_space<vmem>>
      %dma_wait3A_60 = tpu.memref_squeeze %dma_wait3A_59 : memref<1x80xi32, #tpu.memory_space<vmem>> -> memref<80xi32, #tpu.memory_space<vmem>>
      %dma_wait3A_61 = arith.constant 0 : i32
      %dma_wait3A_62 = arith.constant 0 : i32
      %dma_wait3A_63 = tpu.memref_slice %arg2[%dma_wait3A_61, %dma_wait3A_62] : memref<10000x16xf32, #tpu.memory_space<hbm>> -> memref<10000x16xf32, #tpu.memory_space<hbm>>
      tpu.wait_indirect_dma semaphore(%arg9 : memref<!tpu.dma_semaphore, #tpu.memory_space<semaphore_mem>>) src(%dma_wait3A_63 : memref<10000x16xf32, #tpu.memory_space<hbm>>) dst(%arg7 : memref<80x16xf32, #tpu.memory_space<vmem>>)
      %add3A_64 = arith.constant 1 : i32
      %add3A_65 = arith.addi %mul3A_27, %add3A_64 : i32
      %mul3A_66 = arith.constant 80 : i32
      %mul3A_67 = arith.muli %add3A_65, %mul3A_66 : i32
      %add3A_68 = arith.addi %mul3A_2, %mul3A_67 : i32
      "tpu.region"() ({
        %run_scoped3A = tpu.sem_alloc : memref<!tpu.dma_semaphore, #tpu.memory_space<semaphore_mem>>
        %dma_start3A_69 = arith.constant 0 : i32
        %dma_start3A_70 = tpu.memref_slice %arg4[%add3A_68, %dma_start3A_69] : memref<320000x16xf32, #tpu.memory_space<hbm>> -> memref<80x16xf32, #tpu.memory_space<hbm>>
        %dma_start3A_71 = arith.constant 0 : i32
        %dma_start3A_72 = tpu.memref_slice %arg4[%add3A_68, %dma_start3A_71] : memref<320000x16xf32, #tpu.memory_space<hbm>> -> memref<80x16xf32, #tpu.memory_space<hbm>>
        tpu.enqueue_dma source(%arg7 : memref<80x16xf32, #tpu.memory_space<vmem>>) target(%dma_start3A_72 : memref<80x16xf32, #tpu.memory_space<hbm>>) target_semaphore(%run_scoped3A : memref<!tpu.dma_semaphore, #tpu.memory_space<semaphore_mem>>)
        %dma_wait3A_73 = arith.constant 0 : i32
        %dma_wait3A_74 = tpu.memref_slice %arg4[%add3A_68, %dma_wait3A_73] : memref<320000x16xf32, #tpu.memory_space<hbm>> -> memref<80x16xf32, #tpu.memory_space<hbm>>
        %dma_wait3A_75 = arith.constant 0 : i32
        %dma_wait3A_76 = tpu.memref_slice %arg4[%add3A_68, %dma_wait3A_75] : memref<320000x16xf32, #tpu.memory_space<hbm>> -> memref<80x16xf32, #tpu.memory_space<hbm>>
        tpu.wait_dma2 semaphore(%run_scoped3A : memref<!tpu.dma_semaphore, #tpu.memory_space<semaphore_mem>>) src(%arg7 : memref<80x16xf32, #tpu.memory_space<vmem>>) dst(%dma_wait3A_76 : memref<80x16xf32, #tpu.memory_space<hbm>>)
        tpu.yield
      }) : () -> ()
    }
    %scan3A_12 = arith.constant 62 : i32
    %dma_wait3A = arith.constant 124 : i32
    %dma_wait3A_13 = arith.constant 0 : i32
    %dma_wait3A_14 = tpu.memref_slice %arg5[%dma_wait3A, %dma_wait3A_13] : memref<125x80xi32, #tpu.memory_space<vmem>> -> memref<1x80xi32, #tpu.memory_space<vmem>>
    %dma_wait3A_15 = tpu.memref_squeeze %dma_wait3A_14 : memref<1x80xi32, #tpu.memory_space<vmem>> -> memref<80xi32, #tpu.memory_space<vmem>>
    %dma_wait3A_16 = arith.constant 0 : i32
    %dma_wait3A_17 = arith.constant 0 : i32
    %dma_wait3A_18 = tpu.memref_slice %arg2[%dma_wait3A_16, %dma_wait3A_17] : memref<10000x16xf32, #tpu.memory_space<hbm>> -> memref<10000x16xf32, #tpu.memory_space<hbm>>
    tpu.wait_indirect_dma semaphore(%arg8 : memref<!tpu.dma_semaphore, #tpu.memory_space<semaphore_mem>>) src(%dma_wait3A_18 : memref<10000x16xf32, #tpu.memory_space<hbm>>) dst(%arg6 : memref<80x16xf32, #tpu.memory_space<vmem>>)
    %add3A_19 = arith.constant 9920 : i32
    %add3A_20 = arith.addi %mul3A_2, %add3A_19 : i32
    "tpu.region"() ({
      %run_scoped3A = tpu.sem_alloc : memref<!tpu.dma_semaphore, #tpu.memory_space<semaphore_mem>>
      %dma_start3A_21 = arith.constant 0 : i32
      %dma_start3A_22 = tpu.memref_slice %arg4[%add3A_20, %dma_start3A_21] : memref<320000x16xf32, #tpu.memory_space<hbm>> -> memref<80x16xf32, #tpu.memory_space<hbm>>
      %dma_start3A_23 = arith.constant 0 : i32
      %dma_start3A_24 = tpu.memref_slice %arg4[%add3A_20, %dma_start3A_23] : memref<320000x16xf32, #tpu.memory_space<hbm>> -> memref<80x16xf32, #tpu.memory_space<hbm>>
      tpu.enqueue_dma source(%arg6 : memref<80x16xf32, #tpu.memory_space<vmem>>) target(%dma_start3A_24 : memref<80x16xf32, #tpu.memory_space<hbm>>) target_semaphore(%run_scoped3A : memref<!tpu.dma_semaphore, #tpu.memory_space<semaphore_mem>>)
      %dma_wait3A_25 = arith.constant 0 : i32
      %dma_wait3A_26 = tpu.memref_slice %arg4[%add3A_20, %dma_wait3A_25] : memref<320000x16xf32, #tpu.memory_space<hbm>> -> memref<80x16xf32, #tpu.memory_space<hbm>>
      %dma_wait3A_27 = arith.constant 0 : i32
      %dma_wait3A_28 = tpu.memref_slice %arg4[%add3A_20, %dma_wait3A_27] : memref<320000x16xf32, #tpu.memory_space<hbm>> -> memref<80x16xf32, #tpu.memory_space<hbm>>
      tpu.wait_dma2 semaphore(%run_scoped3A : memref<!tpu.dma_semaphore, #tpu.memory_space<semaphore_mem>>) src(%arg6 : memref<80x16xf32, #tpu.memory_space<vmem>>) dst(%dma_wait3A_28 : memref<80x16xf32, #tpu.memory_space<hbm>>)
      tpu.yield
    }) : () -> ()
    return
  }
}

module attributes {stable_mosaic.version = 14 : i64} {
  func.func @_tc_body(%arg0: i32, %arg1: memref<800x128xf32, #tpu.memory_space<vmem>>, %arg2: memref<800x128xf32, #tpu.memory_space<vmem>>, %arg3: memref<128x2048xf32, #tpu.memory_space<vmem>>, %arg4: memref<1x2048xf32, #tpu.memory_space<vmem>>, %arg5: memref<128x2048xf32, #tpu.memory_space<vmem>>, %arg6: memref<800x128xf32, #tpu.memory_space<vmem>>) attributes {dimension_semantics = [#tpu.dimension_semantics<arbitrary>], iteration_bounds = array<i64: 50>, scalar_prefetch = 0 : i64, scratch_operands = 0 : i64, tpu.core_type = #tpu.core_type<tc>, window_params = [{transform_indices = @transform_0, window_bounds = array<i64: 800, 128>}, {transform_indices = @transform_1, window_bounds = array<i64: 800, 128>}, {pipeline_mode = #tpu.pipeline_mode<synchronous>, transform_indices = @transform_2, window_bounds = array<i64: 128, 2048>}, {pipeline_mode = #tpu.pipeline_mode<synchronous>, transform_indices = @transform_3, window_bounds = array<i64: 1, 2048>}, {pipeline_mode = #tpu.pipeline_mode<synchronous>, transform_indices = @transform_4, window_bounds = array<i64: 128, 2048>}, {transform_indices = @transform_5, window_bounds = array<i64: 800, 128>}]} {
    %get3A = arith.constant 0 : index
    %get3A_0 = arith.constant 0 : index
    %get3A_1 = vector.load %arg1[%get3A, %get3A_0] : memref<800x128xf32, #tpu.memory_space<vmem>>, vector<800x128xf32>
    %get3A_2 = arith.constant 0 : index
    %get3A_3 = arith.constant 0 : index
    %get3A_4 = vector.load %arg2[%get3A_2, %get3A_3] : memref<800x128xf32, #tpu.memory_space<vmem>>, vector<800x128xf32>
    %get3A_5 = arith.constant 0 : index
    %get3A_6 = arith.constant 0 : index
    %get3A_7 = vector.load %arg3[%get3A_5, %get3A_6] : memref<128x2048xf32, #tpu.memory_space<vmem>>, vector<128x2048xf32>
    %get3A_8 = arith.constant 0 : index
    %get3A_9 = arith.constant 0 : index
    %get3A_10 = vector.load %arg4[%get3A_8, %get3A_9] : memref<1x2048xf32, #tpu.memory_space<vmem>>, vector<1x2048xf32>
    %get3A_11 = arith.constant 0 : index
    %get3A_12 = arith.constant 0 : index
    %get3A_13 = vector.load %arg5[%get3A_11, %get3A_12] : memref<128x2048xf32, #tpu.memory_space<vmem>>, vector<128x2048xf32>
    %dot_general3A = arith.constant dense<0.000000e+00> : vector<800x2048xf32>
    %dot_general3A_14 = tpu.matmul %get3A_1, %get3A_7, %dot_general3A {dimension_numbers = #tpu.dot_dimension_numbers<[1], [0], [0], [1], [0, 0, 1, 1], [], []>, transpose_lhs_hint = false} : vector<800x128xf32>, vector<128x2048xf32>, vector<800x2048xf32> -> vector<800x2048xf32>
    %add3A = vector.broadcast %get3A_10 : vector<1x2048xf32> to vector<800x2048xf32>
    %add3A_15 = arith.addf %dot_general3A_14, %add3A : vector<800x2048xf32>
    %dot_general3A_16 = arith.constant dense<0.000000e+00> : vector<800x2048xf32>
    %dot_general3A_17 = tpu.matmul %get3A_4, %get3A_13, %dot_general3A_16 {dimension_numbers = #tpu.dot_dimension_numbers<[1], [0], [0], [1], [0, 0, 1, 1], [], []>, transpose_lhs_hint = false} : vector<800x128xf32>, vector<128x2048xf32>, vector<800x2048xf32> -> vector<800x2048xf32>
    %mul3A = arith.mulf %add3A_15, %dot_general3A_17 : vector<800x2048xf32>
    %slice3A = vector.extract_strided_slice %mul3A {offsets = [0, 0], sizes = [800, 128], strides = [1, 1]} : vector<800x2048xf32> to vector<800x128xf32>
    %slice3A_18 = vector.extract_strided_slice %mul3A {offsets = [0, 128], sizes = [800, 128], strides = [1, 1]} : vector<800x2048xf32> to vector<800x128xf32>
    %add3A_19 = arith.addf %slice3A, %slice3A_18 : vector<800x128xf32>
    %slice3A_20 = vector.extract_strided_slice %mul3A {offsets = [0, 256], sizes = [800, 128], strides = [1, 1]} : vector<800x2048xf32> to vector<800x128xf32>
    %add3A_21 = arith.addf %add3A_19, %slice3A_20 : vector<800x128xf32>
    %slice3A_22 = vector.extract_strided_slice %mul3A {offsets = [0, 384], sizes = [800, 128], strides = [1, 1]} : vector<800x2048xf32> to vector<800x128xf32>
    %add3A_23 = arith.addf %add3A_21, %slice3A_22 : vector<800x128xf32>
    %slice3A_24 = vector.extract_strided_slice %mul3A {offsets = [0, 512], sizes = [800, 128], strides = [1, 1]} : vector<800x2048xf32> to vector<800x128xf32>
    %add3A_25 = arith.addf %add3A_23, %slice3A_24 : vector<800x128xf32>
    %slice3A_26 = vector.extract_strided_slice %mul3A {offsets = [0, 640], sizes = [800, 128], strides = [1, 1]} : vector<800x2048xf32> to vector<800x128xf32>
    %add3A_27 = arith.addf %add3A_25, %slice3A_26 : vector<800x128xf32>
    %slice3A_28 = vector.extract_strided_slice %mul3A {offsets = [0, 768], sizes = [800, 128], strides = [1, 1]} : vector<800x2048xf32> to vector<800x128xf32>
    %add3A_29 = arith.addf %add3A_27, %slice3A_28 : vector<800x128xf32>
    %slice3A_30 = vector.extract_strided_slice %mul3A {offsets = [0, 896], sizes = [800, 128], strides = [1, 1]} : vector<800x2048xf32> to vector<800x128xf32>
    %add3A_31 = arith.addf %add3A_29, %slice3A_30 : vector<800x128xf32>
    %slice3A_32 = vector.extract_strided_slice %mul3A {offsets = [0, 1024], sizes = [800, 128], strides = [1, 1]} : vector<800x2048xf32> to vector<800x128xf32>
    %add3A_33 = arith.addf %add3A_31, %slice3A_32 : vector<800x128xf32>
    %slice3A_34 = vector.extract_strided_slice %mul3A {offsets = [0, 1152], sizes = [800, 128], strides = [1, 1]} : vector<800x2048xf32> to vector<800x128xf32>
    %add3A_35 = arith.addf %add3A_33, %slice3A_34 : vector<800x128xf32>
    %slice3A_36 = vector.extract_strided_slice %mul3A {offsets = [0, 1280], sizes = [800, 128], strides = [1, 1]} : vector<800x2048xf32> to vector<800x128xf32>
    %add3A_37 = arith.addf %add3A_35, %slice3A_36 : vector<800x128xf32>
    %slice3A_38 = vector.extract_strided_slice %mul3A {offsets = [0, 1408], sizes = [800, 128], strides = [1, 1]} : vector<800x2048xf32> to vector<800x128xf32>
    %add3A_39 = arith.addf %add3A_37, %slice3A_38 : vector<800x128xf32>
    %slice3A_40 = vector.extract_strided_slice %mul3A {offsets = [0, 1536], sizes = [800, 128], strides = [1, 1]} : vector<800x2048xf32> to vector<800x128xf32>
    %add3A_41 = arith.addf %add3A_39, %slice3A_40 : vector<800x128xf32>
    %slice3A_42 = vector.extract_strided_slice %mul3A {offsets = [0, 1664], sizes = [800, 128], strides = [1, 1]} : vector<800x2048xf32> to vector<800x128xf32>
    %add3A_43 = arith.addf %add3A_41, %slice3A_42 : vector<800x128xf32>
    %slice3A_44 = vector.extract_strided_slice %mul3A {offsets = [0, 1792], sizes = [800, 128], strides = [1, 1]} : vector<800x2048xf32> to vector<800x128xf32>
    %add3A_45 = arith.addf %add3A_43, %slice3A_44 : vector<800x128xf32>
    %slice3A_46 = vector.extract_strided_slice %mul3A {offsets = [0, 1920], sizes = [800, 128], strides = [1, 1]} : vector<800x2048xf32> to vector<800x128xf32>
    %add3A_47 = arith.addf %add3A_45, %slice3A_46 : vector<800x128xf32>
    %swap3A = arith.constant 0 : index
    %swap3A_48 = arith.constant 0 : index
    %swap3A_49 = vector.load %arg6[%swap3A, %swap3A_48] : memref<800x128xf32, #tpu.memory_space<vmem>>, vector<800x128xf32>
    tpu.vector_store %arg6[%swap3A, %swap3A_48], %add3A_47 {strides = array<i32>} : memref<800x128xf32, #tpu.memory_space<vmem>>, vector<800x128xf32>,
    return
  }
  func.func @transform_0(%arg0: i32) -> (i32, i32) {
    %c0_i32 = arith.constant 0 : i32
    %c0_i32_0 = arith.constant 0 : i32
    return %arg0, %c0_i32 : i32, i32
  }
  func.func @transform_1(%arg0: i32) -> (i32, i32) {
    %c0_i32 = arith.constant 0 : i32
    %c0_i32_0 = arith.constant 0 : i32
    return %arg0, %c0_i32 : i32, i32
  }
  func.func @transform_2(%arg0: i32) -> (i32, i32) {
    %c0_i32 = arith.constant 0 : i32
    %c0_i32_0 = arith.constant 0 : i32
    %c0_i32_1 = arith.constant 0 : i32
    return %c0_i32, %c0_i32_0 : i32, i32
  }
  func.func @transform_3(%arg0: i32) -> (i32, i32) {
    %c0_i32 = arith.constant 0 : i32
    %c0_i32_0 = arith.constant 0 : i32
    %c0_i32_1 = arith.constant 0 : i32
    return %c0_i32, %c0_i32_0 : i32, i32
  }
  func.func @transform_4(%arg0: i32) -> (i32, i32) {
    %c0_i32 = arith.constant 0 : i32
    %c0_i32_0 = arith.constant 0 : i32
    %c0_i32_1 = arith.constant 0 : i32
    return %c0_i32, %c0_i32_0 : i32, i32
  }
  func.func @transform_5(%arg0: i32) -> (i32, i32) {
    %c0_i32 = arith.constant 0 : i32
    %c0_i32_0 = arith.constant 0 : i32
    return %arg0, %c0_i32 : i32, i32
  }
}

</mosaic_0001>

<sc_bundles>
// kernel: kernel.6.cloned.1.call-start
scs
__scs_entry_jumppad:
0x0: {  	(pc) =	sbr.rel $0x88, $3  }
0x1: {  	(tag) =	ssettag $0x0;
	lr =	simm.s32 $0x1  }
0x2: {  	[smem:$0x3F9C] =	sst lr;
	_ =	strace $0xD0000000  }
0x3: {  	_ = 	snop  }
0x4: {  	_ = 	snop  }
0x5: {  	_ = 	snop  }
0x6: {  	_ = 	snop  }
0x7: {  	_ = 	snop  }
__scs_overlays_trampoline_lowered:
0x8: {  	[smem:$0x3FAB] =	sst s0  }
0x9: {  	[smem:$0x3FAC] =	sst s1  }
0xa: {  	[smem:$0x3FAD] =	sst s2  }
0xb: {  	[smem:$0x3FAE] =	sst s3  }
0xc: {  	[smem:$0x3FAF] =	sst s4  }
0xd: {  	[smem:$0x3FB0] =	sst s5  }
0xe: {  	[smem:$0x3FB1] =	sst s6  }
0xf: {  	[smem:$0x3FB2] =	sst s7  }
0x10: {  	[smem:$0x3FB3] =	sst s8  }
0x11: {  	[smem:$0x3FB4] =	sst s9;
	s0 =	simm.s32 @!p0 $0x0  }
0x12: {  	s1 =	sld [smem:$0x3F9A];
	s0 =	simm.s32 @p0 $0x1  }
0x13: {  	[smem:$0x3FB5] =	sst s0;
	s0 =	simm.s32 @!p1 $0x0  }
0x14: {  	s2 =	sld [smem:$0x3F99];
	s0 =	simm.s32 @p1 $0x1  }
0x15: {  	[smem:$0x3FB6] =	sst s0;
	s0 =	simm.s32 @!p2 $0x0  }
0x16: {  	s3 =	sld [smem:$0x3FDB];
	s0 =	simm.s32 @p2 $0x1  }
0x17: {  	s4 =	simm.s32 $0x1BF5;
	[smem:$0x3FB8] =	sst s0  }
0x18: {  	s0 =	sld [smem:$0x3F9B];
	_ =	swait.ge [sflag:s4], $0x0  }
0x19: {  	s7 =	sld [smem:$0x3F9C]  }
0x1a: {  	s8 =	sadd.s32 $0xFFFFE003, lr  }
0x1b: {  	s9 =	sadd.s32 $0xFFFFFEF7, lr;
	s5 =	simm.s32 $0xFFFFFFFF;
	p2 =	slt.u32 s8, $0xFFFFF086  }
0x1c: {  	p1 =	slt.u32 s9, $0xF7A;
	s5 =	simm.s32 @!p2 $0x0  }
0x1d: {  	s5 =	simm.s32 @p1 $0x1;
	p0 =	seq.s32 s7, s2  }
0x1e: {  	s7 =	smul.u32 @!p0 $0xF7A, s2;
	p2 =	seq.s32 @!p0 s5, $0x0  }
0x1f: {  	s9 =	smul.u32 $0xF7A, s1;
	s8 =	simm.s32 @!p0 $0x1BF5;
	p2 =	por !p2, p0  }
0x20: {  	[sflag:s8] =	ssyncset.s32 @!p0 $0xFFFFF086;
	s6 =	sadd.s32 @!p0 s3, s7;
	s7 =	simm.s32 @!p0 $0x108  }
0x21: {  	s3 =	sadd.s32 s3, s9;
	s6 =	sadd.s32 @!p0 $0x88, s6;
	s7 =	simm.s32 @p2 $0x1082  }
0x22: {  	[simem:s7], [sflag:s8] =	dma.local @!p0 [hbm:s6], $0xF7A  }
0x23: {  	s9 =	sor.u32 $0xD0000000, s2;
	s6 =	simm.s32 $0x108;
	_ =	swait.ge @!p0 [sflag:s8], $0x0  }
0x24: {  	s3 =	sadd.s32 $0x88, s3;
	s6 =	simm.s32 @!p1 $0x1082;
	[sflag:s4] =	ssyncset.s32 $0xFFFFF086  }
0x25: {  	[simem:s6], [sflag:s4] =	dma.local [hbm:s3], $0xF7A  }
0x26: {  	[smem:$0x3F9C] =	sst s1;
	(tag) =	ssettag s2;
	_ =	strace s9  }
0x27: {  	s1 =	sld [smem:$0x3FAC]  }
0x28: {  	s2 =	sld [smem:$0x3FAD]  }
0x29: {  	s4 =	sld [smem:$0x3FAF]  }
0x2a: {  	p0 =	seq.s32 s5, $0x0;
	s5 =	sld [smem:$0x3FB0]  }
0x2b: {  	s6 =	sld [smem:$0x3FB1]  }
0x2c: {  	s7 =	sld [smem:$0x3FB2]  }
0x2d: {  	s3 =	simm.s32 $0x108;
	s8 =	sld [smem:$0x3FB3]  }
0x2e: {  	s3 =	simm.s32 @!p0 $0x1082;
	s9 =	sld [smem:$0x3FB4]  }
0x2f: {  	lr =	sadd.s32 s0, s3;
	s0 =	sld [smem:$0x3FAB]  }
0x30: {  	s3 =	sld [smem:$0x3FAE]  }
0x31: {  	[smem:$0x3FB7] =	sst s10  }
0x32: {  	s10 =	sld [smem:$0x3FB5];
	_ =	sdelay $0x3  }
0x33: {  	p0 =	seq.s32 s10, $0x1;
	s10 =	sld [smem:$0x3FB7];
	_ =	sdelay $0x3  }
0x34: {  	[smem:$0x3FB7] =	sst s10  }
0x35: {  	s10 =	sld [smem:$0x3FB6];
	_ =	sdelay $0x3  }
0x36: {  	p1 =	seq.s32 s10, $0x1;
	s10 =	sld [smem:$0x3FB7];
	_ =	sdelay $0x3  }
0x37: {  	[smem:$0x3FB7] =	sst s10  }
0x38: {  	s10 =	sld [smem:$0x3FB8]  }
0x39: {  	_ = 	snop;
	(pc) =	sbr.ind lr, $3  }
0x3a: {  	_ = 	snop  }
0x3b: {  	_ = 	snop  }
0x3c: {  	p2 =	seq.s32 s10, $0x1;
	s10 =	sld [smem:$0x3FB7]  }
0x3d: {  	_ =	shalt  }
0x3e: {  	_ =	shalt  }
0x3f: {  	_ =	shalt  }
0x40: {  	_ =	shalt  }
0x41: {  	_ =	shalt  }
0x42: {  	_ =	shalt  }
0x43: {  	_ =	shalt  }
0x44: {  	_ =	shalt  }
0x45: {  	_ =	shalt  }
0x46: {  	_ =	shalt  }
0x47: {  	_ =	shalt  }
0x48: {  	_ =	shalt  }
0x49: {  	_ =	shalt  }
0x4a: {  	_ =	shalt  }
0x4b: {  	_ =	shalt  }
0x4c: {  	_ =	shalt  }
0x4d: {  	_ =	shalt  }
0x4e: {  	_ =	shalt  }
0x4f: {  	_ =	shalt  }
0x50: {  	_ =	shalt  }
0x51: {  	_ =	shalt  }
0x52: {  	_ =	shalt  }
0x53: {  	_ =	shalt  }
0x54: {  	_ =	shalt  }
0x55: {  	_ =	shalt  }
0x56: {  	_ =	shalt  }
0x57: {  	_ =	shalt  }
0x58: {  	_ =	shalt  }
0x59: {  	_ =	shalt  }
0x5a: {  	_ =	shalt  }
0x5b: {  	_ =	shalt  }
0x5c: {  	_ =	shalt  }
0x5d: {  	_ =	shalt  }
0x5e: {  	_ =	shalt  }
0x5f: {  	_ =	shalt  }
0x60: {  	_ =	shalt  }
0x61: {  	_ =	shalt  }
0x62: {  	_ =	shalt  }
0x63: {  	_ =	shalt  }
0x64: {  	_ =	shalt  }
0x65: {  	_ =	shalt  }
0x66: {  	_ =	shalt  }
0x67: {  	_ =	shalt  }
0x68: {  	_ =	shalt  }
0x69: {  	_ =	shalt  }
0x6a: {  	_ =	shalt  }
0x6b: {  	_ =	shalt  }
0x6c: {  	_ =	shalt  }
0x6d: {  	_ =	shalt  }
0x6e: {  	_ =	shalt  }
0x6f: {  	_ =	shalt  }
0x70: {  	_ =	shalt  }
0x71: {  	_ =	shalt  }
0x72: {  	_ =	shalt  }
0x73: {  	_ =	shalt  }
0x74: {  	_ =	shalt  }
0x75: {  	_ =	shalt  }
0x76: {  	_ =	shalt  }
0x77: {  	_ =	shalt  }
0x78: {  	_ =	shalt  }
0x79: {  	_ =	shalt  }
0x7a: {  	_ =	shalt  }
0x7b: {  	_ =	shalt  }
0x7c: {  	_ =	shalt  }
0x7d: {  	_ =	shalt  }
0x7e: {  	_ =	shalt  }
0x7f: {  	_ =	shalt  }
0x80: {  	_ =	shalt  }
0x81: {  	_ =	shalt  }
0x82: {  	_ =	shalt  }
0x83: {  	_ =	shalt  }
0x84: {  	_ =	shalt  }
0x85: {  	_ =	shalt  }
0x86: {  	_ =	shalt  }
0x87: {  	_ =	shalt  }
.Lfunc_end0:
.L_simem_size_0:
called_computation_lowered:
.L_overlay_start_0:
0x88: {  	s2 =	sld [smem:$0x3FD9]  }
0x89: {  	s3 =	sld [smem:$0x3FFE];
	_ =	sdelay $0x1  }
0x8a: {  	s1 =	srdreg.scid  }
0x8b: {  	s0 =	sand.u32 $0x1, s1  }
0x8c: {  	s17 =	sshll.u32 s0, $0xA;
	s2 =	sadd.s32 s3, s2  }
0x8d: {  	s2 =	sadd.s32 s2, s17  }
0x8e: {  	[smem:$0x3FC3] =	sst s2  }
0x8f: {  	_ = 	snop  }
0x90: {  	s2 =	sld [smem:$0x3FD0];
	(tm) =	ssettm $0x1  }
0x91: {  	s18 =	sld [smem:$0x3FFB];
	_ =	sdelay $0x3  }
0x92: {  	_ =	strace s18  }
0x93: {  	s3 =	sld [smem:$0x3FFC];
	_ =	sdelay $0x3  }
0x94: {  	_ =	strace s3  }
0x95: {  	s3 =	sld [smem:$0x3FFD];
	_ =	sdelay $0x3  }
0x96: {  	_ =	strace s3  }
0x97: {  	_ =	strace $0x8FFFFFFF  }
0x98: {  	s19 =	sld [smem:$0x3FDB];
	_ =	sdelay $0x1  }
0x99: {  	s4 =	simm.s32 $_scs_section_size  }
0x9a: {  	s5 =	simm.s32 $_size__tile_overlayer_lowered;
	s6 =	simm.s32 $_tile_overlayer_lowered  }
0x9b: {  	s22 =	simm.s32 $0x1BFF;
	s21 =	sshll.u32 s6, $0x1;
	s3 =	sadd.s32 s4, s19  }
0x9c: {  	s7 =	simm.s32 $0x0;
	s20 =	sshll.u32 s5, $0x1;
	s5 =	sadd.s32 s21, s3  }
0x9d: {  	[timem:s7], [sflag:s22] =	dma.local [hbm:s5], s20  }
0x9e: {  	_ =	swait.ge [sflag:s22], s20  }
0x9f: {  	s4 =	ssub.s32 $0x0, s20;
	[sflag:s22] =	ssyncset.done $0x0  }
0xa0: {  	[sflag:s22] =	ssyncadd.s32 s4;
	_ =	sdelay $0x1  }
0xa1: {  	s23 =	simm.s32 $0x1B8B  }
0xa2: {  	_ =	swait.ge [sflag:s23], $0x1  }
0xa3: {  	[sflag:s23] =	ssyncset.done $0x0  }
0xa4: {  	s25 =	simm.s32 $0x1B8E;
	s24 =	sld [smem:$0x3FFE];
	[sflag:s23] =	ssyncadd.s32 $0xFFFFFFFF  }
0xa5: {  	s26 =	simm.s32 $execute0_lowered;
	[smem:$0x3FD2] =	sst s25  }
0xa6: {  	s5 =	sshll.u32 s26, $0x1;
	_ =	strace $0x80000046;
	[dreg:$0x1] =	wrdreg $0xFFFFFFFF  }
0xa7: {  	s28 =	simm.s32 $_size_execute0_lowered;
	s3 =	sadd.s32 s3, s5;
	[dreg:$0x0] =	wrdreg $0x0  }
0xa8: {  	s5 =	sshll.u32 s28, $0x1;
	[dreg:$0x2] =	wrdreg s3  }
0xa9: {  	[dreg:$0x3] =	wrdreg s5  }
0xaa: {  	[dreg:$0x4] =	wrdreg $0xC0  }
0xab: {  	_ =	task [dreg:s7], $0x5FFFF  }
0xac: {  	[dreg:$0x1] =	wrdreg $0xFFFFFFFF  }
0xad: {  	[dreg:$0x0] =	wrdreg $0x60  }
0xae: {  	[dreg:$0x2] =	wrdreg s2  }
0xaf: {  	[dreg:$0x3] =	wrdreg s24  }
0xb0: {  	[dreg:$0x4] =	wrdreg $0x9  }
0xb1: {  	_ =	task.clear_ibuf [dreg:s7], $0x5FFFF;
	_ =	strace $0x90000046  }
0xb2: {  	s29 =	simm.s32 $0x9;
	_ =	strace $0x80000048  }
0xb3: {  	_ =	swait.ge [sflag:s29], $0x1  }
0xb4: {  	[sflag:s29] =	ssyncadd.s32 $0xFFFFFFFF  }
0xb5: {  	_ =	strace $0x90000048  }
0xb6: {  	_ =	sfence  }
0xb7: {  	s30 =	sld [smem:$0x0];
	_ =	sdelay $0x2  }
0xb8: {  	s31 =	sshll.u32 s1, $0xD;
	s1 =	sshrl.u32 s1, $0x2  }
0xb9: {  	s3 =	sand.u32 $0x4000, s31;
	s1 =	sadd.s32 s1, s30  }
0xba: {  	s0 =	sor.u32 s3, s0;
	s1 =	sshll.u32 s1, $0x11  }
0xbb: {  	s0 =	sor.u32 s1, s0  }
0xbc: {  	s0 =	sadd.s32 $0x8F2B, s0  }
0xbd: {  	[sflag:s0] =	ssyncadd.remote.s32 $0x1  }
0xbe: {  	_ =	sfence.sel $0xFFFF  }
0xbf: {  	[dreg:$0x0] =	wrdreg $0xFFFFFFFF;
	(pc) =	sbr.abs _section_cstart, $3  }
0xc0: {  	[dreg:$0x1] =	wrdreg $0xFFFFFFFF  }
0xc1: {  	_ =	task.clear_ibuf [dreg:s7], $0x2FFFF;
	_ =	strace $0x9FFFFFFF  }
0xc2: {  	(tm) =	ssettm $0x7FFFFFFF  }
0xc3: {  	_ =	shalt  }
tec
execute0_lowered:
.L_overlay_start_1:
0x0: {  	(tag) =	ssettag $0x1  }
0x1: {  	s1 =	srdreg.scid;
	s2 =	rddreg [dreg:$0x0]  }
0x2: {  	s0 =	stileid.u32;
	s4 =	rddreg [dreg:$0x1];
	s3 =	simm.s32 $0x0  }
0x3: {  	s12 =	simm.s32 $0x50;
	s13 =	simm.s32 $0x2C10;
	s14 =	simm.s32 $0x2  }
0x4: {  	s15 =	simm.s32 $0x0;
	s6 =	sand.u32 $0x1, s1;
	s9 =	smul.u32 $0x4E20, s0  }
0x5: {  	s26 =	sshll.u32 s0, $0x1;
	s1 =	rddreg [dreg:$0x2];
	s29 =	smul.u32 $0x9C40, s0  }
0x6: {  	[smem:$0x7FF] =	sst s3;
	s5 =	sor.u32 s6, s26;
	s11 =	smul.u32 $0x2710, s6  }
0x7: {  	s10 =	sadd.s32 $0x17E00, s4;
	s8 =	ssub.s32 $0x2, s6;
	s7 =	smul.u32 $0x2710, s5  }
0x8: {  	_ =	strace $0x80000047;
	s5 =	smul.u32 $0x27100, s5;
	s28 =	sshrl.u32 s8, $0x1  }
0x9: {  	s30 =	smul.u32 $0x4E20, s6;
	s8 =	ssub.s32 s8, s28;
	s9 =	sadd.s32 s11, s9  }
0xa: {  	s11 =	simm.s32 $0x1;
	s7 =	sshrl.u32 s7, $0x3;
	s5 =	sshrl.u32 s5, $0x3  }
0xb: {  	s9 =	sshll.u32 s9, $0x1;
	s6 =	smax.u32 s8, $0x1;
	s7 =	sadd.s32 s7, s4  }
0xc: {  	s5 =	sadd.s32 s10, s5;
	s31 =	sadd.s32 s10, s9;
	s9 =	simm.s32 $0x3  }
0xd: {  	s4 =	sadd.s32 $0x4200, s7;
	s5 =	sadd.s32 $0x4D80, s5;
	s7 =	sadd.s32 s29, s10  }
0xe: {  	s8 =	sadd.s32 $0xA0, s31;
	s10 =	simm.s32 $0x2710;
	s7 =	sadd.s32 s30, s7  }
.LBB2_1:
0xf: {  	[tilespmem:s3], [sflag:$0x3] =	stream.linear.gather [hbm4b:s4+s3], $0x2710, $0x38;
	[tilespmem:$0x3110] =	vst v63  }
0x10: {  	_ =	swait.ge [sflag:s9], $0x2710  }
0x11: {  	[sflag:s9] =	ssyncset.done $0x0  }
0x12: {  	[sflag:s9] =	ssyncadd.s32 $0xFFFFD8F0  }
0x13: {  	[tilespmem:s10], [sflag:$0x1] =	stream.indirect.gather [hbm4b:s2+s12], $0x10, s3, s12, $0xb8;
	[tilespmem:$0x3110] =	vst v63  }
0x14: {  	_ =	swait.ge [sflag:s11], $0x500  }
0x15: {  	[sflag:s11] =	ssyncset.done $0x0  }
0x16: {  	[sflag:s11] =	ssyncadd.s32 $0xFFFFFB00  }
0x17: {  	[tilespmem:s13], [sflag:$0x2] =	stream.indirect.gather [hbm4b:s2+s12], $0x10, s12, s12, $0xb8;
	[tilespmem:$0x3110] =	vst v63  }
0x18: {  	s16 =	sadd.s32 $0x0, s7  }
0x19: {  	[hbm4b:s16+s3] =	stream.linear.scatter [tilespmem:s10], [sflag:$0x3], $0x500, $0x38;
	[tilespmem:$0x3110] =	vst v63  }
0x1a: {  	_ =	swait.ge [sflag:s9], $0x500  }
0x1b: {  	[sflag:s9] =	ssyncset.done $0x0  }
0x1c: {  	s30 =	simm.s32 $0xA0;
	[sflag:s9] =	ssyncadd.s32 $0xFFFFFB00  }
0x1d: {  	[tilespmem:s10], [sflag:$0x1] =	stream.indirect.gather [hbm4b:s2+s12], $0x10, s30, s12, $0xb8;
	[tilespmem:$0x3110] =	vst v63  }
0x1e: {  	_ =	swait.ge [sflag:s14], $0x500  }
0x1f: {  	[sflag:s14] =	ssyncset.done $0x0  }
0x20: {  	s31 =	sadd.s32 $0x0, s8;
	[sflag:s14] =	ssyncadd.s32 $0xFFFFFB00  }
0x21: {  	[hbm4b:s31+s3] =	stream.linear.scatter [tilespmem:s13], [sflag:$0x3], $0x500, $0x38;
	[tilespmem:$0x3110] =	vst v63  }
0x22: {  	_ =	swait.ge [sflag:s9], $0x500  }
0x23: {  	s17 =	simm.s32 $0x50;
	s16 =	simm.s32 $0x140;
	[sflag:s9] =	ssyncset.done $0x0  }
.LBB2_2:
0x24: {  	p0 =	sne.s32 s16, $0x4C40;
	[sflag:s9] =	ssyncadd.s32 $0xFFFFFB00;
	s17 =	sadd.s32 $0xA0, s17  }
0x25: {  	s18 =	smov.u32 s16;
	s16 =	sadd.s32 $0x140, s16;
	_ =	swait.ge [sflag:s11], $0x500  }
0x26: {  	[sflag:s11] =	ssyncset.done $0x0  }
0x27: {  	[sflag:s11] =	ssyncadd.s32 $0xFFFFFB00  }
0x28: {  	[tilespmem:s13], [sflag:$0x2] =	stream.indirect.gather [hbm4b:s2+s12], $0x10, s17, s12, $0xb8;
	[tilespmem:$0x3110] =	vst v63  }
0x29: {  	s19 =	sadd.s32 s18, s7  }
0x2a: {  	[hbm4b:s19+s3] =	stream.linear.scatter [tilespmem:s10], [sflag:$0x3], $0x500, $0x38;
	[tilespmem:$0x3110] =	vst v63  }
0x2b: {  	_ =	swait.ge [sflag:s9], $0x500  }
0x2c: {  	[sflag:s9] =	ssyncset.done $0x0  }
0x2d: {  	s19 =	sadd.s32 $0x50, s17;
	[sflag:s9] =	ssyncadd.s32 $0xFFFFFB00  }
0x2e: {  	[tilespmem:s10], [sflag:$0x1] =	stream.indirect.gather [hbm4b:s2+s12], $0x10, s19, s12, $0xb8;
	[tilespmem:$0x3110] =	vst v63  }
0x2f: {  	_ =	swait.ge [sflag:s14], $0x500  }
.Ltmp0:
0x30: {  	[sflag:s14] =	ssyncset.done $0x0;
	(pc) =	sbr.rel @p0 .LBB2_2-.Ltmp0, $4  }
0x31: {  	s18 =	sadd.s32 s18, s8;
	[sflag:s14] =	ssyncadd.s32 $0xFFFFFB00  }
0x32: {  	[hbm4b:s18+s3] =	stream.linear.scatter [tilespmem:s13], [sflag:$0x3], $0x500, $0x38;
	[tilespmem:$0x3110] =	vst v63  }
0x33: {  	_ =	swait.ge [sflag:s9], $0x500  }
0x34: {  	[sflag:s9] =	ssyncset.done $0x0  }
0x35: {  	[sflag:s9] =	ssyncadd.s32 $0xFFFFFB00  }
0x36: {  	s15 =	sadd.s32 $0x1, s15;
	_ =	swait.ge [sflag:s11], $0x500  }
0x37: {  	p0 =	sne.s32 s15, s6;
	[sflag:s11] =	ssyncset.done $0x0  }
.Ltmp1:
0x38: {  	[sflag:s11] =	ssyncadd.s32 $0xFFFFFB00;
	(pc) =	sbr.rel @p0 .LBB2_1-.Ltmp1, $4  }
0x39: {  	[hbm4b:s5+s3] =	stream.linear.scatter [tilespmem:s10], [sflag:$0x3], $0x500, $0x38;
	[tilespmem:$0x3110] =	vst v63  }
0x3a: {  	_ =	swait.ge [sflag:s9], $0x500  }
0x3b: {  	[sflag:s9] =	ssyncset.done $0x0  }
0x3c: {  	[sflag:s9] =	ssyncadd.s32 $0xFFFFFB00  }
0x3d: {  	_ =	sfence.sel $0x180000  }
0x3e: {  	[bflag:$0x0] =	sbarrier.arrive $0xFFFF  }
0x3f: {  	p0 =	sne.s32 s0, $0x0;
	_ =	strace $0x90000047  }
0x40: {  	s0 =	sadd.s32 @!p0 $0x100000, s1;
	[bflag:$0x2] =	sbarrier.arrive $0xFFFF  }
0x41: {  	[sflag:s0] =	ssyncadd.tile.s32 @!p0 $0x1;
	_ =	shalt  }
.Lfunc_end2:
_tile_overlayer_lowered:
.L_overlay_start_2:
0x42: {  	(tag) =	ssettag $0x2  }
0x43: {  	s0 =	rddreg [dreg:$0x0];
	s2 =	stileid.u32  }
0x44: {  	s1 =	rddreg [dreg:$0x1];
	p0 =	sne.s32 s2, $0x0  }
0x45: {  	s3 =	rddreg [dreg:$0x2];
	[bflag:$0x3] =	sbarrier.arrive $0xFFFF;
	s2 =	simm.s32 @!p0 $0x1C03  }
0x46: {  	[timem:s3], [sflag:s2] =	dma.local @!p0 [hbm:s0], s1  }
0x47: {  	s0 =	simm.s32 @!p0 $0x3  }
0x48: {  	_ =	swait.ge @!p0 [sflag:s0], s1  }
0x49: {  	s1 =	ssub.s32 @!p0 $0x0, s1;
	[sflag:s0] =	ssyncset.done @!p0 $0x0  }
0x4a: {  	[sflag:s0] =	ssyncadd.s32 @!p0 s1  }
0x4b: {  	[bflag:$0x3] =	sbarrier.arrive $0xFFFF  }
0x4c: {  	_ =	shalt  }

// kernel: kernel.9.cloned.1.call-start
scs
__scs_entry_jumppad:
0x0: {  	(pc) =	sbr.rel $0x88, $3  }
0x1: {  	(tag) =	ssettag $0x0;
	lr =	simm.s32 $0x1  }
0x2: {  	[smem:$0x3F9C] =	sst lr;
	_ =	strace $0xD0000000  }
0x3: {  	_ = 	snop  }
0x4: {  	_ = 	snop  }
0x5: {  	_ = 	snop  }
0x6: {  	_ = 	snop  }
0x7: {  	_ = 	snop  }
__scs_overlays_trampoline_lowered:
0x8: {  	[smem:$0x3FAB] =	sst s0  }
0x9: {  	[smem:$0x3FAC] =	sst s1  }
0xa: {  	[smem:$0x3FAD] =	sst s2  }
0xb: {  	[smem:$0x3FAE] =	sst s3  }
0xc: {  	[smem:$0x3FAF] =	sst s4  }
0xd: {  	[smem:$0x3FB0] =	sst s5  }
0xe: {  	[smem:$0x3FB1] =	sst s6  }
0xf: {  	[smem:$0x3FB2] =	sst s7  }
0x10: {  	[smem:$0x3FB3] =	sst s8  }
0x11: {  	[smem:$0x3FB4] =	sst s9;
	s0 =	simm.s32 @!p0 $0x0  }
0x12: {  	s1 =	sld [smem:$0x3F9A];
	s0 =	simm.s32 @p0 $0x1  }
0x13: {  	[smem:$0x3FB5] =	sst s0;
	s0 =	simm.s32 @!p1 $0x0  }
0x14: {  	s2 =	sld [smem:$0x3F99];
	s0 =	simm.s32 @p1 $0x1  }
0x15: {  	[smem:$0x3FB6] =	sst s0;
	s0 =	simm.s32 @!p2 $0x0  }
0x16: {  	s3 =	sld [smem:$0x3FDB];
	s0 =	simm.s32 @p2 $0x1  }
0x17: {  	s4 =	simm.s32 $0x1BF5;
	[smem:$0x3FB8] =	sst s0  }
0x18: {  	s0 =	sld [smem:$0x3F9B];
	_ =	swait.ge [sflag:s4], $0x0  }
0x19: {  	s7 =	sld [smem:$0x3F9C]  }
0x1a: {  	s8 =	sadd.s32 $0xFFFFE003, lr  }
0x1b: {  	s9 =	sadd.s32 $0xFFFFFEF7, lr;
	s5 =	simm.s32 $0xFFFFFFFF;
	p2 =	slt.u32 s8, $0xFFFFF086  }
0x1c: {  	p1 =	slt.u32 s9, $0xF7A;
	s5 =	simm.s32 @!p2 $0x0  }
0x1d: {  	s5 =	simm.s32 @p1 $0x1;
	p0 =	seq.s32 s7, s2  }
0x1e: {  	s7 =	smul.u32 @!p0 $0xF7A, s2;
	p2 =	seq.s32 @!p0 s5, $0x0  }
0x1f: {  	s9 =	smul.u32 $0xF7A, s1;
	s8 =	simm.s32 @!p0 $0x1BF5;
	p2 =	por !p2, p0  }
0x20: {  	[sflag:s8] =	ssyncset.s32 @!p0 $0xFFFFF086;
	s6 =	sadd.s32 @!p0 s3, s7;
	s7 =	simm.s32 @!p0 $0x108  }
0x21: {  	s3 =	sadd.s32 s3, s9;
	s6 =	sadd.s32 @!p0 $0x88, s6;
	s7 =	simm.s32 @p2 $0x1082  }
0x22: {  	[simem:s7], [sflag:s8] =	dma.local @!p0 [hbm:s6], $0xF7A  }
0x23: {  	s9 =	sor.u32 $0xD0000000, s2;
	s6 =	simm.s32 $0x108;
	_ =	swait.ge @!p0 [sflag:s8], $0x0  }
0x24: {  	s3 =	sadd.s32 $0x88, s3;
	s6 =	simm.s32 @!p1 $0x1082;
	[sflag:s4] =	ssyncset.s32 $0xFFFFF086  }
0x25: {  	[simem:s6], [sflag:s4] =	dma.local [hbm:s3], $0xF7A  }
0x26: {  	[smem:$0x3F9C] =	sst s1;
	(tag) =	ssettag s2;
	_ =	strace s9  }
0x27: {  	s1 =	sld [smem:$0x3FAC]  }
0x28: {  	s2 =	sld [smem:$0x3FAD]  }
0x29: {  	s4 =	sld [smem:$0x3FAF]  }
0x2a: {  	p0 =	seq.s32 s5, $0x0;
	s5 =	sld [smem:$0x3FB0]  }
0x2b: {  	s6 =	sld [smem:$0x3FB1]  }
0x2c: {  	s7 =	sld [smem:$0x3FB2]  }
0x2d: {  	s3 =	simm.s32 $0x108;
	s8 =	sld [smem:$0x3FB3]  }
0x2e: {  	s3 =	simm.s32 @!p0 $0x1082;
	s9 =	sld [smem:$0x3FB4]  }
0x2f: {  	lr =	sadd.s32 s0, s3;
	s0 =	sld [smem:$0x3FAB]  }
0x30: {  	s3 =	sld [smem:$0x3FAE]  }
0x31: {  	[smem:$0x3FB7] =	sst s10  }
0x32: {  	s10 =	sld [smem:$0x3FB5];
	_ =	sdelay $0x3  }
0x33: {  	p0 =	seq.s32 s10, $0x1;
	s10 =	sld [smem:$0x3FB7];
	_ =	sdelay $0x3  }
0x34: {  	[smem:$0x3FB7] =	sst s10  }
0x35: {  	s10 =	sld [smem:$0x3FB6];
	_ =	sdelay $0x3  }
0x36: {  	p1 =	seq.s32 s10, $0x1;
	s10 =	sld [smem:$0x3FB7];
	_ =	sdelay $0x3  }
0x37: {  	[smem:$0x3FB7] =	sst s10  }
0x38: {  	s10 =	sld [smem:$0x3FB8]  }
0x39: {  	_ = 	snop;
	(pc) =	sbr.ind lr, $3  }
0x3a: {  	_ = 	snop  }
0x3b: {  	_ = 	snop  }
0x3c: {  	p2 =	seq.s32 s10, $0x1;
	s10 =	sld [smem:$0x3FB7]  }
0x3d: {  	_ =	shalt  }
0x3e: {  	_ =	shalt  }
0x3f: {  	_ =	shalt  }
0x40: {  	_ =	shalt  }
0x41: {  	_ =	shalt  }
0x42: {  	_ =	shalt  }
0x43: {  	_ =	shalt  }
0x44: {  	_ =	shalt  }
0x45: {  	_ =	shalt  }
0x46: {  	_ =	shalt  }
0x47: {  	_ =	shalt  }
0x48: {  	_ =	shalt  }
0x49: {  	_ =	shalt  }
0x4a: {  	_ =	shalt  }
0x4b: {  	_ =	shalt  }
0x4c: {  	_ =	shalt  }
0x4d: {  	_ =	shalt  }
0x4e: {  	_ =	shalt  }
0x4f: {  	_ =	shalt  }
0x50: {  	_ =	shalt  }
0x51: {  	_ =	shalt  }
0x52: {  	_ =	shalt  }
0x53: {  	_ =	shalt  }
0x54: {  	_ =	shalt  }
0x55: {  	_ =	shalt  }
0x56: {  	_ =	shalt  }
0x57: {  	_ =	shalt  }
0x58: {  	_ =	shalt  }
0x59: {  	_ =	shalt  }
0x5a: {  	_ =	shalt  }
0x5b: {  	_ =	shalt  }
0x5c: {  	_ =	shalt  }
0x5d: {  	_ =	shalt  }
0x5e: {  	_ =	shalt  }
0x5f: {  	_ =	shalt  }
0x60: {  	_ =	shalt  }
0x61: {  	_ =	shalt  }
0x62: {  	_ =	shalt  }
0x63: {  	_ =	shalt  }
0x64: {  	_ =	shalt  }
0x65: {  	_ =	shalt  }
0x66: {  	_ =	shalt  }
0x67: {  	_ =	shalt  }
0x68: {  	_ =	shalt  }
0x69: {  	_ =	shalt  }
0x6a: {  	_ =	shalt  }
0x6b: {  	_ =	shalt  }
0x6c: {  	_ =	shalt  }
0x6d: {  	_ =	shalt  }
0x6e: {  	_ =	shalt  }
0x6f: {  	_ =	shalt  }
0x70: {  	_ =	shalt  }
0x71: {  	_ =	shalt  }
0x72: {  	_ =	shalt  }
0x73: {  	_ =	shalt  }
0x74: {  	_ =	shalt  }
0x75: {  	_ =	shalt  }
0x76: {  	_ =	shalt  }
0x77: {  	_ =	shalt  }
0x78: {  	_ =	shalt  }
0x79: {  	_ =	shalt  }
0x7a: {  	_ =	shalt  }
0x7b: {  	_ =	shalt  }
0x7c: {  	_ =	shalt  }
0x7d: {  	_ =	shalt  }
0x7e: {  	_ =	shalt  }
0x7f: {  	_ =	shalt  }
0x80: {  	_ =	shalt  }
0x81: {  	_ =	shalt  }
0x82: {  	_ =	shalt  }
0x83: {  	_ =	shalt  }
0x84: {  	_ =	shalt  }
0x85: {  	_ =	shalt  }
0x86: {  	_ =	shalt  }
0x87: {  	_ =	shalt  }
.Lfunc_end0:
.L_simem_size_0:
called_computation.1_lowered:
.L_overlay_start_0:
0x88: {  	s2 =	sld [smem:$0x3FD9]  }
0x89: {  	s3 =	sld [smem:$0x3FFE];
	_ =	sdelay $0x1  }
0x8a: {  	s1 =	srdreg.scid  }
0x8b: {  	s0 =	sand.u32 $0x1, s1  }
0x8c: {  	s17 =	sshll.u32 s0, $0xA;
	s2 =	sadd.s32 s3, s2  }
0x8d: {  	s2 =	sadd.s32 s2, s17  }
0x8e: {  	[smem:$0x3FC3] =	sst s2  }
0x8f: {  	_ = 	snop  }
0x90: {  	s2 =	sld [smem:$0x3FD0];
	(tm) =	ssettm $0x1  }
0x91: {  	s18 =	sld [smem:$0x3FFB];
	_ =	sdelay $0x3  }
0x92: {  	_ =	strace s18  }
0x93: {  	s3 =	sld [smem:$0x3FFC];
	_ =	sdelay $0x3  }
0x94: {  	_ =	strace s3  }
0x95: {  	s3 =	sld [smem:$0x3FFD];
	_ =	sdelay $0x3  }
0x96: {  	_ =	strace s3  }
0x97: {  	_ =	strace $0x8FFFFFFF  }
0x98: {  	s19 =	sld [smem:$0x3FDB];
	_ =	sdelay $0x1  }
0x99: {  	s4 =	simm.s32 $_scs_section_size  }
0x9a: {  	s5 =	simm.s32 $_size__tile_overlayer_lowered;
	s6 =	simm.s32 $_tile_overlayer_lowered  }
0x9b: {  	s22 =	simm.s32 $0x1BFF;
	s21 =	sshll.u32 s6, $0x1;
	s3 =	sadd.s32 s4, s19  }
0x9c: {  	s7 =	simm.s32 $0x0;
	s20 =	sshll.u32 s5, $0x1;
	s5 =	sadd.s32 s21, s3  }
0x9d: {  	[timem:s7], [sflag:s22] =	dma.local [hbm:s5], s20  }
0x9e: {  	_ =	swait.ge [sflag:s22], s20  }
0x9f: {  	s4 =	ssub.s32 $0x0, s20;
	[sflag:s22] =	ssyncset.done $0x0  }
0xa0: {  	[sflag:s22] =	ssyncadd.s32 s4;
	_ =	sdelay $0x1  }
0xa1: {  	s23 =	simm.s32 $0x1B8B  }
0xa2: {  	_ =	swait.ge [sflag:s23], $0x1  }
0xa3: {  	[sflag:s23] =	ssyncset.done $0x0  }
0xa4: {  	s25 =	simm.s32 $0x1B8E;
	s24 =	sld [smem:$0x3FFE];
	[sflag:s23] =	ssyncadd.s32 $0xFFFFFFFF  }
0xa5: {  	s26 =	simm.s32 $execute0_lowered;
	[smem:$0x3FD2] =	sst s25  }
0xa6: {  	s5 =	sshll.u32 s26, $0x1;
	_ =	strace $0x80000049;
	[dreg:$0x1] =	wrdreg $0xFFFFFFFF  }
0xa7: {  	s28 =	simm.s32 $_size_execute0_lowered;
	s3 =	sadd.s32 s3, s5;
	[dreg:$0x0] =	wrdreg $0x0  }
0xa8: {  	s5 =	sshll.u32 s28, $0x1;
	[dreg:$0x2] =	wrdreg s3  }
0xa9: {  	[dreg:$0x3] =	wrdreg s5  }
0xaa: {  	[dreg:$0x4] =	wrdreg $0xC0  }
0xab: {  	_ =	task [dreg:s7], $0x5FFFF  }
0xac: {  	[dreg:$0x1] =	wrdreg $0xFFFFFFFF  }
0xad: {  	[dreg:$0x0] =	wrdreg $0x60  }
0xae: {  	[dreg:$0x2] =	wrdreg s24  }
0xaf: {  	[dreg:$0x3] =	wrdreg s2  }
0xb0: {  	[dreg:$0x4] =	wrdreg $0xAB000  }
0xb1: {  	[dreg:$0x5] =	wrdreg $0x9  }
0xb2: {  	_ =	task.clear_ibuf [dreg:s7], $0x6FFFF;
	_ =	strace $0x90000049  }
0xb3: {  	s29 =	simm.s32 $0x9;
	_ =	strace $0x8000004B  }
0xb4: {  	_ =	swait.ge [sflag:s29], $0x1  }
0xb5: {  	[sflag:s29] =	ssyncadd.s32 $0xFFFFFFFF  }
0xb6: {  	_ =	strace $0x9000004B  }
0xb7: {  	_ =	sfence  }
0xb8: {  	s30 =	sld [smem:$0x0];
	_ =	sdelay $0x2  }
0xb9: {  	s31 =	sshll.u32 s1, $0xD;
	s1 =	sshrl.u32 s1, $0x2  }
0xba: {  	s3 =	sand.u32 $0x4000, s31;
	s1 =	sadd.s32 s1, s30  }
0xbb: {  	s0 =	sor.u32 s3, s0;
	s1 =	sshll.u32 s1, $0x11  }
0xbc: {  	s0 =	sor.u32 s1, s0  }
0xbd: {  	s0 =	sadd.s32 $0x8F2B, s0  }
0xbe: {  	[sflag:s0] =	ssyncadd.remote.s32 $0x1  }
0xbf: {  	_ =	sfence.sel $0xFFFF  }
0xc0: {  	[dreg:$0x0] =	wrdreg $0xFFFFFFFF;
	(pc) =	sbr.abs _section_cstart, $3  }
0xc1: {  	[dreg:$0x1] =	wrdreg $0xFFFFFFFF  }
0xc2: {  	_ =	task.clear_ibuf [dreg:s7], $0x2FFFF;
	_ =	strace $0x9FFFFFFF  }
0xc3: {  	(tm) =	ssettm $0x7FFFFFFF  }
tec
execute0_lowered:
.L_overlay_start_1:
0x0: {  	(tag) =	ssettag $0x1  }
0x1: {  	s13 =	stileid.u32  }
0x2: {  	s0 =	rddreg [dreg:$0x0];
	s5 =	smul.u32 $0x4E20, s13  }
0x3: {  	s1 =	rddreg [dreg:$0x1];
	s22 =	smul.u32 $0x1390, s13  }
0x4: {  	s2 =	rddreg [dreg:$0x2];
	s8 =	smul.u32 $0x9C40, s13  }
0x5: {  	s4 =	srdreg.scid;
	s10 =	smul.u32 $0x4E400, s13  }
0x6: {  	s3 =	simm.s32 $0x0;
	s4 =	sand.u32 $0x1, s4;
	s26 =	smul.u32 $0x4E200, s13  }
0x7: {  	[smem:$0x7FF] =	sst s3;
	s6 =	sadd.s32 $0x17E00, s0;
	s11 =	smul.u32 $0x4E00, s13  }
0x8: {  	s15 =	sshll.u32 s13, $0x6;
	s18 =	smul.u32 $0x138, s13;
	p0 =	sne.s32 s13, $0xF  }
0x9: {  	s20 =	smul.u32 $0x1388, s4;
	_ =	strace $0x8000004A;
	s7 =	ssub.s32 $0x2, s4  }
0xa: {  	s16 =	sor.u32 $0x1C03, s15;
	s5 =	sshrl.u32 s5, $0x3;
	s9 =	sshrl.u32 s7, $0x1  }
0xb: {  	s12 =	sshrl.u32 s10, $0x2;
	s14 =	sadd.s32 s6, s8;
	[dreg:$0x6] =	wrdreg s16  }
0xc: {  	s17 =	sshrl.u32 s26, $0x3;
	s19 =	sshrl.u32 s11, $0x2;
	s26 =	sadd.s32 $0x4E, s18  }
0xd: {  	s5 =	sadd.s32 s5, s0;
	s0 =	sadd.s32 $0x4200, s0;
	[dreg:$0x5] =	wrdreg s14  }
0xe: {  	s8 =	sadd.s32 s19, s2;
	[dreg:$0x4] =	wrdreg s0;
	s5 =	sadd.s32 $0xE000, s5  }
0xf: {  	s16 =	sadd.s32 $0x9C, s18;
	s23 =	sadd.s32 $0x13900, s8;
	[dreg:$0x7] =	wrdreg s5  }
0x10: {  	s7 =	ssub.s32 s7, s9;
	s25 =	sadd.s32 $0x27200, s8;
	[dreg:$0x9] =	wrdreg s23  }
0x11: {  	s21 =	sadd.s32 s6, s17;
	s10 =	sadd.s32 $0x3AB00, s8;
	[dreg:$0xa] =	wrdreg s25  }
0x12: {  	s24 =	sadd.s32 s18, s20;
	s7 =	smax.u32 s7, $0x1;
	[dreg:$0xb] =	wrdreg s10  }
0x13: {  	s9 =	sadd.s32 $0xEA, s18;
	s11 =	sadd.s32 $0x88F00, s8;
	[dreg:$0x15] =	wrdreg s7  }
0x14: {  	s17 =	sadd.s32 s20, s16;
	s13 =	sadd.s32 $0xB0100, s8;
	[dreg:$0x18] =	wrdreg s11  }
0x15: {  	s18 =	sshll.u32 s17, $0x1;
	s17 =	sadd.s32 $0xEAC00, s8;
	[dreg:$0x1a] =	wrdreg s13  }
0x16: {  	s5 =	sadd.s32 $0x9BA0, s21;
	[dreg:$0x1d] =	wrdreg s17  }
0x17: {  	s0 =	sadd.s32 s12, s2;
	s23 =	sadd.s32 $0x4E400, s8;
	[dreg:$0x8] =	wrdreg s5  }
0x18: {  	s12 =	sadd.s32 s20, s9;
	s10 =	sadd.s32 $0x75600, s8;
	[dreg:$0x10] =	wrdreg s23  }
0x19: {  	s19 =	sshll.u32 s12, $0x1;
	s12 =	sadd.s32 $0x9C800, s8;
	[dreg:$0x17] =	wrdreg s10  }
0x1a: {  	s25 =	sshll.u32 s16, $0x4;
	s16 =	sadd.s32 $0xD7300, s8;
	[dreg:$0x19] =	wrdreg s12  }
0x1b: {  	s7 =	sadd.s32 $0x9CCE0, s8;
	[dreg:$0x1c] =	wrdreg s16  }
0x1c: {  	s11 =	sadd.s32 $0xD77E0, s8;
	[smem:$0x7C7] =	sst s7  }
0x1d: {  	s13 =	sadd.s32 $0xFE9E0, s8;
	[smem:$0x7CA] =	sst s11  }
0x1e: {  	s15 =	sadd.s32 s20, s26;
	s17 =	sadd.s32 $0x142C0, s8;
	[smem:$0x7CC] =	sst s13  }
0x1f: {  	s0 =	sshrl.u32 s0, $0x3;
	s5 =	sshll.u32 s24, $0x1;
	[smem:$0x7CF] =	sst s17  }
0x20: {  	s21 =	sadd.s32 s1, s19;
	s24 =	sshll.u32 s26, $0x4;
	[smem:$0x7FB] =	sst s0  }
0x21: {  	s26 =	sshll.u32 s9, $0x4;
	s9 =	sadd.s32 $0x61D00, s8;
	[dreg:$0xf] =	wrdreg s21  }
0x22: {  	s19 =	sadd.s32 $0x111E00, s8;
	[dreg:$0x16] =	wrdreg s9  }
0x23: {  	s23 =	sadd.s32 $0x13DE0, s8;
	[dreg:$0x1f] =	wrdreg s19  }
0x24: {  	s10 =	sadd.s32 $0xC3EE0, s8;
	[smem:$0x7C0] =	sst s23  }
0x25: {  	s12 =	sadd.s32 $0xEB0E0, s8;
	[smem:$0x7C9] =	sst s10  }
0x26: {  	s16 =	sadd.s32 $0x125BE0, s8;
	[smem:$0x7CB] =	sst s12  }
0x27: {  	s7 =	sadd.s32 $0xEB5C0, s8;
	[smem:$0x7CE] =	sst s16  }
0x28: {  	s11 =	sadd.s32 $0x1260C0, s8;
	[smem:$0x7DA] =	sst s7  }
0x29: {  	s13 =	sadd.s32 $0x280A0, s8;
	[smem:$0x7DD] =	sst s11  }
0x2a: {  	s17 =	sadd.s32 $0x62BA0, s8;
	[smem:$0x7DF] =	sst s13  }
0x2b: {  	s5 =	sadd.s32 s1, s5;
	[smem:$0x7E2] =	sst s17  }
0x2c: {  	s6 =	sadd.s32 s26, s2;
	[dreg:$0xc] =	wrdreg s5  }
0x2d: {  	s21 =	sadd.s32 $0x125700, s8;
	[dreg:$0x13] =	wrdreg s6  }
0x2e: {  	s26 =	sadd.s32 $0x4E8E0, s8;
	[smem:$0x7BF] =	sst s21  }
0x2f: {  	s9 =	sadd.s32 $0xB05E0, s8;
	[smem:$0x7C3] =	sst s26  }
0x30: {  	s19 =	sadd.s32 $0x3B4C0, s8;
	[smem:$0x7C8] =	sst s9  }
0x31: {  	s23 =	sadd.s32 $0x626C0, s8;
	[smem:$0x7D1] =	sst s19  }
0x32: {  	s10 =	sadd.s32 $0x1127C0, s8;
	[smem:$0x7D3] =	sst s23  }
0x33: {  	s12 =	sadd.s32 $0x147A0, s8;
	[smem:$0x7DC] =	sst s10  }
0x34: {  	s16 =	sadd.s32 $0x4F2A0, s8;
	[smem:$0x7DE] =	sst s12  }
0x35: {  	s7 =	sadd.s32 $0x13800, s2;
	[smem:$0x7E1] =	sst s16  }
0x36: {  	s11 =	sadd.s32 $0x4E300, s2;
	[smem:$0x7ED] =	sst s7  }
0x37: {  	s13 =	sadd.s32 $0x75500, s2;
	[smem:$0x7F0] =	sst s11  }
0x38: {  	s17 =	sadd.s32 $0xB0000, s2;
	[smem:$0x7F2] =	sst s13  }
0x39: {  	s5 =	sshll.u32 s15, $0x1;
	s15 =	sadd.s32 $0xC3A00, s8;
	[smem:$0x7F5] =	sst s17  }
0x3a: {  	s6 =	sadd.s32 $0x893E0, s8;
	[dreg:$0x1b] =	wrdreg s15  }
0x3b: {  	s21 =	sadd.s32 $0x4EDC0, s8;
	[smem:$0x7C6] =	sst s6  }
0x3c: {  	s26 =	sadd.s32 $0x9D1C0, s8;
	[smem:$0x7D2] =	sst s21  }
0x3d: {  	s9 =	sadd.s32 $0xFEEC0, s8;
	[smem:$0x7D6] =	sst s26  }
0x3e: {  	s19 =	sadd.s32 $0x89DA0, s8;
	[smem:$0x7DB] =	sst s9  }
0x3f: {  	s23 =	sadd.s32 $0xB0FA0, s8;
	[smem:$0x7E4] =	sst s19  }
0x40: {  	s10 =	sadd.s32 $0x3AA00, s2;
	[smem:$0x7E6] =	sst s23  }
0x41: {  	s12 =	sadd.s32 $0x61C00, s2;
	[smem:$0x7EF] =	sst s10  }
0x42: {  	s16 =	sadd.s32 $0x9C700, s2;
	[smem:$0x7F1] =	sst s12  }
0x43: {  	s5 =	sadd.s32 s1, s5;
	[smem:$0x7F4] =	sst s16  }
0x44: {  	s15 =	sadd.s32 $0x1122E0, s8;
	[dreg:$0xd] =	wrdreg s5  }
0x45: {  	s6 =	sadd.s32 $0xD7CC0, s8;
	[smem:$0x7CD] =	sst s15  }
0x46: {  	s21 =	sadd.s32 $0x9D6A0, s8;
	[smem:$0x7D9] =	sst s6  }
0x47: {  	s26 =	sadd.s32 $0xEBAA0, s8;
	[smem:$0x7E5] =	sst s21  }
0x48: {  	s9 =	sadd.s32 $0x27100, s2;
	[smem:$0x7E9] =	sst s26  }
0x49: {  	s4 =	smul.u32 $0x13880, s4;
	s19 =	sadd.s32 $0xD7200, s2;
	[smem:$0x7EE] =	sst s9  }
0x4a: {  	s23 =	sadd.s32 $0xFE400, s2;
	[smem:$0x7F7] =	sst s19  }
0x4b: {  	s4 =	sshrl.u32 s4, $0x3;
	s5 =	sadd.s32 s1, s18;
	[smem:$0x7F9] =	sst s23  }
0x4c: {  	s1 =	sadd.s32 s1, s4;
	s4 =	sadd.s32 s24, s2;
	[dreg:$0xe] =	wrdreg s5  }
0x4d: {  	s18 =	sadd.s32 $0xFE500, s8;
	[dreg:$0x11] =	wrdreg s4  }
0x4e: {  	s24 =	sadd.s32 $0x276E0, s8;
	[dreg:$0x1e] =	wrdreg s18  }
0x4f: {  	s15 =	sadd.s32 $0x3B9A0, s8;
	[smem:$0x7C1] =	sst s24  }
0x50: {  	s6 =	sadd.s32 $0x1265A0, s8;
	[smem:$0x7E0] =	sst s15  }
0x51: {  	s21 =	sadd.s32 $0xEAB00, s2;
	[smem:$0x7EC] =	sst s6  }
0x52: {  	s28 =	simm.s32 $0x1;
	s26 =	sadd.s32 $0x138F00, s2;
	[smem:$0x7F8] =	sst s21  }
0x53: {  	s29 =	simm.s32 $0x5320;
	s4 =	sadd.s32 s25, s2;
	[smem:$0x7FD] =	sst s26  }
0x54: {  	s30 =	simm.s32 $0x50;
	s1 =	sadd.s32 $0x2700, s1;
	[dreg:$0x12] =	wrdreg s4  }
0x55: {  	s31 =	simm.s32 $0x2;
	s25 =	sadd.s32 $0x3AFE0, s8;
	[dreg:$0x14] =	wrdreg s1  }
0x56: {  	v0 =	vmov s20;
	s20 =	simm.s32 $0x0;
	s5 =	sadd.s32 $0x75AE0, s8;
	[smem:$0x7C2] =	sst s25  }
0x57: {  	s0 =	simm.s32 $0x5D00;
	s18 =	sadd.s32 $0x27BC0, s8;
	[smem:$0x7C5] =	sst s5  }
0x58: {  	s7 =	simm.s32 $0x7560;
	s24 =	sadd.s32 $0x75FC0, s8;
	[smem:$0x7D0] =	sst s18  }
0x59: {  	s11 =	simm.s32 $0x8400;
	s15 =	sadd.s32 $0x88E00, s2;
	[smem:$0x7D4] =	sst s24  }
0x5a: {  	s13 =	simm.s32 $0x8DC0;
	s4 =	sadd.s32 $0x621E0, s8;
	[smem:$0x7F3] =	sst s15  }
0x5b: {  	s17 =	simm.s32 $0xA140;
	s25 =	sadd.s32 $0x898C0, s8;
	[smem:$0x7C4] =	sst s4  }
0x5c: {  	s10 =	simm.s32 $0x7F20;
	s5 =	sadd.s32 $0xC43C0, s8;
	[smem:$0x7D5] =	sst s25  }
0x5d: {  	s12 =	simm.s32 $0x88E0;
	s18 =	sadd.s32 $0x764A0, s8;
	[smem:$0x7D8] =	sst s5  }
0x5e: {  	s16 =	simm.s32 $0x9C60;
	s24 =	sadd.s32 $0xC48A0, s8;
	[smem:$0x7E3] =	sst s18  }
0x5f: {  	s9 =	simm.s32 $0x7A40;
	s4 =	sadd.s32 $0xB0AC0, s8;
	[smem:$0x7E7] =	sst s24  }
0x60: {  	s19 =	simm.s32 $0x5820;
	s25 =	sadd.s32 $0xD81A0, s8;
	[smem:$0x7D7] =	sst s4  }
0x61: {  	s26 =	simm.s32 $0x3;
	s5 =	sadd.s32 $0x112CA0, s8;
	[smem:$0x7E8] =	sst s25  }
0x62: {  	s21 =	simm.s32 $0x66C0;
	s18 =	sadd.s32 $0xC3900, s2;
	[smem:$0x7EB] =	sst s5  }
.Ltmp0:
0x63: {  	s24 =	sadd.s32 $0x111D00, s2;
	[smem:$0x7F6] =	sst s18;
	(pc) =	sbr.rel .LBB2_1-.Ltmp0, $4  }
0x64: {  	s6 =	simm.s32 $0x7080;
	s4 =	sadd.s32 $0xFF3A0, s8;
	[smem:$0x7FA] =	sst s24  }
0x65: {  	s15 =	simm.s32 $0x9780;
	s25 =	sadd.s32 $0x125600, s2;
	[smem:$0x7EA] =	sst s4  }
0x66: {  	s5 =	simm.s32 $0x4E20;
	s18 =	simm.s32 $0xA620;
	[smem:$0x7FC] =	sst s25  }
0x67: {  	v1 =	vmov s22;
	s25 =	sadd.s32 $0x140, s14;
	s4 =	simm.s32 $0x6BA0;
	s14 =	simm.s32 $0x92A0  }
.LBB2_16:
0x68: {  	v9 =	vld [tilespmem:s24+$0x5D80]  }
0x69: {  	v10 =	vld [tilespmem:s22+$0x6200];
	v4 =	vadd.f32 v4, v8  }
0x6a: {  	v49 =	vld [tilespmem:s24+$0x5E00]  }
0x6b: {  	v11 =	vld [tilespmem:s22+$0x6280];
	v5 =	vadd.f32 v5, v7;
	[tilespmem:s23+$0x5820] =	vst v4  }
0x6c: {  	v4 =	vld [tilespmem:s24+$0x5E80]  }
0x6d: {  	v5 =	vadd.f32 v6, v5;
	v3 =	vadd.f32 v9, v3  }
0x6e: {  	v50 =	vld [tilespmem:s24+$0x5F00]  }
0x6f: {  	v51 =	vld [tilespmem:s22+$0x6300];
	v2 =	vadd.f32 v2, v5;
	v3 =	vadd.f32 v49, v3  }
0x70: {  	v52 =	vld [tilespmem:s24+$0x5F80]  }
0x71: {  	v53 =	vld [tilespmem:s22+$0x6380];
	v2 =	vadd.f32 v10, v2;
	v3 =	vadd.f32 v4, v3  }
0x72: {  	v54 =	vld [tilespmem:s24+$0x6000]  }
0x73: {  	v55 =	vld [tilespmem:s22+$0x6400];
	v2 =	vadd.f32 v11, v2;
	v3 =	vadd.f32 v50, v3  }
0x74: {  	v56 =	vld [tilespmem:s24+$0x6080]  }
0x75: {  	v57 =	vld [tilespmem:s22+$0x6480];
	v2 =	vadd.f32 v51, v2;
	v3 =	vadd.f32 v52, v3  }
0x76: {  	v58 =	vld [tilespmem:s24+$0x6100]  }
0x77: {  	v2 =	vadd.f32 v53, v2;
	v3 =	vadd.f32 v54, v3  }
0x78: {  	v59 =	vld [tilespmem:s24+$0x6180]  }
0x79: {  	v2 =	vadd.f32 v55, v2;
	v3 =	vadd.f32 v56, v3  }
0x7a: {  	v60 =	vld [tilespmem:s24+$0x6200]  }
0x7b: {  	v2 =	vadd.f32 v57, v2;
	v3 =	vadd.f32 v58, v3  }
0x7c: {  	v61 =	vld [tilespmem:s24+$0x6280]  }
0x7d: {  	[tilespmem:s22+$0x5820] =	vst v2;
	v2 =	vadd.f32 v59, v3  }
0x7e: {  	v3 =	vld [tilespmem:s24+$0x6300]  }
0x7f: {  	v2 =	vadd.f32 v60, v2  }
0x80: {  	v62 =	vld [tilespmem:s24+$0x6380]  }
0x81: {  	v2 =	vadd.f32 v61, v2  }
0x82: {  	v63 =	vld [tilespmem:s24+$0x6400]  }
0x83: {  	v2 =	vadd.f32 v3, v2  }
0x84: {  	v3 =	vld [tilespmem:s24+$0x6480]  }
0x85: {  	v2 =	vadd.f32 v62, v2;
	_ =	sdelay $0x1  }
0x86: {  	v2 =	vadd.f32 v63, v2;
	_ =	sdelay $0x1  }
0x87: {  	v2 =	vadd.f32 v3, v2;
	_ =	sdelay $0x1  }
0x88: {  	s1 =	rddreg [dreg:$0x14];
	[tilespmem:s24+$0x5820] =	vst v2  }
0x89: {  	[hbm4b:s1+s3] =	stream.linear.scatter [tilespmem:s19], [sflag:$0x3], $0x80, $0x38;
	[tilespmem:$0x1E400] =	vst v63  }
0x8a: {  	_ =	swait.ge [sflag:s26], $0x80  }
0x8b: {  	[sflag:s26] =	ssyncset.done $0x0  }
0x8c: {  	[sflag:s26] =	ssyncadd.s32 $0xFFFFFF80  }
.LBB2_17:
0x8d: {  	s20 =	sadd.s32 $0x1, s20;
	s1 =	rddreg [dreg:$0x15]  }
0x8e: {  	p1 =	sne.s32 s20, s1  }
.Ltmp1:
0x8f: {  	_ = 	snop;
	(pc) =	sbr.rel @!p1 .LBB2_18-.Ltmp1, $1  }
0x90: {  	_ =	sdelay $0x3  }
.LBB2_1:
0x91: {  	s1 =	rddreg [dreg:$0x5]  }
0x92: {  	s24 =	rddreg [dreg:$0x4]  }
0x93: {  	s23 =	sld [smem:$0x7FB]  }
0x94: {  	s22 =	rddreg [dreg:$0x6]  }
0x95: {  	[tilespmem:s5], [sflag:$0x1] =	stream.linear.gather [hbm4b:s1+s3], $0x500, $0x38;
	[tilespmem:$0x1E400] =	vst v63  }
0x96: {  	[spmem:s23], [sflag:s22] =	dma.local [hbm:s24], $0x2720  }
0x97: {  	_ =	swait.ge [sflag:s26], $0x2720  }
0x98: {  	[sflag:s26] =	ssyncset.done $0x0  }
0x99: {  	s24 =	rddreg [dreg:$0x7];
	[sflag:s26] =	ssyncadd.s32 $0xFFFFD8E0  }
0x9a: {  	[tilespmem:s3], [sflag:$0x3] =	stream.linear.gather [hbm4b:s24+s3], $0x4E20, $0x38;
	[tilespmem:$0x1E400] =	vst v63  }
0x9b: {  	_ =	swait.ge [sflag:s26], $0x4E20  }
0x9c: {  	[sflag:s26] =	ssyncset.done $0x0  }
0x9d: {  	s22 =	simm.s32 $0x0;
	[sflag:s26] =	ssyncadd.s32 $0xFFFFB1E0  }
0x9e: {  	v3 =	vld [tilespmem:s22+$0x0]  }
0x9f: {  	v5 =	vld [tilespmem:s22+$0x10]  }
0xa0: {  	v4 =	vld [tilespmem:s22+$0x20]  }
0xa1: {  	s1 =	simm.s32 $0x140;
	v2 =	vld [tilespmem:s22+$0x30]  }
.LBB2_2:
0xa2: {  	p1 =	sne.s32 s1, $0x13740;
	v6 =	vld [tilespmem:s22+$0x40]  }
0xa3: {  	v3 =	vsub.s32 v3, v0  }
0xa4: {  	v3 =	vmin.u32 v3, $0x1388;
	v5 =	vsub.s32 v5, v0  }
0xa5: {  	v3 =	vadd.s32 v1, v3;
	v5 =	vmin.u32 v5, $0x1388;
	v4 =	vsub.s32 v4, v0  }
.Ltmp2:
0xa6: {  	s23 =	sshra.s32 s1, $0x2;
	[tilespmem:s22+$0x0] =	vst v3;
	v5 =	vadd.s32 v1, v5;
	v4 =	vmin.u32 v4, $0x1388;
	v2 =	vsub.s32 v2, v0;
	(pc) =	sbr.rel @p1 .LBB2_2-.Ltmp2, $4  }
0xa7: {  	v3 =	vld [tilespmem:s23+$0x0];
	[tilespmem:s22+$0x10] =	vst v5;
	v4 =	vadd.s32 v1, v4;
	v2 =	vmin.u32 v2, $0x1388;
	v6 =	vsub.s32 v6, v0  }
0xa8: {  	v5 =	vld [tilespmem:s23+$0x10];
	[tilespmem:s22+$0x20] =	vst v4;
	v2 =	vadd.s32 v1, v2;
	v6 =	vmin.u32 v6, $0x1388  }
0xa9: {  	v4 =	vld [tilespmem:s23+$0x20];
	[tilespmem:s22+$0x30] =	vst v2;
	v6 =	vadd.s32 v1, v6  }
0xaa: {  	s1 =	sadd.s32 $0x140, s1;
	v2 =	vld [tilespmem:s23+$0x30];
	[tilespmem:s22+$0x40] =	vst v6;
	s22 =	smov.u32 s23  }
0xab: {  	v6 =	vld [tilespmem:s22+$0x40]  }
0xac: {  	v3 =	vsub.s32 v3, v0  }
0xad: {  	v3 =	vmin.u32 v3, $0x1388;
	v5 =	vsub.s32 v5, v0  }
0xae: {  	v3 =	vadd.s32 v1, v3;
	v5 =	vmin.u32 v5, $0x1388;
	v4 =	vsub.s32 v4, v0  }
0xaf: {  	[tilespmem:s22+$0x0] =	vst v3;
	v3 =	vadd.s32 v1, v5;
	v4 =	vmin.u32 v4, $0x1388;
	v2 =	vsub.s32 v2, v0  }
0xb0: {  	[tilespmem:s22+$0x10] =	vst v3;
	v3 =	vadd.s32 v1, v4;
	v2 =	vmin.u32 v2, $0x1388;
	v63 =	vsub.s32 v6, v0  }
0xb1: {  	[tilespmem:s22+$0x20] =	vst v3;
	v2 =	vadd.s32 v1, v2;
	v3 =	vmin.u32 v63, $0x1388  }
0xb2: {  	[tilespmem:s22+$0x30] =	vst v2;
	v2 =	vadd.s32 v1, v3  }
0xb3: {  	[tilespmem:s22+$0x40] =	vst v2  }
0xb4: {  	_ =	swait.ge [sflag:s28], $0x500  }
0xb5: {  	[sflag:s28] =	ssyncset.done $0x0  }
0xb6: {  	s1 =	sadd.s32 $0xFFFFFF60, s25;
	[sflag:s28] =	ssyncadd.s32 $0xFFFFFB00  }
0xb7: {  	[tilespmem:s29], [sflag:$0x2] =	stream.linear.gather [hbm4b:s1+s3], $0x500, $0x38;
	[tilespmem:$0x1E400] =	vst v63  }
0xb8: {  	s23 =	simm.s32 $0x0  }
0xb9: {  	[spmem:s2] =	stream.indirect.scatter.add.f32 [tilespmem:s5], [sflag:$0x3], $0x10, s23, s30, $0xb8;
	[tilespmem:$0x1E400] =	vst v63  }
0xba: {  	_ =	swait.ge [sflag:s26], $0x500  }
0xbb: {  	[sflag:s26] =	ssyncset.done $0x0  }
0xbc: {  	[sflag:s26] =	ssyncadd.s32 $0xFFFFFB00  }
0xbd: {  	[tilespmem:s5], [sflag:$0x1] =	stream.linear.gather [hbm4b:s25+s3], $0x500, $0x38;
	[tilespmem:$0x1E400] =	vst v63  }
0xbe: {  	_ =	swait.ge [sflag:s31], $0x500  }
0xbf: {  	[sflag:s31] =	ssyncset.done $0x0  }
0xc0: {  	s24 =	simm.s32 $0x50;
	[sflag:s31] =	ssyncadd.s32 $0xFFFFFB00  }
0xc1: {  	[spmem:s2] =	stream.indirect.scatter.add.f32 [tilespmem:s29], [sflag:$0x3], $0x10, s24, s30, $0xb8;
	[tilespmem:$0x1E400] =	vst v63  }
0xc2: {  	_ =	swait.ge [sflag:s26], $0x500  }
0xc3: {  	s22 =	smov.u32 s25;
	s1 =	simm.s32 $0x280;
	[sflag:s26] =	ssyncset.done $0x0  }
.LBB2_4:
0xc4: {  	p1 =	sne.s32 s1, $0x13380;
	[sflag:s26] =	ssyncadd.s32 $0xFFFFFB00;
	s22 =	sadd.s32 $0x140, s22  }
0xc5: {  	s23 =	smov.u32 s1;
	s1 =	sadd.s32 $0x280, s1;
	_ =	swait.ge [sflag:s28], $0x500  }
0xc6: {  	[sflag:s28] =	ssyncset.done $0x0  }
0xc7: {  	s24 =	sadd.s32 $0xFFFFFF60, s22;
	[sflag:s28] =	ssyncadd.s32 $0xFFFFFB00  }
0xc8: {  	[tilespmem:s29], [sflag:$0x2] =	stream.linear.gather [hbm4b:s24+s3], $0x500, $0x38;
	[tilespmem:$0x1E400] =	vst v63  }
0xc9: {  	s23 =	sshra.s32 s23, $0x2  }
0xca: {  	[spmem:s2] =	stream.indirect.scatter.add.f32 [tilespmem:s5], [sflag:$0x3], $0x10, s23, s30, $0xb8;
	[tilespmem:$0x1E400] =	vst v63  }
0xcb: {  	_ =	swait.ge [sflag:s26], $0x500  }
0xcc: {  	[sflag:s26] =	ssyncset.done $0x0  }
0xcd: {  	[sflag:s26] =	ssyncadd.s32 $0xFFFFFB00  }
0xce: {  	[tilespmem:s5], [sflag:$0x1] =	stream.linear.gather [hbm4b:s22+s3], $0x500, $0x38;
	[tilespmem:$0x1E400] =	vst v63  }
0xcf: {  	_ =	swait.ge [sflag:s31], $0x500  }
.Ltmp3:
0xd0: {  	[sflag:s31] =	ssyncset.done $0x0;
	(pc) =	sbr.rel @p1 .LBB2_4-.Ltmp3, $4  }
0xd1: {  	s23 =	sadd.s32 $0x50, s23;
	[sflag:s31] =	ssyncadd.s32 $0xFFFFFB00  }
0xd2: {  	[spmem:s2] =	stream.indirect.scatter.add.f32 [tilespmem:s29], [sflag:$0x3], $0x10, s23, s30, $0xb8;
	[tilespmem:$0x1E400] =	vst v63  }
0xd3: {  	_ =	swait.ge [sflag:s26], $0x500  }
0xd4: {  	[sflag:s26] =	ssyncset.done $0x0  }
0xd5: {  	[sflag:s26] =	ssyncadd.s32 $0xFFFFFB00  }
0xd6: {  	_ =	swait.ge [sflag:s28], $0x500  }
0xd7: {  	[sflag:s28] =	ssyncset.done $0x0  }
0xd8: {  	s1 =	simm.s32 $0x0;
	s22 =	rddreg [dreg:$0x8];
	[sflag:s28] =	ssyncadd.s32 $0xFFFFFB00  }
0xd9: {  	[tilespmem:s29], [sflag:$0x2] =	stream.linear.gather [hbm4b:s22+s1], $0x500, $0x38;
	[tilespmem:$0x1E400] =	vst v63  }
0xda: {  	s24 =	simm.s32 $0x4D80  }
0xdb: {  	[spmem:s2] =	stream.indirect.scatter.add.f32 [tilespmem:s5], [sflag:$0x3], $0x10, s24, s30, $0xb8;
	[tilespmem:$0x1E400] =	vst v63  }
0xdc: {  	_ =	swait.ge [sflag:s26], $0x500  }
0xdd: {  	[sflag:s26] =	ssyncset.done $0x0  }
0xde: {  	[sflag:s26] =	ssyncadd.s32 $0xFFFFFB00  }
0xdf: {  	_ =	swait.ge [sflag:s31], $0x500  }
0xe0: {  	[sflag:s31] =	ssyncset.done $0x0  }
0xe1: {  	s22 =	simm.s32 $0x4DD0;
	[sflag:s31] =	ssyncadd.s32 $0xFFFFFB00  }
0xe2: {  	[spmem:s2] =	stream.indirect.scatter.add.f32 [tilespmem:s29], [sflag:$0x3], $0x10, s22, s30, $0xb8;
	[tilespmem:$0x1E400] =	vst v63  }
0xe3: {  	_ =	swait.ge [sflag:s26], $0x500  }
0xe4: {  	[sflag:s26] =	ssyncset.done $0x0  }
0xe5: {  	[sflag:s26] =	ssyncadd.s32 $0xFFFFFB00  }
0xe6: {  	[bflag:$0x0] =	sbarrier.arrive $0xFFFF  }
0xe7: {  	[tilespmem:s0], [sflag:$0x3] =	stream.linear.gather [spmem:s8], $0x4E0, $0x38;
	[tilespmem:$0x1E400] =	vst v63  }
0xe8: {  	_ =	swait.ge [sflag:s26], $0x4E0  }
0xe9: {  	[sflag:s26] =	ssyncset.done $0x0  }
0xea: {  	s24 =	simm.s32 $0x61E0;
	s23 =	rddreg [dreg:$0x9];
	[sflag:s26] =	ssyncadd.s32 $0xFFFFFB20  }
0xeb: {  	[tilespmem:s24], [sflag:$0x3] =	stream.linear.gather [spmem:s23], $0x4E0, $0x38;
	[tilespmem:$0x1E400] =	vst v63  }
0xec: {  	_ =	swait.ge [sflag:s26], $0x4E0  }
0xed: {  	[sflag:s26] =	ssyncset.done $0x0  }
0xee: {  	s23 =	rddreg [dreg:$0xa];
	[sflag:s26] =	ssyncadd.s32 $0xFFFFFB20  }
0xef: {  	[tilespmem:s21], [sflag:$0x3] =	stream.linear.gather [spmem:s23], $0x4E0, $0x38;
	[tilespmem:$0x1E400] =	vst v63  }
0xf0: {  	_ =	swait.ge [sflag:s26], $0x4E0  }
0xf1: {  	[sflag:s26] =	ssyncset.done $0x0  }
0xf2: {  	s24 =	rddreg [dreg:$0xb];
	[sflag:s26] =	ssyncadd.s32 $0xFFFFFB20  }
0xf3: {  	[tilespmem:s4], [sflag:$0x3] =	stream.linear.gather [spmem:s24], $0x4E0, $0x38;
	[tilespmem:$0x1E400] =	vst v63  }
0xf4: {  	_ =	swait.ge [sflag:s26], $0x4E0  }
0xf5: {  	[sflag:s26] =	ssyncset.done $0x0  }
0xf6: {  	s22 =	rddreg [dreg:$0x10];
	[sflag:s26] =	ssyncadd.s32 $0xFFFFFB20  }
0xf7: {  	[tilespmem:s6], [sflag:$0x3] =	stream.linear.gather [spmem:s22], $0x4E0, $0x38;
	[tilespmem:$0x1E400] =	vst v63  }
0xf8: {  	_ =	swait.ge [sflag:s26], $0x4E0  }
0xf9: {  	[sflag:s26] =	ssyncset.done $0x0  }
0xfa: {  	s23 =	rddreg [dreg:$0x16];
	[sflag:s26] =	ssyncadd.s32 $0xFFFFFB20  }
0xfb: {  	[tilespmem:s7], [sflag:$0x3] =	stream.linear.gather [spmem:s23], $0x4E0, $0x38;
	[tilespmem:$0x1E400] =	vst v63  }
0xfc: {  	_ =	swait.ge [sflag:s26], $0x4E0  }
0xfd: {  	[sflag:s26] =	ssyncset.done $0x0  }
0xfe: {  	s24 =	rddreg [dreg:$0x17];
	[sflag:s26] =	ssyncadd.s32 $0xFFFFFB20  }
0xff: {  	[tilespmem:s9], [sflag:$0x3] =	stream.linear.gather [spmem:s24], $0x4E0, $0x38;
	[tilespmem:$0x1E400] =	vst v63  }
0x100: {  	_ =	swait.ge [sflag:s26], $0x4E0  }
0x101: {  	[sflag:s26] =	ssyncset.done $0x0  }
0x102: {  	s22 =	rddreg [dreg:$0x18];
	[sflag:s26] =	ssyncadd.s32 $0xFFFFFB20  }
0x103: {  	[tilespmem:s10], [sflag:$0x3] =	stream.linear.gather [spmem:s22], $0x4E0, $0x38;
	[tilespmem:$0x1E400] =	vst v63  }
0x104: {  	_ =	swait.ge [sflag:s26], $0x4E0  }
0x105: {  	[sflag:s26] =	ssyncset.done $0x0  }
0x106: {  	s23 =	rddreg [dreg:$0x19];
	[sflag:s26] =	ssyncadd.s32 $0xFFFFFB20  }
0x107: {  	[tilespmem:s11], [sflag:$0x3] =	stream.linear.gather [spmem:s23], $0x4E0, $0x38;
	[tilespmem:$0x1E400] =	vst v63  }
0x108: {  	_ =	swait.ge [sflag:s26], $0x4E0  }
0x109: {  	[sflag:s26] =	ssyncset.done $0x0  }
0x10a: {  	s24 =	rddreg [dreg:$0x1a];
	[sflag:s26] =	ssyncadd.s32 $0xFFFFFB20  }
0x10b: {  	[tilespmem:s12], [sflag:$0x3] =	stream.linear.gather [spmem:s24], $0x4E0, $0x38;
	[tilespmem:$0x1E400] =	vst v63  }
0x10c: {  	_ =	swait.ge [sflag:s26], $0x4E0  }
0x10d: {  	[sflag:s26] =	ssyncset.done $0x0  }
0x10e: {  	s22 =	rddreg [dreg:$0x1b];
	[sflag:s26] =	ssyncadd.s32 $0xFFFFFB20  }
0x10f: {  	[tilespmem:s13], [sflag:$0x3] =	stream.linear.gather [spmem:s22], $0x4E0, $0x38;
	[tilespmem:$0x1E400] =	vst v63  }
0x110: {  	_ =	swait.ge [sflag:s26], $0x4E0  }
0x111: {  	[sflag:s26] =	ssyncset.done $0x0  }
0x112: {  	s23 =	rddreg [dreg:$0x1c];
	[sflag:s26] =	ssyncadd.s32 $0xFFFFFB20  }
0x113: {  	[tilespmem:s14], [sflag:$0x3] =	stream.linear.gather [spmem:s23], $0x4E0, $0x38;
	[tilespmem:$0x1E400] =	vst v63  }
0x114: {  	_ =	swait.ge [sflag:s26], $0x4E0  }
0x115: {  	[sflag:s26] =	ssyncset.done $0x0  }
0x116: {  	s24 =	rddreg [dreg:$0x1d];
	[sflag:s26] =	ssyncadd.s32 $0xFFFFFB20  }
0x117: {  	[tilespmem:s15], [sflag:$0x3] =	stream.linear.gather [spmem:s24], $0x4E0, $0x38;
	[tilespmem:$0x1E400] =	vst v63  }
0x118: {  	_ =	swait.ge [sflag:s26], $0x4E0  }
0x119: {  	[sflag:s26] =	ssyncset.done $0x0  }
0x11a: {  	s22 =	rddreg [dreg:$0x1e];
	[sflag:s26] =	ssyncadd.s32 $0xFFFFFB20  }
0x11b: {  	[tilespmem:s16], [sflag:$0x3] =	stream.linear.gather [spmem:s22], $0x4E0, $0x38;
	[tilespmem:$0x1E400] =	vst v63  }
0x11c: {  	_ =	swait.ge [sflag:s26], $0x4E0  }
0x11d: {  	[sflag:s26] =	ssyncset.done $0x0  }
0x11e: {  	s23 =	rddreg [dreg:$0x1f];
	[sflag:s26] =	ssyncadd.s32 $0xFFFFFB20  }
0x11f: {  	[tilespmem:s17], [sflag:$0x3] =	stream.linear.gather [spmem:s23], $0x4E0, $0x38;
	[tilespmem:$0x1E400] =	vst v63  }
0x120: {  	_ =	swait.ge [sflag:s26], $0x4E0  }
0x121: {  	s24 =	sld [smem:$0x7BF]  }
0x122: {  	[sflag:s26] =	ssyncset.done $0x0  }
0x123: {  	[sflag:s26] =	ssyncadd.s32 $0xFFFFFB20  }
0x124: {  	[tilespmem:s18], [sflag:$0x3] =	stream.linear.gather [spmem:s24], $0x4E0, $0x38;
	[tilespmem:$0x1E400] =	vst v63  }
0x125: {  	_ =	swait.ge [sflag:s26], $0x4E0  }
0x126: {  	[sflag:s26] =	ssyncset.done $0x0  }
0x127: {  	s23 =	simm.s32 $0x0;
	[sflag:s26] =	ssyncadd.s32 $0xFFFFFB20  }
0x128: {  	v2 =	vld [tilespmem:s23+$0x5D00]  }
0x129: {  	v3 =	vld [tilespmem:s23+$0x61E0];
	_ =	sdelay $0x1  }
0x12a: {  	v4 =	vld [tilespmem:s23+$0x66C0];
	_ =	sdelay $0x1  }
0x12b: {  	v5 =	vld [tilespmem:s23+$0x6BA0]  }
0x12c: {  	v2 =	vadd.f32 v3, v2  }
0x12d: {  	v3 =	vld [tilespmem:s23+$0x7080]  }
0x12e: {  	v2 =	vadd.f32 v4, v2  }
0x12f: {  	v4 =	vld [tilespmem:s23+$0x7560]  }
0x130: {  	v2 =	vadd.f32 v5, v2  }
0x131: {  	v5 =	vld [tilespmem:s23+$0x7A40]  }
0x132: {  	v2 =	vadd.f32 v3, v2  }
0x133: {  	v3 =	vld [tilespmem:s23+$0x7F20]  }
0x134: {  	s22 =	simm.s32 $0x10;
	v6 =	vld [tilespmem:s23+$0x8400];
	v2 =	vadd.f32 v4, v2  }
0x135: {  	v7 =	vld [tilespmem:s22+$0x5D00]  }
0x136: {  	v4 =	vld [tilespmem:s23+$0x88E0];
	v2 =	vadd.f32 v5, v2  }
0x137: {  	v5 =	vld [tilespmem:s22+$0x61E0]  }
0x138: {  	v8 =	vld [tilespmem:s22+$0x66C0];
	v2 =	vadd.f32 v3, v2  }
0x139: {  	v3 =	vld [tilespmem:s23+$0x8DC0]  }
0x13a: {  	v9 =	vld [tilespmem:s22+$0x6BA0];
	v2 =	vadd.f32 v6, v2  }
0x13b: {  	v6 =	vld [tilespmem:s23+$0x92A0]  }
0x13c: {  	v5 =	vadd.f32 v5, v7;
	v7 =	vld [tilespmem:s22+$0x7080];
	v2 =	vadd.f32 v4, v2  }
0x13d: {  	v4 =	vld [tilespmem:s23+$0x9780]  }
0x13e: {  	v5 =	vadd.f32 v8, v5;
	v8 =	vld [tilespmem:s22+$0x7560];
	v2 =	vadd.f32 v3, v2  }
0x13f: {  	v3 =	vld [tilespmem:s23+$0x9C60]  }
0x140: {  	v10 =	vld [tilespmem:s22+$0x7A40];
	v5 =	vadd.f32 v9, v5;
	v2 =	vadd.f32 v6, v2  }
0x141: {  	v9 =	vld [tilespmem:s23+$0xA140]  }
0x142: {  	v6 =	vadd.f32 v7, v5;
	v5 =	vld [tilespmem:s22+$0x7F20];
	v7 =	vadd.f32 v4, v2  }
0x143: {  	v4 =	vld [tilespmem:s23+$0xA620]  }
0x144: {  	v2 =	vld [tilespmem:s22+$0x88E0];
	v8 =	vadd.f32 v8, v6;
	v11 =	vadd.f32 v3, v7  }
0x145: {  	s24 =	simm.s32 $0x20;
	v6 =	vld [tilespmem:s22+$0x8400]  }
0x146: {  	s1 =	simm.s32 $0xC0;
	v3 =	vld [tilespmem:s24+$0x5D00];
	v7 =	vadd.f32 v10, v8;
	v8 =	vadd.f32 v9, v11  }
.LBB2_6:
0x147: {  	p1 =	sne.s32 s1, $0x1340;
	v9 =	vld [tilespmem:s24+$0x61E0]  }
0x148: {  	v5 =	vadd.f32 v5, v7;
	v7 =	vld [tilespmem:s22+$0x8DC0];
	v4 =	vadd.f32 v4, v8  }
0x149: {  	v8 =	vld [tilespmem:s24+$0x66C0]  }
0x14a: {  	v5 =	vadd.f32 v6, v5;
	v6 =	vld [tilespmem:s22+$0x92A0];
	[tilespmem:s23+$0x5820] =	vst v4;
	s23 =	smov.u32 s22;
	s22 =	smov.u32 s24  }
0x14b: {  	v4 =	vld [tilespmem:s22+$0x6BA0]  }
0x14c: {  	v3 =	vadd.f32 v9, v3;
	v2 =	vadd.f32 v2, v5;
	v5 =	vld [tilespmem:s23+$0x9780]  }
0x14d: {  	v9 =	vld [tilespmem:s22+$0x7080]  }
0x14e: {  	v3 =	vadd.f32 v8, v3;
	v2 =	vadd.f32 v7, v2;
	v7 =	vld [tilespmem:s23+$0x9C60]  }
0x14f: {  	v8 =	vld [tilespmem:s22+$0x7560]  }
0x150: {  	v3 =	vadd.f32 v4, v3;
	v2 =	vadd.f32 v6, v2;
	v10 =	vld [tilespmem:s23+$0xA140]  }
0x151: {  	v11 =	vld [tilespmem:s22+$0x7A40]  }
.Ltmp4:
0x152: {  	v3 =	vadd.f32 v9, v3;
	v6 =	vadd.f32 v5, v2;
	v4 =	vld [tilespmem:s23+$0xA620];
	(pc) =	sbr.rel @p1 .LBB2_6-.Ltmp4, $4  }
0x153: {  	v5 =	vld [tilespmem:s22+$0x7F20]  }
0x154: {  	v8 =	vadd.f32 v8, v3;
	v2 =	vld [tilespmem:s22+$0x88E0];
	v9 =	vadd.f32 v7, v6  }
0x155: {  	s24 =	sshra.s32 s1, $0x2;
	v6 =	vld [tilespmem:s22+$0x8400]  }
0x156: {  	s1 =	sadd.s32 $0x40, s1;
	v3 =	vld [tilespmem:s24+$0x5D00];
	v7 =	vadd.f32 v11, v8;
	v8 =	vadd.f32 v10, v9  }
0x157: {  	v9 =	vld [tilespmem:s24+$0x61E0]  }
0x158: {  	v10 =	vld [tilespmem:s22+$0x8DC0];
	v4 =	vadd.f32 v4, v8  }
0x159: {  	v8 =	vld [tilespmem:s24+$0x66C0]  }
0x15a: {  	v11 =	vld [tilespmem:s22+$0x92A0];
	v5 =	vadd.f32 v5, v7;
	[tilespmem:s23+$0x5820] =	vst v4  }
0x15b: {  	v4 =	vld [tilespmem:s24+$0x6BA0]  }
0x15c: {  	v5 =	vadd.f32 v6, v5;
	v3 =	vadd.f32 v9, v3  }
0x15d: {  	v6 =	vld [tilespmem:s24+$0x7080]  }
0x15e: {  	v7 =	vld [tilespmem:s24+$0x7560];
	v2 =	vadd.f32 v2, v5;
	v3 =	vadd.f32 v8, v3  }
0x15f: {  	v5 =	vld [tilespmem:s22+$0x9780]  }
0x160: {  	v2 =	vadd.f32 v10, v2;
	v8 =	vld [tilespmem:s22+$0x9C60];
	v3 =	vadd.f32 v4, v3  }
0x161: {  	v4 =	vld [tilespmem:s24+$0x7A40]  }
0x162: {  	v9 =	vld [tilespmem:s22+$0xA140];
	v2 =	vadd.f32 v11, v2;
	v3 =	vadd.f32 v6, v3  }
0x163: {  	v6 =	vld [tilespmem:s24+$0x7F20]  }
0x164: {  	v2 =	vadd.f32 v5, v2;
	v5 =	vld [tilespmem:s22+$0xA620];
	v3 =	vadd.f32 v7, v3  }
0x165: {  	v7 =	vld [tilespmem:s24+$0x8400]  }
0x166: {  	v2 =	vadd.f32 v8, v2;
	v3 =	vadd.f32 v4, v3  }
0x167: {  	v4 =	vld [tilespmem:s24+$0x88E0]  }
0x168: {  	v2 =	vadd.f32 v9, v2;
	v3 =	vadd.f32 v6, v3  }
0x169: {  	v6 =	vld [tilespmem:s24+$0x8DC0]  }
0x16a: {  	v2 =	vadd.f32 v5, v2;
	v3 =	vadd.f32 v7, v3  }
0x16b: {  	v5 =	vld [tilespmem:s24+$0x92A0]  }
0x16c: {  	[tilespmem:s22+$0x5820] =	vst v2;
	v2 =	vadd.f32 v4, v3  }
0x16d: {  	v3 =	vld [tilespmem:s24+$0x9780]  }
0x16e: {  	v2 =	vadd.f32 v6, v2  }
0x16f: {  	v4 =	vld [tilespmem:s24+$0x9C60]  }
0x170: {  	v2 =	vadd.f32 v5, v2  }
0x171: {  	v5 =	vld [tilespmem:s24+$0xA140]  }
0x172: {  	v2 =	vadd.f32 v3, v2  }
0x173: {  	v3 =	vld [tilespmem:s24+$0xA620]  }
0x174: {  	v2 =	vadd.f32 v4, v2;
	_ =	sdelay $0x1  }
0x175: {  	v2 =	vadd.f32 v5, v2;
	_ =	sdelay $0x1  }
0x176: {  	v2 =	vadd.f32 v3, v2;
	_ =	sdelay $0x1  }
0x177: {  	s1 =	simm.s32 $0x0;
	[tilespmem:s24+$0x5820] =	vst v2;
	s24 =	rddreg [dreg:$0xc]  }
0x178: {  	[hbm4b:s24+s1] =	stream.linear.scatter [tilespmem:s19], [sflag:$0x3], $0x4E0, $0x38;
	[tilespmem:$0x1E400] =	vst v63  }
0x179: {  	_ =	swait.ge [sflag:s26], $0x4E0  }
0x17a: {  	[sflag:s26] =	ssyncset.done $0x0  }
0x17b: {  	s22 =	rddreg [dreg:$0x11];
	[sflag:s26] =	ssyncadd.s32 $0xFFFFFB20  }
0x17c: {  	[tilespmem:s0], [sflag:$0x3] =	stream.linear.gather [spmem:s22], $0x4E0, $0x38;
	[tilespmem:$0x1E400] =	vst v63  }
0x17d: {  	_ =	swait.ge [sflag:s26], $0x4E0  }
0x17e: {  	s23 =	sld [smem:$0x7C0]  }
0x17f: {  	[sflag:s26] =	ssyncset.done $0x0  }
0x180: {  	s24 =	simm.s32 $0x61E0;
	[sflag:s26] =	ssyncadd.s32 $0xFFFFFB20  }
0x181: {  	[tilespmem:s24], [sflag:$0x3] =	stream.linear.gather [spmem:s23], $0x4E0, $0x38;
	[tilespmem:$0x1E400] =	vst v63  }
0x182: {  	_ =	swait.ge [sflag:s26], $0x4E0  }
0x183: {  	s23 =	sld [smem:$0x7C1]  }
0x184: {  	[sflag:s26] =	ssyncset.done $0x0  }
0x185: {  	[sflag:s26] =	ssyncadd.s32 $0xFFFFFB20  }
0x186: {  	[tilespmem:s21], [sflag:$0x3] =	stream.linear.gather [spmem:s23], $0x4E0, $0x38;
	[tilespmem:$0x1E400] =	vst v63  }
0x187: {  	_ =	swait.ge [sflag:s26], $0x4E0  }
0x188: {  	s24 =	sld [smem:$0x7C2]  }
0x189: {  	[sflag:s26] =	ssyncset.done $0x0  }
0x18a: {  	[sflag:s26] =	ssyncadd.s32 $0xFFFFFB20  }
0x18b: {  	[tilespmem:s4], [sflag:$0x3] =	stream.linear.gather [spmem:s24], $0x4E0, $0x38;
	[tilespmem:$0x1E400] =	vst v63  }
0x18c: {  	_ =	swait.ge [sflag:s26], $0x4E0  }
0x18d: {  	s22 =	sld [smem:$0x7C3]  }
0x18e: {  	[sflag:s26] =	ssyncset.done $0x0  }
0x18f: {  	[sflag:s26] =	ssyncadd.s32 $0xFFFFFB20  }
0x190: {  	[tilespmem:s6], [sflag:$0x3] =	stream.linear.gather [spmem:s22], $0x4E0, $0x38;
	[tilespmem:$0x1E400] =	vst v63  }
0x191: {  	_ =	swait.ge [sflag:s26], $0x4E0  }
0x192: {  	s23 =	sld [smem:$0x7C4]  }
0x193: {  	[sflag:s26] =	ssyncset.done $0x0  }
0x194: {  	[sflag:s26] =	ssyncadd.s32 $0xFFFFFB20  }
0x195: {  	[tilespmem:s7], [sflag:$0x3] =	stream.linear.gather [spmem:s23], $0x4E0, $0x38;
	[tilespmem:$0x1E400] =	vst v63  }
0x196: {  	_ =	swait.ge [sflag:s26], $0x4E0  }
0x197: {  	s24 =	sld [smem:$0x7C5]  }
0x198: {  	[sflag:s26] =	ssyncset.done $0x0  }
0x199: {  	[sflag:s26] =	ssyncadd.s32 $0xFFFFFB20  }
0x19a: {  	[tilespmem:s9], [sflag:$0x3] =	stream.linear.gather [spmem:s24], $0x4E0, $0x38;
	[tilespmem:$0x1E400] =	vst v63  }
0x19b: {  	_ =	swait.ge [sflag:s26], $0x4E0  }
0x19c: {  	s22 =	sld [smem:$0x7C6]  }
0x19d: {  	[sflag:s26] =	ssyncset.done $0x0  }
0x19e: {  	[sflag:s26] =	ssyncadd.s32 $0xFFFFFB20  }
0x19f: {  	[tilespmem:s10], [sflag:$0x3] =	stream.linear.gather [spmem:s22], $0x4E0, $0x38;
	[tilespmem:$0x1E400] =	vst v63  }
0x1a0: {  	_ =	swait.ge [sflag:s26], $0x4E0  }
0x1a1: {  	s23 =	sld [smem:$0x7C7]  }
0x1a2: {  	[sflag:s26] =	ssyncset.done $0x0  }
0x1a3: {  	[sflag:s26] =	ssyncadd.s32 $0xFFFFFB20  }
0x1a4: {  	[tilespmem:s11], [sflag:$0x3] =	stream.linear.gather [spmem:s23], $0x4E0, $0x38;
	[tilespmem:$0x1E400] =	vst v63  }
0x1a5: {  	_ =	swait.ge [sflag:s26], $0x4E0  }
0x1a6: {  	s24 =	sld [smem:$0x7C8]  }
0x1a7: {  	[sflag:s26] =	ssyncset.done $0x0  }
0x1a8: {  	[sflag:s26] =	ssyncadd.s32 $0xFFFFFB20  }
0x1a9: {  	[tilespmem:s12], [sflag:$0x3] =	stream.linear.gather [spmem:s24], $0x4E0, $0x38;
	[tilespmem:$0x1E400] =	vst v63  }
0x1aa: {  	_ =	swait.ge [sflag:s26], $0x4E0  }
0x1ab: {  	s22 =	sld [smem:$0x7C9]  }
0x1ac: {  	[sflag:s26] =	ssyncset.done $0x0  }
0x1ad: {  	[sflag:s26] =	ssyncadd.s32 $0xFFFFFB20  }
0x1ae: {  	[tilespmem:s13], [sflag:$0x3] =	stream.linear.gather [spmem:s22], $0x4E0, $0x38;
	[tilespmem:$0x1E400] =	vst v63  }
0x1af: {  	_ =	swait.ge [sflag:s26], $0x4E0  }
0x1b0: {  	s23 =	sld [smem:$0x7CA]  }
0x1b1: {  	[sflag:s26] =	ssyncset.done $0x0  }
0x1b2: {  	[sflag:s26] =	ssyncadd.s32 $0xFFFFFB20  }
0x1b3: {  	[tilespmem:s14], [sflag:$0x3] =	stream.linear.gather [spmem:s23], $0x4E0, $0x38;
	[tilespmem:$0x1E400] =	vst v63  }
0x1b4: {  	_ =	swait.ge [sflag:s26], $0x4E0  }
0x1b5: {  	s24 =	sld [smem:$0x7CB]  }
0x1b6: {  	[sflag:s26] =	ssyncset.done $0x0  }
0x1b7: {  	[sflag:s26] =	ssyncadd.s32 $0xFFFFFB20  }
0x1b8: {  	[tilespmem:s15], [sflag:$0x3] =	stream.linear.gather [spmem:s24], $0x4E0, $0x38;
	[tilespmem:$0x1E400] =	vst v63  }
0x1b9: {  	_ =	swait.ge [sflag:s26], $0x4E0  }
0x1ba: {  	s22 =	sld [smem:$0x7CC]  }
0x1bb: {  	[sflag:s26] =	ssyncset.done $0x0  }
0x1bc: {  	[sflag:s26] =	ssyncadd.s32 $0xFFFFFB20  }
0x1bd: {  	[tilespmem:s16], [sflag:$0x3] =	stream.linear.gather [spmem:s22], $0x4E0, $0x38;
	[tilespmem:$0x1E400] =	vst v63  }
0x1be: {  	_ =	swait.ge [sflag:s26], $0x4E0  }
0x1bf: {  	s23 =	sld [smem:$0x7CD]  }
0x1c0: {  	[sflag:s26] =	ssyncset.done $0x0  }
0x1c1: {  	[sflag:s26] =	ssyncadd.s32 $0xFFFFFB20  }
0x1c2: {  	[tilespmem:s17], [sflag:$0x3] =	stream.linear.gather [spmem:s23], $0x4E0, $0x38;
	[tilespmem:$0x1E400] =	vst v63  }
0x1c3: {  	_ =	swait.ge [sflag:s26], $0x4E0  }
0x1c4: {  	s24 =	sld [smem:$0x7CE]  }
0x1c5: {  	[sflag:s26] =	ssyncset.done $0x0  }
0x1c6: {  	[sflag:s26] =	ssyncadd.s32 $0xFFFFFB20  }
0x1c7: {  	[tilespmem:s18], [sflag:$0x3] =	stream.linear.gather [spmem:s24], $0x4E0, $0x38;
	[tilespmem:$0x1E400] =	vst v63  }
0x1c8: {  	_ =	swait.ge [sflag:s26], $0x4E0  }
0x1c9: {  	[sflag:s26] =	ssyncset.done $0x0  }
0x1ca: {  	s23 =	simm.s32 $0x0;
	[sflag:s26] =	ssyncadd.s32 $0xFFFFFB20  }
0x1cb: {  	v2 =	vld [tilespmem:s23+$0x5D00]  }
0x1cc: {  	v3 =	vld [tilespmem:s23+$0x61E0];
	_ =	sdelay $0x1  }
0x1cd: {  	v4 =	vld [tilespmem:s23+$0x66C0];
	_ =	sdelay $0x1  }
0x1ce: {  	v5 =	vld [tilespmem:s23+$0x6BA0]  }
0x1cf: {  	v2 =	vadd.f32 v3, v2  }
0x1d0: {  	v3 =	vld [tilespmem:s23+$0x7080]  }
0x1d1: {  	v2 =	vadd.f32 v4, v2  }
0x1d2: {  	v4 =	vld [tilespmem:s23+$0x7560]  }
0x1d3: {  	v2 =	vadd.f32 v5, v2  }
0x1d4: {  	v5 =	vld [tilespmem:s23+$0x7A40]  }
0x1d5: {  	v2 =	vadd.f32 v3, v2  }
0x1d6: {  	v3 =	vld [tilespmem:s23+$0x7F20]  }
0x1d7: {  	s22 =	simm.s32 $0x10;
	v6 =	vld [tilespmem:s23+$0x8400];
	v2 =	vadd.f32 v4, v2  }
0x1d8: {  	v7 =	vld [tilespmem:s22+$0x5D00]  }
0x1d9: {  	v4 =	vld [tilespmem:s23+$0x88E0];
	v2 =	vadd.f32 v5, v2  }
0x1da: {  	v5 =	vld [tilespmem:s22+$0x61E0]  }
0x1db: {  	v8 =	vld [tilespmem:s22+$0x66C0];
	v2 =	vadd.f32 v3, v2  }
0x1dc: {  	v3 =	vld [tilespmem:s23+$0x8DC0]  }
0x1dd: {  	v9 =	vld [tilespmem:s22+$0x6BA0];
	v2 =	vadd.f32 v6, v2  }
0x1de: {  	v6 =	vld [tilespmem:s23+$0x92A0]  }
0x1df: {  	v5 =	vadd.f32 v5, v7;
	v7 =	vld [tilespmem:s22+$0x7080];
	v2 =	vadd.f32 v4, v2  }
0x1e0: {  	v4 =	vld [tilespmem:s23+$0x9780]  }
0x1e1: {  	v5 =	vadd.f32 v8, v5;
	v8 =	vld [tilespmem:s22+$0x7560];
	v2 =	vadd.f32 v3, v2  }
0x1e2: {  	v3 =	vld [tilespmem:s23+$0x9C60]  }
0x1e3: {  	v10 =	vld [tilespmem:s22+$0x7A40];
	v5 =	vadd.f32 v9, v5;
	v2 =	vadd.f32 v6, v2  }
0x1e4: {  	v9 =	vld [tilespmem:s23+$0xA140]  }
0x1e5: {  	v6 =	vadd.f32 v7, v5;
	v5 =	vld [tilespmem:s22+$0x7F20];
	v7 =	vadd.f32 v4, v2  }
0x1e6: {  	v4 =	vld [tilespmem:s23+$0xA620]  }
0x1e7: {  	v2 =	vld [tilespmem:s22+$0x88E0];
	v8 =	vadd.f32 v8, v6;
	v11 =	vadd.f32 v3, v7  }
0x1e8: {  	s24 =	simm.s32 $0x20;
	v6 =	vld [tilespmem:s22+$0x8400]  }
0x1e9: {  	s1 =	simm.s32 $0xC0;
	v3 =	vld [tilespmem:s24+$0x5D00];
	v7 =	vadd.f32 v10, v8;
	v8 =	vadd.f32 v9, v11  }
.LBB2_8:
0x1ea: {  	p1 =	sne.s32 s1, $0x1340;
	v9 =	vld [tilespmem:s24+$0x61E0]  }
0x1eb: {  	v5 =	vadd.f32 v5, v7;
	v7 =	vld [tilespmem:s22+$0x8DC0];
	v4 =	vadd.f32 v4, v8  }
0x1ec: {  	v8 =	vld [tilespmem:s24+$0x66C0]  }
0x1ed: {  	v5 =	vadd.f32 v6, v5;
	v6 =	vld [tilespmem:s22+$0x92A0];
	[tilespmem:s23+$0x5820] =	vst v4;
	s23 =	smov.u32 s22;
	s22 =	smov.u32 s24  }
0x1ee: {  	v4 =	vld [tilespmem:s22+$0x6BA0]  }
0x1ef: {  	v3 =	vadd.f32 v9, v3;
	v2 =	vadd.f32 v2, v5;
	v5 =	vld [tilespmem:s23+$0x9780]  }
0x1f0: {  	v9 =	vld [tilespmem:s22+$0x7080]  }
0x1f1: {  	v3 =	vadd.f32 v8, v3;
	v2 =	vadd.f32 v7, v2;
	v7 =	vld [tilespmem:s23+$0x9C60]  }
0x1f2: {  	v8 =	vld [tilespmem:s22+$0x7560]  }
0x1f3: {  	v3 =	vadd.f32 v4, v3;
	v2 =	vadd.f32 v6, v2;
	v10 =	vld [tilespmem:s23+$0xA140]  }
0x1f4: {  	v11 =	vld [tilespmem:s22+$0x7A40]  }
.Ltmp5:
0x1f5: {  	v3 =	vadd.f32 v9, v3;
	v6 =	vadd.f32 v5, v2;
	v4 =	vld [tilespmem:s23+$0xA620];
	(pc) =	sbr.rel @p1 .LBB2_8-.Ltmp5, $4  }
0x1f6: {  	v5 =	vld [tilespmem:s22+$0x7F20]  }
0x1f7: {  	v8 =	vadd.f32 v8, v3;
	v2 =	vld [tilespmem:s22+$0x88E0];
	v9 =	vadd.f32 v7, v6  }
0x1f8: {  	s24 =	sshra.s32 s1, $0x2;
	v6 =	vld [tilespmem:s22+$0x8400]  }
0x1f9: {  	s1 =	sadd.s32 $0x40, s1;
	v3 =	vld [tilespmem:s24+$0x5D00];
	v7 =	vadd.f32 v11, v8;
	v8 =	vadd.f32 v10, v9  }
0x1fa: {  	v9 =	vld [tilespmem:s24+$0x61E0]  }
0x1fb: {  	v10 =	vld [tilespmem:s22+$0x8DC0];
	v4 =	vadd.f32 v4, v8  }
0x1fc: {  	v8 =	vld [tilespmem:s24+$0x66C0]  }
0x1fd: {  	v11 =	vld [tilespmem:s22+$0x92A0];
	v5 =	vadd.f32 v5, v7;
	[tilespmem:s23+$0x5820] =	vst v4  }
0x1fe: {  	v4 =	vld [tilespmem:s24+$0x6BA0]  }
0x1ff: {  	v5 =	vadd.f32 v6, v5;
	v3 =	vadd.f32 v9, v3  }
0x200: {  	v6 =	vld [tilespmem:s24+$0x7080]  }
0x201: {  	v7 =	vld [tilespmem:s24+$0x7560];
	v2 =	vadd.f32 v2, v5;
	v3 =	vadd.f32 v8, v3  }
0x202: {  	v5 =	vld [tilespmem:s22+$0x9780]  }
0x203: {  	v2 =	vadd.f32 v10, v2;
	v8 =	vld [tilespmem:s22+$0x9C60];
	v3 =	vadd.f32 v4, v3  }
0x204: {  	v4 =	vld [tilespmem:s24+$0x7A40]  }
0x205: {  	v9 =	vld [tilespmem:s22+$0xA140];
	v2 =	vadd.f32 v11, v2;
	v3 =	vadd.f32 v6, v3  }
0x206: {  	v6 =	vld [tilespmem:s24+$0x7F20]  }
0x207: {  	v2 =	vadd.f32 v5, v2;
	v5 =	vld [tilespmem:s22+$0xA620];
	v3 =	vadd.f32 v7, v3  }
0x208: {  	v7 =	vld [tilespmem:s24+$0x8400]  }
0x209: {  	v2 =	vadd.f32 v8, v2;
	v3 =	vadd.f32 v4, v3  }
0x20a: {  	v4 =	vld [tilespmem:s24+$0x88E0]  }
0x20b: {  	v2 =	vadd.f32 v9, v2;
	v3 =	vadd.f32 v6, v3  }
0x20c: {  	v6 =	vld [tilespmem:s24+$0x8DC0]  }
0x20d: {  	v2 =	vadd.f32 v5, v2;
	v3 =	vadd.f32 v7, v3  }
0x20e: {  	v5 =	vld [tilespmem:s24+$0x92A0]  }
0x20f: {  	[tilespmem:s22+$0x5820] =	vst v2;
	v2 =	vadd.f32 v4, v3  }
0x210: {  	v3 =	vld [tilespmem:s24+$0x9780]  }
0x211: {  	v2 =	vadd.f32 v6, v2  }
0x212: {  	v4 =	vld [tilespmem:s24+$0x9C60]  }
0x213: {  	v2 =	vadd.f32 v5, v2  }
0x214: {  	v5 =	vld [tilespmem:s24+$0xA140]  }
0x215: {  	v2 =	vadd.f32 v3, v2  }
0x216: {  	v3 =	vld [tilespmem:s24+$0xA620]  }
0x217: {  	v2 =	vadd.f32 v4, v2;
	_ =	sdelay $0x1  }
0x218: {  	v2 =	vadd.f32 v5, v2;
	_ =	sdelay $0x1  }
0x219: {  	v2 =	vadd.f32 v3, v2;
	_ =	sdelay $0x1  }
0x21a: {  	s1 =	simm.s32 $0x0;
	[tilespmem:s24+$0x5820] =	vst v2;
	s24 =	rddreg [dreg:$0xd]  }
0x21b: {  	[hbm4b:s24+s1] =	stream.linear.scatter [tilespmem:s19], [sflag:$0x3], $0x4E0, $0x38;
	[tilespmem:$0x1E400] =	vst v63  }
0x21c: {  	_ =	swait.ge [sflag:s26], $0x4E0  }
0x21d: {  	[sflag:s26] =	ssyncset.done $0x0  }
0x21e: {  	s22 =	rddreg [dreg:$0x12];
	[sflag:s26] =	ssyncadd.s32 $0xFFFFFB20  }
0x21f: {  	[tilespmem:s0], [sflag:$0x3] =	stream.linear.gather [spmem:s22], $0x4E0, $0x38;
	[tilespmem:$0x1E400] =	vst v63  }
0x220: {  	_ =	swait.ge [sflag:s26], $0x4E0  }
0x221: {  	s23 =	sld [smem:$0x7CF]  }
0x222: {  	[sflag:s26] =	ssyncset.done $0x0  }
0x223: {  	s24 =	simm.s32 $0x61E0;
	[sflag:s26] =	ssyncadd.s32 $0xFFFFFB20  }
0x224: {  	[tilespmem:s24], [sflag:$0x3] =	stream.linear.gather [spmem:s23], $0x4E0, $0x38;
	[tilespmem:$0x1E400] =	vst v63  }
0x225: {  	_ =	swait.ge [sflag:s26], $0x4E0  }
0x226: {  	s23 =	sld [smem:$0x7D0]  }
0x227: {  	[sflag:s26] =	ssyncset.done $0x0  }
0x228: {  	[sflag:s26] =	ssyncadd.s32 $0xFFFFFB20  }
0x229: {  	[tilespmem:s21], [sflag:$0x3] =	stream.linear.gather [spmem:s23], $0x4E0, $0x38;
	[tilespmem:$0x1E400] =	vst v63  }
0x22a: {  	_ =	swait.ge [sflag:s26], $0x4E0  }
0x22b: {  	s24 =	sld [smem:$0x7D1]  }
0x22c: {  	[sflag:s26] =	ssyncset.done $0x0  }
0x22d: {  	[sflag:s26] =	ssyncadd.s32 $0xFFFFFB20  }
0x22e: {  	[tilespmem:s4], [sflag:$0x3] =	stream.linear.gather [spmem:s24], $0x4E0, $0x38;
	[tilespmem:$0x1E400] =	vst v63  }
0x22f: {  	_ =	swait.ge [sflag:s26], $0x4E0  }
0x230: {  	s22 =	sld [smem:$0x7D2]  }
0x231: {  	[sflag:s26] =	ssyncset.done $0x0  }
0x232: {  	[sflag:s26] =	ssyncadd.s32 $0xFFFFFB20  }
0x233: {  	[tilespmem:s6], [sflag:$0x3] =	stream.linear.gather [spmem:s22], $0x4E0, $0x38;
	[tilespmem:$0x1E400] =	vst v63  }
0x234: {  	_ =	swait.ge [sflag:s26], $0x4E0  }
0x235: {  	s23 =	sld [smem:$0x7D3]  }
0x236: {  	[sflag:s26] =	ssyncset.done $0x0  }
0x237: {  	[sflag:s26] =	ssyncadd.s32 $0xFFFFFB20  }
0x238: {  	[tilespmem:s7], [sflag:$0x3] =	stream.linear.gather [spmem:s23], $0x4E0, $0x38;
	[tilespmem:$0x1E400] =	vst v63  }
0x239: {  	_ =	swait.ge [sflag:s26], $0x4E0  }
0x23a: {  	s24 =	sld [smem:$0x7D4]  }
0x23b: {  	[sflag:s26] =	ssyncset.done $0x0  }
0x23c: {  	[sflag:s26] =	ssyncadd.s32 $0xFFFFFB20  }
0x23d: {  	[tilespmem:s9], [sflag:$0x3] =	stream.linear.gather [spmem:s24], $0x4E0, $0x38;
	[tilespmem:$0x1E400] =	vst v63  }
0x23e: {  	_ =	swait.ge [sflag:s26], $0x4E0  }
0x23f: {  	s22 =	sld [smem:$0x7D5]  }
0x240: {  	[sflag:s26] =	ssyncset.done $0x0  }
0x241: {  	[sflag:s26] =	ssyncadd.s32 $0xFFFFFB20  }
0x242: {  	[tilespmem:s10], [sflag:$0x3] =	stream.linear.gather [spmem:s22], $0x4E0, $0x38;
	[tilespmem:$0x1E400] =	vst v63  }
0x243: {  	_ =	swait.ge [sflag:s26], $0x4E0  }
0x244: {  	s23 =	sld [smem:$0x7D6]  }
0x245: {  	[sflag:s26] =	ssyncset.done $0x0  }
0x246: {  	[sflag:s26] =	ssyncadd.s32 $0xFFFFFB20  }
0x247: {  	[tilespmem:s11], [sflag:$0x3] =	stream.linear.gather [spmem:s23], $0x4E0, $0x38;
	[tilespmem:$0x1E400] =	vst v63  }
0x248: {  	_ =	swait.ge [sflag:s26], $0x4E0  }
0x249: {  	s24 =	sld [smem:$0x7D7]  }
0x24a: {  	[sflag:s26] =	ssyncset.done $0x0  }
0x24b: {  	[sflag:s26] =	ssyncadd.s32 $0xFFFFFB20  }
0x24c: {  	[tilespmem:s12], [sflag:$0x3] =	stream.linear.gather [spmem:s24], $0x4E0, $0x38;
	[tilespmem:$0x1E400] =	vst v63  }
0x24d: {  	_ =	swait.ge [sflag:s26], $0x4E0  }
0x24e: {  	s22 =	sld [smem:$0x7D8]  }
0x24f: {  	[sflag:s26] =	ssyncset.done $0x0  }
0x250: {  	[sflag:s26] =	ssyncadd.s32 $0xFFFFFB20  }
0x251: {  	[tilespmem:s13], [sflag:$0x3] =	stream.linear.gather [spmem:s22], $0x4E0, $0x38;
	[tilespmem:$0x1E400] =	vst v63  }
0x252: {  	_ =	swait.ge [sflag:s26], $0x4E0  }
0x253: {  	s23 =	sld [smem:$0x7D9]  }
0x254: {  	[sflag:s26] =	ssyncset.done $0x0  }
0x255: {  	[sflag:s26] =	ssyncadd.s32 $0xFFFFFB20  }
0x256: {  	[tilespmem:s14], [sflag:$0x3] =	stream.linear.gather [spmem:s23], $0x4E0, $0x38;
	[tilespmem:$0x1E400] =	vst v63  }
0x257: {  	_ =	swait.ge [sflag:s26], $0x4E0  }
0x258: {  	s24 =	sld [smem:$0x7DA]  }
0x259: {  	[sflag:s26] =	ssyncset.done $0x0  }
0x25a: {  	[sflag:s26] =	ssyncadd.s32 $0xFFFFFB20  }
0x25b: {  	[tilespmem:s15], [sflag:$0x3] =	stream.linear.gather [spmem:s24], $0x4E0, $0x38;
	[tilespmem:$0x1E400] =	vst v63  }
0x25c: {  	_ =	swait.ge [sflag:s26], $0x4E0  }
0x25d: {  	s22 =	sld [smem:$0x7DB]  }
0x25e: {  	[sflag:s26] =	ssyncset.done $0x0  }
0x25f: {  	[sflag:s26] =	ssyncadd.s32 $0xFFFFFB20  }
0x260: {  	[tilespmem:s16], [sflag:$0x3] =	stream.linear.gather [spmem:s22], $0x4E0, $0x38;
	[tilespmem:$0x1E400] =	vst v63  }
0x261: {  	_ =	swait.ge [sflag:s26], $0x4E0  }
0x262: {  	s23 =	sld [smem:$0x7DC]  }
0x263: {  	[sflag:s26] =	ssyncset.done $0x0  }
0x264: {  	[sflag:s26] =	ssyncadd.s32 $0xFFFFFB20  }
0x265: {  	[tilespmem:s17], [sflag:$0x3] =	stream.linear.gather [spmem:s23], $0x4E0, $0x38;
	[tilespmem:$0x1E400] =	vst v63  }
0x266: {  	_ =	swait.ge [sflag:s26], $0x4E0  }
0x267: {  	s24 =	sld [smem:$0x7DD]  }
0x268: {  	[sflag:s26] =	ssyncset.done $0x0  }
0x269: {  	[sflag:s26] =	ssyncadd.s32 $0xFFFFFB20  }
0x26a: {  	[tilespmem:s18], [sflag:$0x3] =	stream.linear.gather [spmem:s24], $0x4E0, $0x38;
	[tilespmem:$0x1E400] =	vst v63  }
0x26b: {  	_ =	swait.ge [sflag:s26], $0x4E0  }
0x26c: {  	[sflag:s26] =	ssyncset.done $0x0  }
0x26d: {  	s23 =	simm.s32 $0x0;
	[sflag:s26] =	ssyncadd.s32 $0xFFFFFB20  }
0x26e: {  	v2 =	vld [tilespmem:s23+$0x5D00]  }
0x26f: {  	v3 =	vld [tilespmem:s23+$0x61E0];
	_ =	sdelay $0x1  }
0x270: {  	v4 =	vld [tilespmem:s23+$0x66C0];
	_ =	sdelay $0x1  }
0x271: {  	v5 =	vld [tilespmem:s23+$0x6BA0]  }
0x272: {  	v2 =	vadd.f32 v3, v2  }
0x273: {  	v3 =	vld [tilespmem:s23+$0x7080]  }
0x274: {  	v2 =	vadd.f32 v4, v2  }
0x275: {  	v4 =	vld [tilespmem:s23+$0x7560]  }
0x276: {  	v2 =	vadd.f32 v5, v2  }
0x277: {  	v5 =	vld [tilespmem:s23+$0x7A40]  }
0x278: {  	v2 =	vadd.f32 v3, v2  }
0x279: {  	v3 =	vld [tilespmem:s23+$0x7F20]  }
0x27a: {  	s22 =	simm.s32 $0x10;
	v6 =	vld [tilespmem:s23+$0x8400];
	v2 =	vadd.f32 v4, v2  }
0x27b: {  	v7 =	vld [tilespmem:s22+$0x5D00]  }
0x27c: {  	v4 =	vld [tilespmem:s23+$0x88E0];
	v2 =	vadd.f32 v5, v2  }
0x27d: {  	v5 =	vld [tilespmem:s22+$0x61E0]  }
0x27e: {  	v8 =	vld [tilespmem:s22+$0x66C0];
	v2 =	vadd.f32 v3, v2  }
0x27f: {  	v3 =	vld [tilespmem:s23+$0x8DC0]  }
0x280: {  	v9 =	vld [tilespmem:s22+$0x6BA0];
	v2 =	vadd.f32 v6, v2  }
0x281: {  	v6 =	vld [tilespmem:s23+$0x92A0]  }
0x282: {  	v5 =	vadd.f32 v5, v7;
	v7 =	vld [tilespmem:s22+$0x7080];
	v2 =	vadd.f32 v4, v2  }
0x283: {  	v4 =	vld [tilespmem:s23+$0x9780]  }
0x284: {  	v5 =	vadd.f32 v8, v5;
	v8 =	vld [tilespmem:s22+$0x7560];
	v2 =	vadd.f32 v3, v2  }
0x285: {  	v3 =	vld [tilespmem:s23+$0x9C60]  }
0x286: {  	v10 =	vld [tilespmem:s22+$0x7A40];
	v5 =	vadd.f32 v9, v5;
	v2 =	vadd.f32 v6, v2  }
0x287: {  	v9 =	vld [tilespmem:s23+$0xA140]  }
0x288: {  	v6 =	vadd.f32 v7, v5;
	v5 =	vld [tilespmem:s22+$0x7F20];
	v7 =	vadd.f32 v4, v2  }
0x289: {  	v4 =	vld [tilespmem:s23+$0xA620]  }
0x28a: {  	v2 =	vld [tilespmem:s22+$0x88E0];
	v8 =	vadd.f32 v8, v6;
	v11 =	vadd.f32 v3, v7  }
0x28b: {  	s24 =	simm.s32 $0x20;
	v6 =	vld [tilespmem:s22+$0x8400]  }
0x28c: {  	s1 =	simm.s32 $0xC0;
	v3 =	vld [tilespmem:s24+$0x5D00];
	v7 =	vadd.f32 v10, v8;
	v8 =	vadd.f32 v9, v11  }
.LBB2_10:
0x28d: {  	p1 =	sne.s32 s1, $0x1340;
	v9 =	vld [tilespmem:s24+$0x61E0]  }
0x28e: {  	v5 =	vadd.f32 v5, v7;
	v7 =	vld [tilespmem:s22+$0x8DC0];
	v4 =	vadd.f32 v4, v8  }
0x28f: {  	v8 =	vld [tilespmem:s24+$0x66C0]  }
0x290: {  	v5 =	vadd.f32 v6, v5;
	v6 =	vld [tilespmem:s22+$0x92A0];
	[tilespmem:s23+$0x5820] =	vst v4;
	s23 =	smov.u32 s22;
	s22 =	smov.u32 s24  }
0x291: {  	v4 =	vld [tilespmem:s22+$0x6BA0]  }
0x292: {  	v3 =	vadd.f32 v9, v3;
	v2 =	vadd.f32 v2, v5;
	v5 =	vld [tilespmem:s23+$0x9780]  }
0x293: {  	v9 =	vld [tilespmem:s22+$0x7080]  }
0x294: {  	v3 =	vadd.f32 v8, v3;
	v2 =	vadd.f32 v7, v2;
	v7 =	vld [tilespmem:s23+$0x9C60]  }
0x295: {  	v8 =	vld [tilespmem:s22+$0x7560]  }
0x296: {  	v3 =	vadd.f32 v4, v3;
	v2 =	vadd.f32 v6, v2;
	v10 =	vld [tilespmem:s23+$0xA140]  }
0x297: {  	v11 =	vld [tilespmem:s22+$0x7A40]  }
.Ltmp6:
0x298: {  	v3 =	vadd.f32 v9, v3;
	v6 =	vadd.f32 v5, v2;
	v4 =	vld [tilespmem:s23+$0xA620];
	(pc) =	sbr.rel @p1 .LBB2_10-.Ltmp6, $4  }
0x299: {  	v5 =	vld [tilespmem:s22+$0x7F20]  }
0x29a: {  	v8 =	vadd.f32 v8, v3;
	v2 =	vld [tilespmem:s22+$0x88E0];
	v9 =	vadd.f32 v7, v6  }
0x29b: {  	s24 =	sshra.s32 s1, $0x2;
	v6 =	vld [tilespmem:s22+$0x8400]  }
0x29c: {  	s1 =	sadd.s32 $0x40, s1;
	v3 =	vld [tilespmem:s24+$0x5D00];
	v7 =	vadd.f32 v11, v8;
	v8 =	vadd.f32 v10, v9  }
0x29d: {  	v9 =	vld [tilespmem:s24+$0x61E0]  }
0x29e: {  	v10 =	vld [tilespmem:s22+$0x8DC0];
	v4 =	vadd.f32 v4, v8  }
0x29f: {  	v8 =	vld [tilespmem:s24+$0x66C0]  }
0x2a0: {  	v11 =	vld [tilespmem:s22+$0x92A0];
	v5 =	vadd.f32 v5, v7;
	[tilespmem:s23+$0x5820] =	vst v4  }
0x2a1: {  	v4 =	vld [tilespmem:s24+$0x6BA0]  }
0x2a2: {  	v5 =	vadd.f32 v6, v5;
	v3 =	vadd.f32 v9, v3  }
0x2a3: {  	v6 =	vld [tilespmem:s24+$0x7080]  }
0x2a4: {  	v7 =	vld [tilespmem:s24+$0x7560];
	v2 =	vadd.f32 v2, v5;
	v3 =	vadd.f32 v8, v3  }
0x2a5: {  	v5 =	vld [tilespmem:s22+$0x9780]  }
0x2a6: {  	v2 =	vadd.f32 v10, v2;
	v8 =	vld [tilespmem:s22+$0x9C60];
	v3 =	vadd.f32 v4, v3  }
0x2a7: {  	v4 =	vld [tilespmem:s24+$0x7A40]  }
0x2a8: {  	v9 =	vld [tilespmem:s22+$0xA140];
	v2 =	vadd.f32 v11, v2;
	v3 =	vadd.f32 v6, v3  }
0x2a9: {  	v6 =	vld [tilespmem:s24+$0x7F20]  }
0x2aa: {  	v2 =	vadd.f32 v5, v2;
	v5 =	vld [tilespmem:s22+$0xA620];
	v3 =	vadd.f32 v7, v3  }
0x2ab: {  	v7 =	vld [tilespmem:s24+$0x8400]  }
0x2ac: {  	v2 =	vadd.f32 v8, v2;
	v3 =	vadd.f32 v4, v3  }
0x2ad: {  	v4 =	vld [tilespmem:s24+$0x88E0]  }
0x2ae: {  	v2 =	vadd.f32 v9, v2;
	v3 =	vadd.f32 v6, v3  }
0x2af: {  	v6 =	vld [tilespmem:s24+$0x8DC0]  }
0x2b0: {  	v2 =	vadd.f32 v5, v2;
	v3 =	vadd.f32 v7, v3  }
0x2b1: {  	v5 =	vld [tilespmem:s24+$0x92A0]  }
0x2b2: {  	[tilespmem:s22+$0x5820] =	vst v2;
	v2 =	vadd.f32 v4, v3  }
0x2b3: {  	v3 =	vld [tilespmem:s24+$0x9780]  }
0x2b4: {  	v2 =	vadd.f32 v6, v2  }
0x2b5: {  	v4 =	vld [tilespmem:s24+$0x9C60]  }
0x2b6: {  	v2 =	vadd.f32 v5, v2  }
0x2b7: {  	v5 =	vld [tilespmem:s24+$0xA140]  }
0x2b8: {  	v2 =	vadd.f32 v3, v2  }
0x2b9: {  	v3 =	vld [tilespmem:s24+$0xA620]  }
0x2ba: {  	v2 =	vadd.f32 v4, v2;
	_ =	sdelay $0x1  }
0x2bb: {  	v2 =	vadd.f32 v5, v2;
	_ =	sdelay $0x1  }
0x2bc: {  	v2 =	vadd.f32 v3, v2;
	_ =	sdelay $0x1  }
0x2bd: {  	s1 =	simm.s32 $0x0;
	[tilespmem:s24+$0x5820] =	vst v2;
	s24 =	rddreg [dreg:$0xe]  }
0x2be: {  	[hbm4b:s24+s1] =	stream.linear.scatter [tilespmem:s19], [sflag:$0x3], $0x4E0, $0x38;
	[tilespmem:$0x1E400] =	vst v63  }
0x2bf: {  	_ =	swait.ge [sflag:s26], $0x4E0  }
0x2c0: {  	[sflag:s26] =	ssyncset.done $0x0  }
0x2c1: {  	s22 =	rddreg [dreg:$0x13];
	[sflag:s26] =	ssyncadd.s32 $0xFFFFFB20  }
0x2c2: {  	[tilespmem:s0], [sflag:$0x3] =	stream.linear.gather [spmem:s22], $0x4E0, $0x38;
	[tilespmem:$0x1E400] =	vst v63  }
0x2c3: {  	_ =	swait.ge [sflag:s26], $0x4E0  }
0x2c4: {  	s23 =	sld [smem:$0x7DE]  }
0x2c5: {  	[sflag:s26] =	ssyncset.done $0x0  }
0x2c6: {  	s24 =	simm.s32 $0x61E0;
	[sflag:s26] =	ssyncadd.s32 $0xFFFFFB20  }
0x2c7: {  	[tilespmem:s24], [sflag:$0x3] =	stream.linear.gather [spmem:s23], $0x4E0, $0x38;
	[tilespmem:$0x1E400] =	vst v63  }
0x2c8: {  	_ =	swait.ge [sflag:s26], $0x4E0  }
0x2c9: {  	s23 =	sld [smem:$0x7DF]  }
0x2ca: {  	[sflag:s26] =	ssyncset.done $0x0  }
0x2cb: {  	[sflag:s26] =	ssyncadd.s32 $0xFFFFFB20  }
0x2cc: {  	[tilespmem:s21], [sflag:$0x3] =	stream.linear.gather [spmem:s23], $0x4E0, $0x38;
	[tilespmem:$0x1E400] =	vst v63  }
0x2cd: {  	_ =	swait.ge [sflag:s26], $0x4E0  }
0x2ce: {  	s24 =	sld [smem:$0x7E0]  }
0x2cf: {  	[sflag:s26] =	ssyncset.done $0x0  }
0x2d0: {  	[sflag:s26] =	ssyncadd.s32 $0xFFFFFB20  }
0x2d1: {  	[tilespmem:s4], [sflag:$0x3] =	stream.linear.gather [spmem:s24], $0x4E0, $0x38;
	[tilespmem:$0x1E400] =	vst v63  }
0x2d2: {  	_ =	swait.ge [sflag:s26], $0x4E0  }
0x2d3: {  	s22 =	sld [smem:$0x7E1]  }
0x2d4: {  	[sflag:s26] =	ssyncset.done $0x0  }
0x2d5: {  	[sflag:s26] =	ssyncadd.s32 $0xFFFFFB20  }
0x2d6: {  	[tilespmem:s6], [sflag:$0x3] =	stream.linear.gather [spmem:s22], $0x4E0, $0x38;
	[tilespmem:$0x1E400] =	vst v63  }
0x2d7: {  	_ =	swait.ge [sflag:s26], $0x4E0  }
0x2d8: {  	s23 =	sld [smem:$0x7E2]  }
0x2d9: {  	[sflag:s26] =	ssyncset.done $0x0  }
0x2da: {  	[sflag:s26] =	ssyncadd.s32 $0xFFFFFB20  }
0x2db: {  	[tilespmem:s7], [sflag:$0x3] =	stream.linear.gather [spmem:s23], $0x4E0, $0x38;
	[tilespmem:$0x1E400] =	vst v63  }
0x2dc: {  	_ =	swait.ge [sflag:s26], $0x4E0  }
0x2dd: {  	s24 =	sld [smem:$0x7E3]  }
0x2de: {  	[sflag:s26] =	ssyncset.done $0x0  }
0x2df: {  	[sflag:s26] =	ssyncadd.s32 $0xFFFFFB20  }
0x2e0: {  	[tilespmem:s9], [sflag:$0x3] =	stream.linear.gather [spmem:s24], $0x4E0, $0x38;
	[tilespmem:$0x1E400] =	vst v63  }
0x2e1: {  	_ =	swait.ge [sflag:s26], $0x4E0  }
0x2e2: {  	s22 =	sld [smem:$0x7E4]  }
0x2e3: {  	[sflag:s26] =	ssyncset.done $0x0  }
0x2e4: {  	[sflag:s26] =	ssyncadd.s32 $0xFFFFFB20  }
0x2e5: {  	[tilespmem:s10], [sflag:$0x3] =	stream.linear.gather [spmem:s22], $0x4E0, $0x38;
	[tilespmem:$0x1E400] =	vst v63  }
0x2e6: {  	_ =	swait.ge [sflag:s26], $0x4E0  }
0x2e7: {  	s23 =	sld [smem:$0x7E5]  }
0x2e8: {  	[sflag:s26] =	ssyncset.done $0x0  }
0x2e9: {  	[sflag:s26] =	ssyncadd.s32 $0xFFFFFB20  }
0x2ea: {  	[tilespmem:s11], [sflag:$0x3] =	stream.linear.gather [spmem:s23], $0x4E0, $0x38;
	[tilespmem:$0x1E400] =	vst v63  }
0x2eb: {  	_ =	swait.ge [sflag:s26], $0x4E0  }
0x2ec: {  	s24 =	sld [smem:$0x7E6]  }
0x2ed: {  	[sflag:s26] =	ssyncset.done $0x0  }
0x2ee: {  	[sflag:s26] =	ssyncadd.s32 $0xFFFFFB20  }
0x2ef: {  	[tilespmem:s12], [sflag:$0x3] =	stream.linear.gather [spmem:s24], $0x4E0, $0x38;
	[tilespmem:$0x1E400] =	vst v63  }
0x2f0: {  	_ =	swait.ge [sflag:s26], $0x4E0  }
0x2f1: {  	s22 =	sld [smem:$0x7E7]  }
0x2f2: {  	[sflag:s26] =	ssyncset.done $0x0  }
0x2f3: {  	[sflag:s26] =	ssyncadd.s32 $0xFFFFFB20  }
0x2f4: {  	[tilespmem:s13], [sflag:$0x3] =	stream.linear.gather [spmem:s22], $0x4E0, $0x38;
	[tilespmem:$0x1E400] =	vst v63  }
0x2f5: {  	_ =	swait.ge [sflag:s26], $0x4E0  }
0x2f6: {  	s23 =	sld [smem:$0x7E8]  }
0x2f7: {  	[sflag:s26] =	ssyncset.done $0x0  }
0x2f8: {  	[sflag:s26] =	ssyncadd.s32 $0xFFFFFB20  }
0x2f9: {  	[tilespmem:s14], [sflag:$0x3] =	stream.linear.gather [spmem:s23], $0x4E0, $0x38;
	[tilespmem:$0x1E400] =	vst v63  }
0x2fa: {  	_ =	swait.ge [sflag:s26], $0x4E0  }
0x2fb: {  	s24 =	sld [smem:$0x7E9]  }
0x2fc: {  	[sflag:s26] =	ssyncset.done $0x0  }
0x2fd: {  	[sflag:s26] =	ssyncadd.s32 $0xFFFFFB20  }
0x2fe: {  	[tilespmem:s15], [sflag:$0x3] =	stream.linear.gather [spmem:s24], $0x4E0, $0x38;
	[tilespmem:$0x1E400] =	vst v63  }
0x2ff: {  	_ =	swait.ge [sflag:s26], $0x4E0  }
0x300: {  	s22 =	sld [smem:$0x7EA]  }
0x301: {  	[sflag:s26] =	ssyncset.done $0x0  }
0x302: {  	[sflag:s26] =	ssyncadd.s32 $0xFFFFFB20  }
0x303: {  	[tilespmem:s16], [sflag:$0x3] =	stream.linear.gather [spmem:s22], $0x4E0, $0x38;
	[tilespmem:$0x1E400] =	vst v63  }
0x304: {  	_ =	swait.ge [sflag:s26], $0x4E0  }
0x305: {  	s23 =	sld [smem:$0x7EB]  }
0x306: {  	[sflag:s26] =	ssyncset.done $0x0  }
0x307: {  	[sflag:s26] =	ssyncadd.s32 $0xFFFFFB20  }
0x308: {  	[tilespmem:s17], [sflag:$0x3] =	stream.linear.gather [spmem:s23], $0x4E0, $0x38;
	[tilespmem:$0x1E400] =	vst v63  }
0x309: {  	_ =	swait.ge [sflag:s26], $0x4E0  }
0x30a: {  	s24 =	sld [smem:$0x7EC]  }
0x30b: {  	[sflag:s26] =	ssyncset.done $0x0  }
0x30c: {  	[sflag:s26] =	ssyncadd.s32 $0xFFFFFB20  }
0x30d: {  	[tilespmem:s18], [sflag:$0x3] =	stream.linear.gather [spmem:s24], $0x4E0, $0x38;
	[tilespmem:$0x1E400] =	vst v63  }
0x30e: {  	_ =	swait.ge [sflag:s26], $0x4E0  }
0x30f: {  	[sflag:s26] =	ssyncset.done $0x0  }
0x310: {  	s23 =	simm.s32 $0x0;
	[sflag:s26] =	ssyncadd.s32 $0xFFFFFB20  }
0x311: {  	v2 =	vld [tilespmem:s23+$0x5D00]  }
0x312: {  	v3 =	vld [tilespmem:s23+$0x61E0];
	_ =	sdelay $0x1  }
0x313: {  	v4 =	vld [tilespmem:s23+$0x66C0];
	_ =	sdelay $0x1  }
0x314: {  	v5 =	vld [tilespmem:s23+$0x6BA0]  }
0x315: {  	v2 =	vadd.f32 v3, v2  }
0x316: {  	v3 =	vld [tilespmem:s23+$0x7080]  }
0x317: {  	v2 =	vadd.f32 v4, v2  }
0x318: {  	v4 =	vld [tilespmem:s23+$0x7560]  }
0x319: {  	v2 =	vadd.f32 v5, v2  }
0x31a: {  	v5 =	vld [tilespmem:s23+$0x7A40]  }
0x31b: {  	v2 =	vadd.f32 v3, v2  }
0x31c: {  	v3 =	vld [tilespmem:s23+$0x7F20]  }
0x31d: {  	s22 =	simm.s32 $0x10;
	v6 =	vld [tilespmem:s23+$0x8400];
	v2 =	vadd.f32 v4, v2  }
0x31e: {  	v7 =	vld [tilespmem:s22+$0x5D00]  }
0x31f: {  	v4 =	vld [tilespmem:s23+$0x88E0];
	v2 =	vadd.f32 v5, v2  }
0x320: {  	v5 =	vld [tilespmem:s22+$0x61E0]  }
0x321: {  	v8 =	vld [tilespmem:s22+$0x66C0];
	v2 =	vadd.f32 v3, v2  }
0x322: {  	v3 =	vld [tilespmem:s23+$0x8DC0]  }
0x323: {  	v9 =	vld [tilespmem:s22+$0x6BA0];
	v2 =	vadd.f32 v6, v2  }
0x324: {  	v6 =	vld [tilespmem:s23+$0x92A0]  }
0x325: {  	v5 =	vadd.f32 v5, v7;
	v7 =	vld [tilespmem:s22+$0x7080];
	v2 =	vadd.f32 v4, v2  }
0x326: {  	v4 =	vld [tilespmem:s23+$0x9780]  }
0x327: {  	v5 =	vadd.f32 v8, v5;
	v8 =	vld [tilespmem:s22+$0x7560];
	v2 =	vadd.f32 v3, v2  }
0x328: {  	v3 =	vld [tilespmem:s23+$0x9C60]  }
0x329: {  	v10 =	vld [tilespmem:s22+$0x7A40];
	v5 =	vadd.f32 v9, v5;
	v2 =	vadd.f32 v6, v2  }
0x32a: {  	v9 =	vld [tilespmem:s23+$0xA140]  }
0x32b: {  	v6 =	vadd.f32 v7, v5;
	v5 =	vld [tilespmem:s22+$0x7F20];
	v7 =	vadd.f32 v4, v2  }
0x32c: {  	v4 =	vld [tilespmem:s23+$0xA620]  }
0x32d: {  	v2 =	vld [tilespmem:s22+$0x88E0];
	v8 =	vadd.f32 v8, v6;
	v11 =	vadd.f32 v3, v7  }
0x32e: {  	s24 =	simm.s32 $0x20;
	v6 =	vld [tilespmem:s22+$0x8400]  }
0x32f: {  	s1 =	simm.s32 $0xC0;
	v3 =	vld [tilespmem:s24+$0x5D00];
	v7 =	vadd.f32 v10, v8;
	v8 =	vadd.f32 v9, v11  }
.LBB2_12:
0x330: {  	p1 =	sne.s32 s1, $0x1340;
	v9 =	vld [tilespmem:s24+$0x61E0]  }
0x331: {  	v5 =	vadd.f32 v5, v7;
	v7 =	vld [tilespmem:s22+$0x8DC0];
	v4 =	vadd.f32 v4, v8  }
0x332: {  	v8 =	vld [tilespmem:s24+$0x66C0]  }
0x333: {  	v5 =	vadd.f32 v6, v5;
	v6 =	vld [tilespmem:s22+$0x92A0];
	[tilespmem:s23+$0x5820] =	vst v4;
	s23 =	smov.u32 s22;
	s22 =	smov.u32 s24  }
0x334: {  	v4 =	vld [tilespmem:s22+$0x6BA0]  }
0x335: {  	v3 =	vadd.f32 v9, v3;
	v2 =	vadd.f32 v2, v5;
	v5 =	vld [tilespmem:s23+$0x9780]  }
0x336: {  	v9 =	vld [tilespmem:s22+$0x7080]  }
0x337: {  	v3 =	vadd.f32 v8, v3;
	v2 =	vadd.f32 v7, v2;
	v7 =	vld [tilespmem:s23+$0x9C60]  }
0x338: {  	v8 =	vld [tilespmem:s22+$0x7560]  }
0x339: {  	v3 =	vadd.f32 v4, v3;
	v2 =	vadd.f32 v6, v2;
	v10 =	vld [tilespmem:s23+$0xA140]  }
0x33a: {  	v11 =	vld [tilespmem:s22+$0x7A40]  }
.Ltmp7:
0x33b: {  	v3 =	vadd.f32 v9, v3;
	v6 =	vadd.f32 v5, v2;
	v4 =	vld [tilespmem:s23+$0xA620];
	(pc) =	sbr.rel @p1 .LBB2_12-.Ltmp7, $4  }
0x33c: {  	v5 =	vld [tilespmem:s22+$0x7F20]  }
0x33d: {  	v8 =	vadd.f32 v8, v3;
	v2 =	vld [tilespmem:s22+$0x88E0];
	v9 =	vadd.f32 v7, v6  }
0x33e: {  	s24 =	sshra.s32 s1, $0x2;
	v6 =	vld [tilespmem:s22+$0x8400]  }
0x33f: {  	s1 =	sadd.s32 $0x40, s1;
	v3 =	vld [tilespmem:s24+$0x5D00];
	v7 =	vadd.f32 v11, v8;
	v8 =	vadd.f32 v10, v9  }
0x340: {  	v9 =	vld [tilespmem:s24+$0x61E0]  }
0x341: {  	v10 =	vld [tilespmem:s22+$0x8DC0];
	v4 =	vadd.f32 v4, v8  }
0x342: {  	v49 =	vld [tilespmem:s24+$0x66C0]  }
0x343: {  	v11 =	vld [tilespmem:s22+$0x92A0];
	v5 =	vadd.f32 v5, v7;
	[tilespmem:s23+$0x5820] =	vst v4  }
0x344: {  	v4 =	vld [tilespmem:s24+$0x6BA0]  }
0x345: {  	v5 =	vadd.f32 v6, v5;
	v3 =	vadd.f32 v9, v3  }
0x346: {  	v50 =	vld [tilespmem:s24+$0x7080]  }
0x347: {  	v51 =	vld [tilespmem:s22+$0x9780];
	v2 =	vadd.f32 v2, v5;
	v3 =	vadd.f32 v49, v3  }
0x348: {  	v52 =	vld [tilespmem:s24+$0x7560]  }
0x349: {  	v53 =	vld [tilespmem:s22+$0x9C60];
	v2 =	vadd.f32 v10, v2;
	v3 =	vadd.f32 v4, v3  }
0x34a: {  	v54 =	vld [tilespmem:s24+$0x7A40]  }
0x34b: {  	v55 =	vld [tilespmem:s22+$0xA140];
	v2 =	vadd.f32 v11, v2;
	v3 =	vadd.f32 v50, v3  }
0x34c: {  	v56 =	vld [tilespmem:s24+$0x7F20]  }
0x34d: {  	v57 =	vld [tilespmem:s22+$0xA620];
	v2 =	vadd.f32 v51, v2;
	v3 =	vadd.f32 v52, v3  }
0x34e: {  	v58 =	vld [tilespmem:s24+$0x8400]  }
0x34f: {  	v2 =	vadd.f32 v53, v2;
	v3 =	vadd.f32 v54, v3  }
0x350: {  	v59 =	vld [tilespmem:s24+$0x88E0]  }
0x351: {  	v2 =	vadd.f32 v55, v2;
	v3 =	vadd.f32 v56, v3  }
0x352: {  	v60 =	vld [tilespmem:s24+$0x8DC0]  }
0x353: {  	v2 =	vadd.f32 v57, v2;
	v3 =	vadd.f32 v58, v3  }
0x354: {  	v61 =	vld [tilespmem:s24+$0x92A0]  }
0x355: {  	[tilespmem:s22+$0x5820] =	vst v2;
	v2 =	vadd.f32 v59, v3  }
0x356: {  	v3 =	vld [tilespmem:s24+$0x9780]  }
0x357: {  	v2 =	vadd.f32 v60, v2  }
0x358: {  	v62 =	vld [tilespmem:s24+$0x9C60]  }
0x359: {  	v2 =	vadd.f32 v61, v2  }
0x35a: {  	v63 =	vld [tilespmem:s24+$0xA140]  }
0x35b: {  	v2 =	vadd.f32 v3, v2  }
0x35c: {  	v3 =	vld [tilespmem:s24+$0xA620]  }
0x35d: {  	v2 =	vadd.f32 v62, v2;
	_ =	sdelay $0x1  }
0x35e: {  	v2 =	vadd.f32 v63, v2;
	_ =	sdelay $0x1  }
0x35f: {  	v2 =	vadd.f32 v3, v2;
	_ =	sdelay $0x1  }
.Ltmp8:
0x360: {  	s1 =	rddreg [dreg:$0xf];
	[tilespmem:s24+$0x5820] =	vst v2;
	(pc) =	sbr.rel @p0 .LBB2_17-.Ltmp8, $4  }
0x361: {  	[hbm4b:s1+s3] =	stream.linear.scatter [tilespmem:s19], [sflag:$0x3], $0x4E0, $0x38;
	[tilespmem:$0x1E400] =	vst v63  }
0x362: {  	_ =	swait.ge [sflag:s26], $0x4E0  }
0x363: {  	[sflag:s26] =	ssyncset.done $0x0  }
0x364: {  	[sflag:s26] =	ssyncadd.s32 $0xFFFFFB20  }
0x365: {  	s1 =	sld [smem:$0x7ED];
	_ =	sdelay $0x2  }
0x366: {  	[tilespmem:s0], [sflag:$0x3] =	stream.linear.gather [spmem:s1], $0x80, $0x38;
	[tilespmem:$0x1E400] =	vst v63  }
0x367: {  	_ =	swait.ge [sflag:s26], $0x80  }
0x368: {  	s24 =	sld [smem:$0x7EE]  }
0x369: {  	[sflag:s26] =	ssyncset.done $0x0  }
0x36a: {  	s22 =	simm.s32 $0x5D80;
	[sflag:s26] =	ssyncadd.s32 $0xFFFFFF80  }
0x36b: {  	[tilespmem:s22], [sflag:$0x3] =	stream.linear.gather [spmem:s24], $0x80, $0x38;
	[tilespmem:$0x1E400] =	vst v63  }
0x36c: {  	_ =	swait.ge [sflag:s26], $0x80  }
0x36d: {  	s23 =	sld [smem:$0x7EF]  }
0x36e: {  	[sflag:s26] =	ssyncset.done $0x0  }
0x36f: {  	s24 =	simm.s32 $0x5E00;
	[sflag:s26] =	ssyncadd.s32 $0xFFFFFF80  }
0x370: {  	[tilespmem:s24], [sflag:$0x3] =	stream.linear.gather [spmem:s23], $0x80, $0x38;
	[tilespmem:$0x1E400] =	vst v63  }
0x371: {  	_ =	swait.ge [sflag:s26], $0x80  }
0x372: {  	s23 =	sld [smem:$0x7F0]  }
0x373: {  	[sflag:s26] =	ssyncset.done $0x0  }
0x374: {  	s24 =	simm.s32 $0x5E80;
	[sflag:s26] =	ssyncadd.s32 $0xFFFFFF80  }
0x375: {  	[tilespmem:s24], [sflag:$0x3] =	stream.linear.gather [spmem:s23], $0x80, $0x38;
	[tilespmem:$0x1E400] =	vst v63  }
0x376: {  	_ =	swait.ge [sflag:s26], $0x80  }
0x377: {  	s23 =	sld [smem:$0x7F1]  }
0x378: {  	[sflag:s26] =	ssyncset.done $0x0  }
0x379: {  	s24 =	simm.s32 $0x5F00;
	[sflag:s26] =	ssyncadd.s32 $0xFFFFFF80  }
0x37a: {  	[tilespmem:s24], [sflag:$0x3] =	stream.linear.gather [spmem:s23], $0x80, $0x38;
	[tilespmem:$0x1E400] =	vst v63  }
0x37b: {  	_ =	swait.ge [sflag:s26], $0x80  }
0x37c: {  	s23 =	sld [smem:$0x7F2]  }
0x37d: {  	[sflag:s26] =	ssyncset.done $0x0  }
0x37e: {  	s24 =	simm.s32 $0x5F80;
	[sflag:s26] =	ssyncadd.s32 $0xFFFFFF80  }
0x37f: {  	[tilespmem:s24], [sflag:$0x3] =	stream.linear.gather [spmem:s23], $0x80, $0x38;
	[tilespmem:$0x1E400] =	vst v63  }
0x380: {  	_ =	swait.ge [sflag:s26], $0x80  }
0x381: {  	s23 =	sld [smem:$0x7F3]  }
0x382: {  	[sflag:s26] =	ssyncset.done $0x0  }
0x383: {  	s24 =	simm.s32 $0x6000;
	[sflag:s26] =	ssyncadd.s32 $0xFFFFFF80  }
0x384: {  	[tilespmem:s24], [sflag:$0x3] =	stream.linear.gather [spmem:s23], $0x80, $0x38;
	[tilespmem:$0x1E400] =	vst v63  }
0x385: {  	_ =	swait.ge [sflag:s26], $0x80  }
0x386: {  	s23 =	sld [smem:$0x7F4]  }
0x387: {  	[sflag:s26] =	ssyncset.done $0x0  }
0x388: {  	s24 =	simm.s32 $0x6080;
	[sflag:s26] =	ssyncadd.s32 $0xFFFFFF80  }
0x389: {  	[tilespmem:s24], [sflag:$0x3] =	stream.linear.gather [spmem:s23], $0x80, $0x38;
	[tilespmem:$0x1E400] =	vst v63  }
0x38a: {  	_ =	swait.ge [sflag:s26], $0x80  }
0x38b: {  	s23 =	sld [smem:$0x7F5]  }
0x38c: {  	[sflag:s26] =	ssyncset.done $0x0  }
0x38d: {  	s24 =	simm.s32 $0x6100;
	[sflag:s26] =	ssyncadd.s32 $0xFFFFFF80  }
0x38e: {  	[tilespmem:s24], [sflag:$0x3] =	stream.linear.gather [spmem:s23], $0x80, $0x38;
	[tilespmem:$0x1E400] =	vst v63  }
0x38f: {  	_ =	swait.ge [sflag:s26], $0x80  }
0x390: {  	s23 =	sld [smem:$0x7F6]  }
0x391: {  	[sflag:s26] =	ssyncset.done $0x0  }
0x392: {  	s24 =	simm.s32 $0x6180;
	[sflag:s26] =	ssyncadd.s32 $0xFFFFFF80  }
0x393: {  	[tilespmem:s24], [sflag:$0x3] =	stream.linear.gather [spmem:s23], $0x80, $0x38;
	[tilespmem:$0x1E400] =	vst v63  }
0x394: {  	_ =	swait.ge [sflag:s26], $0x80  }
0x395: {  	s23 =	sld [smem:$0x7F7]  }
0x396: {  	[sflag:s26] =	ssyncset.done $0x0  }
0x397: {  	s24 =	simm.s32 $0x6200;
	[sflag:s26] =	ssyncadd.s32 $0xFFFFFF80  }
0x398: {  	[tilespmem:s24], [sflag:$0x3] =	stream.linear.gather [spmem:s23], $0x80, $0x38;
	[tilespmem:$0x1E400] =	vst v63  }
0x399: {  	_ =	swait.ge [sflag:s26], $0x80  }
0x39a: {  	s23 =	sld [smem:$0x7F8]  }
0x39b: {  	[sflag:s26] =	ssyncset.done $0x0  }
0x39c: {  	s24 =	simm.s32 $0x6280;
	[sflag:s26] =	ssyncadd.s32 $0xFFFFFF80  }
0x39d: {  	[tilespmem:s24], [sflag:$0x3] =	stream.linear.gather [spmem:s23], $0x80, $0x38;
	[tilespmem:$0x1E400] =	vst v63  }
0x39e: {  	_ =	swait.ge [sflag:s26], $0x80  }
0x39f: {  	s23 =	sld [smem:$0x7F9]  }
0x3a0: {  	[sflag:s26] =	ssyncset.done $0x0  }
0x3a1: {  	s24 =	simm.s32 $0x6300;
	[sflag:s26] =	ssyncadd.s32 $0xFFFFFF80  }
0x3a2: {  	[tilespmem:s24], [sflag:$0x3] =	stream.linear.gather [spmem:s23], $0x80, $0x38;
	[tilespmem:$0x1E400] =	vst v63  }
0x3a3: {  	_ =	swait.ge [sflag:s26], $0x80  }
0x3a4: {  	s23 =	sld [smem:$0x7FA]  }
0x3a5: {  	[sflag:s26] =	ssyncset.done $0x0  }
0x3a6: {  	s24 =	simm.s32 $0x6380;
	[sflag:s26] =	ssyncadd.s32 $0xFFFFFF80  }
0x3a7: {  	[tilespmem:s24], [sflag:$0x3] =	stream.linear.gather [spmem:s23], $0x80, $0x38;
	[tilespmem:$0x1E400] =	vst v63  }
0x3a8: {  	_ =	swait.ge [sflag:s26], $0x80  }
0x3a9: {  	s23 =	sld [smem:$0x7FC]  }
0x3aa: {  	[sflag:s26] =	ssyncset.done $0x0  }
0x3ab: {  	s24 =	simm.s32 $0x6400;
	[sflag:s26] =	ssyncadd.s32 $0xFFFFFF80  }
0x3ac: {  	[tilespmem:s24], [sflag:$0x3] =	stream.linear.gather [spmem:s23], $0x80, $0x38;
	[tilespmem:$0x1E400] =	vst v63  }
0x3ad: {  	_ =	swait.ge [sflag:s26], $0x80  }
0x3ae: {  	s23 =	sld [smem:$0x7FD]  }
0x3af: {  	[sflag:s26] =	ssyncset.done $0x0  }
0x3b0: {  	s24 =	simm.s32 $0x6480;
	[sflag:s26] =	ssyncadd.s32 $0xFFFFFF80  }
0x3b1: {  	[tilespmem:s24], [sflag:$0x3] =	stream.linear.gather [spmem:s23], $0x80, $0x38;
	[tilespmem:$0x1E400] =	vst v63  }
0x3b2: {  	_ =	swait.ge [sflag:s26], $0x80  }
0x3b3: {  	[sflag:s26] =	ssyncset.done $0x0  }
0x3b4: {  	s23 =	simm.s32 $0x0;
	[sflag:s26] =	ssyncadd.s32 $0xFFFFFF80  }
0x3b5: {  	v2 =	vld [tilespmem:s23+$0x5D00]  }
0x3b6: {  	v3 =	vld [tilespmem:s23+$0x5D80];
	_ =	sdelay $0x1  }
0x3b7: {  	v4 =	vld [tilespmem:s23+$0x5E00];
	_ =	sdelay $0x1  }
0x3b8: {  	v5 =	vld [tilespmem:s23+$0x5E80]  }
0x3b9: {  	v2 =	vadd.f32 v3, v2  }
0x3ba: {  	v3 =	vld [tilespmem:s23+$0x5F00]  }
0x3bb: {  	v2 =	vadd.f32 v4, v2  }
0x3bc: {  	v4 =	vld [tilespmem:s23+$0x5F80]  }
0x3bd: {  	v2 =	vadd.f32 v5, v2  }
0x3be: {  	v5 =	vld [tilespmem:s23+$0x6000]  }
0x3bf: {  	v2 =	vadd.f32 v3, v2  }
0x3c0: {  	v3 =	vld [tilespmem:s23+$0x6080]  }
0x3c1: {  	s22 =	simm.s32 $0x10;
	v6 =	vld [tilespmem:s23+$0x6100];
	v2 =	vadd.f32 v4, v2  }
0x3c2: {  	v7 =	vld [tilespmem:s22+$0x5D00]  }
0x3c3: {  	v4 =	vld [tilespmem:s23+$0x6180];
	v2 =	vadd.f32 v5, v2  }
0x3c4: {  	v5 =	vld [tilespmem:s22+$0x5D80]  }
0x3c5: {  	v8 =	vld [tilespmem:s22+$0x5E00];
	v2 =	vadd.f32 v3, v2  }
0x3c6: {  	v3 =	vld [tilespmem:s23+$0x6200]  }
0x3c7: {  	v9 =	vld [tilespmem:s22+$0x5E80];
	v2 =	vadd.f32 v6, v2  }
0x3c8: {  	v6 =	vld [tilespmem:s23+$0x6280]  }
0x3c9: {  	v5 =	vadd.f32 v5, v7;
	v7 =	vld [tilespmem:s22+$0x5F00];
	v2 =	vadd.f32 v4, v2  }
0x3ca: {  	v4 =	vld [tilespmem:s23+$0x6300]  }
0x3cb: {  	v5 =	vadd.f32 v8, v5;
	v8 =	vld [tilespmem:s22+$0x5F80];
	v2 =	vadd.f32 v3, v2  }
0x3cc: {  	v3 =	vld [tilespmem:s23+$0x6380]  }
0x3cd: {  	v10 =	vld [tilespmem:s22+$0x6000];
	v5 =	vadd.f32 v9, v5;
	v2 =	vadd.f32 v6, v2  }
0x3ce: {  	v9 =	vld [tilespmem:s23+$0x6400]  }
0x3cf: {  	v6 =	vadd.f32 v7, v5;
	v5 =	vld [tilespmem:s22+$0x6080];
	v7 =	vadd.f32 v4, v2  }
0x3d0: {  	v4 =	vld [tilespmem:s23+$0x6480]  }
0x3d1: {  	v2 =	vld [tilespmem:s22+$0x6180];
	v8 =	vadd.f32 v8, v6;
	v11 =	vadd.f32 v3, v7  }
0x3d2: {  	s24 =	simm.s32 $0x20;
	v6 =	vld [tilespmem:s22+$0x6100]  }
0x3d3: {  	s1 =	simm.s32 $0xC0;
	v3 =	vld [tilespmem:s24+$0x5D00];
	v7 =	vadd.f32 v10, v8;
	v8 =	vadd.f32 v9, v11  }
.LBB2_15:
0x3d4: {  	p1 =	sne.s32 s1, $0x1C0;
	v9 =	vld [tilespmem:s24+$0x5D80]  }
0x3d5: {  	v5 =	vadd.f32 v5, v7;
	v4 =	vadd.f32 v4, v8;
	v7 =	vld [tilespmem:s22+$0x6200]  }
0x3d6: {  	v8 =	vld [tilespmem:s24+$0x5E00]  }
0x3d7: {  	v5 =	vadd.f32 v6, v5;
	v6 =	vld [tilespmem:s22+$0x6280];
	[tilespmem:s23+$0x5820] =	vst v4;
	s23 =	smov.u32 s22;
	s22 =	smov.u32 s24  }
0x3d8: {  	v4 =	vld [tilespmem:s22+$0x5E80]  }
0x3d9: {  	v2 =	vadd.f32 v2, v5;
	v3 =	vadd.f32 v9, v3;
	v5 =	vld [tilespmem:s23+$0x6300]  }
0x3da: {  	v9 =	vld [tilespmem:s22+$0x5F00]  }
0x3db: {  	v2 =	vadd.f32 v7, v2;
	v3 =	vadd.f32 v8, v3;
	v7 =	vld [tilespmem:s23+$0x6380]  }
0x3dc: {  	v8 =	vld [tilespmem:s22+$0x5F80]  }
0x3dd: {  	v2 =	vadd.f32 v6, v2;
	v3 =	vadd.f32 v4, v3;
	v10 =	vld [tilespmem:s23+$0x6400]  }
0x3de: {  	v11 =	vld [tilespmem:s22+$0x6000]  }
.Ltmp9:
0x3df: {  	v6 =	vadd.f32 v5, v2;
	v3 =	vadd.f32 v9, v3;
	v4 =	vld [tilespmem:s23+$0x6480];
	(pc) =	sbr.rel @p1 .LBB2_15-.Ltmp9, $4  }
0x3e0: {  	v5 =	vld [tilespmem:s22+$0x6080]  }
0x3e1: {  	v9 =	vadd.f32 v7, v6;
	v8 =	vadd.f32 v8, v3;
	v2 =	vld [tilespmem:s22+$0x6180]  }
0x3e2: {  	s24 =	sshra.s32 s1, $0x2;
	v6 =	vld [tilespmem:s22+$0x6100]  }
0x3e3: {  	s1 =	sadd.s32 $0x40, s1;
	v3 =	vld [tilespmem:s24+$0x5D00];
	v7 =	vadd.f32 v11, v8;
	v8 =	vadd.f32 v10, v9  }
.Ltmp10:
0x3e4: {  	_ = 	snop;
	(pc) =	sbr.rel .LBB2_16-.Ltmp10, $1  }
0x3e5: {  	_ =	sdelay $0x3  }
.LBB2_18:
0x3e6: {  	_ =	sfence.sel $0x180000  }
0x3e7: {  	[bflag:$0x0] =	sbarrier.arrive $0xFFFF  }
0x3e8: {  	_ =	strace $0x9000004A  }
0x3e9: {  	s0 =	stileid.u32;
	[bflag:$0x2] =	sbarrier.arrive $0xFFFF  }
0x3ea: {  	p0 =	sne.s32 s0, $0x0;
	s0 =	rddreg [dreg:$0x3]  }
0x3eb: {  	s0 =	sadd.s32 @!p0 $0x100000, s0  }
0x3ec: {  	[sflag:s0] =	ssyncadd.tile.s32 @!p0 $0x1;
	_ =	shalt  }
.Lfunc_end2:
_tile_overlayer_lowered:
.L_overlay_start_2:
0x3ed: {  	(tag) =	ssettag $0x2  }
0x3ee: {  	s0 =	rddreg [dreg:$0x0];
	s2 =	stileid.u32  }
0x3ef: {  	s1 =	rddreg [dreg:$0x1];
	p0 =	sne.s32 s2, $0x0  }
0x3f0: {  	s3 =	rddreg [dreg:$0x2];
	[bflag:$0x3] =	sbarrier.arrive $0xFFFF;
	s2 =	simm.s32 @!p0 $0x1C03  }
0x3f1: {  	[timem:s3], [sflag:s2] =	dma.local @!p0 [hbm:s0], s1  }
0x3f2: {  	s0 =	simm.s32 @!p0 $0x3  }
0x3f3: {  	_ =	swait.ge @!p0 [sflag:s0], s1  }
0x3f4: {  	s1 =	ssub.s32 @!p0 $0x0, s1;
	[sflag:s0] =	ssyncset.done @!p0 $0x0  }
0x3f5: {  	[sflag:s0] =	ssyncadd.s32 @!p0 s1  }
0x3f6: {  	[bflag:$0x3] =	sbarrier.arrive $0xFFFF  }
0x3f7: {  	_ =	shalt  }

</sc_bundles>
